<compile_context>
chip_gen: v7x
topology: tpu7x:2x2x1
jax: 0.10.2.dev20260603
libtpu: 0.0.44.dev20260713+nightly
codegen_flags: <defaults>
</compile_context>

<pallas_src>
import jax
import jax.numpy as jnp
from jax import lax
from jax.experimental import pallas as pl
from jax.experimental.pallas import tpu as pltpu
from jax.experimental.pallas import tpu_sc as plsc

N = 10000
E = 160000
D = 256
H = 256
T = 128
G = 8
EPS = 1e-5

NB = 10
BLK = N // NB

F32 = jnp.float32


def _dot(a, b):
    return jnp.dot(a, b, preferred_element_type=F32)


def _sigmoid(x):
    return 1.0 / (1.0 + jnp.exp(-x))


def _onehot(batch_ref, b):
    bv = batch_ref[b]
    return (bv == lax.broadcasted_iota(jnp.int32, (G, BLK), 0)).astype(F32)


def _p1f_body(x_ref, w_ref, b_ref, g_ref, be_ref, fcat_ref, y_scr):
    s1 = jnp.zeros((1, H), F32)
    s2 = jnp.zeros((1, H), F32)
    for b in range(NB):
        sl = pl.ds(b * BLK, BLK)
        y = _dot(x_ref[sl, :], w_ref[...]) + b_ref[...]
        y_scr[sl, :] = y
        s1 = s1 + jnp.sum(y, axis=0, keepdims=True)
        s2 = s2 + jnp.sum(y * y, axis=0, keepdims=True)

    mean = s1 / N
    var = s2 / N - mean * mean
    inv = lax.rsqrt(var + EPS)

    for b in range(NB):
        sl = pl.ds(b * BLK, BLK)
        f = jnp.maximum(
            (y_scr[sl, :] - mean) * inv * g_ref[...] + be_ref[...], 0.0)
        fcat_ref[0, sl, :] = f[:, :T]
        fcat_ref[1, sl, :] = f[:, T:]


def _p1f(x, w, b, g, be):
    return pl.pallas_call(
        _p1f_body,
        out_shape=jax.ShapeDtypeStruct((2, N, T), F32),
        scratch_shapes=[pltpu.VMEM((N, H), F32)],
    )(x, w, b.reshape(1, H), g.reshape(1, H), be.reshape(1, H))


EPT = E // 16
CHK = 96
NCHKP = 105
PADE = NCHKP * CHK
NACC = N + 16
TRASH = N
RPT = 624


def _p3_body(src_hbm, dst_hbm, feat_hbm, out_hbm,
             src0, src1, src2, dst0, dst1, dst2, rows0, rows1, rows2, acc_sh,
             semS0, semS1, semS2, semD0, semD1, semD2,
             semG0, semG1, semG2, semZ):
    c = lax.axis_index("c")
    s = lax.axis_index("s")

    def idx_load(k, sbuf, dbuf, semS, semD):
        pltpu.async_copy(src_hbm.at[c, s, k], sbuf, semS)
        pltpu.async_copy(dst_hbm.at[s, k], dbuf, semD)

    def idx_wait(k, sbuf, dbuf, semS, semD):
        pltpu.make_async_copy(src_hbm.at[c, s, k], sbuf, semS).wait()
        pltpu.make_async_copy(dst_hbm.at[s, k], dbuf, semD).wait()

    idx_load(0, src0, dst0, semS0, semD0)
    idx_load(1, src1, dst1, semS1, semD1)
    idx_load(2, src2, dst2, semS2, semD2)

    def zrow(i, _):
        def zcol(j, _2):
            rows0[i, pl.ds(j * 16, 16)] = jnp.zeros((16,), F32)
            return 0
        return lax.fori_loop(0, 8, zcol, 0)

    lax.fori_loop(0, CHK, zrow, 0)
    row0 = s * RPT
    for r in range(6):
        pltpu.async_copy(rows0, acc_sh.at[pl.ds(row0 + r * CHK, CHK)], semZ)
    pltpu.async_copy(rows0.at[pl.ds(0, 48)],
                     acc_sh.at[pl.ds(row0 + 6 * CHK, 48)], semZ)

    @pl.when(s == 15)
    def _():
        pltpu.async_copy(rows0.at[pl.ds(0, 16)],
                         acc_sh.at[pl.ds(16 * RPT, 16)], semZ)

    for r in range(6):
        pltpu.make_async_copy(
            rows0, acc_sh.at[pl.ds(row0 + r * CHK, CHK)], semZ).wait()
    pltpu.make_async_copy(rows0.at[pl.ds(0, 48)],
                          acc_sh.at[pl.ds(row0 + 6 * CHK, 48)], semZ).wait()

    @pl.when(s == 15)
    def _():
        pltpu.make_async_copy(rows0.at[pl.ds(0, 16)],
                              acc_sh.at[pl.ds(16 * RPT, 16)], semZ).wait()

    plsc.subcore_barrier()

    def gather(sbuf, buf, semG):
        pltpu.async_copy(feat_hbm.at[sbuf], buf, semG)

    def gwait(sbuf, buf, semG):
        pltpu.make_async_copy(feat_hbm.at[sbuf], buf, semG).wait()

    def scat(buf, dbuf):
        pltpu.sync_copy(buf, acc_sh.at[dbuf], add=True)

    idx_wait(0, src0, dst0, semS0, semD0)
    gather(src0, rows0, semG0)
    idx_wait(1, src1, dst1, semS1, semD1)
    gather(src1, rows1, semG1)

    sets = ((src0, dst0, rows0, semS0, semD0, semG0),
            (src1, dst1, rows1, semS1, semD1, semG1),
            (src2, dst2, rows2, semS2, semD2, semG2))

    def trip(i, _):
        k = 3 * i
        for b in range(3):
            sb, db, rb, sS, sD, sG = sets[b]
            if b == 2:
                idx_wait(k + 2, sb, db, sS, sD)
                gather(sb, rb, sG)
                gwait(sb, rb, sG)
                scat(rb, db)

                @pl.when(k + 5 < NCHKP)
                def _():
                    idx_load(k + 5, sb, db, sS, sD)
            else:
                gwait(sb, rb, sG)
                scat(rb, db)

                @pl.when(k + 3 + b < NCHKP)
                def _():
                    idx_load(k + 3 + b, sb, db, sS, sD)
                    idx_wait(k + 3 + b, sb, db, sS, sD)
                    gather(sb, rb, sG)

        return 0

    lax.fori_loop(0, NCHKP // 3, trip, 0)

    plsc.subcore_barrier()

    pltpu.sync_copy(acc_sh.at[pl.ds(row0, RPT)],
                    out_hbm.at[c, pl.ds(row0, RPT)])

    @pl.when(s == 15)
    def _():
        pltpu.sync_copy(acc_sh.at[pl.ds(16 * RPT, 16)],
                        out_hbm.at[c, pl.ds(16 * RPT, 16)])


def _p3(src, dst, feat2n):
    mesh = plsc.VectorSubcoreMesh(core_axis_name="c", subcore_axis_name="s")
    k = pl.kernel(
        _p3_body,
        out_type=jax.ShapeDtypeStruct((2, N, T), F32),
        mesh=mesh,
        scratch_types=[
            pltpu.VMEM((CHK,), jnp.int32),
            pltpu.VMEM((CHK,), jnp.int32),
            pltpu.VMEM((CHK,), jnp.int32),
            pltpu.VMEM((CHK,), jnp.int32),
            pltpu.VMEM((CHK,), jnp.int32),
            pltpu.VMEM((CHK,), jnp.int32),
            pltpu.VMEM((CHK, T), F32),
            pltpu.VMEM((CHK, T), F32),
            pltpu.VMEM((CHK, T), F32),
            pltpu.VMEM_SHARED((NACC, T), F32),
            pltpu.SemaphoreType.DMA,
            pltpu.SemaphoreType.DMA,
            pltpu.SemaphoreType.DMA,
            pltpu.SemaphoreType.DMA,
            pltpu.SemaphoreType.DMA,
            pltpu.SemaphoreType.DMA,
            pltpu.SemaphoreType.DMA,
            pltpu.SemaphoreType.DMA,
            pltpu.SemaphoreType.DMA,
            pltpu.SemaphoreType.DMA,
        ],
    )
    srcp = jnp.pad(src.reshape(16, EPT), ((0, 0), (0, PADE - EPT)))
    srcs4 = jnp.stack([srcp, srcp + N]).reshape(2, 16, NCHKP, CHK)
    trash = jnp.full((16, PADE - EPT), TRASH, jnp.int32) \
        + jnp.arange(16, dtype=jnp.int32)[:, None]
    dstp = jnp.concatenate(
        [dst.reshape(16, EPT), trash], axis=1).reshape(16, NCHKP, CHK)
    return k(srcs4, dstp, feat2n)


def _p4f_body(f_ref, a_ref, wc_ref, bc_ref, gc_ref, bec_ref,
              w0_ref, b0_ref, w1_ref, b1_ref, wl_ref, bl_ref, batch_ref,
              gm0_ref, bem0_ref, wm0_ref, bm0_ref,
              gm1_ref, bem1_ref, wm1_ref, bm1_ref,
              wsi0_ref, node0_ref, wsi1_ref, node1_ref,
              z_scr, v0_scr, v1_scr, ns0_scr):
    s1 = jnp.zeros((1, H), F32)
    s2 = jnp.zeros((1, H), F32)
    pooled = jnp.zeros((G, T), F32)
    cnt = jnp.zeros((G, T), F32)
    for b in range(NB):
        sl = pl.ds(b * BLK, BLK)
        f0 = f_ref[0, sl, :]
        f1 = f_ref[1, sl, :]
        ns0 = (_dot(f0, wl_ref[0:T, :]) + _dot(f1, wl_ref[T:H, :])
               + bl_ref[...])
        ns0_scr[sl, :] = ns0
        m = _onehot(batch_ref, b)
        pooled = pooled + lax.dot_general(
            m, ns0, (((1,), (0,)), ((), ())), preferred_element_type=F32)
        cnt = cnt + jnp.broadcast_to(
            jnp.sum(m, axis=1, keepdims=True), (G, T))
        u0 = f0 + a_ref[0, sl, :]
        u1 = f1 + a_ref[1, sl, :]
        z = _dot(u0, wc_ref[0:T, :]) + _dot(u1, wc_ref[T:H, :]) + bc_ref[...]
        z_scr[sl, :] = z
        s1 = s1 + jnp.sum(z, axis=0, keepdims=True)
        s2 = s2 + jnp.sum(z * z, axis=0, keepdims=True)

    recip = 1.0 / jnp.maximum(cnt, 1.0)
    mean = s1 / N
    var = s2 / N - mean * mean
    inv = lax.rsqrt(var + EPS)

    sa0 = jnp.zeros((1, T), F32)
    sb0 = jnp.zeros((1, T), F32)
    sa1 = jnp.zeros((1, T), F32)
    sb1 = jnp.zeros((1, T), F32)
    pb0 = jnp.zeros((G, T), F32)
    pb1 = jnp.zeros((G, T), F32)
    for b in range(NB):
        sl = pl.ds(b * BLK, BLK)
        br = jnp.maximum(
            (z_scr[sl, :] - mean) * inv * gc_ref[...] + bec_ref[...], 0.0)
        ns0 = ns0_scr[sl, :]
        m = _onehot(batch_ref, b)

        nb0 = _dot(br, w0_ref[...]) + b0_ref[...]
        v0 = ns0 + nb0
        v0_scr[sl, :] = v0
        sa0 = sa0 + jnp.sum(v0, axis=0, keepdims=True)
        sb0 = sb0 + jnp.sum(v0 * v0, axis=0, keepdims=True)
        pb0 = pb0 + lax.dot_general(
            m, nb0, (((1,), (0,)), ((), ())), preferred_element_type=F32)

        nb1 = _dot(br, w1_ref[...]) + b1_ref[...]
        v1 = ns0 + nb1
        v1_scr[sl, :] = v1
        sa1 = sa1 + jnp.sum(v1, axis=0, keepdims=True)
        sb1 = sb1 + jnp.sum(v1 * v1, axis=0, keepdims=True)
        pb1 = pb1 + lax.dot_general(
            m, nb1, (((1,), (0,)), ((), ())), preferred_element_type=F32)

    def node_head(v_scr, sa, sb, gm_ref, bem_ref, wm_ref, bm_ref, node_ref):
        meanv = sa / N
        varv = sb / N - meanv * meanv
        invv = lax.rsqrt(varv + EPS)
        for b in range(NB):
            sl = pl.ds(b * BLK, BLK)
            t = (v_scr[sl, :] - meanv) * invv * gm_ref[...] + bem_ref[...]
            node_ref[sl, :] = _sigmoid(_dot(t, wm_ref[...]) + bm_ref[...])

    node_head(v0_scr, sa0, sb0, gm0_ref, bem0_ref, wm0_ref, bm0_ref, node0_ref)
    node_head(v1_scr, sa1, sb1, gm1_ref, bem1_ref, wm1_ref, bm1_ref, node1_ref)

    def wsi_head(pb, gm_ref, bem_ref, wm_ref, bm_ref, wsi_ref):
        w = (pooled + pb) * recip
        mu = jnp.mean(w, axis=0, keepdims=True)
        var8 = jnp.mean(w * w, axis=0, keepdims=True) - mu * mu
        inv8 = lax.rsqrt(var8 + EPS)
        t = (w - mu) * inv8 * gm_ref[...] + bem_ref[...]
        wsi_ref[...] = _sigmoid(_dot(t, wm_ref[...]) + bm_ref[...])

    wsi_head(pb0, gm0_ref, bem0_ref, wm0_ref, bm0_ref, wsi0_ref)
    wsi_head(pb1, gm1_ref, bem1_ref, wm1_ref, bm1_ref, wsi1_ref)


def _p4f(fcat, agg, wc, bc, gc, bec, w0, b0, w1, b1, wl, bl, batch3d,
         gm0, bem0, wm0, bm0, gm1, bem1, wm1, bm1):
    return pl.pallas_call(
        _p4f_body,
        out_shape=[
            jax.ShapeDtypeStruct((G, 1), F32),
            jax.ShapeDtypeStruct((N, 1), F32),
            jax.ShapeDtypeStruct((G, 1), F32),
            jax.ShapeDtypeStruct((N, 1), F32),
        ],
        scratch_shapes=[
            pltpu.VMEM((N, H), F32),
            pltpu.VMEM((N, T), F32),
            pltpu.VMEM((N, T), F32),
            pltpu.VMEM((N, T), F32),
        ],
    )(fcat, agg, wc, bc.reshape(1, H), gc.reshape(1, H), bec.reshape(1, H),
      w0, b0.reshape(1, T), w1, b1.reshape(1, T), wl, bl.reshape(1, T),
      batch3d,
      gm0.reshape(1, T), bem0.reshape(1, T), wm0, bm0.reshape(1, 1),
      gm1.reshape(1, T), bem1.reshape(1, T), wm1, bm1.reshape(1, 1))


def kernel(x, edge_index, batch, W_first, b_first, g_first, be_first,
           W_lin0, b_lin0, W_conv, b_conv, g_conv, be_conv,
           W_br0, b_br0, W_br1, b_br1, g_mlp0, be_mlp0, W_mlp0, b_mlp0,
           g_mlp1, be_mlp1, W_mlp1, b_mlp1):
    src = edge_index[0]
    dst = edge_index[1]
    batch3d = batch.reshape(NB, 1, BLK)

    fcat = _p1f(x, W_first, b_first, g_first, be_first)

    feat2n = fcat.reshape(2 * N, T)
    agg = _p3(src.astype(jnp.int32), dst.astype(jnp.int32), feat2n)

    wsi0, node0, wsi1, node1 = _p4f(
        fcat, agg, W_conv, b_conv, g_conv, be_conv, W_br0, b_br0,
        W_br1, b_br1, W_lin0, b_lin0, batch3d,
        g_mlp0, be_mlp0, W_mlp0, b_mlp0, g_mlp1, be_mlp1, W_mlp1, b_mlp1)

    return (wsi0, node0, wsi1, node1)

# --- scband reference (transcript-rebuilt; emitter-appended) ---
"""Pipeline reference for scband-slide-graph-arch-25228637896960 (READ-ONLY COPY).

The authoritative reference and input builder live on the scoring server;
editing this copy changes nothing except your own understanding.
"""

import jax, jax.numpy as jnp
import numpy as np

N = 10000
E = 160000
D = 256
H = 256
T = 128
G = 8


def _linear(x, W, b):
    return x @ W + b


def _bn(x, g, b, eps=1e-5):
    m = jnp.mean(x, axis=0)
    v = jnp.var(x, axis=0)
    return (x - m) / jnp.sqrt(v + eps) * g + b


def _mean_pool(x, batch):
    s = jax.ops.segment_sum(x, batch, num_segments=G)
    c = jax.ops.segment_sum(jnp.ones((x.shape[0], 1), x.dtype), batch, num_segments=G)
    return s / jnp.maximum(c, 1.0)


def setup_inputs(seed: int = 0) -> dict:
    key = jax.random.key(seed)
    ks = jax.random.split(key, 16)

    def w(k, shape, fan_in):
        return jax.random.uniform(k, shape, jnp.float32, -1.0, 1.0) / np.sqrt(fan_in)

    inp = {}
    inp["x"] = jax.random.normal(ks[0], (N, D), jnp.float32)
    inp["edge_index"] = jax.random.randint(ks[1], (2, E), 0, N, jnp.int32)
    inp["batch"] = jnp.sort(jax.random.randint(ks[2], (N,), 0, G, jnp.int32))
    inp["W_first"] = w(ks[3], (D, H), D)
    inp["b_first"] = jnp.zeros((H,), jnp.float32)
    inp["g_first"] = jnp.ones((H,), jnp.float32)
    inp["be_first"] = jnp.zeros((H,), jnp.float32)
    inp["W_lin0"] = w(ks[4], (H, T), H)
    inp["b_lin0"] = jnp.zeros((T,), jnp.float32)
    inp["W_conv"] = w(ks[5], (H, H), H)
    inp["b_conv"] = jnp.zeros((H,), jnp.float32)
    inp["g_conv"] = jnp.ones((H,), jnp.float32)
    inp["be_conv"] = jnp.zeros((H,), jnp.float32)
    inp["W_br0"] = w(ks[6], (H, T), H)
    inp["b_br0"] = jnp.zeros((T,), jnp.float32)
    inp["W_br1"] = w(ks[7], (H, T), H)
    inp["b_br1"] = jnp.zeros((T,), jnp.float32)
    inp["g_mlp0"] = jnp.ones((T,), jnp.float32)
    inp["be_mlp0"] = jnp.zeros((T,), jnp.float32)
    inp["W_mlp0"] = w(ks[8], (T, 1), T)
    inp["b_mlp0"] = jnp.zeros((1,), jnp.float32)
    inp["g_mlp1"] = jnp.ones((T,), jnp.float32)
    inp["be_mlp1"] = jnp.zeros((T,), jnp.float32)
    inp["W_mlp1"] = w(ks[9], (T, 1), T)
    inp["b_mlp1"] = jnp.zeros((1,), jnp.float32)
    return inp


def reference(x, edge_index, batch, W_first, b_first, g_first, be_first, W_lin0, b_lin0, W_conv, b_conv, g_conv, be_conv, W_br0, b_br0, W_br1, b_br1, g_mlp0, be_mlp0, W_mlp0, b_mlp0, g_mlp1, be_mlp1, W_mlp1, b_mlp1):
    src = edge_index[0]
    dst = edge_index[1]
    # first_h: Linear + BN + ReLU
    feature = jax.nn.relu(_bn(_linear(x, W_first, b_first), g_first, be_first))
    # layer 0
    node_sub0 = _linear(feature, W_lin0, b_lin0)
    node_prediction = node_sub0
    wsi_prediction = _mean_pool(node_sub0, batch)
    # layer 1 (last): GINConv, eps=0 -> nn(x + sum_{j->i} x_j)
    agg = jax.ops.segment_sum(feature[src], dst, num_segments=N)
    branches = jax.nn.relu(_bn(_linear(feature + agg, W_conv, b_conv), g_conv, be_conv))
    outs = []
    for (Wb, bb, gm, bem, Wm, bm) in (
        (W_br0, b_br0, g_mlp0, be_mlp0, W_mlp0, b_mlp0),
        (W_br1, b_br1, g_mlp1, be_mlp1, W_mlp1, b_mlp1),
    ):
        node_sub = _linear(branches, Wb, bb)
        _node = node_prediction + node_sub
        _wsi = wsi_prediction + _mean_pool(node_sub, batch)
        _wsi = jax.nn.sigmoid(_linear(_bn(_wsi, gm, bem), Wm, bm))
        _node = jax.nn.sigmoid(_linear(_bn(_node, gm, bem), Wm, bm))
        outs.append(_wsi)
        outs.append(_node)
    return tuple(outs)

if __name__ == "__main__":
    import jax
    _d = setup_inputs()
    print(jax.jit(kernel)(*tuple(_d.values())))

</pallas_src>

<mosaic_0001>
#map = affine_map<(d0, d1) -> (0, 0, 0, 0)>
#map1 = affine_map<(d0, d1) -> (0, 0, 0)>
#map2 = affine_map<(d0, d1) -> (0, 0)>
module attributes {stable_mosaic.version = 14 : i64} {
  func.func @_p3_body(%arg0: i32, %arg1: i32, %arg2: memref<2x16x105x96xi32, #tpu.memory_space<hbm>>, %arg3: memref<16x105x96xi32, #tpu.memory_space<hbm>>, %arg4: memref<20000x128xf32, #tpu.memory_space<hbm>>, %arg5: memref<2x10000x128xf32, #tpu.memory_space<hbm>>, %arg6: memref<96xi32, #tpu.memory_space<vmem>>, %arg7: memref<96xi32, #tpu.memory_space<vmem>>, %arg8: memref<96xi32, #tpu.memory_space<vmem>>, %arg9: memref<96xi32, #tpu.memory_space<vmem>>, %arg10: memref<96xi32, #tpu.memory_space<vmem>>, %arg11: memref<96xi32, #tpu.memory_space<vmem>>, %arg12: memref<96x128xf32, #tpu.memory_space<vmem>>, %arg13: memref<96x128xf32, #tpu.memory_space<vmem>>, %arg14: memref<96x128xf32, #tpu.memory_space<vmem>>, %arg15: memref<10016x128xf32, #tpu.memory_space<vmem_shared>>, %arg16: memref<!tpu.dma_semaphore, #tpu.memory_space<semaphore_mem>>, %arg17: memref<!tpu.dma_semaphore, #tpu.memory_space<semaphore_mem>>, %arg18: memref<!tpu.dma_semaphore, #tpu.memory_space<semaphore_mem>>, %arg19: memref<!tpu.dma_semaphore, #tpu.memory_space<semaphore_mem>>, %arg20: memref<!tpu.dma_semaphore, #tpu.memory_space<semaphore_mem>>, %arg21: memref<!tpu.dma_semaphore, #tpu.memory_space<semaphore_mem>>, %arg22: memref<!tpu.dma_semaphore, #tpu.memory_space<semaphore_mem>>, %arg23: memref<!tpu.dma_semaphore, #tpu.memory_space<semaphore_mem>>, %arg24: memref<!tpu.dma_semaphore, #tpu.memory_space<semaphore_mem>>, %arg25: memref<!tpu.dma_semaphore, #tpu.memory_space<semaphore_mem>>) attributes {dimension_semantics = [#tpu.dimension_semantics<core_parallel>, #tpu.dimension_semantics<subcore_parallel>], iteration_bounds = array<i64: 2, 16>, scalar_prefetch = 0 : i64, scratch_operands = 20 : i64, tpu.core_type = #tpu.core_type<sc_vector_subcore>, window_params = [{transform_indices = #map}, {transform_indices = #map1}, {transform_indices = #map2}, {transform_indices = #map1}]} {
    %dma_start3A = arith.constant 0 : i32
    %dma_start3A_0 = arith.constant 0 : i32
    %dma_start3A_1 = tpu.memref_slice %arg2[%arg0, %arg1, %dma_start3A, %dma_start3A_0] : memref<2x16x105x96xi32, #tpu.memory_space<hbm>> -> memref<1x1x1x96xi32, #tpu.memory_space<hbm>>
    %dma_start3A_2 = tpu.memref_squeeze %dma_start3A_1 : memref<1x1x1x96xi32, #tpu.memory_space<hbm>> -> memref<96xi32, #tpu.memory_space<hbm>>
    %dma_start3A_3 = arith.constant 0 : i32
    %dma_start3A_4 = tpu.memref_slice %arg2[%arg0, %arg1, %dma_start3A, %dma_start3A_3] : memref<2x16x105x96xi32, #tpu.memory_space<hbm>> -> memref<1x1x1x96xi32, #tpu.memory_space<hbm>>
    %dma_start3A_5 = tpu.memref_squeeze %dma_start3A_4 : memref<1x1x1x96xi32, #tpu.memory_space<hbm>> -> memref<96xi32, #tpu.memory_space<hbm>>
    tpu.enqueue_dma source(%dma_start3A_5 : memref<96xi32, #tpu.memory_space<hbm>>) target(%arg6 : memref<96xi32, #tpu.memory_space<vmem>>) target_semaphore(%arg16 : memref<!tpu.dma_semaphore, #tpu.memory_space<semaphore_mem>>)
    %dma_start3A_6 = arith.constant 0 : i32
    %dma_start3A_7 = arith.constant 0 : i32
    %dma_start3A_8 = tpu.memref_slice %arg3[%arg1, %dma_start3A_6, %dma_start3A_7] : memref<16x105x96xi32, #tpu.memory_space<hbm>> -> memref<1x1x96xi32, #tpu.memory_space<hbm>>
    %dma_start3A_9 = tpu.memref_squeeze %dma_start3A_8 : memref<1x1x96xi32, #tpu.memory_space<hbm>> -> memref<96xi32, #tpu.memory_space<hbm>>
    %dma_start3A_10 = arith.constant 0 : i32
    %dma_start3A_11 = tpu.memref_slice %arg3[%arg1, %dma_start3A_6, %dma_start3A_10] : memref<16x105x96xi32, #tpu.memory_space<hbm>> -> memref<1x1x96xi32, #tpu.memory_space<hbm>>
    %dma_start3A_12 = tpu.memref_squeeze %dma_start3A_11 : memref<1x1x96xi32, #tpu.memory_space<hbm>> -> memref<96xi32, #tpu.memory_space<hbm>>
    tpu.enqueue_dma source(%dma_start3A_12 : memref<96xi32, #tpu.memory_space<hbm>>) target(%arg9 : memref<96xi32, #tpu.memory_space<vmem>>) target_semaphore(%arg19 : memref<!tpu.dma_semaphore, #tpu.memory_space<semaphore_mem>>)
    %dma_start3A_13 = arith.constant 1 : i32
    %dma_start3A_14 = arith.constant 0 : i32
    %dma_start3A_15 = tpu.memref_slice %arg2[%arg0, %arg1, %dma_start3A_13, %dma_start3A_14] : memref<2x16x105x96xi32, #tpu.memory_space<hbm>> -> memref<1x1x1x96xi32, #tpu.memory_space<hbm>>
    %dma_start3A_16 = tpu.memref_squeeze %dma_start3A_15 : memref<1x1x1x96xi32, #tpu.memory_space<hbm>> -> memref<96xi32, #tpu.memory_space<hbm>>
    %dma_start3A_17 = arith.constant 0 : i32
    %dma_start3A_18 = tpu.memref_slice %arg2[%arg0, %arg1, %dma_start3A_13, %dma_start3A_17] : memref<2x16x105x96xi32, #tpu.memory_space<hbm>> -> memref<1x1x1x96xi32, #tpu.memory_space<hbm>>
    %dma_start3A_19 = tpu.memref_squeeze %dma_start3A_18 : memref<1x1x1x96xi32, #tpu.memory_space<hbm>> -> memref<96xi32, #tpu.memory_space<hbm>>
    tpu.enqueue_dma source(%dma_start3A_19 : memref<96xi32, #tpu.memory_space<hbm>>) target(%arg7 : memref<96xi32, #tpu.memory_space<vmem>>) target_semaphore(%arg17 : memref<!tpu.dma_semaphore, #tpu.memory_space<semaphore_mem>>)
    %dma_start3A_20 = arith.constant 1 : i32
    %dma_start3A_21 = arith.constant 0 : i32
    %dma_start3A_22 = tpu.memref_slice %arg3[%arg1, %dma_start3A_20, %dma_start3A_21] : memref<16x105x96xi32, #tpu.memory_space<hbm>> -> memref<1x1x96xi32, #tpu.memory_space<hbm>>
    %dma_start3A_23 = tpu.memref_squeeze %dma_start3A_22 : memref<1x1x96xi32, #tpu.memory_space<hbm>> -> memref<96xi32, #tpu.memory_space<hbm>>
    %dma_start3A_24 = arith.constant 0 : i32
    %dma_start3A_25 = tpu.memref_slice %arg3[%arg1, %dma_start3A_20, %dma_start3A_24] : memref<16x105x96xi32, #tpu.memory_space<hbm>> -> memref<1x1x96xi32, #tpu.memory_space<hbm>>
    %dma_start3A_26 = tpu.memref_squeeze %dma_start3A_25 : memref<1x1x96xi32, #tpu.memory_space<hbm>> -> memref<96xi32, #tpu.memory_space<hbm>>
    tpu.enqueue_dma source(%dma_start3A_26 : memref<96xi32, #tpu.memory_space<hbm>>) target(%arg10 : memref<96xi32, #tpu.memory_space<vmem>>) target_semaphore(%arg20 : memref<!tpu.dma_semaphore, #tpu.memory_space<semaphore_mem>>)
    %dma_start3A_27 = arith.constant 2 : i32
    %dma_start3A_28 = arith.constant 0 : i32
    %dma_start3A_29 = tpu.memref_slice %arg2[%arg0, %arg1, %dma_start3A_27, %dma_start3A_28] : memref<2x16x105x96xi32, #tpu.memory_space<hbm>> -> memref<1x1x1x96xi32, #tpu.memory_space<hbm>>
    %dma_start3A_30 = tpu.memref_squeeze %dma_start3A_29 : memref<1x1x1x96xi32, #tpu.memory_space<hbm>> -> memref<96xi32, #tpu.memory_space<hbm>>
    %dma_start3A_31 = arith.constant 0 : i32
    %dma_start3A_32 = tpu.memref_slice %arg2[%arg0, %arg1, %dma_start3A_27, %dma_start3A_31] : memref<2x16x105x96xi32, #tpu.memory_space<hbm>> -> memref<1x1x1x96xi32, #tpu.memory_space<hbm>>
    %dma_start3A_33 = tpu.memref_squeeze %dma_start3A_32 : memref<1x1x1x96xi32, #tpu.memory_space<hbm>> -> memref<96xi32, #tpu.memory_space<hbm>>
    tpu.enqueue_dma source(%dma_start3A_33 : memref<96xi32, #tpu.memory_space<hbm>>) target(%arg8 : memref<96xi32, #tpu.memory_space<vmem>>) target_semaphore(%arg18 : memref<!tpu.dma_semaphore, #tpu.memory_space<semaphore_mem>>)
    %dma_start3A_34 = arith.constant 2 : i32
    %dma_start3A_35 = arith.constant 0 : i32
    %dma_start3A_36 = tpu.memref_slice %arg3[%arg1, %dma_start3A_34, %dma_start3A_35] : memref<16x105x96xi32, #tpu.memory_space<hbm>> -> memref<1x1x96xi32, #tpu.memory_space<hbm>>
    %dma_start3A_37 = tpu.memref_squeeze %dma_start3A_36 : memref<1x1x96xi32, #tpu.memory_space<hbm>> -> memref<96xi32, #tpu.memory_space<hbm>>
    %dma_start3A_38 = arith.constant 0 : i32
    %dma_start3A_39 = tpu.memref_slice %arg3[%arg1, %dma_start3A_34, %dma_start3A_38] : memref<16x105x96xi32, #tpu.memory_space<hbm>> -> memref<1x1x96xi32, #tpu.memory_space<hbm>>
    %dma_start3A_40 = tpu.memref_squeeze %dma_start3A_39 : memref<1x1x96xi32, #tpu.memory_space<hbm>> -> memref<96xi32, #tpu.memory_space<hbm>>
    tpu.enqueue_dma source(%dma_start3A_40 : memref<96xi32, #tpu.memory_space<hbm>>) target(%arg11 : memref<96xi32, #tpu.memory_space<vmem>>) target_semaphore(%arg21 : memref<!tpu.dma_semaphore, #tpu.memory_space<semaphore_mem>>)
    %scan3A = arith.constant 0 : i32
    %scan3A_41 = arith.constant 0 : i32
    %scan3A_42 = arith.constant 96 : i32
    %scan3A_43 = arith.addi %scan3A_41, %scan3A_42 : i32
    %scan3A_44 = arith.constant 1 : i32
    %scan3A_45 = scf.for %scan3A_196 = %scan3A_41 to %scan3A_43 step %scan3A_44 iter_args(%scan3A_197 = %scan3A) -> (i32)  : i32 {
      %scan3A_198 = arith.constant 0 : i32
      %scan3A_199 = arith.constant 0 : i32
      %scan3A_200 = arith.constant 8 : i32
      %scan3A_201 = arith.addi %scan3A_199, %scan3A_200 : i32
      %scan3A_202 = arith.constant 1 : i32
      %scan3A_203 = scf.for %scan3A_205 = %scan3A_199 to %scan3A_201 step %scan3A_202 iter_args(%scan3A_206 = %scan3A_198) -> (i32)  : i32 {
        %broadcast_in_dim3A = arith.constant 0.000000e+00 : f32
        %broadcast_in_dim3A_207 = vector.broadcast %broadcast_in_dim3A : f32 to vector<16xf32>
        %mul3A_208 = arith.constant 16 : i32
        %mul3A_209 = arith.muli %scan3A_205, %mul3A_208 : i32
        %swap3A = arith.index_cast %scan3A_196 : i32 to index
        %swap3A_210 = arith.index_cast %mul3A_209 : i32 to index
        %swap3A_211 = tpu.vector_load %arg12[%swap3A, %swap3A_210] {strides = array<i32>} : memref<96x128xf32, #tpu.memory_space<vmem>>, vector<1x16xf32>,
        %swap3A_212 = vector.shape_cast %swap3A_211 : vector<1x16xf32> to vector<16xf32>
        %swap3A_213 = vector.shape_cast %broadcast_in_dim3A_207 : vector<16xf32> to vector<1x16xf32>
        tpu.vector_store %arg12[%swap3A, %swap3A_210], %swap3A_213 {strides = array<i32>} : memref<96x128xf32, #tpu.memory_space<vmem>>, vector<1x16xf32>,
        %scan3A_214 = arith.constant 0 : i32
        scf.yield %scan3A_214 : i32
      }
      %scan3A_204 = arith.constant 8 : i32
      scf.yield %scan3A_203 : i32
    }
    %scan3A_46 = arith.constant 96 : i32
    %mul3A = arith.constant 624 : i32
    %mul3A_47 = arith.muli %arg1, %mul3A : i32
    %add3A = arith.constant 0 : i32
    %add3A_48 = arith.addi %mul3A_47, %add3A : i32
    %dma_start3A_49 = arith.constant 0 : i32
    %dma_start3A_50 = tpu.memref_slice %arg15[%add3A_48, %dma_start3A_49] : memref<10016x128xf32, #tpu.memory_space<vmem_shared>> -> memref<96x128xf32, #tpu.memory_space<vmem_shared>>
    %dma_start3A_51 = arith.constant 0 : i32
    %dma_start3A_52 = tpu.memref_slice %arg15[%add3A_48, %dma_start3A_51] : memref<10016x128xf32, #tpu.memory_space<vmem_shared>> -> memref<96x128xf32, #tpu.memory_space<vmem_shared>>
    tpu.enqueue_dma source(%arg12 : memref<96x128xf32, #tpu.memory_space<vmem>>) target(%dma_start3A_52 : memref<96x128xf32, #tpu.memory_space<vmem_shared>>) target_semaphore(%arg25 : memref<!tpu.dma_semaphore, #tpu.memory_space<semaphore_mem>>)
    %add3A_53 = arith.constant 96 : i32
    %add3A_54 = arith.addi %mul3A_47, %add3A_53 : i32
    %dma_start3A_55 = arith.constant 0 : i32
    %dma_start3A_56 = tpu.memref_slice %arg15[%add3A_54, %dma_start3A_55] : memref<10016x128xf32, #tpu.memory_space<vmem_shared>> -> memref<96x128xf32, #tpu.memory_space<vmem_shared>>
    %dma_start3A_57 = arith.constant 0 : i32
    %dma_start3A_58 = tpu.memref_slice %arg15[%add3A_54, %dma_start3A_57] : memref<10016x128xf32, #tpu.memory_space<vmem_shared>> -> memref<96x128xf32, #tpu.memory_space<vmem_shared>>
    tpu.enqueue_dma source(%arg12 : memref<96x128xf32, #tpu.memory_space<vmem>>) target(%dma_start3A_58 : memref<96x128xf32, #tpu.memory_space<vmem_shared>>) target_semaphore(%arg25 : memref<!tpu.dma_semaphore, #tpu.memory_space<semaphore_mem>>)
    %add3A_59 = arith.constant 192 : i32
    %add3A_60 = arith.addi %mul3A_47, %add3A_59 : i32
    %dma_start3A_61 = arith.constant 0 : i32
    %dma_start3A_62 = tpu.memref_slice %arg15[%add3A_60, %dma_start3A_61] : memref<10016x128xf32, #tpu.memory_space<vmem_shared>> -> memref<96x128xf32, #tpu.memory_space<vmem_shared>>
    %dma_start3A_63 = arith.constant 0 : i32
    %dma_start3A_64 = tpu.memref_slice %arg15[%add3A_60, %dma_start3A_63] : memref<10016x128xf32, #tpu.memory_space<vmem_shared>> -> memref<96x128xf32, #tpu.memory_space<vmem_shared>>
    tpu.enqueue_dma source(%arg12 : memref<96x128xf32, #tpu.memory_space<vmem>>) target(%dma_start3A_64 : memref<96x128xf32, #tpu.memory_space<vmem_shared>>) target_semaphore(%arg25 : memref<!tpu.dma_semaphore, #tpu.memory_space<semaphore_mem>>)
    %add3A_65 = arith.constant 288 : i32
    %add3A_66 = arith.addi %mul3A_47, %add3A_65 : i32
    %dma_start3A_67 = arith.constant 0 : i32
    %dma_start3A_68 = tpu.memref_slice %arg15[%add3A_66, %dma_start3A_67] : memref<10016x128xf32, #tpu.memory_space<vmem_shared>> -> memref<96x128xf32, #tpu.memory_space<vmem_shared>>
    %dma_start3A_69 = arith.constant 0 : i32
    %dma_start3A_70 = tpu.memref_slice %arg15[%add3A_66, %dma_start3A_69] : memref<10016x128xf32, #tpu.memory_space<vmem_shared>> -> memref<96x128xf32, #tpu.memory_space<vmem_shared>>
    tpu.enqueue_dma source(%arg12 : memref<96x128xf32, #tpu.memory_space<vmem>>) target(%dma_start3A_70 : memref<96x128xf32, #tpu.memory_space<vmem_shared>>) target_semaphore(%arg25 : memref<!tpu.dma_semaphore, #tpu.memory_space<semaphore_mem>>)
    %add3A_71 = arith.constant 384 : i32
    %add3A_72 = arith.addi %mul3A_47, %add3A_71 : i32
    %dma_start3A_73 = arith.constant 0 : i32
    %dma_start3A_74 = tpu.memref_slice %arg15[%add3A_72, %dma_start3A_73] : memref<10016x128xf32, #tpu.memory_space<vmem_shared>> -> memref<96x128xf32, #tpu.memory_space<vmem_shared>>
    %dma_start3A_75 = arith.constant 0 : i32
    %dma_start3A_76 = tpu.memref_slice %arg15[%add3A_72, %dma_start3A_75] : memref<10016x128xf32, #tpu.memory_space<vmem_shared>> -> memref<96x128xf32, #tpu.memory_space<vmem_shared>>
    tpu.enqueue_dma source(%arg12 : memref<96x128xf32, #tpu.memory_space<vmem>>) target(%dma_start3A_76 : memref<96x128xf32, #tpu.memory_space<vmem_shared>>) target_semaphore(%arg25 : memref<!tpu.dma_semaphore, #tpu.memory_space<semaphore_mem>>)
    %add3A_77 = arith.constant 480 : i32
    %add3A_78 = arith.addi %mul3A_47, %add3A_77 : i32
    %dma_start3A_79 = arith.constant 0 : i32
    %dma_start3A_80 = tpu.memref_slice %arg15[%add3A_78, %dma_start3A_79] : memref<10016x128xf32, #tpu.memory_space<vmem_shared>> -> memref<96x128xf32, #tpu.memory_space<vmem_shared>>
    %dma_start3A_81 = arith.constant 0 : i32
    %dma_start3A_82 = tpu.memref_slice %arg15[%add3A_78, %dma_start3A_81] : memref<10016x128xf32, #tpu.memory_space<vmem_shared>> -> memref<96x128xf32, #tpu.memory_space<vmem_shared>>
    tpu.enqueue_dma source(%arg12 : memref<96x128xf32, #tpu.memory_space<vmem>>) target(%dma_start3A_82 : memref<96x128xf32, #tpu.memory_space<vmem_shared>>) target_semaphore(%arg25 : memref<!tpu.dma_semaphore, #tpu.memory_space<semaphore_mem>>)
    %add3A_83 = arith.constant 576 : i32
    %add3A_84 = arith.addi %mul3A_47, %add3A_83 : i32
    %dma_start3A_85 = arith.constant 0 : i32
    %dma_start3A_86 = arith.constant 0 : i32
    %dma_start3A_87 = tpu.memref_slice %arg12[%dma_start3A_85, %dma_start3A_86] : memref<96x128xf32, #tpu.memory_space<vmem>> -> memref<48x128xf32, #tpu.memory_space<vmem>>
    %dma_start3A_88 = arith.constant 0 : i32
    %dma_start3A_89 = tpu.memref_slice %arg15[%add3A_84, %dma_start3A_88] : memref<10016x128xf32, #tpu.memory_space<vmem_shared>> -> memref<48x128xf32, #tpu.memory_space<vmem_shared>>
    %dma_start3A_90 = arith.constant 0 : i32
    %dma_start3A_91 = tpu.memref_slice %arg15[%add3A_84, %dma_start3A_90] : memref<10016x128xf32, #tpu.memory_space<vmem_shared>> -> memref<48x128xf32, #tpu.memory_space<vmem_shared>>
    %dma_start3A_92 = arith.constant 0 : i32
    %dma_start3A_93 = arith.constant 0 : i32
    %dma_start3A_94 = tpu.memref_slice %arg12[%dma_start3A_92, %dma_start3A_93] : memref<96x128xf32, #tpu.memory_space<vmem>> -> memref<48x128xf32, #tpu.memory_space<vmem>>
    tpu.enqueue_dma source(%dma_start3A_94 : memref<48x128xf32, #tpu.memory_space<vmem>>) target(%dma_start3A_91 : memref<48x128xf32, #tpu.memory_space<vmem_shared>>) target_semaphore(%arg25 : memref<!tpu.dma_semaphore, #tpu.memory_space<semaphore_mem>>)
    %eq3A = arith.constant 15 : i32
    %eq3A_95 = arith.cmpi eq, %arg1, %eq3A : i32
    %convert_element_type3A = arith.extui %eq3A_95 : i1 to i32
    %cond3A = arith.constant 0 : i32
    %cond3A_96 = arith.cmpi ne, %convert_element_type3A, %cond3A : i32
    scf.if %cond3A_96 {
      %dma_start3A_196 = arith.constant 0 : i32
      %dma_start3A_197 = arith.constant 0 : i32
      %dma_start3A_198 = tpu.memref_slice %arg12[%dma_start3A_196, %dma_start3A_197] : memref<96x128xf32, #tpu.memory_space<vmem>> -> memref<16x128xf32, #tpu.memory_space<vmem>>
      %dma_start3A_199 = arith.constant 9984 : i32
      %dma_start3A_200 = arith.constant 0 : i32
      %dma_start3A_201 = tpu.memref_slice %arg15[%dma_start3A_199, %dma_start3A_200] : memref<10016x128xf32, #tpu.memory_space<vmem_shared>> -> memref<16x128xf32, #tpu.memory_space<vmem_shared>>
      %dma_start3A_202 = arith.constant 9984 : i32
      %dma_start3A_203 = arith.constant 0 : i32
      %dma_start3A_204 = tpu.memref_slice %arg15[%dma_start3A_202, %dma_start3A_203] : memref<10016x128xf32, #tpu.memory_space<vmem_shared>> -> memref<16x128xf32, #tpu.memory_space<vmem_shared>>
      %dma_start3A_205 = arith.constant 0 : i32
      %dma_start3A_206 = arith.constant 0 : i32
      %dma_start3A_207 = tpu.memref_slice %arg12[%dma_start3A_205, %dma_start3A_206] : memref<96x128xf32, #tpu.memory_space<vmem>> -> memref<16x128xf32, #tpu.memory_space<vmem>>
      tpu.enqueue_dma source(%dma_start3A_207 : memref<16x128xf32, #tpu.memory_space<vmem>>) target(%dma_start3A_204 : memref<16x128xf32, #tpu.memory_space<vmem_shared>>) target_semaphore(%arg25 : memref<!tpu.dma_semaphore, #tpu.memory_space<semaphore_mem>>)
    } else {
    }
    %add3A_97 = arith.constant 0 : i32
    %add3A_98 = arith.addi %mul3A_47, %add3A_97 : i32
    %dma_wait3A = arith.constant 0 : i32
    %dma_wait3A_99 = tpu.memref_slice %arg15[%add3A_98, %dma_wait3A] : memref<10016x128xf32, #tpu.memory_space<vmem_shared>> -> memref<96x128xf32, #tpu.memory_space<vmem_shared>>
    %dma_wait3A_100 = arith.constant 0 : i32
    %dma_wait3A_101 = tpu.memref_slice %arg15[%add3A_98, %dma_wait3A_100] : memref<10016x128xf32, #tpu.memory_space<vmem_shared>> -> memref<96x128xf32, #tpu.memory_space<vmem_shared>>
    tpu.wait_dma2 semaphore(%arg25 : memref<!tpu.dma_semaphore, #tpu.memory_space<semaphore_mem>>) src(%arg12 : memref<96x128xf32, #tpu.memory_space<vmem>>) dst(%dma_wait3A_101 : memref<96x128xf32, #tpu.memory_space<vmem_shared>>)
    %add3A_102 = arith.constant 96 : i32
    %add3A_103 = arith.addi %mul3A_47, %add3A_102 : i32
    %dma_wait3A_104 = arith.constant 0 : i32
    %dma_wait3A_105 = tpu.memref_slice %arg15[%add3A_103, %dma_wait3A_104] : memref<10016x128xf32, #tpu.memory_space<vmem_shared>> -> memref<96x128xf32, #tpu.memory_space<vmem_shared>>
    %dma_wait3A_106 = arith.constant 0 : i32
    %dma_wait3A_107 = tpu.memref_slice %arg15[%add3A_103, %dma_wait3A_106] : memref<10016x128xf32, #tpu.memory_space<vmem_shared>> -> memref<96x128xf32, #tpu.memory_space<vmem_shared>>
    tpu.wait_dma2 semaphore(%arg25 : memref<!tpu.dma_semaphore, #tpu.memory_space<semaphore_mem>>) src(%arg12 : memref<96x128xf32, #tpu.memory_space<vmem>>) dst(%dma_wait3A_107 : memref<96x128xf32, #tpu.memory_space<vmem_shared>>)
    %add3A_108 = arith.constant 192 : i32
    %add3A_109 = arith.addi %mul3A_47, %add3A_108 : i32
    %dma_wait3A_110 = arith.constant 0 : i32
    %dma_wait3A_111 = tpu.memref_slice %arg15[%add3A_109, %dma_wait3A_110] : memref<10016x128xf32, #tpu.memory_space<vmem_shared>> -> memref<96x128xf32, #tpu.memory_space<vmem_shared>>
    %dma_wait3A_112 = arith.constant 0 : i32
    %dma_wait3A_113 = tpu.memref_slice %arg15[%add3A_109, %dma_wait3A_112] : memref<10016x128xf32, #tpu.memory_space<vmem_shared>> -> memref<96x128xf32, #tpu.memory_space<vmem_shared>>
    tpu.wait_dma2 semaphore(%arg25 : memref<!tpu.dma_semaphore, #tpu.memory_space<semaphore_mem>>) src(%arg12 : memref<96x128xf32, #tpu.memory_space<vmem>>) dst(%dma_wait3A_113 : memref<96x128xf32, #tpu.memory_space<vmem_shared>>)
    %add3A_114 = arith.constant 288 : i32
    %add3A_115 = arith.addi %mul3A_47, %add3A_114 : i32
    %dma_wait3A_116 = arith.constant 0 : i32
    %dma_wait3A_117 = tpu.memref_slice %arg15[%add3A_115, %dma_wait3A_116] : memref<10016x128xf32, #tpu.memory_space<vmem_shared>> -> memref<96x128xf32, #tpu.memory_space<vmem_shared>>
    %dma_wait3A_118 = arith.constant 0 : i32
    %dma_wait3A_119 = tpu.memref_slice %arg15[%add3A_115, %dma_wait3A_118] : memref<10016x128xf32, #tpu.memory_space<vmem_shared>> -> memref<96x128xf32, #tpu.memory_space<vmem_shared>>
    tpu.wait_dma2 semaphore(%arg25 : memref<!tpu.dma_semaphore, #tpu.memory_space<semaphore_mem>>) src(%arg12 : memref<96x128xf32, #tpu.memory_space<vmem>>) dst(%dma_wait3A_119 : memref<96x128xf32, #tpu.memory_space<vmem_shared>>)
    %add3A_120 = arith.constant 384 : i32
    %add3A_121 = arith.addi %mul3A_47, %add3A_120 : i32
    %dma_wait3A_122 = arith.constant 0 : i32
    %dma_wait3A_123 = tpu.memref_slice %arg15[%add3A_121, %dma_wait3A_122] : memref<10016x128xf32, #tpu.memory_space<vmem_shared>> -> memref<96x128xf32, #tpu.memory_space<vmem_shared>>
    %dma_wait3A_124 = arith.constant 0 : i32
    %dma_wait3A_125 = tpu.memref_slice %arg15[%add3A_121, %dma_wait3A_124] : memref<10016x128xf32, #tpu.memory_space<vmem_shared>> -> memref<96x128xf32, #tpu.memory_space<vmem_shared>>
    tpu.wait_dma2 semaphore(%arg25 : memref<!tpu.dma_semaphore, #tpu.memory_space<semaphore_mem>>) src(%arg12 : memref<96x128xf32, #tpu.memory_space<vmem>>) dst(%dma_wait3A_125 : memref<96x128xf32, #tpu.memory_space<vmem_shared>>)
    %add3A_126 = arith.constant 480 : i32
    %add3A_127 = arith.addi %mul3A_47, %add3A_126 : i32
    %dma_wait3A_128 = arith.constant 0 : i32
    %dma_wait3A_129 = tpu.memref_slice %arg15[%add3A_127, %dma_wait3A_128] : memref<10016x128xf32, #tpu.memory_space<vmem_shared>> -> memref<96x128xf32, #tpu.memory_space<vmem_shared>>
    %dma_wait3A_130 = arith.constant 0 : i32
    %dma_wait3A_131 = tpu.memref_slice %arg15[%add3A_127, %dma_wait3A_130] : memref<10016x128xf32, #tpu.memory_space<vmem_shared>> -> memref<96x128xf32, #tpu.memory_space<vmem_shared>>
    tpu.wait_dma2 semaphore(%arg25 : memref<!tpu.dma_semaphore, #tpu.memory_space<semaphore_mem>>) src(%arg12 : memref<96x128xf32, #tpu.memory_space<vmem>>) dst(%dma_wait3A_131 : memref<96x128xf32, #tpu.memory_space<vmem_shared>>)
    %add3A_132 = arith.constant 576 : i32
    %add3A_133 = arith.addi %mul3A_47, %add3A_132 : i32
    %dma_wait3A_134 = arith.constant 0 : i32
    %dma_wait3A_135 = arith.constant 0 : i32
    %dma_wait3A_136 = tpu.memref_slice %arg12[%dma_wait3A_134, %dma_wait3A_135] : memref<96x128xf32, #tpu.memory_space<vmem>> -> memref<48x128xf32, #tpu.memory_space<vmem>>
    %dma_wait3A_137 = arith.constant 0 : i32
    %dma_wait3A_138 = tpu.memref_slice %arg15[%add3A_133, %dma_wait3A_137] : memref<10016x128xf32, #tpu.memory_space<vmem_shared>> -> memref<48x128xf32, #tpu.memory_space<vmem_shared>>
    %dma_wait3A_139 = arith.constant 0 : i32
    %dma_wait3A_140 = tpu.memref_slice %arg15[%add3A_133, %dma_wait3A_139] : memref<10016x128xf32, #tpu.memory_space<vmem_shared>> -> memref<48x128xf32, #tpu.memory_space<vmem_shared>>
    %dma_wait3A_141 = arith.constant 0 : i32
    %dma_wait3A_142 = arith.constant 0 : i32
    %dma_wait3A_143 = tpu.memref_slice %arg12[%dma_wait3A_141, %dma_wait3A_142] : memref<96x128xf32, #tpu.memory_space<vmem>> -> memref<48x128xf32, #tpu.memory_space<vmem>>
    tpu.wait_dma2 semaphore(%arg25 : memref<!tpu.dma_semaphore, #tpu.memory_space<semaphore_mem>>) src(%dma_wait3A_143 : memref<48x128xf32, #tpu.memory_space<vmem>>) dst(%dma_wait3A_140 : memref<48x128xf32, #tpu.memory_space<vmem_shared>>)
    %eq3A_144 = arith.constant 15 : i32
    %eq3A_145 = arith.cmpi eq, %arg1, %eq3A_144 : i32
    %convert_element_type3A_146 = arith.extui %eq3A_145 : i1 to i32
    %cond3A_147 = arith.constant 0 : i32
    %cond3A_148 = arith.cmpi ne, %convert_element_type3A_146, %cond3A_147 : i32
    scf.if %cond3A_148 {
      %dma_wait3A_196 = arith.constant 0 : i32
      %dma_wait3A_197 = arith.constant 0 : i32
      %dma_wait3A_198 = tpu.memref_slice %arg12[%dma_wait3A_196, %dma_wait3A_197] : memref<96x128xf32, #tpu.memory_space<vmem>> -> memref<16x128xf32, #tpu.memory_space<vmem>>
      %dma_wait3A_199 = arith.constant 9984 : i32
      %dma_wait3A_200 = arith.constant 0 : i32
      %dma_wait3A_201 = tpu.memref_slice %arg15[%dma_wait3A_199, %dma_wait3A_200] : memref<10016x128xf32, #tpu.memory_space<vmem_shared>> -> memref<16x128xf32, #tpu.memory_space<vmem_shared>>
      %dma_wait3A_202 = arith.constant 9984 : i32
      %dma_wait3A_203 = arith.constant 0 : i32
      %dma_wait3A_204 = tpu.memref_slice %arg15[%dma_wait3A_202, %dma_wait3A_203] : memref<10016x128xf32, #tpu.memory_space<vmem_shared>> -> memref<16x128xf32, #tpu.memory_space<vmem_shared>>
      %dma_wait3A_205 = arith.constant 0 : i32
      %dma_wait3A_206 = arith.constant 0 : i32
      %dma_wait3A_207 = tpu.memref_slice %arg12[%dma_wait3A_205, %dma_wait3A_206] : memref<96x128xf32, #tpu.memory_space<vmem>> -> memref<16x128xf32, #tpu.memory_space<vmem>>
      tpu.wait_dma2 semaphore(%arg25 : memref<!tpu.dma_semaphore, #tpu.memory_space<semaphore_mem>>) src(%dma_wait3A_207 : memref<16x128xf32, #tpu.memory_space<vmem>>) dst(%dma_wait3A_204 : memref<16x128xf32, #tpu.memory_space<vmem_shared>>)
    } else {
    }
    %barrier3A = arith.constant 0 : index
    tpu.barrier barrier_id(%barrier3A)
    %dma_wait3A_149 = arith.constant 0 : i32
    %dma_wait3A_150 = arith.constant 0 : i32
    %dma_wait3A_151 = tpu.memref_slice %arg2[%arg0, %arg1, %dma_wait3A_149, %dma_wait3A_150] : memref<2x16x105x96xi32, #tpu.memory_space<hbm>> -> memref<1x1x1x96xi32, #tpu.memory_space<hbm>>
    %dma_wait3A_152 = tpu.memref_squeeze %dma_wait3A_151 : memref<1x1x1x96xi32, #tpu.memory_space<hbm>> -> memref<96xi32, #tpu.memory_space<hbm>>
    %dma_wait3A_153 = arith.constant 0 : i32
    %dma_wait3A_154 = tpu.memref_slice %arg2[%arg0, %arg1, %dma_wait3A_149, %dma_wait3A_153] : memref<2x16x105x96xi32, #tpu.memory_space<hbm>> -> memref<1x1x1x96xi32, #tpu.memory_space<hbm>>
    %dma_wait3A_155 = tpu.memref_squeeze %dma_wait3A_154 : memref<1x1x1x96xi32, #tpu.memory_space<hbm>> -> memref<96xi32, #tpu.memory_space<hbm>>
    tpu.wait_dma2 semaphore(%arg16 : memref<!tpu.dma_semaphore, #tpu.memory_space<semaphore_mem>>) src(%dma_wait3A_155 : memref<96xi32, #tpu.memory_space<hbm>>) dst(%arg6 : memref<96xi32, #tpu.memory_space<vmem>>)
    %dma_wait3A_156 = arith.constant 0 : i32
    %dma_wait3A_157 = arith.constant 0 : i32
    %dma_wait3A_158 = tpu.memref_slice %arg3[%arg1, %dma_wait3A_156, %dma_wait3A_157] : memref<16x105x96xi32, #tpu.memory_space<hbm>> -> memref<1x1x96xi32, #tpu.memory_space<hbm>>
    %dma_wait3A_159 = tpu.memref_squeeze %dma_wait3A_158 : memref<1x1x96xi32, #tpu.memory_space<hbm>> -> memref<96xi32, #tpu.memory_space<hbm>>
    %dma_wait3A_160 = arith.constant 0 : i32
    %dma_wait3A_161 = tpu.memref_slice %arg3[%arg1, %dma_wait3A_156, %dma_wait3A_160] : memref<16x105x96xi32, #tpu.memory_space<hbm>> -> memref<1x1x96xi32, #tpu.memory_space<hbm>>
    %dma_wait3A_162 = tpu.memref_squeeze %dma_wait3A_161 : memref<1x1x96xi32, #tpu.memory_space<hbm>> -> memref<96xi32, #tpu.memory_space<hbm>>
    tpu.wait_dma2 semaphore(%arg19 : memref<!tpu.dma_semaphore, #tpu.memory_space<semaphore_mem>>) src(%dma_wait3A_162 : memref<96xi32, #tpu.memory_space<hbm>>) dst(%arg9 : memref<96xi32, #tpu.memory_space<vmem>>)
    %dma_start3A_163 = arith.constant 0 : i32
    %dma_start3A_164 = arith.constant 0 : i32
    %dma_start3A_165 = tpu.memref_slice %arg4[%dma_start3A_163, %dma_start3A_164] : memref<20000x128xf32, #tpu.memory_space<hbm>> -> memref<20000x128xf32, #tpu.memory_space<hbm>>
    tpu.enqueue_indirect_dma source(%dma_start3A_165 : memref<20000x128xf32, #tpu.memory_space<hbm>>) target(%arg12 : memref<96x128xf32, #tpu.memory_space<vmem>>) offsets(%arg6 : memref<96xi32, #tpu.memory_space<vmem>>) semaphore(%arg22 : memref<!tpu.dma_semaphore, #tpu.memory_space<semaphore_mem>>)
    %dma_wait3A_166 = arith.constant 1 : i32
    %dma_wait3A_167 = arith.constant 0 : i32
    %dma_wait3A_168 = tpu.memref_slice %arg2[%arg0, %arg1, %dma_wait3A_166, %dma_wait3A_167] : memref<2x16x105x96xi32, #tpu.memory_space<hbm>> -> memref<1x1x1x96xi32, #tpu.memory_space<hbm>>
    %dma_wait3A_169 = tpu.memref_squeeze %dma_wait3A_168 : memref<1x1x1x96xi32, #tpu.memory_space<hbm>> -> memref<96xi32, #tpu.memory_space<hbm>>
    %dma_wait3A_170 = arith.constant 0 : i32
    %dma_wait3A_171 = tpu.memref_slice %arg2[%arg0, %arg1, %dma_wait3A_166, %dma_wait3A_170] : memref<2x16x105x96xi32, #tpu.memory_space<hbm>> -> memref<1x1x1x96xi32, #tpu.memory_space<hbm>>
    %dma_wait3A_172 = tpu.memref_squeeze %dma_wait3A_171 : memref<1x1x1x96xi32, #tpu.memory_space<hbm>> -> memref<96xi32, #tpu.memory_space<hbm>>
    tpu.wait_dma2 semaphore(%arg17 : memref<!tpu.dma_semaphore, #tpu.memory_space<semaphore_mem>>) src(%dma_wait3A_172 : memref<96xi32, #tpu.memory_space<hbm>>) dst(%arg7 : memref<96xi32, #tpu.memory_space<vmem>>)
    %dma_wait3A_173 = arith.constant 1 : i32
    %dma_wait3A_174 = arith.constant 0 : i32
    %dma_wait3A_175 = tpu.memref_slice %arg3[%arg1, %dma_wait3A_173, %dma_wait3A_174] : memref<16x105x96xi32, #tpu.memory_space<hbm>> -> memref<1x1x96xi32, #tpu.memory_space<hbm>>
    %dma_wait3A_176 = tpu.memref_squeeze %dma_wait3A_175 : memref<1x1x96xi32, #tpu.memory_space<hbm>> -> memref<96xi32, #tpu.memory_space<hbm>>
    %dma_wait3A_177 = arith.constant 0 : i32
    %dma_wait3A_178 = tpu.memref_slice %arg3[%arg1, %dma_wait3A_173, %dma_wait3A_177] : memref<16x105x96xi32, #tpu.memory_space<hbm>> -> memref<1x1x96xi32, #tpu.memory_space<hbm>>
    %dma_wait3A_179 = tpu.memref_squeeze %dma_wait3A_178 : memref<1x1x96xi32, #tpu.memory_space<hbm>> -> memref<96xi32, #tpu.memory_space<hbm>>
    tpu.wait_dma2 semaphore(%arg20 : memref<!tpu.dma_semaphore, #tpu.memory_space<semaphore_mem>>) src(%dma_wait3A_179 : memref<96xi32, #tpu.memory_space<hbm>>) dst(%arg10 : memref<96xi32, #tpu.memory_space<vmem>>)
    %dma_start3A_180 = arith.constant 0 : i32
    %dma_start3A_181 = arith.constant 0 : i32
    %dma_start3A_182 = tpu.memref_slice %arg4[%dma_start3A_180, %dma_start3A_181] : memref<20000x128xf32, #tpu.memory_space<hbm>> -> memref<20000x128xf32, #tpu.memory_space<hbm>>
    tpu.enqueue_indirect_dma source(%dma_start3A_182 : memref<20000x128xf32, #tpu.memory_space<hbm>>) target(%arg13 : memref<96x128xf32, #tpu.memory_space<vmem>>) offsets(%arg7 : memref<96xi32, #tpu.memory_space<vmem>>) semaphore(%arg23 : memref<!tpu.dma_semaphore, #tpu.memory_space<semaphore_mem>>)
    %scan3A_183 = arith.constant 0 : i32
    %scan3A_184 = arith.constant 0 : i32
    %scan3A_185 = arith.constant 35 : i32
    %scan3A_186 = arith.addi %scan3A_184, %scan3A_185 : i32
    %scan3A_187 = arith.constant 1 : i32
    %scan3A_188 = scf.for %scan3A_196 = %scan3A_184 to %scan3A_186 step %scan3A_187 iter_args(%scan3A_197 = %scan3A_183) -> (i32)  : i32 {
      %mul3A_198 = arith.constant 3 : i32
      %mul3A_199 = arith.muli %mul3A_198, %scan3A_196 : i32
      %dma_wait3A_200 = arith.constant 0 : i32
      %dma_wait3A_201 = arith.constant 0 : i32
      %dma_wait3A_202 = tpu.memref_slice %arg4[%dma_wait3A_200, %dma_wait3A_201] : memref<20000x128xf32, #tpu.memory_space<hbm>> -> memref<20000x128xf32, #tpu.memory_space<hbm>>
      tpu.wait_indirect_dma semaphore(%arg22 : memref<!tpu.dma_semaphore, #tpu.memory_space<semaphore_mem>>) src(%dma_wait3A_202 : memref<20000x128xf32, #tpu.memory_space<hbm>>) dst(%arg12 : memref<96x128xf32, #tpu.memory_space<vmem>>)
      "tpu.region"() ({
        %run_scoped3A = tpu.sem_alloc : memref<!tpu.dma_semaphore, #tpu.memory_space<semaphore_mem>>
        %dma_start3A_251 = arith.constant 0 : i32
        %dma_start3A_252 = arith.constant 0 : i32
        %dma_start3A_253 = tpu.memref_slice %arg15[%dma_start3A_251, %dma_start3A_252] : memref<10016x128xf32, #tpu.memory_space<vmem_shared>> -> memref<10016x128xf32, #tpu.memory_space<vmem_shared>>
        tpu.enqueue_indirect_dma source(%arg12 : memref<96x128xf32, #tpu.memory_space<vmem>>) target(%dma_start3A_253 : memref<10016x128xf32, #tpu.memory_space<vmem_shared>>) offsets(%arg9 : memref<96xi32, #tpu.memory_space<vmem>>) semaphore(%run_scoped3A : memref<!tpu.dma_semaphore, #tpu.memory_space<semaphore_mem>>) {add = true}
        %dma_wait3A_254 = arith.constant 0 : i32
        %dma_wait3A_255 = arith.constant 0 : i32
        %dma_wait3A_256 = tpu.memref_slice %arg15[%dma_wait3A_254, %dma_wait3A_255] : memref<10016x128xf32, #tpu.memory_space<vmem_shared>> -> memref<10016x128xf32, #tpu.memory_space<vmem_shared>>
        tpu.wait_indirect_dma semaphore(%run_scoped3A : memref<!tpu.dma_semaphore, #tpu.memory_space<semaphore_mem>>) src(%arg12 : memref<96x128xf32, #tpu.memory_space<vmem>>) dst(%dma_wait3A_256 : memref<10016x128xf32, #tpu.memory_space<vmem_shared>>)
        tpu.yield
      }) : () -> ()
      %add3A_203 = arith.constant 3 : i32
      %add3A_204 = arith.addi %mul3A_199, %add3A_203 : i32
      %add3A_205 = arith.constant 0 : i32
      %add3A_206 = arith.addi %add3A_204, %add3A_205 : i32
      %lt3A = arith.constant 105 : i32
      %lt3A_207 = arith.cmpi slt, %add3A_206, %lt3A : i32
      %convert_element_type3A_208 = arith.extui %lt3A_207 : i1 to i32
      %cond3A_209 = arith.constant 0 : i32
      %cond3A_210 = arith.cmpi ne, %convert_element_type3A_208, %cond3A_209 : i32
      scf.if %cond3A_210 {
        %add3A_251 = arith.constant 3 : i32
        %add3A_252 = arith.addi %mul3A_199, %add3A_251 : i32
        %add3A_253 = arith.constant 0 : i32
        %add3A_254 = arith.addi %add3A_252, %add3A_253 : i32
        %dma_start3A_255 = arith.constant 0 : i32
        %dma_start3A_256 = tpu.memref_slice %arg2[%arg0, %arg1, %add3A_254, %dma_start3A_255] : memref<2x16x105x96xi32, #tpu.memory_space<hbm>> -> memref<1x1x1x96xi32, #tpu.memory_space<hbm>>
        %dma_start3A_257 = tpu.memref_squeeze %dma_start3A_256 : memref<1x1x1x96xi32, #tpu.memory_space<hbm>> -> memref<96xi32, #tpu.memory_space<hbm>>
        %dma_start3A_258 = arith.constant 0 : i32
        %dma_start3A_259 = tpu.memref_slice %arg2[%arg0, %arg1, %add3A_254, %dma_start3A_258] : memref<2x16x105x96xi32, #tpu.memory_space<hbm>> -> memref<1x1x1x96xi32, #tpu.memory_space<hbm>>
        %dma_start3A_260 = tpu.memref_squeeze %dma_start3A_259 : memref<1x1x1x96xi32, #tpu.memory_space<hbm>> -> memref<96xi32, #tpu.memory_space<hbm>>
        tpu.enqueue_dma source(%dma_start3A_260 : memref<96xi32, #tpu.memory_space<hbm>>) target(%arg6 : memref<96xi32, #tpu.memory_space<vmem>>) target_semaphore(%arg16 : memref<!tpu.dma_semaphore, #tpu.memory_space<semaphore_mem>>)
        %dma_start3A_261 = arith.constant 0 : i32
        %dma_start3A_262 = tpu.memref_slice %arg3[%arg1, %add3A_254, %dma_start3A_261] : memref<16x105x96xi32, #tpu.memory_space<hbm>> -> memref<1x1x96xi32, #tpu.memory_space<hbm>>
        %dma_start3A_263 = tpu.memref_squeeze %dma_start3A_262 : memref<1x1x96xi32, #tpu.memory_space<hbm>> -> memref<96xi32, #tpu.memory_space<hbm>>
        %dma_start3A_264 = arith.constant 0 : i32
        %dma_start3A_265 = tpu.memref_slice %arg3[%arg1, %add3A_254, %dma_start3A_264] : memref<16x105x96xi32, #tpu.memory_space<hbm>> -> memref<1x1x96xi32, #tpu.memory_space<hbm>>
        %dma_start3A_266 = tpu.memref_squeeze %dma_start3A_265 : memref<1x1x96xi32, #tpu.memory_space<hbm>> -> memref<96xi32, #tpu.memory_space<hbm>>
        tpu.enqueue_dma source(%dma_start3A_266 : memref<96xi32, #tpu.memory_space<hbm>>) target(%arg9 : memref<96xi32, #tpu.memory_space<vmem>>) target_semaphore(%arg19 : memref<!tpu.dma_semaphore, #tpu.memory_space<semaphore_mem>>)
        %add3A_267 = arith.constant 3 : i32
        %add3A_268 = arith.addi %mul3A_199, %add3A_267 : i32
        %add3A_269 = arith.constant 0 : i32
        %add3A_270 = arith.addi %add3A_268, %add3A_269 : i32
        %dma_wait3A_271 = arith.constant 0 : i32
        %dma_wait3A_272 = tpu.memref_slice %arg2[%arg0, %arg1, %add3A_270, %dma_wait3A_271] : memref<2x16x105x96xi32, #tpu.memory_space<hbm>> -> memref<1x1x1x96xi32, #tpu.memory_space<hbm>>
        %dma_wait3A_273 = tpu.memref_squeeze %dma_wait3A_272 : memref<1x1x1x96xi32, #tpu.memory_space<hbm>> -> memref<96xi32, #tpu.memory_space<hbm>>
        %dma_wait3A_274 = arith.constant 0 : i32
        %dma_wait3A_275 = tpu.memref_slice %arg2[%arg0, %arg1, %add3A_270, %dma_wait3A_274] : memref<2x16x105x96xi32, #tpu.memory_space<hbm>> -> memref<1x1x1x96xi32, #tpu.memory_space<hbm>>
        %dma_wait3A_276 = tpu.memref_squeeze %dma_wait3A_275 : memref<1x1x1x96xi32, #tpu.memory_space<hbm>> -> memref<96xi32, #tpu.memory_space<hbm>>
        tpu.wait_dma2 semaphore(%arg16 : memref<!tpu.dma_semaphore, #tpu.memory_space<semaphore_mem>>) src(%dma_wait3A_276 : memref<96xi32, #tpu.memory_space<hbm>>) dst(%arg6 : memref<96xi32, #tpu.memory_space<vmem>>)
        %dma_wait3A_277 = arith.constant 0 : i32
        %dma_wait3A_278 = tpu.memref_slice %arg3[%arg1, %add3A_270, %dma_wait3A_277] : memref<16x105x96xi32, #tpu.memory_space<hbm>> -> memref<1x1x96xi32, #tpu.memory_space<hbm>>
        %dma_wait3A_279 = tpu.memref_squeeze %dma_wait3A_278 : memref<1x1x96xi32, #tpu.memory_space<hbm>> -> memref<96xi32, #tpu.memory_space<hbm>>
        %dma_wait3A_280 = arith.constant 0 : i32
        %dma_wait3A_281 = tpu.memref_slice %arg3[%arg1, %add3A_270, %dma_wait3A_280] : memref<16x105x96xi32, #tpu.memory_space<hbm>> -> memref<1x1x96xi32, #tpu.memory_space<hbm>>
        %dma_wait3A_282 = tpu.memref_squeeze %dma_wait3A_281 : memref<1x1x96xi32, #tpu.memory_space<hbm>> -> memref<96xi32, #tpu.memory_space<hbm>>
        tpu.wait_dma2 semaphore(%arg19 : memref<!tpu.dma_semaphore, #tpu.memory_space<semaphore_mem>>) src(%dma_wait3A_282 : memref<96xi32, #tpu.memory_space<hbm>>) dst(%arg9 : memref<96xi32, #tpu.memory_space<vmem>>)
        %dma_start3A_283 = arith.constant 0 : i32
        %dma_start3A_284 = arith.constant 0 : i32
        %dma_start3A_285 = tpu.memref_slice %arg4[%dma_start3A_283, %dma_start3A_284] : memref<20000x128xf32, #tpu.memory_space<hbm>> -> memref<20000x128xf32, #tpu.memory_space<hbm>>
        tpu.enqueue_indirect_dma source(%dma_start3A_285 : memref<20000x128xf32, #tpu.memory_space<hbm>>) target(%arg12 : memref<96x128xf32, #tpu.memory_space<vmem>>) offsets(%arg6 : memref<96xi32, #tpu.memory_space<vmem>>) semaphore(%arg22 : memref<!tpu.dma_semaphore, #tpu.memory_space<semaphore_mem>>)
      } else {
      }
      %dma_wait3A_211 = arith.constant 0 : i32
      %dma_wait3A_212 = arith.constant 0 : i32
      %dma_wait3A_213 = tpu.memref_slice %arg4[%dma_wait3A_211, %dma_wait3A_212] : memref<20000x128xf32, #tpu.memory_space<hbm>> -> memref<20000x128xf32, #tpu.memory_space<hbm>>
      tpu.wait_indirect_dma semaphore(%arg23 : memref<!tpu.dma_semaphore, #tpu.memory_space<semaphore_mem>>) src(%dma_wait3A_213 : memref<20000x128xf32, #tpu.memory_space<hbm>>) dst(%arg13 : memref<96x128xf32, #tpu.memory_space<vmem>>)
      "tpu.region"() ({
        %run_scoped3A = tpu.sem_alloc : memref<!tpu.dma_semaphore, #tpu.memory_space<semaphore_mem>>
        %dma_start3A_251 = arith.constant 0 : i32
        %dma_start3A_252 = arith.constant 0 : i32
        %dma_start3A_253 = tpu.memref_slice %arg15[%dma_start3A_251, %dma_start3A_252] : memref<10016x128xf32, #tpu.memory_space<vmem_shared>> -> memref<10016x128xf32, #tpu.memory_space<vmem_shared>>
        tpu.enqueue_indirect_dma source(%arg13 : memref<96x128xf32, #tpu.memory_space<vmem>>) target(%dma_start3A_253 : memref<10016x128xf32, #tpu.memory_space<vmem_shared>>) offsets(%arg10 : memref<96xi32, #tpu.memory_space<vmem>>) semaphore(%run_scoped3A : memref<!tpu.dma_semaphore, #tpu.memory_space<semaphore_mem>>) {add = true}
        %dma_wait3A_254 = arith.constant 0 : i32
        %dma_wait3A_255 = arith.constant 0 : i32
        %dma_wait3A_256 = tpu.memref_slice %arg15[%dma_wait3A_254, %dma_wait3A_255] : memref<10016x128xf32, #tpu.memory_space<vmem_shared>> -> memref<10016x128xf32, #tpu.memory_space<vmem_shared>>
        tpu.wait_indirect_dma semaphore(%run_scoped3A : memref<!tpu.dma_semaphore, #tpu.memory_space<semaphore_mem>>) src(%arg13 : memref<96x128xf32, #tpu.memory_space<vmem>>) dst(%dma_wait3A_256 : memref<10016x128xf32, #tpu.memory_space<vmem_shared>>)
        tpu.yield
      }) : () -> ()
      %add3A_214 = arith.constant 3 : i32
      %add3A_215 = arith.addi %mul3A_199, %add3A_214 : i32
      %add3A_216 = arith.constant 1 : i32
      %add3A_217 = arith.addi %add3A_215, %add3A_216 : i32
      %lt3A_218 = arith.constant 105 : i32
      %lt3A_219 = arith.cmpi slt, %add3A_217, %lt3A_218 : i32
      %convert_element_type3A_220 = arith.extui %lt3A_219 : i1 to i32
      %cond3A_221 = arith.constant 0 : i32
      %cond3A_222 = arith.cmpi ne, %convert_element_type3A_220, %cond3A_221 : i32
      scf.if %cond3A_222 {
        %add3A_251 = arith.constant 3 : i32
        %add3A_252 = arith.addi %mul3A_199, %add3A_251 : i32
        %add3A_253 = arith.constant 1 : i32
        %add3A_254 = arith.addi %add3A_252, %add3A_253 : i32
        %dma_start3A_255 = arith.constant 0 : i32
        %dma_start3A_256 = tpu.memref_slice %arg2[%arg0, %arg1, %add3A_254, %dma_start3A_255] : memref<2x16x105x96xi32, #tpu.memory_space<hbm>> -> memref<1x1x1x96xi32, #tpu.memory_space<hbm>>
        %dma_start3A_257 = tpu.memref_squeeze %dma_start3A_256 : memref<1x1x1x96xi32, #tpu.memory_space<hbm>> -> memref<96xi32, #tpu.memory_space<hbm>>
        %dma_start3A_258 = arith.constant 0 : i32
        %dma_start3A_259 = tpu.memref_slice %arg2[%arg0, %arg1, %add3A_254, %dma_start3A_258] : memref<2x16x105x96xi32, #tpu.memory_space<hbm>> -> memref<1x1x1x96xi32, #tpu.memory_space<hbm>>
        %dma_start3A_260 = tpu.memref_squeeze %dma_start3A_259 : memref<1x1x1x96xi32, #tpu.memory_space<hbm>> -> memref<96xi32, #tpu.memory_space<hbm>>
        tpu.enqueue_dma source(%dma_start3A_260 : memref<96xi32, #tpu.memory_space<hbm>>) target(%arg7 : memref<96xi32, #tpu.memory_space<vmem>>) target_semaphore(%arg17 : memref<!tpu.dma_semaphore, #tpu.memory_space<semaphore_mem>>)
        %dma_start3A_261 = arith.constant 0 : i32
        %dma_start3A_262 = tpu.memref_slice %arg3[%arg1, %add3A_254, %dma_start3A_261] : memref<16x105x96xi32, #tpu.memory_space<hbm>> -> memref<1x1x96xi32, #tpu.memory_space<hbm>>
        %dma_start3A_263 = tpu.memref_squeeze %dma_start3A_262 : memref<1x1x96xi32, #tpu.memory_space<hbm>> -> memref<96xi32, #tpu.memory_space<hbm>>
        %dma_start3A_264 = arith.constant 0 : i32
        %dma_start3A_265 = tpu.memref_slice %arg3[%arg1, %add3A_254, %dma_start3A_264] : memref<16x105x96xi32, #tpu.memory_space<hbm>> -> memref<1x1x96xi32, #tpu.memory_space<hbm>>
        %dma_start3A_266 = tpu.memref_squeeze %dma_start3A_265 : memref<1x1x96xi32, #tpu.memory_space<hbm>> -> memref<96xi32, #tpu.memory_space<hbm>>
        tpu.enqueue_dma source(%dma_start3A_266 : memref<96xi32, #tpu.memory_space<hbm>>) target(%arg10 : memref<96xi32, #tpu.memory_space<vmem>>) target_semaphore(%arg20 : memref<!tpu.dma_semaphore, #tpu.memory_space<semaphore_mem>>)
        %add3A_267 = arith.constant 3 : i32
        %add3A_268 = arith.addi %mul3A_199, %add3A_267 : i32
        %add3A_269 = arith.constant 1 : i32
        %add3A_270 = arith.addi %add3A_268, %add3A_269 : i32
        %dma_wait3A_271 = arith.constant 0 : i32
        %dma_wait3A_272 = tpu.memref_slice %arg2[%arg0, %arg1, %add3A_270, %dma_wait3A_271] : memref<2x16x105x96xi32, #tpu.memory_space<hbm>> -> memref<1x1x1x96xi32, #tpu.memory_space<hbm>>
        %dma_wait3A_273 = tpu.memref_squeeze %dma_wait3A_272 : memref<1x1x1x96xi32, #tpu.memory_space<hbm>> -> memref<96xi32, #tpu.memory_space<hbm>>
        %dma_wait3A_274 = arith.constant 0 : i32
        %dma_wait3A_275 = tpu.memref_slice %arg2[%arg0, %arg1, %add3A_270, %dma_wait3A_274] : memref<2x16x105x96xi32, #tpu.memory_space<hbm>> -> memref<1x1x1x96xi32, #tpu.memory_space<hbm>>
        %dma_wait3A_276 = tpu.memref_squeeze %dma_wait3A_275 : memref<1x1x1x96xi32, #tpu.memory_space<hbm>> -> memref<96xi32, #tpu.memory_space<hbm>>
        tpu.wait_dma2 semaphore(%arg17 : memref<!tpu.dma_semaphore, #tpu.memory_space<semaphore_mem>>) src(%dma_wait3A_276 : memref<96xi32, #tpu.memory_space<hbm>>) dst(%arg7 : memref<96xi32, #tpu.memory_space<vmem>>)
        %dma_wait3A_277 = arith.constant 0 : i32
        %dma_wait3A_278 = tpu.memref_slice %arg3[%arg1, %add3A_270, %dma_wait3A_277] : memref<16x105x96xi32, #tpu.memory_space<hbm>> -> memref<1x1x96xi32, #tpu.memory_space<hbm>>
        %dma_wait3A_279 = tpu.memref_squeeze %dma_wait3A_278 : memref<1x1x96xi32, #tpu.memory_space<hbm>> -> memref<96xi32, #tpu.memory_space<hbm>>
        %dma_wait3A_280 = arith.constant 0 : i32
        %dma_wait3A_281 = tpu.memref_slice %arg3[%arg1, %add3A_270, %dma_wait3A_280] : memref<16x105x96xi32, #tpu.memory_space<hbm>> -> memref<1x1x96xi32, #tpu.memory_space<hbm>>
        %dma_wait3A_282 = tpu.memref_squeeze %dma_wait3A_281 : memref<1x1x96xi32, #tpu.memory_space<hbm>> -> memref<96xi32, #tpu.memory_space<hbm>>
        tpu.wait_dma2 semaphore(%arg20 : memref<!tpu.dma_semaphore, #tpu.memory_space<semaphore_mem>>) src(%dma_wait3A_282 : memref<96xi32, #tpu.memory_space<hbm>>) dst(%arg10 : memref<96xi32, #tpu.memory_space<vmem>>)
        %dma_start3A_283 = arith.constant 0 : i32
        %dma_start3A_284 = arith.constant 0 : i32
        %dma_start3A_285 = tpu.memref_slice %arg4[%dma_start3A_283, %dma_start3A_284] : memref<20000x128xf32, #tpu.memory_space<hbm>> -> memref<20000x128xf32, #tpu.memory_space<hbm>>
        tpu.enqueue_indirect_dma source(%dma_start3A_285 : memref<20000x128xf32, #tpu.memory_space<hbm>>) target(%arg13 : memref<96x128xf32, #tpu.memory_space<vmem>>) offsets(%arg7 : memref<96xi32, #tpu.memory_space<vmem>>) semaphore(%arg23 : memref<!tpu.dma_semaphore, #tpu.memory_space<semaphore_mem>>)
      } else {
      }
      %add3A_223 = arith.constant 2 : i32
      %add3A_224 = arith.addi %mul3A_199, %add3A_223 : i32
      %dma_wait3A_225 = arith.constant 0 : i32
      %dma_wait3A_226 = tpu.memref_slice %arg2[%arg0, %arg1, %add3A_224, %dma_wait3A_225] : memref<2x16x105x96xi32, #tpu.memory_space<hbm>> -> memref<1x1x1x96xi32, #tpu.memory_space<hbm>>
      %dma_wait3A_227 = tpu.memref_squeeze %dma_wait3A_226 : memref<1x1x1x96xi32, #tpu.memory_space<hbm>> -> memref<96xi32, #tpu.memory_space<hbm>>
      %dma_wait3A_228 = arith.constant 0 : i32
      %dma_wait3A_229 = tpu.memref_slice %arg2[%arg0, %arg1, %add3A_224, %dma_wait3A_228] : memref<2x16x105x96xi32, #tpu.memory_space<hbm>> -> memref<1x1x1x96xi32, #tpu.memory_space<hbm>>
      %dma_wait3A_230 = tpu.memref_squeeze %dma_wait3A_229 : memref<1x1x1x96xi32, #tpu.memory_space<hbm>> -> memref<96xi32, #tpu.memory_space<hbm>>
      tpu.wait_dma2 semaphore(%arg18 : memref<!tpu.dma_semaphore, #tpu.memory_space<semaphore_mem>>) src(%dma_wait3A_230 : memref<96xi32, #tpu.memory_space<hbm>>) dst(%arg8 : memref<96xi32, #tpu.memory_space<vmem>>)
      %dma_wait3A_231 = arith.constant 0 : i32
      %dma_wait3A_232 = tpu.memref_slice %arg3[%arg1, %add3A_224, %dma_wait3A_231] : memref<16x105x96xi32, #tpu.memory_space<hbm>> -> memref<1x1x96xi32, #tpu.memory_space<hbm>>
      %dma_wait3A_233 = tpu.memref_squeeze %dma_wait3A_232 : memref<1x1x96xi32, #tpu.memory_space<hbm>> -> memref<96xi32, #tpu.memory_space<hbm>>
      %dma_wait3A_234 = arith.constant 0 : i32
      %dma_wait3A_235 = tpu.memref_slice %arg3[%arg1, %add3A_224, %dma_wait3A_234] : memref<16x105x96xi32, #tpu.memory_space<hbm>> -> memref<1x1x96xi32, #tpu.memory_space<hbm>>
      %dma_wait3A_236 = tpu.memref_squeeze %dma_wait3A_235 : memref<1x1x96xi32, #tpu.memory_space<hbm>> -> memref<96xi32, #tpu.memory_space<hbm>>
      tpu.wait_dma2 semaphore(%arg21 : memref<!tpu.dma_semaphore, #tpu.memory_space<semaphore_mem>>) src(%dma_wait3A_236 : memref<96xi32, #tpu.memory_space<hbm>>) dst(%arg11 : memref<96xi32, #tpu.memory_space<vmem>>)
      %dma_start3A_237 = arith.constant 0 : i32
      %dma_start3A_238 = arith.constant 0 : i32
      %dma_start3A_239 = tpu.memref_slice %arg4[%dma_start3A_237, %dma_start3A_238] : memref<20000x128xf32, #tpu.memory_space<hbm>> -> memref<20000x128xf32, #tpu.memory_space<hbm>>
      tpu.enqueue_indirect_dma source(%dma_start3A_239 : memref<20000x128xf32, #tpu.memory_space<hbm>>) target(%arg14 : memref<96x128xf32, #tpu.memory_space<vmem>>) offsets(%arg8 : memref<96xi32, #tpu.memory_space<vmem>>) semaphore(%arg24 : memref<!tpu.dma_semaphore, #tpu.memory_space<semaphore_mem>>)
      %dma_wait3A_240 = arith.constant 0 : i32
      %dma_wait3A_241 = arith.constant 0 : i32
      %dma_wait3A_242 = tpu.memref_slice %arg4[%dma_wait3A_240, %dma_wait3A_241] : memref<20000x128xf32, #tpu.memory_space<hbm>> -> memref<20000x128xf32, #tpu.memory_space<hbm>>
      tpu.wait_indirect_dma semaphore(%arg24 : memref<!tpu.dma_semaphore, #tpu.memory_space<semaphore_mem>>) src(%dma_wait3A_242 : memref<20000x128xf32, #tpu.memory_space<hbm>>) dst(%arg14 : memref<96x128xf32, #tpu.memory_space<vmem>>)
      "tpu.region"() ({
        %run_scoped3A = tpu.sem_alloc : memref<!tpu.dma_semaphore, #tpu.memory_space<semaphore_mem>>
        %dma_start3A_251 = arith.constant 0 : i32
        %dma_start3A_252 = arith.constant 0 : i32
        %dma_start3A_253 = tpu.memref_slice %arg15[%dma_start3A_251, %dma_start3A_252] : memref<10016x128xf32, #tpu.memory_space<vmem_shared>> -> memref<10016x128xf32, #tpu.memory_space<vmem_shared>>
        tpu.enqueue_indirect_dma source(%arg14 : memref<96x128xf32, #tpu.memory_space<vmem>>) target(%dma_start3A_253 : memref<10016x128xf32, #tpu.memory_space<vmem_shared>>) offsets(%arg11 : memref<96xi32, #tpu.memory_space<vmem>>) semaphore(%run_scoped3A : memref<!tpu.dma_semaphore, #tpu.memory_space<semaphore_mem>>) {add = true}
        %dma_wait3A_254 = arith.constant 0 : i32
        %dma_wait3A_255 = arith.constant 0 : i32
        %dma_wait3A_256 = tpu.memref_slice %arg15[%dma_wait3A_254, %dma_wait3A_255] : memref<10016x128xf32, #tpu.memory_space<vmem_shared>> -> memref<10016x128xf32, #tpu.memory_space<vmem_shared>>
        tpu.wait_indirect_dma semaphore(%run_scoped3A : memref<!tpu.dma_semaphore, #tpu.memory_space<semaphore_mem>>) src(%arg14 : memref<96x128xf32, #tpu.memory_space<vmem>>) dst(%dma_wait3A_256 : memref<10016x128xf32, #tpu.memory_space<vmem_shared>>)
        tpu.yield
      }) : () -> ()
      %add3A_243 = arith.constant 5 : i32
      %add3A_244 = arith.addi %mul3A_199, %add3A_243 : i32
      %lt3A_245 = arith.constant 105 : i32
      %lt3A_246 = arith.cmpi slt, %add3A_244, %lt3A_245 : i32
      %convert_element_type3A_247 = arith.extui %lt3A_246 : i1 to i32
      %cond3A_248 = arith.constant 0 : i32
      %cond3A_249 = arith.cmpi ne, %convert_element_type3A_247, %cond3A_248 : i32
      scf.if %cond3A_249 {
        %add3A_251 = arith.constant 5 : i32
        %add3A_252 = arith.addi %mul3A_199, %add3A_251 : i32
        %dma_start3A_253 = arith.constant 0 : i32
        %dma_start3A_254 = tpu.memref_slice %arg2[%arg0, %arg1, %add3A_252, %dma_start3A_253] : memref<2x16x105x96xi32, #tpu.memory_space<hbm>> -> memref<1x1x1x96xi32, #tpu.memory_space<hbm>>
        %dma_start3A_255 = tpu.memref_squeeze %dma_start3A_254 : memref<1x1x1x96xi32, #tpu.memory_space<hbm>> -> memref<96xi32, #tpu.memory_space<hbm>>
        %dma_start3A_256 = arith.constant 0 : i32
        %dma_start3A_257 = tpu.memref_slice %arg2[%arg0, %arg1, %add3A_252, %dma_start3A_256] : memref<2x16x105x96xi32, #tpu.memory_space<hbm>> -> memref<1x1x1x96xi32, #tpu.memory_space<hbm>>
        %dma_start3A_258 = tpu.memref_squeeze %dma_start3A_257 : memref<1x1x1x96xi32, #tpu.memory_space<hbm>> -> memref<96xi32, #tpu.memory_space<hbm>>
        tpu.enqueue_dma source(%dma_start3A_258 : memref<96xi32, #tpu.memory_space<hbm>>) target(%arg8 : memref<96xi32, #tpu.memory_space<vmem>>) target_semaphore(%arg18 : memref<!tpu.dma_semaphore, #tpu.memory_space<semaphore_mem>>)
        %dma_start3A_259 = arith.constant 0 : i32
        %dma_start3A_260 = tpu.memref_slice %arg3[%arg1, %add3A_252, %dma_start3A_259] : memref<16x105x96xi32, #tpu.memory_space<hbm>> -> memref<1x1x96xi32, #tpu.memory_space<hbm>>
        %dma_start3A_261 = tpu.memref_squeeze %dma_start3A_260 : memref<1x1x96xi32, #tpu.memory_space<hbm>> -> memref<96xi32, #tpu.memory_space<hbm>>
        %dma_start3A_262 = arith.constant 0 : i32
        %dma_start3A_263 = tpu.memref_slice %arg3[%arg1, %add3A_252, %dma_start3A_262] : memref<16x105x96xi32, #tpu.memory_space<hbm>> -> memref<1x1x96xi32, #tpu.memory_space<hbm>>
        %dma_start3A_264 = tpu.memref_squeeze %dma_start3A_263 : memref<1x1x96xi32, #tpu.memory_space<hbm>> -> memref<96xi32, #tpu.memory_space<hbm>>
        tpu.enqueue_dma source(%dma_start3A_264 : memref<96xi32, #tpu.memory_space<hbm>>) target(%arg11 : memref<96xi32, #tpu.memory_space<vmem>>) target_semaphore(%arg21 : memref<!tpu.dma_semaphore, #tpu.memory_space<semaphore_mem>>)
      } else {
      }
      %scan3A_250 = arith.constant 0 : i32
      scf.yield %scan3A_250 : i32
    }
    %scan3A_189 = arith.constant 35 : i32
    %barrier3A_190 = arith.constant 0 : index
    tpu.barrier barrier_id(%barrier3A_190)
    "tpu.region"() ({
      %run_scoped3A = tpu.sem_alloc : memref<!tpu.dma_semaphore, #tpu.memory_space<semaphore_mem>>
      %dma_start3A_196 = arith.constant 0 : i32
      %dma_start3A_197 = tpu.memref_slice %arg5[%arg0, %mul3A_47, %dma_start3A_196] : memref<2x10000x128xf32, #tpu.memory_space<hbm>> -> memref<1x624x128xf32, #tpu.memory_space<hbm>>
      %dma_start3A_198 = tpu.memref_squeeze %dma_start3A_197 : memref<1x624x128xf32, #tpu.memory_space<hbm>> -> memref<624x128xf32, #tpu.memory_space<hbm>>
      %dma_start3A_199 = arith.constant 0 : i32
      %dma_start3A_200 = tpu.memref_slice %arg15[%mul3A_47, %dma_start3A_199] : memref<10016x128xf32, #tpu.memory_space<vmem_shared>> -> memref<624x128xf32, #tpu.memory_space<vmem_shared>>
      tpu.enqueue_dma source(%dma_start3A_200 : memref<624x128xf32, #tpu.memory_space<vmem_shared>>) target(%dma_start3A_198 : memref<624x128xf32, #tpu.memory_space<hbm>>) target_semaphore(%run_scoped3A : memref<!tpu.dma_semaphore, #tpu.memory_space<semaphore_mem>>)
      %dma_wait3A_201 = arith.constant 0 : i32
      %dma_wait3A_202 = tpu.memref_slice %arg5[%arg0, %mul3A_47, %dma_wait3A_201] : memref<2x10000x128xf32, #tpu.memory_space<hbm>> -> memref<1x624x128xf32, #tpu.memory_space<hbm>>
      %dma_wait3A_203 = tpu.memref_squeeze %dma_wait3A_202 : memref<1x624x128xf32, #tpu.memory_space<hbm>> -> memref<624x128xf32, #tpu.memory_space<hbm>>
      %dma_wait3A_204 = arith.constant 0 : i32
      %dma_wait3A_205 = tpu.memref_slice %arg15[%mul3A_47, %dma_wait3A_204] : memref<10016x128xf32, #tpu.memory_space<vmem_shared>> -> memref<624x128xf32, #tpu.memory_space<vmem_shared>>
      tpu.wait_dma2 semaphore(%run_scoped3A : memref<!tpu.dma_semaphore, #tpu.memory_space<semaphore_mem>>) src(%dma_wait3A_205 : memref<624x128xf32, #tpu.memory_space<vmem_shared>>) dst(%dma_wait3A_203 : memref<624x128xf32, #tpu.memory_space<hbm>>)
      tpu.yield
    }) : () -> ()
    %eq3A_191 = arith.constant 15 : i32
    %eq3A_192 = arith.cmpi eq, %arg1, %eq3A_191 : i32
    %convert_element_type3A_193 = arith.extui %eq3A_192 : i1 to i32
    %cond3A_194 = arith.constant 0 : i32
    %cond3A_195 = arith.cmpi ne, %convert_element_type3A_193, %cond3A_194 : i32
    scf.if %cond3A_195 {
      "tpu.region"() ({
        %run_scoped3A = tpu.sem_alloc : memref<!tpu.dma_semaphore, #tpu.memory_space<semaphore_mem>>
        %dma_start3A_196 = arith.constant 9984 : i32
        %dma_start3A_197 = arith.constant 0 : i32
        %dma_start3A_198 = tpu.memref_slice %arg5[%arg0, %dma_start3A_196, %dma_start3A_197] : memref<2x10000x128xf32, #tpu.memory_space<hbm>> -> memref<1x16x128xf32, #tpu.memory_space<hbm>>
        %dma_start3A_199 = tpu.memref_squeeze %dma_start3A_198 : memref<1x16x128xf32, #tpu.memory_space<hbm>> -> memref<16x128xf32, #tpu.memory_space<hbm>>
        %dma_start3A_200 = arith.constant 9984 : i32
        %dma_start3A_201 = arith.constant 0 : i32
        %dma_start3A_202 = tpu.memref_slice %arg15[%dma_start3A_200, %dma_start3A_201] : memref<10016x128xf32, #tpu.memory_space<vmem_shared>> -> memref<16x128xf32, #tpu.memory_space<vmem_shared>>
        tpu.enqueue_dma source(%dma_start3A_202 : memref<16x128xf32, #tpu.memory_space<vmem_shared>>) target(%dma_start3A_199 : memref<16x128xf32, #tpu.memory_space<hbm>>) target_semaphore(%run_scoped3A : memref<!tpu.dma_semaphore, #tpu.memory_space<semaphore_mem>>)
        %dma_wait3A_203 = arith.constant 9984 : i32
        %dma_wait3A_204 = arith.constant 0 : i32
        %dma_wait3A_205 = tpu.memref_slice %arg5[%arg0, %dma_wait3A_203, %dma_wait3A_204] : memref<2x10000x128xf32, #tpu.memory_space<hbm>> -> memref<1x16x128xf32, #tpu.memory_space<hbm>>
        %dma_wait3A_206 = tpu.memref_squeeze %dma_wait3A_205 : memref<1x16x128xf32, #tpu.memory_space<hbm>> -> memref<16x128xf32, #tpu.memory_space<hbm>>
        %dma_wait3A_207 = arith.constant 9984 : i32
        %dma_wait3A_208 = arith.constant 0 : i32
        %dma_wait3A_209 = tpu.memref_slice %arg15[%dma_wait3A_207, %dma_wait3A_208] : memref<10016x128xf32, #tpu.memory_space<vmem_shared>> -> memref<16x128xf32, #tpu.memory_space<vmem_shared>>
        tpu.wait_dma2 semaphore(%run_scoped3A : memref<!tpu.dma_semaphore, #tpu.memory_space<semaphore_mem>>) src(%dma_wait3A_209 : memref<16x128xf32, #tpu.memory_space<vmem_shared>>) dst(%dma_wait3A_206 : memref<16x128xf32, #tpu.memory_space<hbm>>)
        tpu.yield
      }) : () -> ()
    } else {
    }
    return
  }
}

module attributes {stable_mosaic.version = 14 : i64} {
  func.func @_p1f_body(%arg0: memref<10000x256xf32, #tpu.memory_space<vmem>>, %arg1: memref<256x256xf32, #tpu.memory_space<vmem>>, %arg2: memref<1x256xf32, #tpu.memory_space<vmem>>, %arg3: memref<1x256xf32, #tpu.memory_space<vmem>>, %arg4: memref<1x256xf32, #tpu.memory_space<vmem>>, %arg5: memref<2x10000x128xf32, #tpu.memory_space<vmem>>, %arg6: memref<10000x256xf32, #tpu.memory_space<vmem>>) attributes {dimension_semantics = [], scalar_prefetch = 0 : i64, scratch_operands = 1 : i64, tpu.core_type = #tpu.core_type<tc>} {
    %broadcast_in_dim3A = arith.constant 0.000000e+00 : f32
    %broadcast_in_dim3A_0 = vector.broadcast %broadcast_in_dim3A : f32 to vector<1x256xf32>
    %broadcast_in_dim3A_1 = arith.constant 0.000000e+00 : f32
    %broadcast_in_dim3A_2 = vector.broadcast %broadcast_in_dim3A_1 : f32 to vector<1x256xf32>
    %get3A = arith.constant 0 : index
    %get3A_3 = arith.constant 0 : index
    %get3A_4 = vector.load %arg0[%get3A, %get3A_3] : memref<10000x256xf32, #tpu.memory_space<vmem>>, vector<1000x256xf32>
    %get3A_5 = arith.constant 0 : index
    %get3A_6 = arith.constant 0 : index
    %get3A_7 = vector.load %arg1[%get3A_5, %get3A_6] : memref<256x256xf32, #tpu.memory_space<vmem>>, vector<256x256xf32>
    %dot_general3A = arith.constant dense<0.000000e+00> : vector<1000x256xf32>
    %dot_general3A_8 = tpu.matmul %get3A_4, %get3A_7, %dot_general3A {dimension_numbers = #tpu.dot_dimension_numbers<[1], [0], [0], [1], [0, 0, 1, 1], [], []>, transpose_lhs_hint = false} : vector<1000x256xf32>, vector<256x256xf32>, vector<1000x256xf32> -> vector<1000x256xf32>
    %get3A_9 = arith.constant 0 : index
    %get3A_10 = arith.constant 0 : index
    %get3A_11 = vector.load %arg2[%get3A_9, %get3A_10] : memref<1x256xf32, #tpu.memory_space<vmem>>, vector<1x256xf32>
    %add3A = vector.broadcast %get3A_11 : vector<1x256xf32> to vector<1000x256xf32>
    %add3A_12 = arith.addf %dot_general3A_8, %add3A : vector<1000x256xf32>
    %swap3A = arith.constant 0 : index
    %swap3A_13 = arith.constant 0 : index
    %swap3A_14 = vector.load %arg6[%swap3A, %swap3A_13] : memref<10000x256xf32, #tpu.memory_space<vmem>>, vector<1000x256xf32>
    tpu.vector_store %arg6[%swap3A, %swap3A_13], %add3A_12 {strides = array<i32>} : memref<10000x256xf32, #tpu.memory_space<vmem>>, vector<1000x256xf32>,
    %reduce_sum3A = arith.constant dense<0.000000e+00> : vector<256xf32>
    %reduce_sum3A_15 = vector.multi_reduction <add>, %add3A_12, %reduce_sum3A [0] : vector<1000x256xf32> to vector<256xf32>
    %broadcast_in_dim3A_16 = vector.shape_cast %reduce_sum3A_15 : vector<256xf32> to vector<1x256xf32>
    %add3A_17 = arith.addf %broadcast_in_dim3A_0, %broadcast_in_dim3A_16 : vector<1x256xf32>
    %mul3A = arith.mulf %add3A_12, %add3A_12 : vector<1000x256xf32>
    %reduce_sum3A_18 = arith.constant dense<0.000000e+00> : vector<256xf32>
    %reduce_sum3A_19 = vector.multi_reduction <add>, %mul3A, %reduce_sum3A_18 [0] : vector<1000x256xf32> to vector<256xf32>
    %broadcast_in_dim3A_20 = vector.shape_cast %reduce_sum3A_19 : vector<256xf32> to vector<1x256xf32>
    %add3A_21 = arith.addf %broadcast_in_dim3A_2, %broadcast_in_dim3A_20 : vector<1x256xf32>
    %get3A_22 = arith.constant 1000 : index
    %get3A_23 = arith.constant 0 : index
    %get3A_24 = vector.load %arg0[%get3A_22, %get3A_23] : memref<10000x256xf32, #tpu.memory_space<vmem>>, vector<1000x256xf32>
    %get3A_25 = arith.constant 0 : index
    %get3A_26 = arith.constant 0 : index
    %get3A_27 = vector.load %arg1[%get3A_25, %get3A_26] : memref<256x256xf32, #tpu.memory_space<vmem>>, vector<256x256xf32>
    %dot_general3A_28 = arith.constant dense<0.000000e+00> : vector<1000x256xf32>
    %dot_general3A_29 = tpu.matmul %get3A_24, %get3A_27, %dot_general3A_28 {dimension_numbers = #tpu.dot_dimension_numbers<[1], [0], [0], [1], [0, 0, 1, 1], [], []>, transpose_lhs_hint = false} : vector<1000x256xf32>, vector<256x256xf32>, vector<1000x256xf32> -> vector<1000x256xf32>
    %get3A_30 = arith.constant 0 : index
    %get3A_31 = arith.constant 0 : index
    %get3A_32 = vector.load %arg2[%get3A_30, %get3A_31] : memref<1x256xf32, #tpu.memory_space<vmem>>, vector<1x256xf32>
    %add3A_33 = vector.broadcast %get3A_32 : vector<1x256xf32> to vector<1000x256xf32>
    %add3A_34 = arith.addf %dot_general3A_29, %add3A_33 : vector<1000x256xf32>
    %swap3A_35 = arith.constant 1000 : index
    %swap3A_36 = arith.constant 0 : index
    %swap3A_37 = vector.load %arg6[%swap3A_35, %swap3A_36] : memref<10000x256xf32, #tpu.memory_space<vmem>>, vector<1000x256xf32>
    tpu.vector_store %arg6[%swap3A_35, %swap3A_36], %add3A_34 {strides = array<i32>} : memref<10000x256xf32, #tpu.memory_space<vmem>>, vector<1000x256xf32>,
    %reduce_sum3A_38 = arith.constant dense<0.000000e+00> : vector<256xf32>
    %reduce_sum3A_39 = vector.multi_reduction <add>, %add3A_34, %reduce_sum3A_38 [0] : vector<1000x256xf32> to vector<256xf32>
    %broadcast_in_dim3A_40 = vector.shape_cast %reduce_sum3A_39 : vector<256xf32> to vector<1x256xf32>
    %add3A_41 = arith.addf %add3A_17, %broadcast_in_dim3A_40 : vector<1x256xf32>
    %mul3A_42 = arith.mulf %add3A_34, %add3A_34 : vector<1000x256xf32>
    %reduce_sum3A_43 = arith.constant dense<0.000000e+00> : vector<256xf32>
    %reduce_sum3A_44 = vector.multi_reduction <add>, %mul3A_42, %reduce_sum3A_43 [0] : vector<1000x256xf32> to vector<256xf32>
    %broadcast_in_dim3A_45 = vector.shape_cast %reduce_sum3A_44 : vector<256xf32> to vector<1x256xf32>
    %add3A_46 = arith.addf %add3A_21, %broadcast_in_dim3A_45 : vector<1x256xf32>
    %get3A_47 = arith.constant 2000 : index
    %get3A_48 = arith.constant 0 : index
    %get3A_49 = vector.load %arg0[%get3A_47, %get3A_48] : memref<10000x256xf32, #tpu.memory_space<vmem>>, vector<1000x256xf32>
    %get3A_50 = arith.constant 0 : index
    %get3A_51 = arith.constant 0 : index
    %get3A_52 = vector.load %arg1[%get3A_50, %get3A_51] : memref<256x256xf32, #tpu.memory_space<vmem>>, vector<256x256xf32>
    %dot_general3A_53 = arith.constant dense<0.000000e+00> : vector<1000x256xf32>
    %dot_general3A_54 = tpu.matmul %get3A_49, %get3A_52, %dot_general3A_53 {dimension_numbers = #tpu.dot_dimension_numbers<[1], [0], [0], [1], [0, 0, 1, 1], [], []>, transpose_lhs_hint = false} : vector<1000x256xf32>, vector<256x256xf32>, vector<1000x256xf32> -> vector<1000x256xf32>
    %get3A_55 = arith.constant 0 : index
    %get3A_56 = arith.constant 0 : index
    %get3A_57 = vector.load %arg2[%get3A_55, %get3A_56] : memref<1x256xf32, #tpu.memory_space<vmem>>, vector<1x256xf32>
    %add3A_58 = vector.broadcast %get3A_57 : vector<1x256xf32> to vector<1000x256xf32>
    %add3A_59 = arith.addf %dot_general3A_54, %add3A_58 : vector<1000x256xf32>
    %swap3A_60 = arith.constant 2000 : index
    %swap3A_61 = arith.constant 0 : index
    %swap3A_62 = vector.load %arg6[%swap3A_60, %swap3A_61] : memref<10000x256xf32, #tpu.memory_space<vmem>>, vector<1000x256xf32>
    tpu.vector_store %arg6[%swap3A_60, %swap3A_61], %add3A_59 {strides = array<i32>} : memref<10000x256xf32, #tpu.memory_space<vmem>>, vector<1000x256xf32>,
    %reduce_sum3A_63 = arith.constant dense<0.000000e+00> : vector<256xf32>
    %reduce_sum3A_64 = vector.multi_reduction <add>, %add3A_59, %reduce_sum3A_63 [0] : vector<1000x256xf32> to vector<256xf32>
    %broadcast_in_dim3A_65 = vector.shape_cast %reduce_sum3A_64 : vector<256xf32> to vector<1x256xf32>
    %add3A_66 = arith.addf %add3A_41, %broadcast_in_dim3A_65 : vector<1x256xf32>
    %mul3A_67 = arith.mulf %add3A_59, %add3A_59 : vector<1000x256xf32>
    %reduce_sum3A_68 = arith.constant dense<0.000000e+00> : vector<256xf32>
    %reduce_sum3A_69 = vector.multi_reduction <add>, %mul3A_67, %reduce_sum3A_68 [0] : vector<1000x256xf32> to vector<256xf32>
    %broadcast_in_dim3A_70 = vector.shape_cast %reduce_sum3A_69 : vector<256xf32> to vector<1x256xf32>
    %add3A_71 = arith.addf %add3A_46, %broadcast_in_dim3A_70 : vector<1x256xf32>
    %get3A_72 = arith.constant 3000 : index
    %get3A_73 = arith.constant 0 : index
    %get3A_74 = vector.load %arg0[%get3A_72, %get3A_73] : memref<10000x256xf32, #tpu.memory_space<vmem>>, vector<1000x256xf32>
    %get3A_75 = arith.constant 0 : index
    %get3A_76 = arith.constant 0 : index
    %get3A_77 = vector.load %arg1[%get3A_75, %get3A_76] : memref<256x256xf32, #tpu.memory_space<vmem>>, vector<256x256xf32>
    %dot_general3A_78 = arith.constant dense<0.000000e+00> : vector<1000x256xf32>
    %dot_general3A_79 = tpu.matmul %get3A_74, %get3A_77, %dot_general3A_78 {dimension_numbers = #tpu.dot_dimension_numbers<[1], [0], [0], [1], [0, 0, 1, 1], [], []>, transpose_lhs_hint = false} : vector<1000x256xf32>, vector<256x256xf32>, vector<1000x256xf32> -> vector<1000x256xf32>
    %get3A_80 = arith.constant 0 : index
    %get3A_81 = arith.constant 0 : index
    %get3A_82 = vector.load %arg2[%get3A_80, %get3A_81] : memref<1x256xf32, #tpu.memory_space<vmem>>, vector<1x256xf32>
    %add3A_83 = vector.broadcast %get3A_82 : vector<1x256xf32> to vector<1000x256xf32>
    %add3A_84 = arith.addf %dot_general3A_79, %add3A_83 : vector<1000x256xf32>
    %swap3A_85 = arith.constant 3000 : index
    %swap3A_86 = arith.constant 0 : index
    %swap3A_87 = vector.load %arg6[%swap3A_85, %swap3A_86] : memref<10000x256xf32, #tpu.memory_space<vmem>>, vector<1000x256xf32>
    tpu.vector_store %arg6[%swap3A_85, %swap3A_86], %add3A_84 {strides = array<i32>} : memref<10000x256xf32, #tpu.memory_space<vmem>>, vector<1000x256xf32>,
    %reduce_sum3A_88 = arith.constant dense<0.000000e+00> : vector<256xf32>
    %reduce_sum3A_89 = vector.multi_reduction <add>, %add3A_84, %reduce_sum3A_88 [0] : vector<1000x256xf32> to vector<256xf32>
    %broadcast_in_dim3A_90 = vector.shape_cast %reduce_sum3A_89 : vector<256xf32> to vector<1x256xf32>
    %add3A_91 = arith.addf %add3A_66, %broadcast_in_dim3A_90 : vector<1x256xf32>
    %mul3A_92 = arith.mulf %add3A_84, %add3A_84 : vector<1000x256xf32>
    %reduce_sum3A_93 = arith.constant dense<0.000000e+00> : vector<256xf32>
    %reduce_sum3A_94 = vector.multi_reduction <add>, %mul3A_92, %reduce_sum3A_93 [0] : vector<1000x256xf32> to vector<256xf32>
    %broadcast_in_dim3A_95 = vector.shape_cast %reduce_sum3A_94 : vector<256xf32> to vector<1x256xf32>
    %add3A_96 = arith.addf %add3A_71, %broadcast_in_dim3A_95 : vector<1x256xf32>
    %get3A_97 = arith.constant 4000 : index
    %get3A_98 = arith.constant 0 : index
    %get3A_99 = vector.load %arg0[%get3A_97, %get3A_98] : memref<10000x256xf32, #tpu.memory_space<vmem>>, vector<1000x256xf32>
    %get3A_100 = arith.constant 0 : index
    %get3A_101 = arith.constant 0 : index
    %get3A_102 = vector.load %arg1[%get3A_100, %get3A_101] : memref<256x256xf32, #tpu.memory_space<vmem>>, vector<256x256xf32>
    %dot_general3A_103 = arith.constant dense<0.000000e+00> : vector<1000x256xf32>
    %dot_general3A_104 = tpu.matmul %get3A_99, %get3A_102, %dot_general3A_103 {dimension_numbers = #tpu.dot_dimension_numbers<[1], [0], [0], [1], [0, 0, 1, 1], [], []>, transpose_lhs_hint = false} : vector<1000x256xf32>, vector<256x256xf32>, vector<1000x256xf32> -> vector<1000x256xf32>
    %get3A_105 = arith.constant 0 : index
    %get3A_106 = arith.constant 0 : index
    %get3A_107 = vector.load %arg2[%get3A_105, %get3A_106] : memref<1x256xf32, #tpu.memory_space<vmem>>, vector<1x256xf32>
    %add3A_108 = vector.broadcast %get3A_107 : vector<1x256xf32> to vector<1000x256xf32>
    %add3A_109 = arith.addf %dot_general3A_104, %add3A_108 : vector<1000x256xf32>
    %swap3A_110 = arith.constant 4000 : index
    %swap3A_111 = arith.constant 0 : index
    %swap3A_112 = vector.load %arg6[%swap3A_110, %swap3A_111] : memref<10000x256xf32, #tpu.memory_space<vmem>>, vector<1000x256xf32>
    tpu.vector_store %arg6[%swap3A_110, %swap3A_111], %add3A_109 {strides = array<i32>} : memref<10000x256xf32, #tpu.memory_space<vmem>>, vector<1000x256xf32>,
    %reduce_sum3A_113 = arith.constant dense<0.000000e+00> : vector<256xf32>
    %reduce_sum3A_114 = vector.multi_reduction <add>, %add3A_109, %reduce_sum3A_113 [0] : vector<1000x256xf32> to vector<256xf32>
    %broadcast_in_dim3A_115 = vector.shape_cast %reduce_sum3A_114 : vector<256xf32> to vector<1x256xf32>
    %add3A_116 = arith.addf %add3A_91, %broadcast_in_dim3A_115 : vector<1x256xf32>
    %mul3A_117 = arith.mulf %add3A_109, %add3A_109 : vector<1000x256xf32>
    %reduce_sum3A_118 = arith.constant dense<0.000000e+00> : vector<256xf32>
    %reduce_sum3A_119 = vector.multi_reduction <add>, %mul3A_117, %reduce_sum3A_118 [0] : vector<1000x256xf32> to vector<256xf32>
    %broadcast_in_dim3A_120 = vector.shape_cast %reduce_sum3A_119 : vector<256xf32> to vector<1x256xf32>
    %add3A_121 = arith.addf %add3A_96, %broadcast_in_dim3A_120 : vector<1x256xf32>
    %get3A_122 = arith.constant 5000 : index
    %get3A_123 = arith.constant 0 : index
    %get3A_124 = vector.load %arg0[%get3A_122, %get3A_123] : memref<10000x256xf32, #tpu.memory_space<vmem>>, vector<1000x256xf32>
    %get3A_125 = arith.constant 0 : index
    %get3A_126 = arith.constant 0 : index
    %get3A_127 = vector.load %arg1[%get3A_125, %get3A_126] : memref<256x256xf32, #tpu.memory_space<vmem>>, vector<256x256xf32>
    %dot_general3A_128 = arith.constant dense<0.000000e+00> : vector<1000x256xf32>
    %dot_general3A_129 = tpu.matmul %get3A_124, %get3A_127, %dot_general3A_128 {dimension_numbers = #tpu.dot_dimension_numbers<[1], [0], [0], [1], [0, 0, 1, 1], [], []>, transpose_lhs_hint = false} : vector<1000x256xf32>, vector<256x256xf32>, vector<1000x256xf32> -> vector<1000x256xf32>
    %get3A_130 = arith.constant 0 : index
    %get3A_131 = arith.constant 0 : index
    %get3A_132 = vector.load %arg2[%get3A_130, %get3A_131] : memref<1x256xf32, #tpu.memory_space<vmem>>, vector<1x256xf32>
    %add3A_133 = vector.broadcast %get3A_132 : vector<1x256xf32> to vector<1000x256xf32>
    %add3A_134 = arith.addf %dot_general3A_129, %add3A_133 : vector<1000x256xf32>
    %swap3A_135 = arith.constant 5000 : index
    %swap3A_136 = arith.constant 0 : index
    %swap3A_137 = vector.load %arg6[%swap3A_135, %swap3A_136] : memref<10000x256xf32, #tpu.memory_space<vmem>>, vector<1000x256xf32>
    tpu.vector_store %arg6[%swap3A_135, %swap3A_136], %add3A_134 {strides = array<i32>} : memref<10000x256xf32, #tpu.memory_space<vmem>>, vector<1000x256xf32>,
    %reduce_sum3A_138 = arith.constant dense<0.000000e+00> : vector<256xf32>
    %reduce_sum3A_139 = vector.multi_reduction <add>, %add3A_134, %reduce_sum3A_138 [0] : vector<1000x256xf32> to vector<256xf32>
    %broadcast_in_dim3A_140 = vector.shape_cast %reduce_sum3A_139 : vector<256xf32> to vector<1x256xf32>
    %add3A_141 = arith.addf %add3A_116, %broadcast_in_dim3A_140 : vector<1x256xf32>
    %mul3A_142 = arith.mulf %add3A_134, %add3A_134 : vector<1000x256xf32>
    %reduce_sum3A_143 = arith.constant dense<0.000000e+00> : vector<256xf32>
    %reduce_sum3A_144 = vector.multi_reduction <add>, %mul3A_142, %reduce_sum3A_143 [0] : vector<1000x256xf32> to vector<256xf32>
    %broadcast_in_dim3A_145 = vector.shape_cast %reduce_sum3A_144 : vector<256xf32> to vector<1x256xf32>
    %add3A_146 = arith.addf %add3A_121, %broadcast_in_dim3A_145 : vector<1x256xf32>
    %get3A_147 = arith.constant 6000 : index
    %get3A_148 = arith.constant 0 : index
    %get3A_149 = vector.load %arg0[%get3A_147, %get3A_148] : memref<10000x256xf32, #tpu.memory_space<vmem>>, vector<1000x256xf32>
    %get3A_150 = arith.constant 0 : index
    %get3A_151 = arith.constant 0 : index
    %get3A_152 = vector.load %arg1[%get3A_150, %get3A_151] : memref<256x256xf32, #tpu.memory_space<vmem>>, vector<256x256xf32>
    %dot_general3A_153 = arith.constant dense<0.000000e+00> : vector<1000x256xf32>
    %dot_general3A_154 = tpu.matmul %get3A_149, %get3A_152, %dot_general3A_153 {dimension_numbers = #tpu.dot_dimension_numbers<[1], [0], [0], [1], [0, 0, 1, 1], [], []>, transpose_lhs_hint = false} : vector<1000x256xf32>, vector<256x256xf32>, vector<1000x256xf32> -> vector<1000x256xf32>
    %get3A_155 = arith.constant 0 : index
    %get3A_156 = arith.constant 0 : index
    %get3A_157 = vector.load %arg2[%get3A_155, %get3A_156] : memref<1x256xf32, #tpu.memory_space<vmem>>, vector<1x256xf32>
    %add3A_158 = vector.broadcast %get3A_157 : vector<1x256xf32> to vector<1000x256xf32>
    %add3A_159 = arith.addf %dot_general3A_154, %add3A_158 : vector<1000x256xf32>
    %swap3A_160 = arith.constant 6000 : index
    %swap3A_161 = arith.constant 0 : index
    %swap3A_162 = vector.load %arg6[%swap3A_160, %swap3A_161] : memref<10000x256xf32, #tpu.memory_space<vmem>>, vector<1000x256xf32>
    tpu.vector_store %arg6[%swap3A_160, %swap3A_161], %add3A_159 {strides = array<i32>} : memref<10000x256xf32, #tpu.memory_space<vmem>>, vector<1000x256xf32>,
    %reduce_sum3A_163 = arith.constant dense<0.000000e+00> : vector<256xf32>
    %reduce_sum3A_164 = vector.multi_reduction <add>, %add3A_159, %reduce_sum3A_163 [0] : vector<1000x256xf32> to vector<256xf32>
    %broadcast_in_dim3A_165 = vector.shape_cast %reduce_sum3A_164 : vector<256xf32> to vector<1x256xf32>
    %add3A_166 = arith.addf %add3A_141, %broadcast_in_dim3A_165 : vector<1x256xf32>
    %mul3A_167 = arith.mulf %add3A_159, %add3A_159 : vector<1000x256xf32>
    %reduce_sum3A_168 = arith.constant dense<0.000000e+00> : vector<256xf32>
    %reduce_sum3A_169 = vector.multi_reduction <add>, %mul3A_167, %reduce_sum3A_168 [0] : vector<1000x256xf32> to vector<256xf32>
    %broadcast_in_dim3A_170 = vector.shape_cast %reduce_sum3A_169 : vector<256xf32> to vector<1x256xf32>
    %add3A_171 = arith.addf %add3A_146, %broadcast_in_dim3A_170 : vector<1x256xf32>
    %get3A_172 = arith.constant 7000 : index
    %get3A_173 = arith.constant 0 : index
    %get3A_174 = vector.load %arg0[%get3A_172, %get3A_173] : memref<10000x256xf32, #tpu.memory_space<vmem>>, vector<1000x256xf32>
    %get3A_175 = arith.constant 0 : index
    %get3A_176 = arith.constant 0 : index
    %get3A_177 = vector.load %arg1[%get3A_175, %get3A_176] : memref<256x256xf32, #tpu.memory_space<vmem>>, vector<256x256xf32>
    %dot_general3A_178 = arith.constant dense<0.000000e+00> : vector<1000x256xf32>
    %dot_general3A_179 = tpu.matmul %get3A_174, %get3A_177, %dot_general3A_178 {dimension_numbers = #tpu.dot_dimension_numbers<[1], [0], [0], [1], [0, 0, 1, 1], [], []>, transpose_lhs_hint = false} : vector<1000x256xf32>, vector<256x256xf32>, vector<1000x256xf32> -> vector<1000x256xf32>
    %get3A_180 = arith.constant 0 : index
    %get3A_181 = arith.constant 0 : index
    %get3A_182 = vector.load %arg2[%get3A_180, %get3A_181] : memref<1x256xf32, #tpu.memory_space<vmem>>, vector<1x256xf32>
    %add3A_183 = vector.broadcast %get3A_182 : vector<1x256xf32> to vector<1000x256xf32>
    %add3A_184 = arith.addf %dot_general3A_179, %add3A_183 : vector<1000x256xf32>
    %swap3A_185 = arith.constant 7000 : index
    %swap3A_186 = arith.constant 0 : index
    %swap3A_187 = vector.load %arg6[%swap3A_185, %swap3A_186] : memref<10000x256xf32, #tpu.memory_space<vmem>>, vector<1000x256xf32>
    tpu.vector_store %arg6[%swap3A_185, %swap3A_186], %add3A_184 {strides = array<i32>} : memref<10000x256xf32, #tpu.memory_space<vmem>>, vector<1000x256xf32>,
    %reduce_sum3A_188 = arith.constant dense<0.000000e+00> : vector<256xf32>
    %reduce_sum3A_189 = vector.multi_reduction <add>, %add3A_184, %reduce_sum3A_188 [0] : vector<1000x256xf32> to vector<256xf32>
    %broadcast_in_dim3A_190 = vector.shape_cast %reduce_sum3A_189 : vector<256xf32> to vector<1x256xf32>
    %add3A_191 = arith.addf %add3A_166, %broadcast_in_dim3A_190 : vector<1x256xf32>
    %mul3A_192 = arith.mulf %add3A_184, %add3A_184 : vector<1000x256xf32>
    %reduce_sum3A_193 = arith.constant dense<0.000000e+00> : vector<256xf32>
    %reduce_sum3A_194 = vector.multi_reduction <add>, %mul3A_192, %reduce_sum3A_193 [0] : vector<1000x256xf32> to vector<256xf32>
    %broadcast_in_dim3A_195 = vector.shape_cast %reduce_sum3A_194 : vector<256xf32> to vector<1x256xf32>
    %add3A_196 = arith.addf %add3A_171, %broadcast_in_dim3A_195 : vector<1x256xf32>
    %get3A_197 = arith.constant 8000 : index
    %get3A_198 = arith.constant 0 : index
    %get3A_199 = vector.load %arg0[%get3A_197, %get3A_198] : memref<10000x256xf32, #tpu.memory_space<vmem>>, vector<1000x256xf32>
    %get3A_200 = arith.constant 0 : index
    %get3A_201 = arith.constant 0 : index
    %get3A_202 = vector.load %arg1[%get3A_200, %get3A_201] : memref<256x256xf32, #tpu.memory_space<vmem>>, vector<256x256xf32>
    %dot_general3A_203 = arith.constant dense<0.000000e+00> : vector<1000x256xf32>
    %dot_general3A_204 = tpu.matmul %get3A_199, %get3A_202, %dot_general3A_203 {dimension_numbers = #tpu.dot_dimension_numbers<[1], [0], [0], [1], [0, 0, 1, 1], [], []>, transpose_lhs_hint = false} : vector<1000x256xf32>, vector<256x256xf32>, vector<1000x256xf32> -> vector<1000x256xf32>
    %get3A_205 = arith.constant 0 : index
    %get3A_206 = arith.constant 0 : index
    %get3A_207 = vector.load %arg2[%get3A_205, %get3A_206] : memref<1x256xf32, #tpu.memory_space<vmem>>, vector<1x256xf32>
    %add3A_208 = vector.broadcast %get3A_207 : vector<1x256xf32> to vector<1000x256xf32>
    %add3A_209 = arith.addf %dot_general3A_204, %add3A_208 : vector<1000x256xf32>
    %swap3A_210 = arith.constant 8000 : index
    %swap3A_211 = arith.constant 0 : index
    %swap3A_212 = vector.load %arg6[%swap3A_210, %swap3A_211] : memref<10000x256xf32, #tpu.memory_space<vmem>>, vector<1000x256xf32>
    tpu.vector_store %arg6[%swap3A_210, %swap3A_211], %add3A_209 {strides = array<i32>} : memref<10000x256xf32, #tpu.memory_space<vmem>>, vector<1000x256xf32>,
    %reduce_sum3A_213 = arith.constant dense<0.000000e+00> : vector<256xf32>
    %reduce_sum3A_214 = vector.multi_reduction <add>, %add3A_209, %reduce_sum3A_213 [0] : vector<1000x256xf32> to vector<256xf32>
    %broadcast_in_dim3A_215 = vector.shape_cast %reduce_sum3A_214 : vector<256xf32> to vector<1x256xf32>
    %add3A_216 = arith.addf %add3A_191, %broadcast_in_dim3A_215 : vector<1x256xf32>
    %mul3A_217 = arith.mulf %add3A_209, %add3A_209 : vector<1000x256xf32>
    %reduce_sum3A_218 = arith.constant dense<0.000000e+00> : vector<256xf32>
    %reduce_sum3A_219 = vector.multi_reduction <add>, %mul3A_217, %reduce_sum3A_218 [0] : vector<1000x256xf32> to vector<256xf32>
    %broadcast_in_dim3A_220 = vector.shape_cast %reduce_sum3A_219 : vector<256xf32> to vector<1x256xf32>
    %add3A_221 = arith.addf %add3A_196, %broadcast_in_dim3A_220 : vector<1x256xf32>
    %get3A_222 = arith.constant 9000 : index
    %get3A_223 = arith.constant 0 : index
    %get3A_224 = vector.load %arg0[%get3A_222, %get3A_223] : memref<10000x256xf32, #tpu.memory_space<vmem>>, vector<1000x256xf32>
    %get3A_225 = arith.constant 0 : index
    %get3A_226 = arith.constant 0 : index
    %get3A_227 = vector.load %arg1[%get3A_225, %get3A_226] : memref<256x256xf32, #tpu.memory_space<vmem>>, vector<256x256xf32>
    %dot_general3A_228 = arith.constant dense<0.000000e+00> : vector<1000x256xf32>
    %dot_general3A_229 = tpu.matmul %get3A_224, %get3A_227, %dot_general3A_228 {dimension_numbers = #tpu.dot_dimension_numbers<[1], [0], [0], [1], [0, 0, 1, 1], [], []>, transpose_lhs_hint = false} : vector<1000x256xf32>, vector<256x256xf32>, vector<1000x256xf32> -> vector<1000x256xf32>
    %get3A_230 = arith.constant 0 : index
    %get3A_231 = arith.constant 0 : index
    %get3A_232 = vector.load %arg2[%get3A_230, %get3A_231] : memref<1x256xf32, #tpu.memory_space<vmem>>, vector<1x256xf32>
    %add3A_233 = vector.broadcast %get3A_232 : vector<1x256xf32> to vector<1000x256xf32>
    %add3A_234 = arith.addf %dot_general3A_229, %add3A_233 : vector<1000x256xf32>
    %swap3A_235 = arith.constant 9000 : index
    %swap3A_236 = arith.constant 0 : index
    %swap3A_237 = vector.load %arg6[%swap3A_235, %swap3A_236] : memref<10000x256xf32, #tpu.memory_space<vmem>>, vector<1000x256xf32>
    tpu.vector_store %arg6[%swap3A_235, %swap3A_236], %add3A_234 {strides = array<i32>} : memref<10000x256xf32, #tpu.memory_space<vmem>>, vector<1000x256xf32>,
    %reduce_sum3A_238 = arith.constant dense<0.000000e+00> : vector<256xf32>
    %reduce_sum3A_239 = vector.multi_reduction <add>, %add3A_234, %reduce_sum3A_238 [0] : vector<1000x256xf32> to vector<256xf32>
    %broadcast_in_dim3A_240 = vector.shape_cast %reduce_sum3A_239 : vector<256xf32> to vector<1x256xf32>
    %add3A_241 = arith.addf %add3A_216, %broadcast_in_dim3A_240 : vector<1x256xf32>
    %mul3A_242 = arith.mulf %add3A_234, %add3A_234 : vector<1000x256xf32>
    %reduce_sum3A_243 = arith.constant dense<0.000000e+00> : vector<256xf32>
    %reduce_sum3A_244 = vector.multi_reduction <add>, %mul3A_242, %reduce_sum3A_243 [0] : vector<1000x256xf32> to vector<256xf32>
    %broadcast_in_dim3A_245 = vector.shape_cast %reduce_sum3A_244 : vector<256xf32> to vector<1x256xf32>
    %add3A_246 = arith.addf %add3A_221, %broadcast_in_dim3A_245 : vector<1x256xf32>
    %div3A = arith.constant 1.000000e+04 : f32
    %div3A_247 = vector.broadcast %div3A : f32 to vector<1x256xf32>
    %div3A_248 = arith.divf %add3A_241, %div3A_247 : vector<1x256xf32>
    %div3A_249 = arith.constant 1.000000e+04 : f32
    %div3A_250 = vector.broadcast %div3A_249 : f32 to vector<1x256xf32>
    %div3A_251 = arith.divf %add3A_246, %div3A_250 : vector<1x256xf32>
    %mul3A_252 = arith.mulf %div3A_248, %div3A_248 : vector<1x256xf32>
    %sub3A = arith.subf %div3A_251, %mul3A_252 : vector<1x256xf32>
    %add3A_253 = arith.constant 9.99999974E-6 : f32
    %add3A_254 = vector.broadcast %add3A_253 : f32 to vector<1x256xf32>
    %add3A_255 = arith.addf %sub3A, %add3A_254 : vector<1x256xf32>
    %rsqrt3A = math.rsqrt %add3A_255 : vector<1x256xf32>
    %get3A_256 = arith.constant 0 : index
    %get3A_257 = arith.constant 0 : index
    %get3A_258 = vector.load %arg6[%get3A_256, %get3A_257] : memref<10000x256xf32, #tpu.memory_space<vmem>>, vector<1000x256xf32>
    %sub3A_259 = vector.broadcast %div3A_248 : vector<1x256xf32> to vector<1000x256xf32>
    %sub3A_260 = arith.subf %get3A_258, %sub3A_259 : vector<1000x256xf32>
    %mul3A_261 = vector.broadcast %rsqrt3A : vector<1x256xf32> to vector<1000x256xf32>
    %mul3A_262 = arith.mulf %sub3A_260, %mul3A_261 : vector<1000x256xf32>
    %get3A_263 = arith.constant 0 : index
    %get3A_264 = arith.constant 0 : index
    %get3A_265 = vector.load %arg3[%get3A_263, %get3A_264] : memref<1x256xf32, #tpu.memory_space<vmem>>, vector<1x256xf32>
    %mul3A_266 = vector.broadcast %get3A_265 : vector<1x256xf32> to vector<1000x256xf32>
    %mul3A_267 = arith.mulf %mul3A_262, %mul3A_266 : vector<1000x256xf32>
    %get3A_268 = arith.constant 0 : index
    %get3A_269 = arith.constant 0 : index
    %get3A_270 = vector.load %arg4[%get3A_268, %get3A_269] : memref<1x256xf32, #tpu.memory_space<vmem>>, vector<1x256xf32>
    %add3A_271 = vector.broadcast %get3A_270 : vector<1x256xf32> to vector<1000x256xf32>
    %add3A_272 = arith.addf %mul3A_267, %add3A_271 : vector<1000x256xf32>
    %max3A = arith.constant 0.000000e+00 : f32
    %max3A_273 = vector.broadcast %max3A : f32 to vector<1000x256xf32>
    %max3A_274 = arith.maximumf %add3A_272, %max3A_273 : vector<1000x256xf32>
    %slice3A = vector.extract_strided_slice %max3A_274 {offsets = [0, 0], sizes = [1000, 128], strides = [1, 1]} : vector<1000x256xf32> to vector<1000x128xf32>
    %swap3A_275 = arith.constant 0 : index
    %swap3A_276 = arith.constant 0 : index
    %swap3A_277 = arith.constant 0 : index
    %swap3A_278 = vector.load %arg5[%swap3A_275, %swap3A_276, %swap3A_277] : memref<2x10000x128xf32, #tpu.memory_space<vmem>>, vector<1x1000x128xf32>
    %swap3A_279 = vector.shape_cast %swap3A_278 : vector<1x1000x128xf32> to vector<1000x128xf32>
    %swap3A_280 = vector.shape_cast %slice3A : vector<1000x128xf32> to vector<1x1000x128xf32>
    tpu.vector_store %arg5[%swap3A_275, %swap3A_276, %swap3A_277], %swap3A_280 {strides = array<i32>} : memref<2x10000x128xf32, #tpu.memory_space<vmem>>, vector<1x1000x128xf32>,
    %slice3A_281 = vector.extract_strided_slice %max3A_274 {offsets = [0, 128], sizes = [1000, 128], strides = [1, 1]} : vector<1000x256xf32> to vector<1000x128xf32>
    %swap3A_282 = arith.constant 1 : index
    %swap3A_283 = arith.constant 0 : index
    %swap3A_284 = arith.constant 0 : index
    %swap3A_285 = vector.load %arg5[%swap3A_282, %swap3A_283, %swap3A_284] : memref<2x10000x128xf32, #tpu.memory_space<vmem>>, vector<1x1000x128xf32>
    %swap3A_286 = vector.shape_cast %swap3A_285 : vector<1x1000x128xf32> to vector<1000x128xf32>
    %swap3A_287 = vector.shape_cast %slice3A_281 : vector<1000x128xf32> to vector<1x1000x128xf32>
    tpu.vector_store %arg5[%swap3A_282, %swap3A_283, %swap3A_284], %swap3A_287 {strides = array<i32>} : memref<2x10000x128xf32, #tpu.memory_space<vmem>>, vector<1x1000x128xf32>,
    %get3A_288 = arith.constant 1000 : index
    %get3A_289 = arith.constant 0 : index
    %get3A_290 = vector.load %arg6[%get3A_288, %get3A_289] : memref<10000x256xf32, #tpu.memory_space<vmem>>, vector<1000x256xf32>
    %sub3A_291 = vector.broadcast %div3A_248 : vector<1x256xf32> to vector<1000x256xf32>
    %sub3A_292 = arith.subf %get3A_290, %sub3A_291 : vector<1000x256xf32>
    %mul3A_293 = vector.broadcast %rsqrt3A : vector<1x256xf32> to vector<1000x256xf32>
    %mul3A_294 = arith.mulf %sub3A_292, %mul3A_293 : vector<1000x256xf32>
    %get3A_295 = arith.constant 0 : index
    %get3A_296 = arith.constant 0 : index
    %get3A_297 = vector.load %arg3[%get3A_295, %get3A_296] : memref<1x256xf32, #tpu.memory_space<vmem>>, vector<1x256xf32>
    %mul3A_298 = vector.broadcast %get3A_297 : vector<1x256xf32> to vector<1000x256xf32>
    %mul3A_299 = arith.mulf %mul3A_294, %mul3A_298 : vector<1000x256xf32>
    %get3A_300 = arith.constant 0 : index
    %get3A_301 = arith.constant 0 : index
    %get3A_302 = vector.load %arg4[%get3A_300, %get3A_301] : memref<1x256xf32, #tpu.memory_space<vmem>>, vector<1x256xf32>
    %add3A_303 = vector.broadcast %get3A_302 : vector<1x256xf32> to vector<1000x256xf32>
    %add3A_304 = arith.addf %mul3A_299, %add3A_303 : vector<1000x256xf32>
    %max3A_305 = arith.constant 0.000000e+00 : f32
    %max3A_306 = vector.broadcast %max3A_305 : f32 to vector<1000x256xf32>
    %max3A_307 = arith.maximumf %add3A_304, %max3A_306 : vector<1000x256xf32>
    %slice3A_308 = vector.extract_strided_slice %max3A_307 {offsets = [0, 0], sizes = [1000, 128], strides = [1, 1]} : vector<1000x256xf32> to vector<1000x128xf32>
    %swap3A_309 = arith.constant 0 : index
    %swap3A_310 = arith.constant 1000 : index
    %swap3A_311 = arith.constant 0 : index
    %swap3A_312 = vector.load %arg5[%swap3A_309, %swap3A_310, %swap3A_311] : memref<2x10000x128xf32, #tpu.memory_space<vmem>>, vector<1x1000x128xf32>
    %swap3A_313 = vector.shape_cast %swap3A_312 : vector<1x1000x128xf32> to vector<1000x128xf32>
    %swap3A_314 = vector.shape_cast %slice3A_308 : vector<1000x128xf32> to vector<1x1000x128xf32>
    tpu.vector_store %arg5[%swap3A_309, %swap3A_310, %swap3A_311], %swap3A_314 {strides = array<i32>} : memref<2x10000x128xf32, #tpu.memory_space<vmem>>, vector<1x1000x128xf32>,
    %slice3A_315 = vector.extract_strided_slice %max3A_307 {offsets = [0, 128], sizes = [1000, 128], strides = [1, 1]} : vector<1000x256xf32> to vector<1000x128xf32>
    %swap3A_316 = arith.constant 1 : index
    %swap3A_317 = arith.constant 1000 : index
    %swap3A_318 = arith.constant 0 : index
    %swap3A_319 = vector.load %arg5[%swap3A_316, %swap3A_317, %swap3A_318] : memref<2x10000x128xf32, #tpu.memory_space<vmem>>, vector<1x1000x128xf32>
    %swap3A_320 = vector.shape_cast %swap3A_319 : vector<1x1000x128xf32> to vector<1000x128xf32>
    %swap3A_321 = vector.shape_cast %slice3A_315 : vector<1000x128xf32> to vector<1x1000x128xf32>
    tpu.vector_store %arg5[%swap3A_316, %swap3A_317, %swap3A_318], %swap3A_321 {strides = array<i32>} : memref<2x10000x128xf32, #tpu.memory_space<vmem>>, vector<1x1000x128xf32>,
    %get3A_322 = arith.constant 2000 : index
    %get3A_323 = arith.constant 0 : index
    %get3A_324 = vector.load %arg6[%get3A_322, %get3A_323] : memref<10000x256xf32, #tpu.memory_space<vmem>>, vector<1000x256xf32>
    %sub3A_325 = vector.broadcast %div3A_248 : vector<1x256xf32> to vector<1000x256xf32>
    %sub3A_326 = arith.subf %get3A_324, %sub3A_325 : vector<1000x256xf32>
    %mul3A_327 = vector.broadcast %rsqrt3A : vector<1x256xf32> to vector<1000x256xf32>
    %mul3A_328 = arith.mulf %sub3A_326, %mul3A_327 : vector<1000x256xf32>
    %get3A_329 = arith.constant 0 : index
    %get3A_330 = arith.constant 0 : index
    %get3A_331 = vector.load %arg3[%get3A_329, %get3A_330] : memref<1x256xf32, #tpu.memory_space<vmem>>, vector<1x256xf32>
    %mul3A_332 = vector.broadcast %get3A_331 : vector<1x256xf32> to vector<1000x256xf32>
    %mul3A_333 = arith.mulf %mul3A_328, %mul3A_332 : vector<1000x256xf32>
    %get3A_334 = arith.constant 0 : index
    %get3A_335 = arith.constant 0 : index
    %get3A_336 = vector.load %arg4[%get3A_334, %get3A_335] : memref<1x256xf32, #tpu.memory_space<vmem>>, vector<1x256xf32>
    %add3A_337 = vector.broadcast %get3A_336 : vector<1x256xf32> to vector<1000x256xf32>
    %add3A_338 = arith.addf %mul3A_333, %add3A_337 : vector<1000x256xf32>
    %max3A_339 = arith.constant 0.000000e+00 : f32
    %max3A_340 = vector.broadcast %max3A_339 : f32 to vector<1000x256xf32>
    %max3A_341 = arith.maximumf %add3A_338, %max3A_340 : vector<1000x256xf32>
    %slice3A_342 = vector.extract_strided_slice %max3A_341 {offsets = [0, 0], sizes = [1000, 128], strides = [1, 1]} : vector<1000x256xf32> to vector<1000x128xf32>
    %swap3A_343 = arith.constant 0 : index
    %swap3A_344 = arith.constant 2000 : index
    %swap3A_345 = arith.constant 0 : index
    %swap3A_346 = vector.load %arg5[%swap3A_343, %swap3A_344, %swap3A_345] : memref<2x10000x128xf32, #tpu.memory_space<vmem>>, vector<1x1000x128xf32>
    %swap3A_347 = vector.shape_cast %swap3A_346 : vector<1x1000x128xf32> to vector<1000x128xf32>
    %swap3A_348 = vector.shape_cast %slice3A_342 : vector<1000x128xf32> to vector<1x1000x128xf32>
    tpu.vector_store %arg5[%swap3A_343, %swap3A_344, %swap3A_345], %swap3A_348 {strides = array<i32>} : memref<2x10000x128xf32, #tpu.memory_space<vmem>>, vector<1x1000x128xf32>,
    %slice3A_349 = vector.extract_strided_slice %max3A_341 {offsets = [0, 128], sizes = [1000, 128], strides = [1, 1]} : vector<1000x256xf32> to vector<1000x128xf32>
    %swap3A_350 = arith.constant 1 : index
    %swap3A_351 = arith.constant 2000 : index
    %swap3A_352 = arith.constant 0 : index
    %swap3A_353 = vector.load %arg5[%swap3A_350, %swap3A_351, %swap3A_352] : memref<2x10000x128xf32, #tpu.memory_space<vmem>>, vector<1x1000x128xf32>
    %swap3A_354 = vector.shape_cast %swap3A_353 : vector<1x1000x128xf32> to vector<1000x128xf32>
    %swap3A_355 = vector.shape_cast %slice3A_349 : vector<1000x128xf32> to vector<1x1000x128xf32>
    tpu.vector_store %arg5[%swap3A_350, %swap3A_351, %swap3A_352], %swap3A_355 {strides = array<i32>} : memref<2x10000x128xf32, #tpu.memory_space<vmem>>, vector<1x1000x128xf32>,
    %get3A_356 = arith.constant 3000 : index
    %get3A_357 = arith.constant 0 : index
    %get3A_358 = vector.load %arg6[%get3A_356, %get3A_357] : memref<10000x256xf32, #tpu.memory_space<vmem>>, vector<1000x256xf32>
    %sub3A_359 = vector.broadcast %div3A_248 : vector<1x256xf32> to vector<1000x256xf32>
    %sub3A_360 = arith.subf %get3A_358, %sub3A_359 : vector<1000x256xf32>
    %mul3A_361 = vector.broadcast %rsqrt3A : vector<1x256xf32> to vector<1000x256xf32>
    %mul3A_362 = arith.mulf %sub3A_360, %mul3A_361 : vector<1000x256xf32>
    %get3A_363 = arith.constant 0 : index
    %get3A_364 = arith.constant 0 : index
    %get3A_365 = vector.load %arg3[%get3A_363, %get3A_364] : memref<1x256xf32, #tpu.memory_space<vmem>>, vector<1x256xf32>
    %mul3A_366 = vector.broadcast %get3A_365 : vector<1x256xf32> to vector<1000x256xf32>
    %mul3A_367 = arith.mulf %mul3A_362, %mul3A_366 : vector<1000x256xf32>
    %get3A_368 = arith.constant 0 : index
    %get3A_369 = arith.constant 0 : index
    %get3A_370 = vector.load %arg4[%get3A_368, %get3A_369] : memref<1x256xf32, #tpu.memory_space<vmem>>, vector<1x256xf32>
    %add3A_371 = vector.broadcast %get3A_370 : vector<1x256xf32> to vector<1000x256xf32>
    %add3A_372 = arith.addf %mul3A_367, %add3A_371 : vector<1000x256xf32>
    %max3A_373 = arith.constant 0.000000e+00 : f32
    %max3A_374 = vector.broadcast %max3A_373 : f32 to vector<1000x256xf32>
    %max3A_375 = arith.maximumf %add3A_372, %max3A_374 : vector<1000x256xf32>
    %slice3A_376 = vector.extract_strided_slice %max3A_375 {offsets = [0, 0], sizes = [1000, 128], strides = [1, 1]} : vector<1000x256xf32> to vector<1000x128xf32>
    %swap3A_377 = arith.constant 0 : index
    %swap3A_378 = arith.constant 3000 : index
    %swap3A_379 = arith.constant 0 : index
    %swap3A_380 = vector.load %arg5[%swap3A_377, %swap3A_378, %swap3A_379] : memref<2x10000x128xf32, #tpu.memory_space<vmem>>, vector<1x1000x128xf32>
    %swap3A_381 = vector.shape_cast %swap3A_380 : vector<1x1000x128xf32> to vector<1000x128xf32>
    %swap3A_382 = vector.shape_cast %slice3A_376 : vector<1000x128xf32> to vector<1x1000x128xf32>
    tpu.vector_store %arg5[%swap3A_377, %swap3A_378, %swap3A_379], %swap3A_382 {strides = array<i32>} : memref<2x10000x128xf32, #tpu.memory_space<vmem>>, vector<1x1000x128xf32>,
    %slice3A_383 = vector.extract_strided_slice %max3A_375 {offsets = [0, 128], sizes = [1000, 128], strides = [1, 1]} : vector<1000x256xf32> to vector<1000x128xf32>
    %swap3A_384 = arith.constant 1 : index
    %swap3A_385 = arith.constant 3000 : index
    %swap3A_386 = arith.constant 0 : index
    %swap3A_387 = vector.load %arg5[%swap3A_384, %swap3A_385, %swap3A_386] : memref<2x10000x128xf32, #tpu.memory_space<vmem>>, vector<1x1000x128xf32>
    %swap3A_388 = vector.shape_cast %swap3A_387 : vector<1x1000x128xf32> to vector<1000x128xf32>
    %swap3A_389 = vector.shape_cast %slice3A_383 : vector<1000x128xf32> to vector<1x1000x128xf32>
    tpu.vector_store %arg5[%swap3A_384, %swap3A_385, %swap3A_386], %swap3A_389 {strides = array<i32>} : memref<2x10000x128xf32, #tpu.memory_space<vmem>>, vector<1x1000x128xf32>,
    %get3A_390 = arith.constant 4000 : index
    %get3A_391 = arith.constant 0 : index
    %get3A_392 = vector.load %arg6[%get3A_390, %get3A_391] : memref<10000x256xf32, #tpu.memory_space<vmem>>, vector<1000x256xf32>
    %sub3A_393 = vector.broadcast %div3A_248 : vector<1x256xf32> to vector<1000x256xf32>
    %sub3A_394 = arith.subf %get3A_392, %sub3A_393 : vector<1000x256xf32>
    %mul3A_395 = vector.broadcast %rsqrt3A : vector<1x256xf32> to vector<1000x256xf32>
    %mul3A_396 = arith.mulf %sub3A_394, %mul3A_395 : vector<1000x256xf32>
    %get3A_397 = arith.constant 0 : index
    %get3A_398 = arith.constant 0 : index
    %get3A_399 = vector.load %arg3[%get3A_397, %get3A_398] : memref<1x256xf32, #tpu.memory_space<vmem>>, vector<1x256xf32>
    %mul3A_400 = vector.broadcast %get3A_399 : vector<1x256xf32> to vector<1000x256xf32>
    %mul3A_401 = arith.mulf %mul3A_396, %mul3A_400 : vector<1000x256xf32>
    %get3A_402 = arith.constant 0 : index
    %get3A_403 = arith.constant 0 : index
    %get3A_404 = vector.load %arg4[%get3A_402, %get3A_403] : memref<1x256xf32, #tpu.memory_space<vmem>>, vector<1x256xf32>
    %add3A_405 = vector.broadcast %get3A_404 : vector<1x256xf32> to vector<1000x256xf32>
    %add3A_406 = arith.addf %mul3A_401, %add3A_405 : vector<1000x256xf32>
    %max3A_407 = arith.constant 0.000000e+00 : f32
    %max3A_408 = vector.broadcast %max3A_407 : f32 to vector<1000x256xf32>
    %max3A_409 = arith.maximumf %add3A_406, %max3A_408 : vector<1000x256xf32>
    %slice3A_410 = vector.extract_strided_slice %max3A_409 {offsets = [0, 0], sizes = [1000, 128], strides = [1, 1]} : vector<1000x256xf32> to vector<1000x128xf32>
    %swap3A_411 = arith.constant 0 : index
    %swap3A_412 = arith.constant 4000 : index
    %swap3A_413 = arith.constant 0 : index
    %swap3A_414 = vector.load %arg5[%swap3A_411, %swap3A_412, %swap3A_413] : memref<2x10000x128xf32, #tpu.memory_space<vmem>>, vector<1x1000x128xf32>
    %swap3A_415 = vector.shape_cast %swap3A_414 : vector<1x1000x128xf32> to vector<1000x128xf32>
    %swap3A_416 = vector.shape_cast %slice3A_410 : vector<1000x128xf32> to vector<1x1000x128xf32>
    tpu.vector_store %arg5[%swap3A_411, %swap3A_412, %swap3A_413], %swap3A_416 {strides = array<i32>} : memref<2x10000x128xf32, #tpu.memory_space<vmem>>, vector<1x1000x128xf32>,
    %slice3A_417 = vector.extract_strided_slice %max3A_409 {offsets = [0, 128], sizes = [1000, 128], strides = [1, 1]} : vector<1000x256xf32> to vector<1000x128xf32>
    %swap3A_418 = arith.constant 1 : index
    %swap3A_419 = arith.constant 4000 : index
    %swap3A_420 = arith.constant 0 : index
    %swap3A_421 = vector.load %arg5[%swap3A_418, %swap3A_419, %swap3A_420] : memref<2x10000x128xf32, #tpu.memory_space<vmem>>, vector<1x1000x128xf32>
    %swap3A_422 = vector.shape_cast %swap3A_421 : vector<1x1000x128xf32> to vector<1000x128xf32>
    %swap3A_423 = vector.shape_cast %slice3A_417 : vector<1000x128xf32> to vector<1x1000x128xf32>
    tpu.vector_store %arg5[%swap3A_418, %swap3A_419, %swap3A_420], %swap3A_423 {strides = array<i32>} : memref<2x10000x128xf32, #tpu.memory_space<vmem>>, vector<1x1000x128xf32>,
    %get3A_424 = arith.constant 5000 : index
    %get3A_425 = arith.constant 0 : index
    %get3A_426 = vector.load %arg6[%get3A_424, %get3A_425] : memref<10000x256xf32, #tpu.memory_space<vmem>>, vector<1000x256xf32>
    %sub3A_427 = vector.broadcast %div3A_248 : vector<1x256xf32> to vector<1000x256xf32>
    %sub3A_428 = arith.subf %get3A_426, %sub3A_427 : vector<1000x256xf32>
    %mul3A_429 = vector.broadcast %rsqrt3A : vector<1x256xf32> to vector<1000x256xf32>
    %mul3A_430 = arith.mulf %sub3A_428, %mul3A_429 : vector<1000x256xf32>
    %get3A_431 = arith.constant 0 : index
    %get3A_432 = arith.constant 0 : index
    %get3A_433 = vector.load %arg3[%get3A_431, %get3A_432] : memref<1x256xf32, #tpu.memory_space<vmem>>, vector<1x256xf32>
    %mul3A_434 = vector.broadcast %get3A_433 : vector<1x256xf32> to vector<1000x256xf32>
    %mul3A_435 = arith.mulf %mul3A_430, %mul3A_434 : vector<1000x256xf32>
    %get3A_436 = arith.constant 0 : index
    %get3A_437 = arith.constant 0 : index
    %get3A_438 = vector.load %arg4[%get3A_436, %get3A_437] : memref<1x256xf32, #tpu.memory_space<vmem>>, vector<1x256xf32>
    %add3A_439 = vector.broadcast %get3A_438 : vector<1x256xf32> to vector<1000x256xf32>
    %add3A_440 = arith.addf %mul3A_435, %add3A_439 : vector<1000x256xf32>
    %max3A_441 = arith.constant 0.000000e+00 : f32
    %max3A_442 = vector.broadcast %max3A_441 : f32 to vector<1000x256xf32>
    %max3A_443 = arith.maximumf %add3A_440, %max3A_442 : vector<1000x256xf32>
    %slice3A_444 = vector.extract_strided_slice %max3A_443 {offsets = [0, 0], sizes = [1000, 128], strides = [1, 1]} : vector<1000x256xf32> to vector<1000x128xf32>
    %swap3A_445 = arith.constant 0 : index
    %swap3A_446 = arith.constant 5000 : index
    %swap3A_447 = arith.constant 0 : index
    %swap3A_448 = vector.load %arg5[%swap3A_445, %swap3A_446, %swap3A_447] : memref<2x10000x128xf32, #tpu.memory_space<vmem>>, vector<1x1000x128xf32>
    %swap3A_449 = vector.shape_cast %swap3A_448 : vector<1x1000x128xf32> to vector<1000x128xf32>
    %swap3A_450 = vector.shape_cast %slice3A_444 : vector<1000x128xf32> to vector<1x1000x128xf32>
    tpu.vector_store %arg5[%swap3A_445, %swap3A_446, %swap3A_447], %swap3A_450 {strides = array<i32>} : memref<2x10000x128xf32, #tpu.memory_space<vmem>>, vector<1x1000x128xf32>,
    %slice3A_451 = vector.extract_strided_slice %max3A_443 {offsets = [0, 128], sizes = [1000, 128], strides = [1, 1]} : vector<1000x256xf32> to vector<1000x128xf32>
    %swap3A_452 = arith.constant 1 : index
    %swap3A_453 = arith.constant 5000 : index
    %swap3A_454 = arith.constant 0 : index
    %swap3A_455 = vector.load %arg5[%swap3A_452, %swap3A_453, %swap3A_454] : memref<2x10000x128xf32, #tpu.memory_space<vmem>>, vector<1x1000x128xf32>
    %swap3A_456 = vector.shape_cast %swap3A_455 : vector<1x1000x128xf32> to vector<1000x128xf32>
    %swap3A_457 = vector.shape_cast %slice3A_451 : vector<1000x128xf32> to vector<1x1000x128xf32>
    tpu.vector_store %arg5[%swap3A_452, %swap3A_453, %swap3A_454], %swap3A_457 {strides = array<i32>} : memref<2x10000x128xf32, #tpu.memory_space<vmem>>, vector<1x1000x128xf32>,
    %get3A_458 = arith.constant 6000 : index
    %get3A_459 = arith.constant 0 : index
    %get3A_460 = vector.load %arg6[%get3A_458, %get3A_459] : memref<10000x256xf32, #tpu.memory_space<vmem>>, vector<1000x256xf32>
    %sub3A_461 = vector.broadcast %div3A_248 : vector<1x256xf32> to vector<1000x256xf32>
    %sub3A_462 = arith.subf %get3A_460, %sub3A_461 : vector<1000x256xf32>
    %mul3A_463 = vector.broadcast %rsqrt3A : vector<1x256xf32> to vector<1000x256xf32>
    %mul3A_464 = arith.mulf %sub3A_462, %mul3A_463 : vector<1000x256xf32>
    %get3A_465 = arith.constant 0 : index
    %get3A_466 = arith.constant 0 : index
    %get3A_467 = vector.load %arg3[%get3A_465, %get3A_466] : memref<1x256xf32, #tpu.memory_space<vmem>>, vector<1x256xf32>
    %mul3A_468 = vector.broadcast %get3A_467 : vector<1x256xf32> to vector<1000x256xf32>
    %mul3A_469 = arith.mulf %mul3A_464, %mul3A_468 : vector<1000x256xf32>
    %get3A_470 = arith.constant 0 : index
    %get3A_471 = arith.constant 0 : index
    %get3A_472 = vector.load %arg4[%get3A_470, %get3A_471] : memref<1x256xf32, #tpu.memory_space<vmem>>, vector<1x256xf32>
    %add3A_473 = vector.broadcast %get3A_472 : vector<1x256xf32> to vector<1000x256xf32>
    %add3A_474 = arith.addf %mul3A_469, %add3A_473 : vector<1000x256xf32>
    %max3A_475 = arith.constant 0.000000e+00 : f32
    %max3A_476 = vector.broadcast %max3A_475 : f32 to vector<1000x256xf32>
    %max3A_477 = arith.maximumf %add3A_474, %max3A_476 : vector<1000x256xf32>
    %slice3A_478 = vector.extract_strided_slice %max3A_477 {offsets = [0, 0], sizes = [1000, 128], strides = [1, 1]} : vector<1000x256xf32> to vector<1000x128xf32>
    %swap3A_479 = arith.constant 0 : index
    %swap3A_480 = arith.constant 6000 : index
    %swap3A_481 = arith.constant 0 : index
    %swap3A_482 = vector.load %arg5[%swap3A_479, %swap3A_480, %swap3A_481] : memref<2x10000x128xf32, #tpu.memory_space<vmem>>, vector<1x1000x128xf32>
    %swap3A_483 = vector.shape_cast %swap3A_482 : vector<1x1000x128xf32> to vector<1000x128xf32>
    %swap3A_484 = vector.shape_cast %slice3A_478 : vector<1000x128xf32> to vector<1x1000x128xf32>
    tpu.vector_store %arg5[%swap3A_479, %swap3A_480, %swap3A_481], %swap3A_484 {strides = array<i32>} : memref<2x10000x128xf32, #tpu.memory_space<vmem>>, vector<1x1000x128xf32>,
    %slice3A_485 = vector.extract_strided_slice %max3A_477 {offsets = [0, 128], sizes = [1000, 128], strides = [1, 1]} : vector<1000x256xf32> to vector<1000x128xf32>
    %swap3A_486 = arith.constant 1 : index
    %swap3A_487 = arith.constant 6000 : index
    %swap3A_488 = arith.constant 0 : index
    %swap3A_489 = vector.load %arg5[%swap3A_486, %swap3A_487, %swap3A_488] : memref<2x10000x128xf32, #tpu.memory_space<vmem>>, vector<1x1000x128xf32>
    %swap3A_490 = vector.shape_cast %swap3A_489 : vector<1x1000x128xf32> to vector<1000x128xf32>
    %swap3A_491 = vector.shape_cast %slice3A_485 : vector<1000x128xf32> to vector<1x1000x128xf32>
    tpu.vector_store %arg5[%swap3A_486, %swap3A_487, %swap3A_488], %swap3A_491 {strides = array<i32>} : memref<2x10000x128xf32, #tpu.memory_space<vmem>>, vector<1x1000x128xf32>,
    %get3A_492 = arith.constant 7000 : index
    %get3A_493 = arith.constant 0 : index
    %get3A_494 = vector.load %arg6[%get3A_492, %get3A_493] : memref<10000x256xf32, #tpu.memory_space<vmem>>, vector<1000x256xf32>
    %sub3A_495 = vector.broadcast %div3A_248 : vector<1x256xf32> to vector<1000x256xf32>
    %sub3A_496 = arith.subf %get3A_494, %sub3A_495 : vector<1000x256xf32>
    %mul3A_497 = vector.broadcast %rsqrt3A : vector<1x256xf32> to vector<1000x256xf32>
    %mul3A_498 = arith.mulf %sub3A_496, %mul3A_497 : vector<1000x256xf32>
    %get3A_499 = arith.constant 0 : index
    %get3A_500 = arith.constant 0 : index
    %get3A_501 = vector.load %arg3[%get3A_499, %get3A_500] : memref<1x256xf32, #tpu.memory_space<vmem>>, vector<1x256xf32>
    %mul3A_502 = vector.broadcast %get3A_501 : vector<1x256xf32> to vector<1000x256xf32>
    %mul3A_503 = arith.mulf %mul3A_498, %mul3A_502 : vector<1000x256xf32>
    %get3A_504 = arith.constant 0 : index
    %get3A_505 = arith.constant 0 : index
    %get3A_506 = vector.load %arg4[%get3A_504, %get3A_505] : memref<1x256xf32, #tpu.memory_space<vmem>>, vector<1x256xf32>
    %add3A_507 = vector.broadcast %get3A_506 : vector<1x256xf32> to vector<1000x256xf32>
    %add3A_508 = arith.addf %mul3A_503, %add3A_507 : vector<1000x256xf32>
    %max3A_509 = arith.constant 0.000000e+00 : f32
    %max3A_510 = vector.broadcast %max3A_509 : f32 to vector<1000x256xf32>
    %max3A_511 = arith.maximumf %add3A_508, %max3A_510 : vector<1000x256xf32>
    %slice3A_512 = vector.extract_strided_slice %max3A_511 {offsets = [0, 0], sizes = [1000, 128], strides = [1, 1]} : vector<1000x256xf32> to vector<1000x128xf32>
    %swap3A_513 = arith.constant 0 : index
    %swap3A_514 = arith.constant 7000 : index
    %swap3A_515 = arith.constant 0 : index
    %swap3A_516 = vector.load %arg5[%swap3A_513, %swap3A_514, %swap3A_515] : memref<2x10000x128xf32, #tpu.memory_space<vmem>>, vector<1x1000x128xf32>
    %swap3A_517 = vector.shape_cast %swap3A_516 : vector<1x1000x128xf32> to vector<1000x128xf32>
    %swap3A_518 = vector.shape_cast %slice3A_512 : vector<1000x128xf32> to vector<1x1000x128xf32>
    tpu.vector_store %arg5[%swap3A_513, %swap3A_514, %swap3A_515], %swap3A_518 {strides = array<i32>} : memref<2x10000x128xf32, #tpu.memory_space<vmem>>, vector<1x1000x128xf32>,
    %slice3A_519 = vector.extract_strided_slice %max3A_511 {offsets = [0, 128], sizes = [1000, 128], strides = [1, 1]} : vector<1000x256xf32> to vector<1000x128xf32>
    %swap3A_520 = arith.constant 1 : index
    %swap3A_521 = arith.constant 7000 : index
    %swap3A_522 = arith.constant 0 : index
    %swap3A_523 = vector.load %arg5[%swap3A_520, %swap3A_521, %swap3A_522] : memref<2x10000x128xf32, #tpu.memory_space<vmem>>, vector<1x1000x128xf32>
    %swap3A_524 = vector.shape_cast %swap3A_523 : vector<1x1000x128xf32> to vector<1000x128xf32>
    %swap3A_525 = vector.shape_cast %slice3A_519 : vector<1000x128xf32> to vector<1x1000x128xf32>
    tpu.vector_store %arg5[%swap3A_520, %swap3A_521, %swap3A_522], %swap3A_525 {strides = array<i32>} : memref<2x10000x128xf32, #tpu.memory_space<vmem>>, vector<1x1000x128xf32>,
    %get3A_526 = arith.constant 8000 : index
    %get3A_527 = arith.constant 0 : index
    %get3A_528 = vector.load %arg6[%get3A_526, %get3A_527] : memref<10000x256xf32, #tpu.memory_space<vmem>>, vector<1000x256xf32>
    %sub3A_529 = vector.broadcast %div3A_248 : vector<1x256xf32> to vector<1000x256xf32>
    %sub3A_530 = arith.subf %get3A_528, %sub3A_529 : vector<1000x256xf32>
    %mul3A_531 = vector.broadcast %rsqrt3A : vector<1x256xf32> to vector<1000x256xf32>
    %mul3A_532 = arith.mulf %sub3A_530, %mul3A_531 : vector<1000x256xf32>
    %get3A_533 = arith.constant 0 : index
    %get3A_534 = arith.constant 0 : index
    %get3A_535 = vector.load %arg3[%get3A_533, %get3A_534] : memref<1x256xf32, #tpu.memory_space<vmem>>, vector<1x256xf32>
    %mul3A_536 = vector.broadcast %get3A_535 : vector<1x256xf32> to vector<1000x256xf32>
    %mul3A_537 = arith.mulf %mul3A_532, %mul3A_536 : vector<1000x256xf32>
    %get3A_538 = arith.constant 0 : index
    %get3A_539 = arith.constant 0 : index
    %get3A_540 = vector.load %arg4[%get3A_538, %get3A_539] : memref<1x256xf32, #tpu.memory_space<vmem>>, vector<1x256xf32>
    %add3A_541 = vector.broadcast %get3A_540 : vector<1x256xf32> to vector<1000x256xf32>
    %add3A_542 = arith.addf %mul3A_537, %add3A_541 : vector<1000x256xf32>
    %max3A_543 = arith.constant 0.000000e+00 : f32
    %max3A_544 = vector.broadcast %max3A_543 : f32 to vector<1000x256xf32>
    %max3A_545 = arith.maximumf %add3A_542, %max3A_544 : vector<1000x256xf32>
    %slice3A_546 = vector.extract_strided_slice %max3A_545 {offsets = [0, 0], sizes = [1000, 128], strides = [1, 1]} : vector<1000x256xf32> to vector<1000x128xf32>
    %swap3A_547 = arith.constant 0 : index
    %swap3A_548 = arith.constant 8000 : index
    %swap3A_549 = arith.constant 0 : index
    %swap3A_550 = vector.load %arg5[%swap3A_547, %swap3A_548, %swap3A_549] : memref<2x10000x128xf32, #tpu.memory_space<vmem>>, vector<1x1000x128xf32>
    %swap3A_551 = vector.shape_cast %swap3A_550 : vector<1x1000x128xf32> to vector<1000x128xf32>
    %swap3A_552 = vector.shape_cast %slice3A_546 : vector<1000x128xf32> to vector<1x1000x128xf32>
    tpu.vector_store %arg5[%swap3A_547, %swap3A_548, %swap3A_549], %swap3A_552 {strides = array<i32>} : memref<2x10000x128xf32, #tpu.memory_space<vmem>>, vector<1x1000x128xf32>,
    %slice3A_553 = vector.extract_strided_slice %max3A_545 {offsets = [0, 128], sizes = [1000, 128], strides = [1, 1]} : vector<1000x256xf32> to vector<1000x128xf32>
    %swap3A_554 = arith.constant 1 : index
    %swap3A_555 = arith.constant 8000 : index
    %swap3A_556 = arith.constant 0 : index
    %swap3A_557 = vector.load %arg5[%swap3A_554, %swap3A_555, %swap3A_556] : memref<2x10000x128xf32, #tpu.memory_space<vmem>>, vector<1x1000x128xf32>
    %swap3A_558 = vector.shape_cast %swap3A_557 : vector<1x1000x128xf32> to vector<1000x128xf32>
    %swap3A_559 = vector.shape_cast %slice3A_553 : vector<1000x128xf32> to vector<1x1000x128xf32>
    tpu.vector_store %arg5[%swap3A_554, %swap3A_555, %swap3A_556], %swap3A_559 {strides = array<i32>} : memref<2x10000x128xf32, #tpu.memory_space<vmem>>, vector<1x1000x128xf32>,
    %get3A_560 = arith.constant 9000 : index
    %get3A_561 = arith.constant 0 : index
    %get3A_562 = vector.load %arg6[%get3A_560, %get3A_561] : memref<10000x256xf32, #tpu.memory_space<vmem>>, vector<1000x256xf32>
    %sub3A_563 = vector.broadcast %div3A_248 : vector<1x256xf32> to vector<1000x256xf32>
    %sub3A_564 = arith.subf %get3A_562, %sub3A_563 : vector<1000x256xf32>
    %mul3A_565 = vector.broadcast %rsqrt3A : vector<1x256xf32> to vector<1000x256xf32>
    %mul3A_566 = arith.mulf %sub3A_564, %mul3A_565 : vector<1000x256xf32>
    %get3A_567 = arith.constant 0 : index
    %get3A_568 = arith.constant 0 : index
    %get3A_569 = vector.load %arg3[%get3A_567, %get3A_568] : memref<1x256xf32, #tpu.memory_space<vmem>>, vector<1x256xf32>
    %mul3A_570 = vector.broadcast %get3A_569 : vector<1x256xf32> to vector<1000x256xf32>
    %mul3A_571 = arith.mulf %mul3A_566, %mul3A_570 : vector<1000x256xf32>
    %get3A_572 = arith.constant 0 : index
    %get3A_573 = arith.constant 0 : index
    %get3A_574 = vector.load %arg4[%get3A_572, %get3A_573] : memref<1x256xf32, #tpu.memory_space<vmem>>, vector<1x256xf32>
    %add3A_575 = vector.broadcast %get3A_574 : vector<1x256xf32> to vector<1000x256xf32>
    %add3A_576 = arith.addf %mul3A_571, %add3A_575 : vector<1000x256xf32>
    %max3A_577 = arith.constant 0.000000e+00 : f32
    %max3A_578 = vector.broadcast %max3A_577 : f32 to vector<1000x256xf32>
    %max3A_579 = arith.maximumf %add3A_576, %max3A_578 : vector<1000x256xf32>
    %slice3A_580 = vector.extract_strided_slice %max3A_579 {offsets = [0, 0], sizes = [1000, 128], strides = [1, 1]} : vector<1000x256xf32> to vector<1000x128xf32>
    %swap3A_581 = arith.constant 0 : index
    %swap3A_582 = arith.constant 9000 : index
    %swap3A_583 = arith.constant 0 : index
    %swap3A_584 = vector.load %arg5[%swap3A_581, %swap3A_582, %swap3A_583] : memref<2x10000x128xf32, #tpu.memory_space<vmem>>, vector<1x1000x128xf32>
    %swap3A_585 = vector.shape_cast %swap3A_584 : vector<1x1000x128xf32> to vector<1000x128xf32>
    %swap3A_586 = vector.shape_cast %slice3A_580 : vector<1000x128xf32> to vector<1x1000x128xf32>
    tpu.vector_store %arg5[%swap3A_581, %swap3A_582, %swap3A_583], %swap3A_586 {strides = array<i32>} : memref<2x10000x128xf32, #tpu.memory_space<vmem>>, vector<1x1000x128xf32>,
    %slice3A_587 = vector.extract_strided_slice %max3A_579 {offsets = [0, 128], sizes = [1000, 128], strides = [1, 1]} : vector<1000x256xf32> to vector<1000x128xf32>
    %swap3A_588 = arith.constant 1 : index
    %swap3A_589 = arith.constant 9000 : index
    %swap3A_590 = arith.constant 0 : index
    %swap3A_591 = vector.load %arg5[%swap3A_588, %swap3A_589, %swap3A_590] : memref<2x10000x128xf32, #tpu.memory_space<vmem>>, vector<1x1000x128xf32>
    %swap3A_592 = vector.shape_cast %swap3A_591 : vector<1x1000x128xf32> to vector<1000x128xf32>
    %swap3A_593 = vector.shape_cast %slice3A_587 : vector<1000x128xf32> to vector<1x1000x128xf32>
    tpu.vector_store %arg5[%swap3A_588, %swap3A_589, %swap3A_590], %swap3A_593 {strides = array<i32>} : memref<2x10000x128xf32, #tpu.memory_space<vmem>>, vector<1x1000x128xf32>,
    return
  }
}

module attributes {stable_mosaic.version = 14 : i64} {
  func.func @_p4f_body(%arg0: memref<2x10000x128xf32, #tpu.memory_space<vmem>>, %arg1: memref<2x10000x128xf32, #tpu.memory_space<vmem>>, %arg2: memref<256x256xf32, #tpu.memory_space<vmem>>, %arg3: memref<1x256xf32, #tpu.memory_space<vmem>>, %arg4: memref<1x256xf32, #tpu.memory_space<vmem>>, %arg5: memref<1x256xf32, #tpu.memory_space<vmem>>, %arg6: memref<256x128xf32, #tpu.memory_space<vmem>>, %arg7: memref<1x128xf32, #tpu.memory_space<vmem>>, %arg8: memref<256x128xf32, #tpu.memory_space<vmem>>, %arg9: memref<1x128xf32, #tpu.memory_space<vmem>>, %arg10: memref<256x128xf32, #tpu.memory_space<vmem>>, %arg11: memref<1x128xf32, #tpu.memory_space<vmem>>, %arg12: memref<10x1x1000xi32, #tpu.memory_space<vmem>>, %arg13: memref<1x128xf32, #tpu.memory_space<vmem>>, %arg14: memref<1x128xf32, #tpu.memory_space<vmem>>, %arg15: memref<128x1xf32, #tpu.memory_space<vmem>>, %arg16: memref<1x1xf32, #tpu.memory_space<vmem>>, %arg17: memref<1x128xf32, #tpu.memory_space<vmem>>, %arg18: memref<1x128xf32, #tpu.memory_space<vmem>>, %arg19: memref<128x1xf32, #tpu.memory_space<vmem>>, %arg20: memref<1x1xf32, #tpu.memory_space<vmem>>, %arg21: memref<8x1xf32, #tpu.memory_space<vmem>>, %arg22: memref<10000x1xf32, #tpu.memory_space<vmem>>, %arg23: memref<8x1xf32, #tpu.memory_space<vmem>>, %arg24: memref<10000x1xf32, #tpu.memory_space<vmem>>, %arg25: memref<10000x256xf32, #tpu.memory_space<vmem>>, %arg26: memref<10000x128xf32, #tpu.memory_space<vmem>>, %arg27: memref<10000x128xf32, #tpu.memory_space<vmem>>, %arg28: memref<10000x128xf32, #tpu.memory_space<vmem>>) attributes {dimension_semantics = [], scalar_prefetch = 0 : i64, scratch_operands = 4 : i64, tpu.core_type = #tpu.core_type<tc>} {
    %broadcast_in_dim3A = arith.constant 0.000000e+00 : f32
    %broadcast_in_dim3A_0 = vector.broadcast %broadcast_in_dim3A : f32 to vector<1x256xf32>
    %broadcast_in_dim3A_1 = arith.constant 0.000000e+00 : f32
    %broadcast_in_dim3A_2 = vector.broadcast %broadcast_in_dim3A_1 : f32 to vector<1x256xf32>
    %broadcast_in_dim3A_3 = arith.constant 0.000000e+00 : f32
    %broadcast_in_dim3A_4 = vector.broadcast %broadcast_in_dim3A_3 : f32 to vector<8x128xf32>
    %broadcast_in_dim3A_5 = arith.constant 0.000000e+00 : f32
    %broadcast_in_dim3A_6 = vector.broadcast %broadcast_in_dim3A_5 : f32 to vector<8x128xf32>
    %get3A = arith.constant 0 : index
    %get3A_7 = arith.constant 0 : index
    %get3A_8 = arith.constant 0 : index
    %get3A_9 = vector.load %arg0[%get3A, %get3A_7, %get3A_8] : memref<2x10000x128xf32, #tpu.memory_space<vmem>>, vector<1x1000x128xf32>
    %get3A_10 = vector.shape_cast %get3A_9 : vector<1x1000x128xf32> to vector<1000x128xf32>
    %get3A_11 = arith.constant 1 : index
    %get3A_12 = arith.constant 0 : index
    %get3A_13 = arith.constant 0 : index
    %get3A_14 = vector.load %arg0[%get3A_11, %get3A_12, %get3A_13] : memref<2x10000x128xf32, #tpu.memory_space<vmem>>, vector<1x1000x128xf32>
    %get3A_15 = vector.shape_cast %get3A_14 : vector<1x1000x128xf32> to vector<1000x128xf32>
    %get3A_16 = arith.constant 0 : index
    %get3A_17 = arith.constant 0 : index
    %get3A_18 = vector.load %arg10[%get3A_16, %get3A_17] : memref<256x128xf32, #tpu.memory_space<vmem>>, vector<128x128xf32>
    %dot_general3A = arith.constant dense<0.000000e+00> : vector<1000x128xf32>
    %dot_general3A_19 = tpu.matmul %get3A_10, %get3A_18, %dot_general3A {dimension_numbers = #tpu.dot_dimension_numbers<[1], [0], [0], [1], [0, 0, 1, 1], [], []>, transpose_lhs_hint = false} : vector<1000x128xf32>, vector<128x128xf32>, vector<1000x128xf32> -> vector<1000x128xf32>
    %get3A_20 = arith.constant 128 : index
    %get3A_21 = arith.constant 0 : index
    %get3A_22 = vector.load %arg10[%get3A_20, %get3A_21] : memref<256x128xf32, #tpu.memory_space<vmem>>, vector<128x128xf32>
    %dot_general3A_23 = arith.constant dense<0.000000e+00> : vector<1000x128xf32>
    %dot_general3A_24 = tpu.matmul %get3A_15, %get3A_22, %dot_general3A_23 {dimension_numbers = #tpu.dot_dimension_numbers<[1], [0], [0], [1], [0, 0, 1, 1], [], []>, transpose_lhs_hint = false} : vector<1000x128xf32>, vector<128x128xf32>, vector<1000x128xf32> -> vector<1000x128xf32>
    %add3A = arith.addf %dot_general3A_19, %dot_general3A_24 : vector<1000x128xf32>
    %get3A_25 = arith.constant 0 : index
    %get3A_26 = arith.constant 0 : index
    %get3A_27 = vector.load %arg11[%get3A_25, %get3A_26] : memref<1x128xf32, #tpu.memory_space<vmem>>, vector<1x128xf32>
    %add3A_28 = vector.broadcast %get3A_27 : vector<1x128xf32> to vector<1000x128xf32>
    %add3A_29 = arith.addf %add3A, %add3A_28 : vector<1000x128xf32>
    %swap3A = arith.constant 0 : index
    %swap3A_30 = arith.constant 0 : index
    %swap3A_31 = vector.load %arg28[%swap3A, %swap3A_30] : memref<10000x128xf32, #tpu.memory_space<vmem>>, vector<1000x128xf32>
    tpu.vector_store %arg28[%swap3A, %swap3A_30], %add3A_29 {strides = array<i32>} : memref<10000x128xf32, #tpu.memory_space<vmem>>, vector<1000x128xf32>,
    %get3A_32 = arith.constant 0 : index
    %get3A_33 = arith.constant 0 : index
    %get3A_34 = arith.constant 0 : index
    %get3A_35 = vector.load %arg12[%get3A_32, %get3A_33, %get3A_34] : memref<10x1x1000xi32, #tpu.memory_space<vmem>>, vector<1x1x1000xi32>
    %get3A_36 = vector.shape_cast %get3A_35 : vector<1x1x1000xi32> to vector<1x1000xi32>
    %iota3A = tpu.iota {dimensions = array<i32: 0>} : vector<8x1000xi32>
    %eq3A = vector.broadcast %get3A_36 : vector<1x1000xi32> to vector<8x1000xi32>
    %eq3A_37 = arith.cmpi eq, %eq3A, %iota3A : vector<8x1000xi32>
    %convert_element_type3A = arith.extui %eq3A_37 : vector<8x1000xi1> to vector<8x1000xi32>
    %convert_element_type3A_38 = arith.sitofp %convert_element_type3A : vector<8x1000xi32> to vector<8x1000xf32>
    %dot_general3A_39 = arith.constant dense<0.000000e+00> : vector<8x128xf32>
    %dot_general3A_40 = tpu.matmul %convert_element_type3A_38, %add3A_29, %dot_general3A_39 {dimension_numbers = #tpu.dot_dimension_numbers<[1], [0], [0], [1], [0, 0, 1, 1], [], []>, transpose_lhs_hint = false} : vector<8x1000xf32>, vector<1000x128xf32>, vector<8x128xf32> -> vector<8x128xf32>
    %add3A_41 = arith.addf %broadcast_in_dim3A_4, %dot_general3A_40 : vector<8x128xf32>
    %reduce_sum3A = arith.constant dense<0.000000e+00> : vector<8xf32>
    %reduce_sum3A_42 = vector.multi_reduction <add>, %convert_element_type3A_38, %reduce_sum3A [1] : vector<8x1000xf32> to vector<8xf32>
    %broadcast_in_dim3A_43 = vector.shape_cast %reduce_sum3A_42 : vector<8xf32> to vector<8x1xf32>
    %broadcast_in_dim3A_44 = vector.shape_cast %broadcast_in_dim3A_43 : vector<8x1xf32> to vector<8x1xf32>
    %broadcast_in_dim3A_45 = vector.broadcast %broadcast_in_dim3A_44 : vector<8x1xf32> to vector<8x128xf32>
    %add3A_46 = arith.addf %broadcast_in_dim3A_6, %broadcast_in_dim3A_45 : vector<8x128xf32>
    %get3A_47 = arith.constant 0 : index
    %get3A_48 = arith.constant 0 : index
    %get3A_49 = arith.constant 0 : index
    %get3A_50 = vector.load %arg1[%get3A_47, %get3A_48, %get3A_49] : memref<2x10000x128xf32, #tpu.memory_space<vmem>>, vector<1x1000x128xf32>
    %get3A_51 = vector.shape_cast %get3A_50 : vector<1x1000x128xf32> to vector<1000x128xf32>
    %add3A_52 = arith.addf %get3A_10, %get3A_51 : vector<1000x128xf32>
    %get3A_53 = arith.constant 1 : index
    %get3A_54 = arith.constant 0 : index
    %get3A_55 = arith.constant 0 : index
    %get3A_56 = vector.load %arg1[%get3A_53, %get3A_54, %get3A_55] : memref<2x10000x128xf32, #tpu.memory_space<vmem>>, vector<1x1000x128xf32>
    %get3A_57 = vector.shape_cast %get3A_56 : vector<1x1000x128xf32> to vector<1000x128xf32>
    %add3A_58 = arith.addf %get3A_15, %get3A_57 : vector<1000x128xf32>
    %get3A_59 = arith.constant 0 : index
    %get3A_60 = arith.constant 0 : index
    %get3A_61 = vector.load %arg2[%get3A_59, %get3A_60] : memref<256x256xf32, #tpu.memory_space<vmem>>, vector<128x256xf32>
    %dot_general3A_62 = arith.constant dense<0.000000e+00> : vector<1000x256xf32>
    %dot_general3A_63 = tpu.matmul %add3A_52, %get3A_61, %dot_general3A_62 {dimension_numbers = #tpu.dot_dimension_numbers<[1], [0], [0], [1], [0, 0, 1, 1], [], []>, transpose_lhs_hint = false} : vector<1000x128xf32>, vector<128x256xf32>, vector<1000x256xf32> -> vector<1000x256xf32>
    %get3A_64 = arith.constant 128 : index
    %get3A_65 = arith.constant 0 : index
    %get3A_66 = vector.load %arg2[%get3A_64, %get3A_65] : memref<256x256xf32, #tpu.memory_space<vmem>>, vector<128x256xf32>
    %dot_general3A_67 = arith.constant dense<0.000000e+00> : vector<1000x256xf32>
    %dot_general3A_68 = tpu.matmul %add3A_58, %get3A_66, %dot_general3A_67 {dimension_numbers = #tpu.dot_dimension_numbers<[1], [0], [0], [1], [0, 0, 1, 1], [], []>, transpose_lhs_hint = false} : vector<1000x128xf32>, vector<128x256xf32>, vector<1000x256xf32> -> vector<1000x256xf32>
    %add3A_69 = arith.addf %dot_general3A_63, %dot_general3A_68 : vector<1000x256xf32>
    %get3A_70 = arith.constant 0 : index
    %get3A_71 = arith.constant 0 : index
    %get3A_72 = vector.load %arg3[%get3A_70, %get3A_71] : memref<1x256xf32, #tpu.memory_space<vmem>>, vector<1x256xf32>
    %add3A_73 = vector.broadcast %get3A_72 : vector<1x256xf32> to vector<1000x256xf32>
    %add3A_74 = arith.addf %add3A_69, %add3A_73 : vector<1000x256xf32>
    %swap3A_75 = arith.constant 0 : index
    %swap3A_76 = arith.constant 0 : index
    %swap3A_77 = vector.load %arg25[%swap3A_75, %swap3A_76] : memref<10000x256xf32, #tpu.memory_space<vmem>>, vector<1000x256xf32>
    tpu.vector_store %arg25[%swap3A_75, %swap3A_76], %add3A_74 {strides = array<i32>} : memref<10000x256xf32, #tpu.memory_space<vmem>>, vector<1000x256xf32>,
    %reduce_sum3A_78 = arith.constant dense<0.000000e+00> : vector<256xf32>
    %reduce_sum3A_79 = vector.multi_reduction <add>, %add3A_74, %reduce_sum3A_78 [0] : vector<1000x256xf32> to vector<256xf32>
    %broadcast_in_dim3A_80 = vector.shape_cast %reduce_sum3A_79 : vector<256xf32> to vector<1x256xf32>
    %add3A_81 = arith.addf %broadcast_in_dim3A_0, %broadcast_in_dim3A_80 : vector<1x256xf32>
    %mul3A = arith.mulf %add3A_74, %add3A_74 : vector<1000x256xf32>
    %reduce_sum3A_82 = arith.constant dense<0.000000e+00> : vector<256xf32>
    %reduce_sum3A_83 = vector.multi_reduction <add>, %mul3A, %reduce_sum3A_82 [0] : vector<1000x256xf32> to vector<256xf32>
    %broadcast_in_dim3A_84 = vector.shape_cast %reduce_sum3A_83 : vector<256xf32> to vector<1x256xf32>
    %add3A_85 = arith.addf %broadcast_in_dim3A_2, %broadcast_in_dim3A_84 : vector<1x256xf32>
    %get3A_86 = arith.constant 0 : index
    %get3A_87 = arith.constant 1000 : index
    %get3A_88 = arith.constant 0 : index
    %get3A_89 = vector.load %arg0[%get3A_86, %get3A_87, %get3A_88] : memref<2x10000x128xf32, #tpu.memory_space<vmem>>, vector<1x1000x128xf32>
    %get3A_90 = vector.shape_cast %get3A_89 : vector<1x1000x128xf32> to vector<1000x128xf32>
    %get3A_91 = arith.constant 1 : index
    %get3A_92 = arith.constant 1000 : index
    %get3A_93 = arith.constant 0 : index
    %get3A_94 = vector.load %arg0[%get3A_91, %get3A_92, %get3A_93] : memref<2x10000x128xf32, #tpu.memory_space<vmem>>, vector<1x1000x128xf32>
    %get3A_95 = vector.shape_cast %get3A_94 : vector<1x1000x128xf32> to vector<1000x128xf32>
    %get3A_96 = arith.constant 0 : index
    %get3A_97 = arith.constant 0 : index
    %get3A_98 = vector.load %arg10[%get3A_96, %get3A_97] : memref<256x128xf32, #tpu.memory_space<vmem>>, vector<128x128xf32>
    %dot_general3A_99 = arith.constant dense<0.000000e+00> : vector<1000x128xf32>
    %dot_general3A_100 = tpu.matmul %get3A_90, %get3A_98, %dot_general3A_99 {dimension_numbers = #tpu.dot_dimension_numbers<[1], [0], [0], [1], [0, 0, 1, 1], [], []>, transpose_lhs_hint = false} : vector<1000x128xf32>, vector<128x128xf32>, vector<1000x128xf32> -> vector<1000x128xf32>
    %get3A_101 = arith.constant 128 : index
    %get3A_102 = arith.constant 0 : index
    %get3A_103 = vector.load %arg10[%get3A_101, %get3A_102] : memref<256x128xf32, #tpu.memory_space<vmem>>, vector<128x128xf32>
    %dot_general3A_104 = arith.constant dense<0.000000e+00> : vector<1000x128xf32>
    %dot_general3A_105 = tpu.matmul %get3A_95, %get3A_103, %dot_general3A_104 {dimension_numbers = #tpu.dot_dimension_numbers<[1], [0], [0], [1], [0, 0, 1, 1], [], []>, transpose_lhs_hint = false} : vector<1000x128xf32>, vector<128x128xf32>, vector<1000x128xf32> -> vector<1000x128xf32>
    %add3A_106 = arith.addf %dot_general3A_100, %dot_general3A_105 : vector<1000x128xf32>
    %get3A_107 = arith.constant 0 : index
    %get3A_108 = arith.constant 0 : index
    %get3A_109 = vector.load %arg11[%get3A_107, %get3A_108] : memref<1x128xf32, #tpu.memory_space<vmem>>, vector<1x128xf32>
    %add3A_110 = vector.broadcast %get3A_109 : vector<1x128xf32> to vector<1000x128xf32>
    %add3A_111 = arith.addf %add3A_106, %add3A_110 : vector<1000x128xf32>
    %swap3A_112 = arith.constant 1000 : index
    %swap3A_113 = arith.constant 0 : index
    %swap3A_114 = vector.load %arg28[%swap3A_112, %swap3A_113] : memref<10000x128xf32, #tpu.memory_space<vmem>>, vector<1000x128xf32>
    tpu.vector_store %arg28[%swap3A_112, %swap3A_113], %add3A_111 {strides = array<i32>} : memref<10000x128xf32, #tpu.memory_space<vmem>>, vector<1000x128xf32>,
    %get3A_115 = arith.constant 1 : index
    %get3A_116 = arith.constant 0 : index
    %get3A_117 = arith.constant 0 : index
    %get3A_118 = vector.load %arg12[%get3A_115, %get3A_116, %get3A_117] : memref<10x1x1000xi32, #tpu.memory_space<vmem>>, vector<1x1x1000xi32>
    %get3A_119 = vector.shape_cast %get3A_118 : vector<1x1x1000xi32> to vector<1x1000xi32>
    %iota3A_120 = tpu.iota {dimensions = array<i32: 0>} : vector<8x1000xi32>
    %eq3A_121 = vector.broadcast %get3A_119 : vector<1x1000xi32> to vector<8x1000xi32>
    %eq3A_122 = arith.cmpi eq, %eq3A_121, %iota3A_120 : vector<8x1000xi32>
    %convert_element_type3A_123 = arith.extui %eq3A_122 : vector<8x1000xi1> to vector<8x1000xi32>
    %convert_element_type3A_124 = arith.sitofp %convert_element_type3A_123 : vector<8x1000xi32> to vector<8x1000xf32>
    %dot_general3A_125 = arith.constant dense<0.000000e+00> : vector<8x128xf32>
    %dot_general3A_126 = tpu.matmul %convert_element_type3A_124, %add3A_111, %dot_general3A_125 {dimension_numbers = #tpu.dot_dimension_numbers<[1], [0], [0], [1], [0, 0, 1, 1], [], []>, transpose_lhs_hint = false} : vector<8x1000xf32>, vector<1000x128xf32>, vector<8x128xf32> -> vector<8x128xf32>
    %add3A_127 = arith.addf %add3A_41, %dot_general3A_126 : vector<8x128xf32>
    %reduce_sum3A_128 = arith.constant dense<0.000000e+00> : vector<8xf32>
    %reduce_sum3A_129 = vector.multi_reduction <add>, %convert_element_type3A_124, %reduce_sum3A_128 [1] : vector<8x1000xf32> to vector<8xf32>
    %broadcast_in_dim3A_130 = vector.shape_cast %reduce_sum3A_129 : vector<8xf32> to vector<8x1xf32>
    %broadcast_in_dim3A_131 = vector.shape_cast %broadcast_in_dim3A_130 : vector<8x1xf32> to vector<8x1xf32>
    %broadcast_in_dim3A_132 = vector.broadcast %broadcast_in_dim3A_131 : vector<8x1xf32> to vector<8x128xf32>
    %add3A_133 = arith.addf %add3A_46, %broadcast_in_dim3A_132 : vector<8x128xf32>
    %get3A_134 = arith.constant 0 : index
    %get3A_135 = arith.constant 1000 : index
    %get3A_136 = arith.constant 0 : index
    %get3A_137 = vector.load %arg1[%get3A_134, %get3A_135, %get3A_136] : memref<2x10000x128xf32, #tpu.memory_space<vmem>>, vector<1x1000x128xf32>
    %get3A_138 = vector.shape_cast %get3A_137 : vector<1x1000x128xf32> to vector<1000x128xf32>
    %add3A_139 = arith.addf %get3A_90, %get3A_138 : vector<1000x128xf32>
    %get3A_140 = arith.constant 1 : index
    %get3A_141 = arith.constant 1000 : index
    %get3A_142 = arith.constant 0 : index
    %get3A_143 = vector.load %arg1[%get3A_140, %get3A_141, %get3A_142] : memref<2x10000x128xf32, #tpu.memory_space<vmem>>, vector<1x1000x128xf32>
    %get3A_144 = vector.shape_cast %get3A_143 : vector<1x1000x128xf32> to vector<1000x128xf32>
    %add3A_145 = arith.addf %get3A_95, %get3A_144 : vector<1000x128xf32>
    %get3A_146 = arith.constant 0 : index
    %get3A_147 = arith.constant 0 : index
    %get3A_148 = vector.load %arg2[%get3A_146, %get3A_147] : memref<256x256xf32, #tpu.memory_space<vmem>>, vector<128x256xf32>
    %dot_general3A_149 = arith.constant dense<0.000000e+00> : vector<1000x256xf32>
    %dot_general3A_150 = tpu.matmul %add3A_139, %get3A_148, %dot_general3A_149 {dimension_numbers = #tpu.dot_dimension_numbers<[1], [0], [0], [1], [0, 0, 1, 1], [], []>, transpose_lhs_hint = false} : vector<1000x128xf32>, vector<128x256xf32>, vector<1000x256xf32> -> vector<1000x256xf32>
    %get3A_151 = arith.constant 128 : index
    %get3A_152 = arith.constant 0 : index
    %get3A_153 = vector.load %arg2[%get3A_151, %get3A_152] : memref<256x256xf32, #tpu.memory_space<vmem>>, vector<128x256xf32>
    %dot_general3A_154 = arith.constant dense<0.000000e+00> : vector<1000x256xf32>
    %dot_general3A_155 = tpu.matmul %add3A_145, %get3A_153, %dot_general3A_154 {dimension_numbers = #tpu.dot_dimension_numbers<[1], [0], [0], [1], [0, 0, 1, 1], [], []>, transpose_lhs_hint = false} : vector<1000x128xf32>, vector<128x256xf32>, vector<1000x256xf32> -> vector<1000x256xf32>
    %add3A_156 = arith.addf %dot_general3A_150, %dot_general3A_155 : vector<1000x256xf32>
    %get3A_157 = arith.constant 0 : index
    %get3A_158 = arith.constant 0 : index
    %get3A_159 = vector.load %arg3[%get3A_157, %get3A_158] : memref<1x256xf32, #tpu.memory_space<vmem>>, vector<1x256xf32>
    %add3A_160 = vector.broadcast %get3A_159 : vector<1x256xf32> to vector<1000x256xf32>
    %add3A_161 = arith.addf %add3A_156, %add3A_160 : vector<1000x256xf32>
    %swap3A_162 = arith.constant 1000 : index
    %swap3A_163 = arith.constant 0 : index
    %swap3A_164 = vector.load %arg25[%swap3A_162, %swap3A_163] : memref<10000x256xf32, #tpu.memory_space<vmem>>, vector<1000x256xf32>
    tpu.vector_store %arg25[%swap3A_162, %swap3A_163], %add3A_161 {strides = array<i32>} : memref<10000x256xf32, #tpu.memory_space<vmem>>, vector<1000x256xf32>,
    %reduce_sum3A_165 = arith.constant dense<0.000000e+00> : vector<256xf32>
    %reduce_sum3A_166 = vector.multi_reduction <add>, %add3A_161, %reduce_sum3A_165 [0] : vector<1000x256xf32> to vector<256xf32>
    %broadcast_in_dim3A_167 = vector.shape_cast %reduce_sum3A_166 : vector<256xf32> to vector<1x256xf32>
    %add3A_168 = arith.addf %add3A_81, %broadcast_in_dim3A_167 : vector<1x256xf32>
    %mul3A_169 = arith.mulf %add3A_161, %add3A_161 : vector<1000x256xf32>
    %reduce_sum3A_170 = arith.constant dense<0.000000e+00> : vector<256xf32>
    %reduce_sum3A_171 = vector.multi_reduction <add>, %mul3A_169, %reduce_sum3A_170 [0] : vector<1000x256xf32> to vector<256xf32>
    %broadcast_in_dim3A_172 = vector.shape_cast %reduce_sum3A_171 : vector<256xf32> to vector<1x256xf32>
    %add3A_173 = arith.addf %add3A_85, %broadcast_in_dim3A_172 : vector<1x256xf32>
    %get3A_174 = arith.constant 0 : index
    %get3A_175 = arith.constant 2000 : index
    %get3A_176 = arith.constant 0 : index
    %get3A_177 = vector.load %arg0[%get3A_174, %get3A_175, %get3A_176] : memref<2x10000x128xf32, #tpu.memory_space<vmem>>, vector<1x1000x128xf32>
    %get3A_178 = vector.shape_cast %get3A_177 : vector<1x1000x128xf32> to vector<1000x128xf32>
    %get3A_179 = arith.constant 1 : index
    %get3A_180 = arith.constant 2000 : index
    %get3A_181 = arith.constant 0 : index
    %get3A_182 = vector.load %arg0[%get3A_179, %get3A_180, %get3A_181] : memref<2x10000x128xf32, #tpu.memory_space<vmem>>, vector<1x1000x128xf32>
    %get3A_183 = vector.shape_cast %get3A_182 : vector<1x1000x128xf32> to vector<1000x128xf32>
    %get3A_184 = arith.constant 0 : index
    %get3A_185 = arith.constant 0 : index
    %get3A_186 = vector.load %arg10[%get3A_184, %get3A_185] : memref<256x128xf32, #tpu.memory_space<vmem>>, vector<128x128xf32>
    %dot_general3A_187 = arith.constant dense<0.000000e+00> : vector<1000x128xf32>
    %dot_general3A_188 = tpu.matmul %get3A_178, %get3A_186, %dot_general3A_187 {dimension_numbers = #tpu.dot_dimension_numbers<[1], [0], [0], [1], [0, 0, 1, 1], [], []>, transpose_lhs_hint = false} : vector<1000x128xf32>, vector<128x128xf32>, vector<1000x128xf32> -> vector<1000x128xf32>
    %get3A_189 = arith.constant 128 : index
    %get3A_190 = arith.constant 0 : index
    %get3A_191 = vector.load %arg10[%get3A_189, %get3A_190] : memref<256x128xf32, #tpu.memory_space<vmem>>, vector<128x128xf32>
    %dot_general3A_192 = arith.constant dense<0.000000e+00> : vector<1000x128xf32>
    %dot_general3A_193 = tpu.matmul %get3A_183, %get3A_191, %dot_general3A_192 {dimension_numbers = #tpu.dot_dimension_numbers<[1], [0], [0], [1], [0, 0, 1, 1], [], []>, transpose_lhs_hint = false} : vector<1000x128xf32>, vector<128x128xf32>, vector<1000x128xf32> -> vector<1000x128xf32>
    %add3A_194 = arith.addf %dot_general3A_188, %dot_general3A_193 : vector<1000x128xf32>
    %get3A_195 = arith.constant 0 : index
    %get3A_196 = arith.constant 0 : index
    %get3A_197 = vector.load %arg11[%get3A_195, %get3A_196] : memref<1x128xf32, #tpu.memory_space<vmem>>, vector<1x128xf32>
    %add3A_198 = vector.broadcast %get3A_197 : vector<1x128xf32> to vector<1000x128xf32>
    %add3A_199 = arith.addf %add3A_194, %add3A_198 : vector<1000x128xf32>
    %swap3A_200 = arith.constant 2000 : index
    %swap3A_201 = arith.constant 0 : index
    %swap3A_202 = vector.load %arg28[%swap3A_200, %swap3A_201] : memref<10000x128xf32, #tpu.memory_space<vmem>>, vector<1000x128xf32>
    tpu.vector_store %arg28[%swap3A_200, %swap3A_201], %add3A_199 {strides = array<i32>} : memref<10000x128xf32, #tpu.memory_space<vmem>>, vector<1000x128xf32>,
    %get3A_203 = arith.constant 2 : index
    %get3A_204 = arith.constant 0 : index
    %get3A_205 = arith.constant 0 : index
    %get3A_206 = vector.load %arg12[%get3A_203, %get3A_204, %get3A_205] : memref<10x1x1000xi32, #tpu.memory_space<vmem>>, vector<1x1x1000xi32>
    %get3A_207 = vector.shape_cast %get3A_206 : vector<1x1x1000xi32> to vector<1x1000xi32>
    %iota3A_208 = tpu.iota {dimensions = array<i32: 0>} : vector<8x1000xi32>
    %eq3A_209 = vector.broadcast %get3A_207 : vector<1x1000xi32> to vector<8x1000xi32>
    %eq3A_210 = arith.cmpi eq, %eq3A_209, %iota3A_208 : vector<8x1000xi32>
    %convert_element_type3A_211 = arith.extui %eq3A_210 : vector<8x1000xi1> to vector<8x1000xi32>
    %convert_element_type3A_212 = arith.sitofp %convert_element_type3A_211 : vector<8x1000xi32> to vector<8x1000xf32>
    %dot_general3A_213 = arith.constant dense<0.000000e+00> : vector<8x128xf32>
    %dot_general3A_214 = tpu.matmul %convert_element_type3A_212, %add3A_199, %dot_general3A_213 {dimension_numbers = #tpu.dot_dimension_numbers<[1], [0], [0], [1], [0, 0, 1, 1], [], []>, transpose_lhs_hint = false} : vector<8x1000xf32>, vector<1000x128xf32>, vector<8x128xf32> -> vector<8x128xf32>
    %add3A_215 = arith.addf %add3A_127, %dot_general3A_214 : vector<8x128xf32>
    %reduce_sum3A_216 = arith.constant dense<0.000000e+00> : vector<8xf32>
    %reduce_sum3A_217 = vector.multi_reduction <add>, %convert_element_type3A_212, %reduce_sum3A_216 [1] : vector<8x1000xf32> to vector<8xf32>
    %broadcast_in_dim3A_218 = vector.shape_cast %reduce_sum3A_217 : vector<8xf32> to vector<8x1xf32>
    %broadcast_in_dim3A_219 = vector.shape_cast %broadcast_in_dim3A_218 : vector<8x1xf32> to vector<8x1xf32>
    %broadcast_in_dim3A_220 = vector.broadcast %broadcast_in_dim3A_219 : vector<8x1xf32> to vector<8x128xf32>
    %add3A_221 = arith.addf %add3A_133, %broadcast_in_dim3A_220 : vector<8x128xf32>
    %get3A_222 = arith.constant 0 : index
    %get3A_223 = arith.constant 2000 : index
    %get3A_224 = arith.constant 0 : index
    %get3A_225 = vector.load %arg1[%get3A_222, %get3A_223, %get3A_224] : memref<2x10000x128xf32, #tpu.memory_space<vmem>>, vector<1x1000x128xf32>
    %get3A_226 = vector.shape_cast %get3A_225 : vector<1x1000x128xf32> to vector<1000x128xf32>
    %add3A_227 = arith.addf %get3A_178, %get3A_226 : vector<1000x128xf32>
    %get3A_228 = arith.constant 1 : index
    %get3A_229 = arith.constant 2000 : index
    %get3A_230 = arith.constant 0 : index
    %get3A_231 = vector.load %arg1[%get3A_228, %get3A_229, %get3A_230] : memref<2x10000x128xf32, #tpu.memory_space<vmem>>, vector<1x1000x128xf32>
    %get3A_232 = vector.shape_cast %get3A_231 : vector<1x1000x128xf32> to vector<1000x128xf32>
    %add3A_233 = arith.addf %get3A_183, %get3A_232 : vector<1000x128xf32>
    %get3A_234 = arith.constant 0 : index
    %get3A_235 = arith.constant 0 : index
    %get3A_236 = vector.load %arg2[%get3A_234, %get3A_235] : memref<256x256xf32, #tpu.memory_space<vmem>>, vector<128x256xf32>
    %dot_general3A_237 = arith.constant dense<0.000000e+00> : vector<1000x256xf32>
    %dot_general3A_238 = tpu.matmul %add3A_227, %get3A_236, %dot_general3A_237 {dimension_numbers = #tpu.dot_dimension_numbers<[1], [0], [0], [1], [0, 0, 1, 1], [], []>, transpose_lhs_hint = false} : vector<1000x128xf32>, vector<128x256xf32>, vector<1000x256xf32> -> vector<1000x256xf32>
    %get3A_239 = arith.constant 128 : index
    %get3A_240 = arith.constant 0 : index
    %get3A_241 = vector.load %arg2[%get3A_239, %get3A_240] : memref<256x256xf32, #tpu.memory_space<vmem>>, vector<128x256xf32>
    %dot_general3A_242 = arith.constant dense<0.000000e+00> : vector<1000x256xf32>
    %dot_general3A_243 = tpu.matmul %add3A_233, %get3A_241, %dot_general3A_242 {dimension_numbers = #tpu.dot_dimension_numbers<[1], [0], [0], [1], [0, 0, 1, 1], [], []>, transpose_lhs_hint = false} : vector<1000x128xf32>, vector<128x256xf32>, vector<1000x256xf32> -> vector<1000x256xf32>
    %add3A_244 = arith.addf %dot_general3A_238, %dot_general3A_243 : vector<1000x256xf32>
    %get3A_245 = arith.constant 0 : index
    %get3A_246 = arith.constant 0 : index
    %get3A_247 = vector.load %arg3[%get3A_245, %get3A_246] : memref<1x256xf32, #tpu.memory_space<vmem>>, vector<1x256xf32>
    %add3A_248 = vector.broadcast %get3A_247 : vector<1x256xf32> to vector<1000x256xf32>
    %add3A_249 = arith.addf %add3A_244, %add3A_248 : vector<1000x256xf32>
    %swap3A_250 = arith.constant 2000 : index
    %swap3A_251 = arith.constant 0 : index
    %swap3A_252 = vector.load %arg25[%swap3A_250, %swap3A_251] : memref<10000x256xf32, #tpu.memory_space<vmem>>, vector<1000x256xf32>
    tpu.vector_store %arg25[%swap3A_250, %swap3A_251], %add3A_249 {strides = array<i32>} : memref<10000x256xf32, #tpu.memory_space<vmem>>, vector<1000x256xf32>,
    %reduce_sum3A_253 = arith.constant dense<0.000000e+00> : vector<256xf32>
    %reduce_sum3A_254 = vector.multi_reduction <add>, %add3A_249, %reduce_sum3A_253 [0] : vector<1000x256xf32> to vector<256xf32>
    %broadcast_in_dim3A_255 = vector.shape_cast %reduce_sum3A_254 : vector<256xf32> to vector<1x256xf32>
    %add3A_256 = arith.addf %add3A_168, %broadcast_in_dim3A_255 : vector<1x256xf32>
    %mul3A_257 = arith.mulf %add3A_249, %add3A_249 : vector<1000x256xf32>
    %reduce_sum3A_258 = arith.constant dense<0.000000e+00> : vector<256xf32>
    %reduce_sum3A_259 = vector.multi_reduction <add>, %mul3A_257, %reduce_sum3A_258 [0] : vector<1000x256xf32> to vector<256xf32>
    %broadcast_in_dim3A_260 = vector.shape_cast %reduce_sum3A_259 : vector<256xf32> to vector<1x256xf32>
    %add3A_261 = arith.addf %add3A_173, %broadcast_in_dim3A_260 : vector<1x256xf32>
    %get3A_262 = arith.constant 0 : index
    %get3A_263 = arith.constant 3000 : index
    %get3A_264 = arith.constant 0 : index
    %get3A_265 = vector.load %arg0[%get3A_262, %get3A_263, %get3A_264] : memref<2x10000x128xf32, #tpu.memory_space<vmem>>, vector<1x1000x128xf32>
    %get3A_266 = vector.shape_cast %get3A_265 : vector<1x1000x128xf32> to vector<1000x128xf32>
    %get3A_267 = arith.constant 1 : index
    %get3A_268 = arith.constant 3000 : index
    %get3A_269 = arith.constant 0 : index
    %get3A_270 = vector.load %arg0[%get3A_267, %get3A_268, %get3A_269] : memref<2x10000x128xf32, #tpu.memory_space<vmem>>, vector<1x1000x128xf32>
    %get3A_271 = vector.shape_cast %get3A_270 : vector<1x1000x128xf32> to vector<1000x128xf32>
    %get3A_272 = arith.constant 0 : index
    %get3A_273 = arith.constant 0 : index
    %get3A_274 = vector.load %arg10[%get3A_272, %get3A_273] : memref<256x128xf32, #tpu.memory_space<vmem>>, vector<128x128xf32>
    %dot_general3A_275 = arith.constant dense<0.000000e+00> : vector<1000x128xf32>
    %dot_general3A_276 = tpu.matmul %get3A_266, %get3A_274, %dot_general3A_275 {dimension_numbers = #tpu.dot_dimension_numbers<[1], [0], [0], [1], [0, 0, 1, 1], [], []>, transpose_lhs_hint = false} : vector<1000x128xf32>, vector<128x128xf32>, vector<1000x128xf32> -> vector<1000x128xf32>
    %get3A_277 = arith.constant 128 : index
    %get3A_278 = arith.constant 0 : index
    %get3A_279 = vector.load %arg10[%get3A_277, %get3A_278] : memref<256x128xf32, #tpu.memory_space<vmem>>, vector<128x128xf32>
    %dot_general3A_280 = arith.constant dense<0.000000e+00> : vector<1000x128xf32>
    %dot_general3A_281 = tpu.matmul %get3A_271, %get3A_279, %dot_general3A_280 {dimension_numbers = #tpu.dot_dimension_numbers<[1], [0], [0], [1], [0, 0, 1, 1], [], []>, transpose_lhs_hint = false} : vector<1000x128xf32>, vector<128x128xf32>, vector<1000x128xf32> -> vector<1000x128xf32>
    %add3A_282 = arith.addf %dot_general3A_276, %dot_general3A_281 : vector<1000x128xf32>
    %get3A_283 = arith.constant 0 : index
    %get3A_284 = arith.constant 0 : index
    %get3A_285 = vector.load %arg11[%get3A_283, %get3A_284] : memref<1x128xf32, #tpu.memory_space<vmem>>, vector<1x128xf32>
    %add3A_286 = vector.broadcast %get3A_285 : vector<1x128xf32> to vector<1000x128xf32>
    %add3A_287 = arith.addf %add3A_282, %add3A_286 : vector<1000x128xf32>
    %swap3A_288 = arith.constant 3000 : index
    %swap3A_289 = arith.constant 0 : index
    %swap3A_290 = vector.load %arg28[%swap3A_288, %swap3A_289] : memref<10000x128xf32, #tpu.memory_space<vmem>>, vector<1000x128xf32>
    tpu.vector_store %arg28[%swap3A_288, %swap3A_289], %add3A_287 {strides = array<i32>} : memref<10000x128xf32, #tpu.memory_space<vmem>>, vector<1000x128xf32>,
    %get3A_291 = arith.constant 3 : index
    %get3A_292 = arith.constant 0 : index
    %get3A_293 = arith.constant 0 : index
    %get3A_294 = vector.load %arg12[%get3A_291, %get3A_292, %get3A_293] : memref<10x1x1000xi32, #tpu.memory_space<vmem>>, vector<1x1x1000xi32>
    %get3A_295 = vector.shape_cast %get3A_294 : vector<1x1x1000xi32> to vector<1x1000xi32>
    %iota3A_296 = tpu.iota {dimensions = array<i32: 0>} : vector<8x1000xi32>
    %eq3A_297 = vector.broadcast %get3A_295 : vector<1x1000xi32> to vector<8x1000xi32>
    %eq3A_298 = arith.cmpi eq, %eq3A_297, %iota3A_296 : vector<8x1000xi32>
    %convert_element_type3A_299 = arith.extui %eq3A_298 : vector<8x1000xi1> to vector<8x1000xi32>
    %convert_element_type3A_300 = arith.sitofp %convert_element_type3A_299 : vector<8x1000xi32> to vector<8x1000xf32>
    %dot_general3A_301 = arith.constant dense<0.000000e+00> : vector<8x128xf32>
    %dot_general3A_302 = tpu.matmul %convert_element_type3A_300, %add3A_287, %dot_general3A_301 {dimension_numbers = #tpu.dot_dimension_numbers<[1], [0], [0], [1], [0, 0, 1, 1], [], []>, transpose_lhs_hint = false} : vector<8x1000xf32>, vector<1000x128xf32>, vector<8x128xf32> -> vector<8x128xf32>
    %add3A_303 = arith.addf %add3A_215, %dot_general3A_302 : vector<8x128xf32>
    %reduce_sum3A_304 = arith.constant dense<0.000000e+00> : vector<8xf32>
    %reduce_sum3A_305 = vector.multi_reduction <add>, %convert_element_type3A_300, %reduce_sum3A_304 [1] : vector<8x1000xf32> to vector<8xf32>
    %broadcast_in_dim3A_306 = vector.shape_cast %reduce_sum3A_305 : vector<8xf32> to vector<8x1xf32>
    %broadcast_in_dim3A_307 = vector.shape_cast %broadcast_in_dim3A_306 : vector<8x1xf32> to vector<8x1xf32>
    %broadcast_in_dim3A_308 = vector.broadcast %broadcast_in_dim3A_307 : vector<8x1xf32> to vector<8x128xf32>
    %add3A_309 = arith.addf %add3A_221, %broadcast_in_dim3A_308 : vector<8x128xf32>
    %get3A_310 = arith.constant 0 : index
    %get3A_311 = arith.constant 3000 : index
    %get3A_312 = arith.constant 0 : index
    %get3A_313 = vector.load %arg1[%get3A_310, %get3A_311, %get3A_312] : memref<2x10000x128xf32, #tpu.memory_space<vmem>>, vector<1x1000x128xf32>
    %get3A_314 = vector.shape_cast %get3A_313 : vector<1x1000x128xf32> to vector<1000x128xf32>
    %add3A_315 = arith.addf %get3A_266, %get3A_314 : vector<1000x128xf32>
    %get3A_316 = arith.constant 1 : index
    %get3A_317 = arith.constant 3000 : index
    %get3A_318 = arith.constant 0 : index
    %get3A_319 = vector.load %arg1[%get3A_316, %get3A_317, %get3A_318] : memref<2x10000x128xf32, #tpu.memory_space<vmem>>, vector<1x1000x128xf32>
    %get3A_320 = vector.shape_cast %get3A_319 : vector<1x1000x128xf32> to vector<1000x128xf32>
    %add3A_321 = arith.addf %get3A_271, %get3A_320 : vector<1000x128xf32>
    %get3A_322 = arith.constant 0 : index
    %get3A_323 = arith.constant 0 : index
    %get3A_324 = vector.load %arg2[%get3A_322, %get3A_323] : memref<256x256xf32, #tpu.memory_space<vmem>>, vector<128x256xf32>
    %dot_general3A_325 = arith.constant dense<0.000000e+00> : vector<1000x256xf32>
    %dot_general3A_326 = tpu.matmul %add3A_315, %get3A_324, %dot_general3A_325 {dimension_numbers = #tpu.dot_dimension_numbers<[1], [0], [0], [1], [0, 0, 1, 1], [], []>, transpose_lhs_hint = false} : vector<1000x128xf32>, vector<128x256xf32>, vector<1000x256xf32> -> vector<1000x256xf32>
    %get3A_327 = arith.constant 128 : index
    %get3A_328 = arith.constant 0 : index
    %get3A_329 = vector.load %arg2[%get3A_327, %get3A_328] : memref<256x256xf32, #tpu.memory_space<vmem>>, vector<128x256xf32>
    %dot_general3A_330 = arith.constant dense<0.000000e+00> : vector<1000x256xf32>
    %dot_general3A_331 = tpu.matmul %add3A_321, %get3A_329, %dot_general3A_330 {dimension_numbers = #tpu.dot_dimension_numbers<[1], [0], [0], [1], [0, 0, 1, 1], [], []>, transpose_lhs_hint = false} : vector<1000x128xf32>, vector<128x256xf32>, vector<1000x256xf32> -> vector<1000x256xf32>
    %add3A_332 = arith.addf %dot_general3A_326, %dot_general3A_331 : vector<1000x256xf32>
    %get3A_333 = arith.constant 0 : index
    %get3A_334 = arith.constant 0 : index
    %get3A_335 = vector.load %arg3[%get3A_333, %get3A_334] : memref<1x256xf32, #tpu.memory_space<vmem>>, vector<1x256xf32>
    %add3A_336 = vector.broadcast %get3A_335 : vector<1x256xf32> to vector<1000x256xf32>
    %add3A_337 = arith.addf %add3A_332, %add3A_336 : vector<1000x256xf32>
    %swap3A_338 = arith.constant 3000 : index
    %swap3A_339 = arith.constant 0 : index
    %swap3A_340 = vector.load %arg25[%swap3A_338, %swap3A_339] : memref<10000x256xf32, #tpu.memory_space<vmem>>, vector<1000x256xf32>
    tpu.vector_store %arg25[%swap3A_338, %swap3A_339], %add3A_337 {strides = array<i32>} : memref<10000x256xf32, #tpu.memory_space<vmem>>, vector<1000x256xf32>,
    %reduce_sum3A_341 = arith.constant dense<0.000000e+00> : vector<256xf32>
    %reduce_sum3A_342 = vector.multi_reduction <add>, %add3A_337, %reduce_sum3A_341 [0] : vector<1000x256xf32> to vector<256xf32>
    %broadcast_in_dim3A_343 = vector.shape_cast %reduce_sum3A_342 : vector<256xf32> to vector<1x256xf32>
    %add3A_344 = arith.addf %add3A_256, %broadcast_in_dim3A_343 : vector<1x256xf32>
    %mul3A_345 = arith.mulf %add3A_337, %add3A_337 : vector<1000x256xf32>
    %reduce_sum3A_346 = arith.constant dense<0.000000e+00> : vector<256xf32>
    %reduce_sum3A_347 = vector.multi_reduction <add>, %mul3A_345, %reduce_sum3A_346 [0] : vector<1000x256xf32> to vector<256xf32>
    %broadcast_in_dim3A_348 = vector.shape_cast %reduce_sum3A_347 : vector<256xf32> to vector<1x256xf32>
    %add3A_349 = arith.addf %add3A_261, %broadcast_in_dim3A_348 : vector<1x256xf32>
    %get3A_350 = arith.constant 0 : index
    %get3A_351 = arith.constant 4000 : index
    %get3A_352 = arith.constant 0 : index
    %get3A_353 = vector.load %arg0[%get3A_350, %get3A_351, %get3A_352] : memref<2x10000x128xf32, #tpu.memory_space<vmem>>, vector<1x1000x128xf32>
    %get3A_354 = vector.shape_cast %get3A_353 : vector<1x1000x128xf32> to vector<1000x128xf32>
    %get3A_355 = arith.constant 1 : index
    %get3A_356 = arith.constant 4000 : index
    %get3A_357 = arith.constant 0 : index
    %get3A_358 = vector.load %arg0[%get3A_355, %get3A_356, %get3A_357] : memref<2x10000x128xf32, #tpu.memory_space<vmem>>, vector<1x1000x128xf32>
    %get3A_359 = vector.shape_cast %get3A_358 : vector<1x1000x128xf32> to vector<1000x128xf32>
    %get3A_360 = arith.constant 0 : index
    %get3A_361 = arith.constant 0 : index
    %get3A_362 = vector.load %arg10[%get3A_360, %get3A_361] : memref<256x128xf32, #tpu.memory_space<vmem>>, vector<128x128xf32>
    %dot_general3A_363 = arith.constant dense<0.000000e+00> : vector<1000x128xf32>
    %dot_general3A_364 = tpu.matmul %get3A_354, %get3A_362, %dot_general3A_363 {dimension_numbers = #tpu.dot_dimension_numbers<[1], [0], [0], [1], [0, 0, 1, 1], [], []>, transpose_lhs_hint = false} : vector<1000x128xf32>, vector<128x128xf32>, vector<1000x128xf32> -> vector<1000x128xf32>
    %get3A_365 = arith.constant 128 : index
    %get3A_366 = arith.constant 0 : index
    %get3A_367 = vector.load %arg10[%get3A_365, %get3A_366] : memref<256x128xf32, #tpu.memory_space<vmem>>, vector<128x128xf32>
    %dot_general3A_368 = arith.constant dense<0.000000e+00> : vector<1000x128xf32>
    %dot_general3A_369 = tpu.matmul %get3A_359, %get3A_367, %dot_general3A_368 {dimension_numbers = #tpu.dot_dimension_numbers<[1], [0], [0], [1], [0, 0, 1, 1], [], []>, transpose_lhs_hint = false} : vector<1000x128xf32>, vector<128x128xf32>, vector<1000x128xf32> -> vector<1000x128xf32>
    %add3A_370 = arith.addf %dot_general3A_364, %dot_general3A_369 : vector<1000x128xf32>
    %get3A_371 = arith.constant 0 : index
    %get3A_372 = arith.constant 0 : index
    %get3A_373 = vector.load %arg11[%get3A_371, %get3A_372] : memref<1x128xf32, #tpu.memory_space<vmem>>, vector<1x128xf32>
    %add3A_374 = vector.broadcast %get3A_373 : vector<1x128xf32> to vector<1000x128xf32>
    %add3A_375 = arith.addf %add3A_370, %add3A_374 : vector<1000x128xf32>
    %swap3A_376 = arith.constant 4000 : index
    %swap3A_377 = arith.constant 0 : index
    %swap3A_378 = vector.load %arg28[%swap3A_376, %swap3A_377] : memref<10000x128xf32, #tpu.memory_space<vmem>>, vector<1000x128xf32>
    tpu.vector_store %arg28[%swap3A_376, %swap3A_377], %add3A_375 {strides = array<i32>} : memref<10000x128xf32, #tpu.memory_space<vmem>>, vector<1000x128xf32>,
    %get3A_379 = arith.constant 4 : index
    %get3A_380 = arith.constant 0 : index
    %get3A_381 = arith.constant 0 : index
    %get3A_382 = vector.load %arg12[%get3A_379, %get3A_380, %get3A_381] : memref<10x1x1000xi32, #tpu.memory_space<vmem>>, vector<1x1x1000xi32>
    %get3A_383 = vector.shape_cast %get3A_382 : vector<1x1x1000xi32> to vector<1x1000xi32>
    %iota3A_384 = tpu.iota {dimensions = array<i32: 0>} : vector<8x1000xi32>
    %eq3A_385 = vector.broadcast %get3A_383 : vector<1x1000xi32> to vector<8x1000xi32>
    %eq3A_386 = arith.cmpi eq, %eq3A_385, %iota3A_384 : vector<8x1000xi32>
    %convert_element_type3A_387 = arith.extui %eq3A_386 : vector<8x1000xi1> to vector<8x1000xi32>
    %convert_element_type3A_388 = arith.sitofp %convert_element_type3A_387 : vector<8x1000xi32> to vector<8x1000xf32>
    %dot_general3A_389 = arith.constant dense<0.000000e+00> : vector<8x128xf32>
    %dot_general3A_390 = tpu.matmul %convert_element_type3A_388, %add3A_375, %dot_general3A_389 {dimension_numbers = #tpu.dot_dimension_numbers<[1], [0], [0], [1], [0, 0, 1, 1], [], []>, transpose_lhs_hint = false} : vector<8x1000xf32>, vector<1000x128xf32>, vector<8x128xf32> -> vector<8x128xf32>
    %add3A_391 = arith.addf %add3A_303, %dot_general3A_390 : vector<8x128xf32>
    %reduce_sum3A_392 = arith.constant dense<0.000000e+00> : vector<8xf32>
    %reduce_sum3A_393 = vector.multi_reduction <add>, %convert_element_type3A_388, %reduce_sum3A_392 [1] : vector<8x1000xf32> to vector<8xf32>
    %broadcast_in_dim3A_394 = vector.shape_cast %reduce_sum3A_393 : vector<8xf32> to vector<8x1xf32>
    %broadcast_in_dim3A_395 = vector.shape_cast %broadcast_in_dim3A_394 : vector<8x1xf32> to vector<8x1xf32>
    %broadcast_in_dim3A_396 = vector.broadcast %broadcast_in_dim3A_395 : vector<8x1xf32> to vector<8x128xf32>
    %add3A_397 = arith.addf %add3A_309, %broadcast_in_dim3A_396 : vector<8x128xf32>
    %get3A_398 = arith.constant 0 : index
    %get3A_399 = arith.constant 4000 : index
    %get3A_400 = arith.constant 0 : index
    %get3A_401 = vector.load %arg1[%get3A_398, %get3A_399, %get3A_400] : memref<2x10000x128xf32, #tpu.memory_space<vmem>>, vector<1x1000x128xf32>
    %get3A_402 = vector.shape_cast %get3A_401 : vector<1x1000x128xf32> to vector<1000x128xf32>
    %add3A_403 = arith.addf %get3A_354, %get3A_402 : vector<1000x128xf32>
    %get3A_404 = arith.constant 1 : index
    %get3A_405 = arith.constant 4000 : index
    %get3A_406 = arith.constant 0 : index
    %get3A_407 = vector.load %arg1[%get3A_404, %get3A_405, %get3A_406] : memref<2x10000x128xf32, #tpu.memory_space<vmem>>, vector<1x1000x128xf32>
    %get3A_408 = vector.shape_cast %get3A_407 : vector<1x1000x128xf32> to vector<1000x128xf32>
    %add3A_409 = arith.addf %get3A_359, %get3A_408 : vector<1000x128xf32>
    %get3A_410 = arith.constant 0 : index
    %get3A_411 = arith.constant 0 : index
    %get3A_412 = vector.load %arg2[%get3A_410, %get3A_411] : memref<256x256xf32, #tpu.memory_space<vmem>>, vector<128x256xf32>
    %dot_general3A_413 = arith.constant dense<0.000000e+00> : vector<1000x256xf32>
    %dot_general3A_414 = tpu.matmul %add3A_403, %get3A_412, %dot_general3A_413 {dimension_numbers = #tpu.dot_dimension_numbers<[1], [0], [0], [1], [0, 0, 1, 1], [], []>, transpose_lhs_hint = false} : vector<1000x128xf32>, vector<128x256xf32>, vector<1000x256xf32> -> vector<1000x256xf32>
    %get3A_415 = arith.constant 128 : index
    %get3A_416 = arith.constant 0 : index
    %get3A_417 = vector.load %arg2[%get3A_415, %get3A_416] : memref<256x256xf32, #tpu.memory_space<vmem>>, vector<128x256xf32>
    %dot_general3A_418 = arith.constant dense<0.000000e+00> : vector<1000x256xf32>
    %dot_general3A_419 = tpu.matmul %add3A_409, %get3A_417, %dot_general3A_418 {dimension_numbers = #tpu.dot_dimension_numbers<[1], [0], [0], [1], [0, 0, 1, 1], [], []>, transpose_lhs_hint = false} : vector<1000x128xf32>, vector<128x256xf32>, vector<1000x256xf32> -> vector<1000x256xf32>
    %add3A_420 = arith.addf %dot_general3A_414, %dot_general3A_419 : vector<1000x256xf32>
    %get3A_421 = arith.constant 0 : index
    %get3A_422 = arith.constant 0 : index
    %get3A_423 = vector.load %arg3[%get3A_421, %get3A_422] : memref<1x256xf32, #tpu.memory_space<vmem>>, vector<1x256xf32>
    %add3A_424 = vector.broadcast %get3A_423 : vector<1x256xf32> to vector<1000x256xf32>
    %add3A_425 = arith.addf %add3A_420, %add3A_424 : vector<1000x256xf32>
    %swap3A_426 = arith.constant 4000 : index
    %swap3A_427 = arith.constant 0 : index
    %swap3A_428 = vector.load %arg25[%swap3A_426, %swap3A_427] : memref<10000x256xf32, #tpu.memory_space<vmem>>, vector<1000x256xf32>
    tpu.vector_store %arg25[%swap3A_426, %swap3A_427], %add3A_425 {strides = array<i32>} : memref<10000x256xf32, #tpu.memory_space<vmem>>, vector<1000x256xf32>,
    %reduce_sum3A_429 = arith.constant dense<0.000000e+00> : vector<256xf32>
    %reduce_sum3A_430 = vector.multi_reduction <add>, %add3A_425, %reduce_sum3A_429 [0] : vector<1000x256xf32> to vector<256xf32>
    %broadcast_in_dim3A_431 = vector.shape_cast %reduce_sum3A_430 : vector<256xf32> to vector<1x256xf32>
    %add3A_432 = arith.addf %add3A_344, %broadcast_in_dim3A_431 : vector<1x256xf32>
    %mul3A_433 = arith.mulf %add3A_425, %add3A_425 : vector<1000x256xf32>
    %reduce_sum3A_434 = arith.constant dense<0.000000e+00> : vector<256xf32>
    %reduce_sum3A_435 = vector.multi_reduction <add>, %mul3A_433, %reduce_sum3A_434 [0] : vector<1000x256xf32> to vector<256xf32>
    %broadcast_in_dim3A_436 = vector.shape_cast %reduce_sum3A_435 : vector<256xf32> to vector<1x256xf32>
    %add3A_437 = arith.addf %add3A_349, %broadcast_in_dim3A_436 : vector<1x256xf32>
    %get3A_438 = arith.constant 0 : index
    %get3A_439 = arith.constant 5000 : index
    %get3A_440 = arith.constant 0 : index
    %get3A_441 = vector.load %arg0[%get3A_438, %get3A_439, %get3A_440] : memref<2x10000x128xf32, #tpu.memory_space<vmem>>, vector<1x1000x128xf32>
    %get3A_442 = vector.shape_cast %get3A_441 : vector<1x1000x128xf32> to vector<1000x128xf32>
    %get3A_443 = arith.constant 1 : index
    %get3A_444 = arith.constant 5000 : index
    %get3A_445 = arith.constant 0 : index
    %get3A_446 = vector.load %arg0[%get3A_443, %get3A_444, %get3A_445] : memref<2x10000x128xf32, #tpu.memory_space<vmem>>, vector<1x1000x128xf32>
    %get3A_447 = vector.shape_cast %get3A_446 : vector<1x1000x128xf32> to vector<1000x128xf32>
    %get3A_448 = arith.constant 0 : index
    %get3A_449 = arith.constant 0 : index
    %get3A_450 = vector.load %arg10[%get3A_448, %get3A_449] : memref<256x128xf32, #tpu.memory_space<vmem>>, vector<128x128xf32>
    %dot_general3A_451 = arith.constant dense<0.000000e+00> : vector<1000x128xf32>
    %dot_general3A_452 = tpu.matmul %get3A_442, %get3A_450, %dot_general3A_451 {dimension_numbers = #tpu.dot_dimension_numbers<[1], [0], [0], [1], [0, 0, 1, 1], [], []>, transpose_lhs_hint = false} : vector<1000x128xf32>, vector<128x128xf32>, vector<1000x128xf32> -> vector<1000x128xf32>
    %get3A_453 = arith.constant 128 : index
    %get3A_454 = arith.constant 0 : index
    %get3A_455 = vector.load %arg10[%get3A_453, %get3A_454] : memref<256x128xf32, #tpu.memory_space<vmem>>, vector<128x128xf32>
    %dot_general3A_456 = arith.constant dense<0.000000e+00> : vector<1000x128xf32>
    %dot_general3A_457 = tpu.matmul %get3A_447, %get3A_455, %dot_general3A_456 {dimension_numbers = #tpu.dot_dimension_numbers<[1], [0], [0], [1], [0, 0, 1, 1], [], []>, transpose_lhs_hint = false} : vector<1000x128xf32>, vector<128x128xf32>, vector<1000x128xf32> -> vector<1000x128xf32>
    %add3A_458 = arith.addf %dot_general3A_452, %dot_general3A_457 : vector<1000x128xf32>
    %get3A_459 = arith.constant 0 : index
    %get3A_460 = arith.constant 0 : index
    %get3A_461 = vector.load %arg11[%get3A_459, %get3A_460] : memref<1x128xf32, #tpu.memory_space<vmem>>, vector<1x128xf32>
    %add3A_462 = vector.broadcast %get3A_461 : vector<1x128xf32> to vector<1000x128xf32>
    %add3A_463 = arith.addf %add3A_458, %add3A_462 : vector<1000x128xf32>
    %swap3A_464 = arith.constant 5000 : index
    %swap3A_465 = arith.constant 0 : index
    %swap3A_466 = vector.load %arg28[%swap3A_464, %swap3A_465] : memref<10000x128xf32, #tpu.memory_space<vmem>>, vector<1000x128xf32>
    tpu.vector_store %arg28[%swap3A_464, %swap3A_465], %add3A_463 {strides = array<i32>} : memref<10000x128xf32, #tpu.memory_space<vmem>>, vector<1000x128xf32>,
    %get3A_467 = arith.constant 5 : index
    %get3A_468 = arith.constant 0 : index
    %get3A_469 = arith.constant 0 : index
    %get3A_470 = vector.load %arg12[%get3A_467, %get3A_468, %get3A_469] : memref<10x1x1000xi32, #tpu.memory_space<vmem>>, vector<1x1x1000xi32>
    %get3A_471 = vector.shape_cast %get3A_470 : vector<1x1x1000xi32> to vector<1x1000xi32>
    %iota3A_472 = tpu.iota {dimensions = array<i32: 0>} : vector<8x1000xi32>
    %eq3A_473 = vector.broadcast %get3A_471 : vector<1x1000xi32> to vector<8x1000xi32>
    %eq3A_474 = arith.cmpi eq, %eq3A_473, %iota3A_472 : vector<8x1000xi32>
    %convert_element_type3A_475 = arith.extui %eq3A_474 : vector<8x1000xi1> to vector<8x1000xi32>
    %convert_element_type3A_476 = arith.sitofp %convert_element_type3A_475 : vector<8x1000xi32> to vector<8x1000xf32>
    %dot_general3A_477 = arith.constant dense<0.000000e+00> : vector<8x128xf32>
    %dot_general3A_478 = tpu.matmul %convert_element_type3A_476, %add3A_463, %dot_general3A_477 {dimension_numbers = #tpu.dot_dimension_numbers<[1], [0], [0], [1], [0, 0, 1, 1], [], []>, transpose_lhs_hint = false} : vector<8x1000xf32>, vector<1000x128xf32>, vector<8x128xf32> -> vector<8x128xf32>
    %add3A_479 = arith.addf %add3A_391, %dot_general3A_478 : vector<8x128xf32>
    %reduce_sum3A_480 = arith.constant dense<0.000000e+00> : vector<8xf32>
    %reduce_sum3A_481 = vector.multi_reduction <add>, %convert_element_type3A_476, %reduce_sum3A_480 [1] : vector<8x1000xf32> to vector<8xf32>
    %broadcast_in_dim3A_482 = vector.shape_cast %reduce_sum3A_481 : vector<8xf32> to vector<8x1xf32>
    %broadcast_in_dim3A_483 = vector.shape_cast %broadcast_in_dim3A_482 : vector<8x1xf32> to vector<8x1xf32>
    %broadcast_in_dim3A_484 = vector.broadcast %broadcast_in_dim3A_483 : vector<8x1xf32> to vector<8x128xf32>
    %add3A_485 = arith.addf %add3A_397, %broadcast_in_dim3A_484 : vector<8x128xf32>
    %get3A_486 = arith.constant 0 : index
    %get3A_487 = arith.constant 5000 : index
    %get3A_488 = arith.constant 0 : index
    %get3A_489 = vector.load %arg1[%get3A_486, %get3A_487, %get3A_488] : memref<2x10000x128xf32, #tpu.memory_space<vmem>>, vector<1x1000x128xf32>
    %get3A_490 = vector.shape_cast %get3A_489 : vector<1x1000x128xf32> to vector<1000x128xf32>
    %add3A_491 = arith.addf %get3A_442, %get3A_490 : vector<1000x128xf32>
    %get3A_492 = arith.constant 1 : index
    %get3A_493 = arith.constant 5000 : index
    %get3A_494 = arith.constant 0 : index
    %get3A_495 = vector.load %arg1[%get3A_492, %get3A_493, %get3A_494] : memref<2x10000x128xf32, #tpu.memory_space<vmem>>, vector<1x1000x128xf32>
    %get3A_496 = vector.shape_cast %get3A_495 : vector<1x1000x128xf32> to vector<1000x128xf32>
    %add3A_497 = arith.addf %get3A_447, %get3A_496 : vector<1000x128xf32>
    %get3A_498 = arith.constant 0 : index
    %get3A_499 = arith.constant 0 : index
    %get3A_500 = vector.load %arg2[%get3A_498, %get3A_499] : memref<256x256xf32, #tpu.memory_space<vmem>>, vector<128x256xf32>
    %dot_general3A_501 = arith.constant dense<0.000000e+00> : vector<1000x256xf32>
    %dot_general3A_502 = tpu.matmul %add3A_491, %get3A_500, %dot_general3A_501 {dimension_numbers = #tpu.dot_dimension_numbers<[1], [0], [0], [1], [0, 0, 1, 1], [], []>, transpose_lhs_hint = false} : vector<1000x128xf32>, vector<128x256xf32>, vector<1000x256xf32> -> vector<1000x256xf32>
    %get3A_503 = arith.constant 128 : index
    %get3A_504 = arith.constant 0 : index
    %get3A_505 = vector.load %arg2[%get3A_503, %get3A_504] : memref<256x256xf32, #tpu.memory_space<vmem>>, vector<128x256xf32>
    %dot_general3A_506 = arith.constant dense<0.000000e+00> : vector<1000x256xf32>
    %dot_general3A_507 = tpu.matmul %add3A_497, %get3A_505, %dot_general3A_506 {dimension_numbers = #tpu.dot_dimension_numbers<[1], [0], [0], [1], [0, 0, 1, 1], [], []>, transpose_lhs_hint = false} : vector<1000x128xf32>, vector<128x256xf32>, vector<1000x256xf32> -> vector<1000x256xf32>
    %add3A_508 = arith.addf %dot_general3A_502, %dot_general3A_507 : vector<1000x256xf32>
    %get3A_509 = arith.constant 0 : index
    %get3A_510 = arith.constant 0 : index
    %get3A_511 = vector.load %arg3[%get3A_509, %get3A_510] : memref<1x256xf32, #tpu.memory_space<vmem>>, vector<1x256xf32>
    %add3A_512 = vector.broadcast %get3A_511 : vector<1x256xf32> to vector<1000x256xf32>
    %add3A_513 = arith.addf %add3A_508, %add3A_512 : vector<1000x256xf32>
    %swap3A_514 = arith.constant 5000 : index
    %swap3A_515 = arith.constant 0 : index
    %swap3A_516 = vector.load %arg25[%swap3A_514, %swap3A_515] : memref<10000x256xf32, #tpu.memory_space<vmem>>, vector<1000x256xf32>
    tpu.vector_store %arg25[%swap3A_514, %swap3A_515], %add3A_513 {strides = array<i32>} : memref<10000x256xf32, #tpu.memory_space<vmem>>, vector<1000x256xf32>,
    %reduce_sum3A_517 = arith.constant dense<0.000000e+00> : vector<256xf32>
    %reduce_sum3A_518 = vector.multi_reduction <add>, %add3A_513, %reduce_sum3A_517 [0] : vector<1000x256xf32> to vector<256xf32>
    %broadcast_in_dim3A_519 = vector.shape_cast %reduce_sum3A_518 : vector<256xf32> to vector<1x256xf32>
    %add3A_520 = arith.addf %add3A_432, %broadcast_in_dim3A_519 : vector<1x256xf32>
    %mul3A_521 = arith.mulf %add3A_513, %add3A_513 : vector<1000x256xf32>
    %reduce_sum3A_522 = arith.constant dense<0.000000e+00> : vector<256xf32>
    %reduce_sum3A_523 = vector.multi_reduction <add>, %mul3A_521, %reduce_sum3A_522 [0] : vector<1000x256xf32> to vector<256xf32>
    %broadcast_in_dim3A_524 = vector.shape_cast %reduce_sum3A_523 : vector<256xf32> to vector<1x256xf32>
    %add3A_525 = arith.addf %add3A_437, %broadcast_in_dim3A_524 : vector<1x256xf32>
    %get3A_526 = arith.constant 0 : index
    %get3A_527 = arith.constant 6000 : index
    %get3A_528 = arith.constant 0 : index
    %get3A_529 = vector.load %arg0[%get3A_526, %get3A_527, %get3A_528] : memref<2x10000x128xf32, #tpu.memory_space<vmem>>, vector<1x1000x128xf32>
    %get3A_530 = vector.shape_cast %get3A_529 : vector<1x1000x128xf32> to vector<1000x128xf32>
    %get3A_531 = arith.constant 1 : index
    %get3A_532 = arith.constant 6000 : index
    %get3A_533 = arith.constant 0 : index
    %get3A_534 = vector.load %arg0[%get3A_531, %get3A_532, %get3A_533] : memref<2x10000x128xf32, #tpu.memory_space<vmem>>, vector<1x1000x128xf32>
    %get3A_535 = vector.shape_cast %get3A_534 : vector<1x1000x128xf32> to vector<1000x128xf32>
    %get3A_536 = arith.constant 0 : index
    %get3A_537 = arith.constant 0 : index
    %get3A_538 = vector.load %arg10[%get3A_536, %get3A_537] : memref<256x128xf32, #tpu.memory_space<vmem>>, vector<128x128xf32>
    %dot_general3A_539 = arith.constant dense<0.000000e+00> : vector<1000x128xf32>
    %dot_general3A_540 = tpu.matmul %get3A_530, %get3A_538, %dot_general3A_539 {dimension_numbers = #tpu.dot_dimension_numbers<[1], [0], [0], [1], [0, 0, 1, 1], [], []>, transpose_lhs_hint = false} : vector<1000x128xf32>, vector<128x128xf32>, vector<1000x128xf32> -> vector<1000x128xf32>
    %get3A_541 = arith.constant 128 : index
    %get3A_542 = arith.constant 0 : index
    %get3A_543 = vector.load %arg10[%get3A_541, %get3A_542] : memref<256x128xf32, #tpu.memory_space<vmem>>, vector<128x128xf32>
    %dot_general3A_544 = arith.constant dense<0.000000e+00> : vector<1000x128xf32>
    %dot_general3A_545 = tpu.matmul %get3A_535, %get3A_543, %dot_general3A_544 {dimension_numbers = #tpu.dot_dimension_numbers<[1], [0], [0], [1], [0, 0, 1, 1], [], []>, transpose_lhs_hint = false} : vector<1000x128xf32>, vector<128x128xf32>, vector<1000x128xf32> -> vector<1000x128xf32>
    %add3A_546 = arith.addf %dot_general3A_540, %dot_general3A_545 : vector<1000x128xf32>
    %get3A_547 = arith.constant 0 : index
    %get3A_548 = arith.constant 0 : index
    %get3A_549 = vector.load %arg11[%get3A_547, %get3A_548] : memref<1x128xf32, #tpu.memory_space<vmem>>, vector<1x128xf32>
    %add3A_550 = vector.broadcast %get3A_549 : vector<1x128xf32> to vector<1000x128xf32>
    %add3A_551 = arith.addf %add3A_546, %add3A_550 : vector<1000x128xf32>
    %swap3A_552 = arith.constant 6000 : index
    %swap3A_553 = arith.constant 0 : index
    %swap3A_554 = vector.load %arg28[%swap3A_552, %swap3A_553] : memref<10000x128xf32, #tpu.memory_space<vmem>>, vector<1000x128xf32>
    tpu.vector_store %arg28[%swap3A_552, %swap3A_553], %add3A_551 {strides = array<i32>} : memref<10000x128xf32, #tpu.memory_space<vmem>>, vector<1000x128xf32>,
    %get3A_555 = arith.constant 6 : index
    %get3A_556 = arith.constant 0 : index
    %get3A_557 = arith.constant 0 : index
    %get3A_558 = vector.load %arg12[%get3A_555, %get3A_556, %get3A_557] : memref<10x1x1000xi32, #tpu.memory_space<vmem>>, vector<1x1x1000xi32>
    %get3A_559 = vector.shape_cast %get3A_558 : vector<1x1x1000xi32> to vector<1x1000xi32>
    %iota3A_560 = tpu.iota {dimensions = array<i32: 0>} : vector<8x1000xi32>
    %eq3A_561 = vector.broadcast %get3A_559 : vector<1x1000xi32> to vector<8x1000xi32>
    %eq3A_562 = arith.cmpi eq, %eq3A_561, %iota3A_560 : vector<8x1000xi32>
    %convert_element_type3A_563 = arith.extui %eq3A_562 : vector<8x1000xi1> to vector<8x1000xi32>
    %convert_element_type3A_564 = arith.sitofp %convert_element_type3A_563 : vector<8x1000xi32> to vector<8x1000xf32>
    %dot_general3A_565 = arith.constant dense<0.000000e+00> : vector<8x128xf32>
    %dot_general3A_566 = tpu.matmul %convert_element_type3A_564, %add3A_551, %dot_general3A_565 {dimension_numbers = #tpu.dot_dimension_numbers<[1], [0], [0], [1], [0, 0, 1, 1], [], []>, transpose_lhs_hint = false} : vector<8x1000xf32>, vector<1000x128xf32>, vector<8x128xf32> -> vector<8x128xf32>
    %add3A_567 = arith.addf %add3A_479, %dot_general3A_566 : vector<8x128xf32>
    %reduce_sum3A_568 = arith.constant dense<0.000000e+00> : vector<8xf32>
    %reduce_sum3A_569 = vector.multi_reduction <add>, %convert_element_type3A_564, %reduce_sum3A_568 [1] : vector<8x1000xf32> to vector<8xf32>
    %broadcast_in_dim3A_570 = vector.shape_cast %reduce_sum3A_569 : vector<8xf32> to vector<8x1xf32>
    %broadcast_in_dim3A_571 = vector.shape_cast %broadcast_in_dim3A_570 : vector<8x1xf32> to vector<8x1xf32>
    %broadcast_in_dim3A_572 = vector.broadcast %broadcast_in_dim3A_571 : vector<8x1xf32> to vector<8x128xf32>
    %add3A_573 = arith.addf %add3A_485, %broadcast_in_dim3A_572 : vector<8x128xf32>
    %get3A_574 = arith.constant 0 : index
    %get3A_575 = arith.constant 6000 : index
    %get3A_576 = arith.constant 0 : index
    %get3A_577 = vector.load %arg1[%get3A_574, %get3A_575, %get3A_576] : memref<2x10000x128xf32, #tpu.memory_space<vmem>>, vector<1x1000x128xf32>
    %get3A_578 = vector.shape_cast %get3A_577 : vector<1x1000x128xf32> to vector<1000x128xf32>
    %add3A_579 = arith.addf %get3A_530, %get3A_578 : vector<1000x128xf32>
    %get3A_580 = arith.constant 1 : index
    %get3A_581 = arith.constant 6000 : index
    %get3A_582 = arith.constant 0 : index
    %get3A_583 = vector.load %arg1[%get3A_580, %get3A_581, %get3A_582] : memref<2x10000x128xf32, #tpu.memory_space<vmem>>, vector<1x1000x128xf32>
    %get3A_584 = vector.shape_cast %get3A_583 : vector<1x1000x128xf32> to vector<1000x128xf32>
    %add3A_585 = arith.addf %get3A_535, %get3A_584 : vector<1000x128xf32>
    %get3A_586 = arith.constant 0 : index
    %get3A_587 = arith.constant 0 : index
    %get3A_588 = vector.load %arg2[%get3A_586, %get3A_587] : memref<256x256xf32, #tpu.memory_space<vmem>>, vector<128x256xf32>
    %dot_general3A_589 = arith.constant dense<0.000000e+00> : vector<1000x256xf32>
    %dot_general3A_590 = tpu.matmul %add3A_579, %get3A_588, %dot_general3A_589 {dimension_numbers = #tpu.dot_dimension_numbers<[1], [0], [0], [1], [0, 0, 1, 1], [], []>, transpose_lhs_hint = false} : vector<1000x128xf32>, vector<128x256xf32>, vector<1000x256xf32> -> vector<1000x256xf32>
    %get3A_591 = arith.constant 128 : index
    %get3A_592 = arith.constant 0 : index
    %get3A_593 = vector.load %arg2[%get3A_591, %get3A_592] : memref<256x256xf32, #tpu.memory_space<vmem>>, vector<128x256xf32>
    %dot_general3A_594 = arith.constant dense<0.000000e+00> : vector<1000x256xf32>
    %dot_general3A_595 = tpu.matmul %add3A_585, %get3A_593, %dot_general3A_594 {dimension_numbers = #tpu.dot_dimension_numbers<[1], [0], [0], [1], [0, 0, 1, 1], [], []>, transpose_lhs_hint = false} : vector<1000x128xf32>, vector<128x256xf32>, vector<1000x256xf32> -> vector<1000x256xf32>
    %add3A_596 = arith.addf %dot_general3A_590, %dot_general3A_595 : vector<1000x256xf32>
    %get3A_597 = arith.constant 0 : index
    %get3A_598 = arith.constant 0 : index
    %get3A_599 = vector.load %arg3[%get3A_597, %get3A_598] : memref<1x256xf32, #tpu.memory_space<vmem>>, vector<1x256xf32>
    %add3A_600 = vector.broadcast %get3A_599 : vector<1x256xf32> to vector<1000x256xf32>
    %add3A_601 = arith.addf %add3A_596, %add3A_600 : vector<1000x256xf32>
    %swap3A_602 = arith.constant 6000 : index
    %swap3A_603 = arith.constant 0 : index
    %swap3A_604 = vector.load %arg25[%swap3A_602, %swap3A_603] : memref<10000x256xf32, #tpu.memory_space<vmem>>, vector<1000x256xf32>
    tpu.vector_store %arg25[%swap3A_602, %swap3A_603], %add3A_601 {strides = array<i32>} : memref<10000x256xf32, #tpu.memory_space<vmem>>, vector<1000x256xf32>,
    %reduce_sum3A_605 = arith.constant dense<0.000000e+00> : vector<256xf32>
    %reduce_sum3A_606 = vector.multi_reduction <add>, %add3A_601, %reduce_sum3A_605 [0] : vector<1000x256xf32> to vector<256xf32>
    %broadcast_in_dim3A_607 = vector.shape_cast %reduce_sum3A_606 : vector<256xf32> to vector<1x256xf32>
    %add3A_608 = arith.addf %add3A_520, %broadcast_in_dim3A_607 : vector<1x256xf32>
    %mul3A_609 = arith.mulf %add3A_601, %add3A_601 : vector<1000x256xf32>
    %reduce_sum3A_610 = arith.constant dense<0.000000e+00> : vector<256xf32>
    %reduce_sum3A_611 = vector.multi_reduction <add>, %mul3A_609, %reduce_sum3A_610 [0] : vector<1000x256xf32> to vector<256xf32>
    %broadcast_in_dim3A_612 = vector.shape_cast %reduce_sum3A_611 : vector<256xf32> to vector<1x256xf32>
    %add3A_613 = arith.addf %add3A_525, %broadcast_in_dim3A_612 : vector<1x256xf32>
    %get3A_614 = arith.constant 0 : index
    %get3A_615 = arith.constant 7000 : index
    %get3A_616 = arith.constant 0 : index
    %get3A_617 = vector.load %arg0[%get3A_614, %get3A_615, %get3A_616] : memref<2x10000x128xf32, #tpu.memory_space<vmem>>, vector<1x1000x128xf32>
    %get3A_618 = vector.shape_cast %get3A_617 : vector<1x1000x128xf32> to vector<1000x128xf32>
    %get3A_619 = arith.constant 1 : index
    %get3A_620 = arith.constant 7000 : index
    %get3A_621 = arith.constant 0 : index
    %get3A_622 = vector.load %arg0[%get3A_619, %get3A_620, %get3A_621] : memref<2x10000x128xf32, #tpu.memory_space<vmem>>, vector<1x1000x128xf32>
    %get3A_623 = vector.shape_cast %get3A_622 : vector<1x1000x128xf32> to vector<1000x128xf32>
    %get3A_624 = arith.constant 0 : index
    %get3A_625 = arith.constant 0 : index
    %get3A_626 = vector.load %arg10[%get3A_624, %get3A_625] : memref<256x128xf32, #tpu.memory_space<vmem>>, vector<128x128xf32>
    %dot_general3A_627 = arith.constant dense<0.000000e+00> : vector<1000x128xf32>
    %dot_general3A_628 = tpu.matmul %get3A_618, %get3A_626, %dot_general3A_627 {dimension_numbers = #tpu.dot_dimension_numbers<[1], [0], [0], [1], [0, 0, 1, 1], [], []>, transpose_lhs_hint = false} : vector<1000x128xf32>, vector<128x128xf32>, vector<1000x128xf32> -> vector<1000x128xf32>
    %get3A_629 = arith.constant 128 : index
    %get3A_630 = arith.constant 0 : index
    %get3A_631 = vector.load %arg10[%get3A_629, %get3A_630] : memref<256x128xf32, #tpu.memory_space<vmem>>, vector<128x128xf32>
    %dot_general3A_632 = arith.constant dense<0.000000e+00> : vector<1000x128xf32>
    %dot_general3A_633 = tpu.matmul %get3A_623, %get3A_631, %dot_general3A_632 {dimension_numbers = #tpu.dot_dimension_numbers<[1], [0], [0], [1], [0, 0, 1, 1], [], []>, transpose_lhs_hint = false} : vector<1000x128xf32>, vector<128x128xf32>, vector<1000x128xf32> -> vector<1000x128xf32>
    %add3A_634 = arith.addf %dot_general3A_628, %dot_general3A_633 : vector<1000x128xf32>
    %get3A_635 = arith.constant 0 : index
    %get3A_636 = arith.constant 0 : index
    %get3A_637 = vector.load %arg11[%get3A_635, %get3A_636] : memref<1x128xf32, #tpu.memory_space<vmem>>, vector<1x128xf32>
    %add3A_638 = vector.broadcast %get3A_637 : vector<1x128xf32> to vector<1000x128xf32>
    %add3A_639 = arith.addf %add3A_634, %add3A_638 : vector<1000x128xf32>
    %swap3A_640 = arith.constant 7000 : index
    %swap3A_641 = arith.constant 0 : index
    %swap3A_642 = vector.load %arg28[%swap3A_640, %swap3A_641] : memref<10000x128xf32, #tpu.memory_space<vmem>>, vector<1000x128xf32>
    tpu.vector_store %arg28[%swap3A_640, %swap3A_641], %add3A_639 {strides = array<i32>} : memref<10000x128xf32, #tpu.memory_space<vmem>>, vector<1000x128xf32>,
    %get3A_643 = arith.constant 7 : index
    %get3A_644 = arith.constant 0 : index
    %get3A_645 = arith.constant 0 : index
    %get3A_646 = vector.load %arg12[%get3A_643, %get3A_644, %get3A_645] : memref<10x1x1000xi32, #tpu.memory_space<vmem>>, vector<1x1x1000xi32>
    %get3A_647 = vector.shape_cast %get3A_646 : vector<1x1x1000xi32> to vector<1x1000xi32>
    %iota3A_648 = tpu.iota {dimensions = array<i32: 0>} : vector<8x1000xi32>
    %eq3A_649 = vector.broadcast %get3A_647 : vector<1x1000xi32> to vector<8x1000xi32>
    %eq3A_650 = arith.cmpi eq, %eq3A_649, %iota3A_648 : vector<8x1000xi32>
    %convert_element_type3A_651 = arith.extui %eq3A_650 : vector<8x1000xi1> to vector<8x1000xi32>
    %convert_element_type3A_652 = arith.sitofp %convert_element_type3A_651 : vector<8x1000xi32> to vector<8x1000xf32>
    %dot_general3A_653 = arith.constant dense<0.000000e+00> : vector<8x128xf32>
    %dot_general3A_654 = tpu.matmul %convert_element_type3A_652, %add3A_639, %dot_general3A_653 {dimension_numbers = #tpu.dot_dimension_numbers<[1], [0], [0], [1], [0, 0, 1, 1], [], []>, transpose_lhs_hint = false} : vector<8x1000xf32>, vector<1000x128xf32>, vector<8x128xf32> -> vector<8x128xf32>
    %add3A_655 = arith.addf %add3A_567, %dot_general3A_654 : vector<8x128xf32>
    %reduce_sum3A_656 = arith.constant dense<0.000000e+00> : vector<8xf32>
    %reduce_sum3A_657 = vector.multi_reduction <add>, %convert_element_type3A_652, %reduce_sum3A_656 [1] : vector<8x1000xf32> to vector<8xf32>
    %broadcast_in_dim3A_658 = vector.shape_cast %reduce_sum3A_657 : vector<8xf32> to vector<8x1xf32>
    %broadcast_in_dim3A_659 = vector.shape_cast %broadcast_in_dim3A_658 : vector<8x1xf32> to vector<8x1xf32>
    %broadcast_in_dim3A_660 = vector.broadcast %broadcast_in_dim3A_659 : vector<8x1xf32> to vector<8x128xf32>
    %add3A_661 = arith.addf %add3A_573, %broadcast_in_dim3A_660 : vector<8x128xf32>
    %get3A_662 = arith.constant 0 : index
    %get3A_663 = arith.constant 7000 : index
    %get3A_664 = arith.constant 0 : index
    %get3A_665 = vector.load %arg1[%get3A_662, %get3A_663, %get3A_664] : memref<2x10000x128xf32, #tpu.memory_space<vmem>>, vector<1x1000x128xf32>
    %get3A_666 = vector.shape_cast %get3A_665 : vector<1x1000x128xf32> to vector<1000x128xf32>
    %add3A_667 = arith.addf %get3A_618, %get3A_666 : vector<1000x128xf32>
    %get3A_668 = arith.constant 1 : index
    %get3A_669 = arith.constant 7000 : index
    %get3A_670 = arith.constant 0 : index
    %get3A_671 = vector.load %arg1[%get3A_668, %get3A_669, %get3A_670] : memref<2x10000x128xf32, #tpu.memory_space<vmem>>, vector<1x1000x128xf32>
    %get3A_672 = vector.shape_cast %get3A_671 : vector<1x1000x128xf32> to vector<1000x128xf32>
    %add3A_673 = arith.addf %get3A_623, %get3A_672 : vector<1000x128xf32>
    %get3A_674 = arith.constant 0 : index
    %get3A_675 = arith.constant 0 : index
    %get3A_676 = vector.load %arg2[%get3A_674, %get3A_675] : memref<256x256xf32, #tpu.memory_space<vmem>>, vector<128x256xf32>
    %dot_general3A_677 = arith.constant dense<0.000000e+00> : vector<1000x256xf32>
    %dot_general3A_678 = tpu.matmul %add3A_667, %get3A_676, %dot_general3A_677 {dimension_numbers = #tpu.dot_dimension_numbers<[1], [0], [0], [1], [0, 0, 1, 1], [], []>, transpose_lhs_hint = false} : vector<1000x128xf32>, vector<128x256xf32>, vector<1000x256xf32> -> vector<1000x256xf32>
    %get3A_679 = arith.constant 128 : index
    %get3A_680 = arith.constant 0 : index
    %get3A_681 = vector.load %arg2[%get3A_679, %get3A_680] : memref<256x256xf32, #tpu.memory_space<vmem>>, vector<128x256xf32>
    %dot_general3A_682 = arith.constant dense<0.000000e+00> : vector<1000x256xf32>
    %dot_general3A_683 = tpu.matmul %add3A_673, %get3A_681, %dot_general3A_682 {dimension_numbers = #tpu.dot_dimension_numbers<[1], [0], [0], [1], [0, 0, 1, 1], [], []>, transpose_lhs_hint = false} : vector<1000x128xf32>, vector<128x256xf32>, vector<1000x256xf32> -> vector<1000x256xf32>
    %add3A_684 = arith.addf %dot_general3A_678, %dot_general3A_683 : vector<1000x256xf32>
    %get3A_685 = arith.constant 0 : index
    %get3A_686 = arith.constant 0 : index
    %get3A_687 = vector.load %arg3[%get3A_685, %get3A_686] : memref<1x256xf32, #tpu.memory_space<vmem>>, vector<1x256xf32>
    %add3A_688 = vector.broadcast %get3A_687 : vector<1x256xf32> to vector<1000x256xf32>
    %add3A_689 = arith.addf %add3A_684, %add3A_688 : vector<1000x256xf32>
    %swap3A_690 = arith.constant 7000 : index
    %swap3A_691 = arith.constant 0 : index
    %swap3A_692 = vector.load %arg25[%swap3A_690, %swap3A_691] : memref<10000x256xf32, #tpu.memory_space<vmem>>, vector<1000x256xf32>
    tpu.vector_store %arg25[%swap3A_690, %swap3A_691], %add3A_689 {strides = array<i32>} : memref<10000x256xf32, #tpu.memory_space<vmem>>, vector<1000x256xf32>,
    %reduce_sum3A_693 = arith.constant dense<0.000000e+00> : vector<256xf32>
    %reduce_sum3A_694 = vector.multi_reduction <add>, %add3A_689, %reduce_sum3A_693 [0] : vector<1000x256xf32> to vector<256xf32>
    %broadcast_in_dim3A_695 = vector.shape_cast %reduce_sum3A_694 : vector<256xf32> to vector<1x256xf32>
    %add3A_696 = arith.addf %add3A_608, %broadcast_in_dim3A_695 : vector<1x256xf32>
    %mul3A_697 = arith.mulf %add3A_689, %add3A_689 : vector<1000x256xf32>
    %reduce_sum3A_698 = arith.constant dense<0.000000e+00> : vector<256xf32>
    %reduce_sum3A_699 = vector.multi_reduction <add>, %mul3A_697, %reduce_sum3A_698 [0] : vector<1000x256xf32> to vector<256xf32>
    %broadcast_in_dim3A_700 = vector.shape_cast %reduce_sum3A_699 : vector<256xf32> to vector<1x256xf32>
    %add3A_701 = arith.addf %add3A_613, %broadcast_in_dim3A_700 : vector<1x256xf32>
    %get3A_702 = arith.constant 0 : index
    %get3A_703 = arith.constant 8000 : index
    %get3A_704 = arith.constant 0 : index
    %get3A_705 = vector.load %arg0[%get3A_702, %get3A_703, %get3A_704] : memref<2x10000x128xf32, #tpu.memory_space<vmem>>, vector<1x1000x128xf32>
    %get3A_706 = vector.shape_cast %get3A_705 : vector<1x1000x128xf32> to vector<1000x128xf32>
    %get3A_707 = arith.constant 1 : index
    %get3A_708 = arith.constant 8000 : index
    %get3A_709 = arith.constant 0 : index
    %get3A_710 = vector.load %arg0[%get3A_707, %get3A_708, %get3A_709] : memref<2x10000x128xf32, #tpu.memory_space<vmem>>, vector<1x1000x128xf32>
    %get3A_711 = vector.shape_cast %get3A_710 : vector<1x1000x128xf32> to vector<1000x128xf32>
    %get3A_712 = arith.constant 0 : index
    %get3A_713 = arith.constant 0 : index
    %get3A_714 = vector.load %arg10[%get3A_712, %get3A_713] : memref<256x128xf32, #tpu.memory_space<vmem>>, vector<128x128xf32>
    %dot_general3A_715 = arith.constant dense<0.000000e+00> : vector<1000x128xf32>
    %dot_general3A_716 = tpu.matmul %get3A_706, %get3A_714, %dot_general3A_715 {dimension_numbers = #tpu.dot_dimension_numbers<[1], [0], [0], [1], [0, 0, 1, 1], [], []>, transpose_lhs_hint = false} : vector<1000x128xf32>, vector<128x128xf32>, vector<1000x128xf32> -> vector<1000x128xf32>
    %get3A_717 = arith.constant 128 : index
    %get3A_718 = arith.constant 0 : index
    %get3A_719 = vector.load %arg10[%get3A_717, %get3A_718] : memref<256x128xf32, #tpu.memory_space<vmem>>, vector<128x128xf32>
    %dot_general3A_720 = arith.constant dense<0.000000e+00> : vector<1000x128xf32>
    %dot_general3A_721 = tpu.matmul %get3A_711, %get3A_719, %dot_general3A_720 {dimension_numbers = #tpu.dot_dimension_numbers<[1], [0], [0], [1], [0, 0, 1, 1], [], []>, transpose_lhs_hint = false} : vector<1000x128xf32>, vector<128x128xf32>, vector<1000x128xf32> -> vector<1000x128xf32>
    %add3A_722 = arith.addf %dot_general3A_716, %dot_general3A_721 : vector<1000x128xf32>
    %get3A_723 = arith.constant 0 : index
    %get3A_724 = arith.constant 0 : index
    %get3A_725 = vector.load %arg11[%get3A_723, %get3A_724] : memref<1x128xf32, #tpu.memory_space<vmem>>, vector<1x128xf32>
    %add3A_726 = vector.broadcast %get3A_725 : vector<1x128xf32> to vector<1000x128xf32>
    %add3A_727 = arith.addf %add3A_722, %add3A_726 : vector<1000x128xf32>
    %swap3A_728 = arith.constant 8000 : index
    %swap3A_729 = arith.constant 0 : index
    %swap3A_730 = vector.load %arg28[%swap3A_728, %swap3A_729] : memref<10000x128xf32, #tpu.memory_space<vmem>>, vector<1000x128xf32>
    tpu.vector_store %arg28[%swap3A_728, %swap3A_729], %add3A_727 {strides = array<i32>} : memref<10000x128xf32, #tpu.memory_space<vmem>>, vector<1000x128xf32>,
    %get3A_731 = arith.constant 8 : index
    %get3A_732 = arith.constant 0 : index
    %get3A_733 = arith.constant 0 : index
    %get3A_734 = vector.load %arg12[%get3A_731, %get3A_732, %get3A_733] : memref<10x1x1000xi32, #tpu.memory_space<vmem>>, vector<1x1x1000xi32>
    %get3A_735 = vector.shape_cast %get3A_734 : vector<1x1x1000xi32> to vector<1x1000xi32>
    %iota3A_736 = tpu.iota {dimensions = array<i32: 0>} : vector<8x1000xi32>
    %eq3A_737 = vector.broadcast %get3A_735 : vector<1x1000xi32> to vector<8x1000xi32>
    %eq3A_738 = arith.cmpi eq, %eq3A_737, %iota3A_736 : vector<8x1000xi32>
    %convert_element_type3A_739 = arith.extui %eq3A_738 : vector<8x1000xi1> to vector<8x1000xi32>
    %convert_element_type3A_740 = arith.sitofp %convert_element_type3A_739 : vector<8x1000xi32> to vector<8x1000xf32>
    %dot_general3A_741 = arith.constant dense<0.000000e+00> : vector<8x128xf32>
    %dot_general3A_742 = tpu.matmul %convert_element_type3A_740, %add3A_727, %dot_general3A_741 {dimension_numbers = #tpu.dot_dimension_numbers<[1], [0], [0], [1], [0, 0, 1, 1], [], []>, transpose_lhs_hint = false} : vector<8x1000xf32>, vector<1000x128xf32>, vector<8x128xf32> -> vector<8x128xf32>
    %add3A_743 = arith.addf %add3A_655, %dot_general3A_742 : vector<8x128xf32>
    %reduce_sum3A_744 = arith.constant dense<0.000000e+00> : vector<8xf32>
    %reduce_sum3A_745 = vector.multi_reduction <add>, %convert_element_type3A_740, %reduce_sum3A_744 [1] : vector<8x1000xf32> to vector<8xf32>
    %broadcast_in_dim3A_746 = vector.shape_cast %reduce_sum3A_745 : vector<8xf32> to vector<8x1xf32>
    %broadcast_in_dim3A_747 = vector.shape_cast %broadcast_in_dim3A_746 : vector<8x1xf32> to vector<8x1xf32>
    %broadcast_in_dim3A_748 = vector.broadcast %broadcast_in_dim3A_747 : vector<8x1xf32> to vector<8x128xf32>
    %add3A_749 = arith.addf %add3A_661, %broadcast_in_dim3A_748 : vector<8x128xf32>
    %get3A_750 = arith.constant 0 : index
    %get3A_751 = arith.constant 8000 : index
    %get3A_752 = arith.constant 0 : index
    %get3A_753 = vector.load %arg1[%get3A_750, %get3A_751, %get3A_752] : memref<2x10000x128xf32, #tpu.memory_space<vmem>>, vector<1x1000x128xf32>
    %get3A_754 = vector.shape_cast %get3A_753 : vector<1x1000x128xf32> to vector<1000x128xf32>
    %add3A_755 = arith.addf %get3A_706, %get3A_754 : vector<1000x128xf32>
    %get3A_756 = arith.constant 1 : index
    %get3A_757 = arith.constant 8000 : index
    %get3A_758 = arith.constant 0 : index
    %get3A_759 = vector.load %arg1[%get3A_756, %get3A_757, %get3A_758] : memref<2x10000x128xf32, #tpu.memory_space<vmem>>, vector<1x1000x128xf32>
    %get3A_760 = vector.shape_cast %get3A_759 : vector<1x1000x128xf32> to vector<1000x128xf32>
    %add3A_761 = arith.addf %get3A_711, %get3A_760 : vector<1000x128xf32>
    %get3A_762 = arith.constant 0 : index
    %get3A_763 = arith.constant 0 : index
    %get3A_764 = vector.load %arg2[%get3A_762, %get3A_763] : memref<256x256xf32, #tpu.memory_space<vmem>>, vector<128x256xf32>
    %dot_general3A_765 = arith.constant dense<0.000000e+00> : vector<1000x256xf32>
    %dot_general3A_766 = tpu.matmul %add3A_755, %get3A_764, %dot_general3A_765 {dimension_numbers = #tpu.dot_dimension_numbers<[1], [0], [0], [1], [0, 0, 1, 1], [], []>, transpose_lhs_hint = false} : vector<1000x128xf32>, vector<128x256xf32>, vector<1000x256xf32> -> vector<1000x256xf32>
    %get3A_767 = arith.constant 128 : index
    %get3A_768 = arith.constant 0 : index
    %get3A_769 = vector.load %arg2[%get3A_767, %get3A_768] : memref<256x256xf32, #tpu.memory_space<vmem>>, vector<128x256xf32>
    %dot_general3A_770 = arith.constant dense<0.000000e+00> : vector<1000x256xf32>
    %dot_general3A_771 = tpu.matmul %add3A_761, %get3A_769, %dot_general3A_770 {dimension_numbers = #tpu.dot_dimension_numbers<[1], [0], [0], [1], [0, 0, 1, 1], [], []>, transpose_lhs_hint = false} : vector<1000x128xf32>, vector<128x256xf32>, vector<1000x256xf32> -> vector<1000x256xf32>
    %add3A_772 = arith.addf %dot_general3A_766, %dot_general3A_771 : vector<1000x256xf32>
    %get3A_773 = arith.constant 0 : index
    %get3A_774 = arith.constant 0 : index
    %get3A_775 = vector.load %arg3[%get3A_773, %get3A_774] : memref<1x256xf32, #tpu.memory_space<vmem>>, vector<1x256xf32>
    %add3A_776 = vector.broadcast %get3A_775 : vector<1x256xf32> to vector<1000x256xf32>
    %add3A_777 = arith.addf %add3A_772, %add3A_776 : vector<1000x256xf32>
    %swap3A_778 = arith.constant 8000 : index
    %swap3A_779 = arith.constant 0 : index
    %swap3A_780 = vector.load %arg25[%swap3A_778, %swap3A_779] : memref<10000x256xf32, #tpu.memory_space<vmem>>, vector<1000x256xf32>
    tpu.vector_store %arg25[%swap3A_778, %swap3A_779], %add3A_777 {strides = array<i32>} : memref<10000x256xf32, #tpu.memory_space<vmem>>, vector<1000x256xf32>,
    %reduce_sum3A_781 = arith.constant dense<0.000000e+00> : vector<256xf32>
    %reduce_sum3A_782 = vector.multi_reduction <add>, %add3A_777, %reduce_sum3A_781 [0] : vector<1000x256xf32> to vector<256xf32>
    %broadcast_in_dim3A_783 = vector.shape_cast %reduce_sum3A_782 : vector<256xf32> to vector<1x256xf32>
    %add3A_784 = arith.addf %add3A_696, %broadcast_in_dim3A_783 : vector<1x256xf32>
    %mul3A_785 = arith.mulf %add3A_777, %add3A_777 : vector<1000x256xf32>
    %reduce_sum3A_786 = arith.constant dense<0.000000e+00> : vector<256xf32>
    %reduce_sum3A_787 = vector.multi_reduction <add>, %mul3A_785, %reduce_sum3A_786 [0] : vector<1000x256xf32> to vector<256xf32>
    %broadcast_in_dim3A_788 = vector.shape_cast %reduce_sum3A_787 : vector<256xf32> to vector<1x256xf32>
    %add3A_789 = arith.addf %add3A_701, %broadcast_in_dim3A_788 : vector<1x256xf32>
    %get3A_790 = arith.constant 0 : index
    %get3A_791 = arith.constant 9000 : index
    %get3A_792 = arith.constant 0 : index
    %get3A_793 = vector.load %arg0[%get3A_790, %get3A_791, %get3A_792] : memref<2x10000x128xf32, #tpu.memory_space<vmem>>, vector<1x1000x128xf32>
    %get3A_794 = vector.shape_cast %get3A_793 : vector<1x1000x128xf32> to vector<1000x128xf32>
    %get3A_795 = arith.constant 1 : index
    %get3A_796 = arith.constant 9000 : index
    %get3A_797 = arith.constant 0 : index
    %get3A_798 = vector.load %arg0[%get3A_795, %get3A_796, %get3A_797] : memref<2x10000x128xf32, #tpu.memory_space<vmem>>, vector<1x1000x128xf32>
    %get3A_799 = vector.shape_cast %get3A_798 : vector<1x1000x128xf32> to vector<1000x128xf32>
    %get3A_800 = arith.constant 0 : index
    %get3A_801 = arith.constant 0 : index
    %get3A_802 = vector.load %arg10[%get3A_800, %get3A_801] : memref<256x128xf32, #tpu.memory_space<vmem>>, vector<128x128xf32>
    %dot_general3A_803 = arith.constant dense<0.000000e+00> : vector<1000x128xf32>
    %dot_general3A_804 = tpu.matmul %get3A_794, %get3A_802, %dot_general3A_803 {dimension_numbers = #tpu.dot_dimension_numbers<[1], [0], [0], [1], [0, 0, 1, 1], [], []>, transpose_lhs_hint = false} : vector<1000x128xf32>, vector<128x128xf32>, vector<1000x128xf32> -> vector<1000x128xf32>
    %get3A_805 = arith.constant 128 : index
    %get3A_806 = arith.constant 0 : index
    %get3A_807 = vector.load %arg10[%get3A_805, %get3A_806] : memref<256x128xf32, #tpu.memory_space<vmem>>, vector<128x128xf32>
    %dot_general3A_808 = arith.constant dense<0.000000e+00> : vector<1000x128xf32>
    %dot_general3A_809 = tpu.matmul %get3A_799, %get3A_807, %dot_general3A_808 {dimension_numbers = #tpu.dot_dimension_numbers<[1], [0], [0], [1], [0, 0, 1, 1], [], []>, transpose_lhs_hint = false} : vector<1000x128xf32>, vector<128x128xf32>, vector<1000x128xf32> -> vector<1000x128xf32>
    %add3A_810 = arith.addf %dot_general3A_804, %dot_general3A_809 : vector<1000x128xf32>
    %get3A_811 = arith.constant 0 : index
    %get3A_812 = arith.constant 0 : index
    %get3A_813 = vector.load %arg11[%get3A_811, %get3A_812] : memref<1x128xf32, #tpu.memory_space<vmem>>, vector<1x128xf32>
    %add3A_814 = vector.broadcast %get3A_813 : vector<1x128xf32> to vector<1000x128xf32>
    %add3A_815 = arith.addf %add3A_810, %add3A_814 : vector<1000x128xf32>
    %swap3A_816 = arith.constant 9000 : index
    %swap3A_817 = arith.constant 0 : index
    %swap3A_818 = vector.load %arg28[%swap3A_816, %swap3A_817] : memref<10000x128xf32, #tpu.memory_space<vmem>>, vector<1000x128xf32>
    tpu.vector_store %arg28[%swap3A_816, %swap3A_817], %add3A_815 {strides = array<i32>} : memref<10000x128xf32, #tpu.memory_space<vmem>>, vector<1000x128xf32>,
    %get3A_819 = arith.constant 9 : index
    %get3A_820 = arith.constant 0 : index
    %get3A_821 = arith.constant 0 : index
    %get3A_822 = vector.load %arg12[%get3A_819, %get3A_820, %get3A_821] : memref<10x1x1000xi32, #tpu.memory_space<vmem>>, vector<1x1x1000xi32>
    %get3A_823 = vector.shape_cast %get3A_822 : vector<1x1x1000xi32> to vector<1x1000xi32>
    %iota3A_824 = tpu.iota {dimensions = array<i32: 0>} : vector<8x1000xi32>
    %eq3A_825 = vector.broadcast %get3A_823 : vector<1x1000xi32> to vector<8x1000xi32>
    %eq3A_826 = arith.cmpi eq, %eq3A_825, %iota3A_824 : vector<8x1000xi32>
    %convert_element_type3A_827 = arith.extui %eq3A_826 : vector<8x1000xi1> to vector<8x1000xi32>
    %convert_element_type3A_828 = arith.sitofp %convert_element_type3A_827 : vector<8x1000xi32> to vector<8x1000xf32>
    %dot_general3A_829 = arith.constant dense<0.000000e+00> : vector<8x128xf32>
    %dot_general3A_830 = tpu.matmul %convert_element_type3A_828, %add3A_815, %dot_general3A_829 {dimension_numbers = #tpu.dot_dimension_numbers<[1], [0], [0], [1], [0, 0, 1, 1], [], []>, transpose_lhs_hint = false} : vector<8x1000xf32>, vector<1000x128xf32>, vector<8x128xf32> -> vector<8x128xf32>
    %add3A_831 = arith.addf %add3A_743, %dot_general3A_830 : vector<8x128xf32>
    %reduce_sum3A_832 = arith.constant dense<0.000000e+00> : vector<8xf32>
    %reduce_sum3A_833 = vector.multi_reduction <add>, %convert_element_type3A_828, %reduce_sum3A_832 [1] : vector<8x1000xf32> to vector<8xf32>
    %broadcast_in_dim3A_834 = vector.shape_cast %reduce_sum3A_833 : vector<8xf32> to vector<8x1xf32>
    %broadcast_in_dim3A_835 = vector.shape_cast %broadcast_in_dim3A_834 : vector<8x1xf32> to vector<8x1xf32>
    %broadcast_in_dim3A_836 = vector.broadcast %broadcast_in_dim3A_835 : vector<8x1xf32> to vector<8x128xf32>
    %add3A_837 = arith.addf %add3A_749, %broadcast_in_dim3A_836 : vector<8x128xf32>
    %get3A_838 = arith.constant 0 : index
    %get3A_839 = arith.constant 9000 : index
    %get3A_840 = arith.constant 0 : index
    %get3A_841 = vector.load %arg1[%get3A_838, %get3A_839, %get3A_840] : memref<2x10000x128xf32, #tpu.memory_space<vmem>>, vector<1x1000x128xf32>
    %get3A_842 = vector.shape_cast %get3A_841 : vector<1x1000x128xf32> to vector<1000x128xf32>
    %add3A_843 = arith.addf %get3A_794, %get3A_842 : vector<1000x128xf32>
    %get3A_844 = arith.constant 1 : index
    %get3A_845 = arith.constant 9000 : index
    %get3A_846 = arith.constant 0 : index
    %get3A_847 = vector.load %arg1[%get3A_844, %get3A_845, %get3A_846] : memref<2x10000x128xf32, #tpu.memory_space<vmem>>, vector<1x1000x128xf32>
    %get3A_848 = vector.shape_cast %get3A_847 : vector<1x1000x128xf32> to vector<1000x128xf32>
    %add3A_849 = arith.addf %get3A_799, %get3A_848 : vector<1000x128xf32>
    %get3A_850 = arith.constant 0 : index
    %get3A_851 = arith.constant 0 : index
    %get3A_852 = vector.load %arg2[%get3A_850, %get3A_851] : memref<256x256xf32, #tpu.memory_space<vmem>>, vector<128x256xf32>
    %dot_general3A_853 = arith.constant dense<0.000000e+00> : vector<1000x256xf32>
    %dot_general3A_854 = tpu.matmul %add3A_843, %get3A_852, %dot_general3A_853 {dimension_numbers = #tpu.dot_dimension_numbers<[1], [0], [0], [1], [0, 0, 1, 1], [], []>, transpose_lhs_hint = false} : vector<1000x128xf32>, vector<128x256xf32>, vector<1000x256xf32> -> vector<1000x256xf32>
    %get3A_855 = arith.constant 128 : index
    %get3A_856 = arith.constant 0 : index
    %get3A_857 = vector.load %arg2[%get3A_855, %get3A_856] : memref<256x256xf32, #tpu.memory_space<vmem>>, vector<128x256xf32>
    %dot_general3A_858 = arith.constant dense<0.000000e+00> : vector<1000x256xf32>
    %dot_general3A_859 = tpu.matmul %add3A_849, %get3A_857, %dot_general3A_858 {dimension_numbers = #tpu.dot_dimension_numbers<[1], [0], [0], [1], [0, 0, 1, 1], [], []>, transpose_lhs_hint = false} : vector<1000x128xf32>, vector<128x256xf32>, vector<1000x256xf32> -> vector<1000x256xf32>
    %add3A_860 = arith.addf %dot_general3A_854, %dot_general3A_859 : vector<1000x256xf32>
    %get3A_861 = arith.constant 0 : index
    %get3A_862 = arith.constant 0 : index
    %get3A_863 = vector.load %arg3[%get3A_861, %get3A_862] : memref<1x256xf32, #tpu.memory_space<vmem>>, vector<1x256xf32>
    %add3A_864 = vector.broadcast %get3A_863 : vector<1x256xf32> to vector<1000x256xf32>
    %add3A_865 = arith.addf %add3A_860, %add3A_864 : vector<1000x256xf32>
    %swap3A_866 = arith.constant 9000 : index
    %swap3A_867 = arith.constant 0 : index
    %swap3A_868 = vector.load %arg25[%swap3A_866, %swap3A_867] : memref<10000x256xf32, #tpu.memory_space<vmem>>, vector<1000x256xf32>
    tpu.vector_store %arg25[%swap3A_866, %swap3A_867], %add3A_865 {strides = array<i32>} : memref<10000x256xf32, #tpu.memory_space<vmem>>, vector<1000x256xf32>,
    %reduce_sum3A_869 = arith.constant dense<0.000000e+00> : vector<256xf32>
    %reduce_sum3A_870 = vector.multi_reduction <add>, %add3A_865, %reduce_sum3A_869 [0] : vector<1000x256xf32> to vector<256xf32>
    %broadcast_in_dim3A_871 = vector.shape_cast %reduce_sum3A_870 : vector<256xf32> to vector<1x256xf32>
    %add3A_872 = arith.addf %add3A_784, %broadcast_in_dim3A_871 : vector<1x256xf32>
    %mul3A_873 = arith.mulf %add3A_865, %add3A_865 : vector<1000x256xf32>
    %reduce_sum3A_874 = arith.constant dense<0.000000e+00> : vector<256xf32>
    %reduce_sum3A_875 = vector.multi_reduction <add>, %mul3A_873, %reduce_sum3A_874 [0] : vector<1000x256xf32> to vector<256xf32>
    %broadcast_in_dim3A_876 = vector.shape_cast %reduce_sum3A_875 : vector<256xf32> to vector<1x256xf32>
    %add3A_877 = arith.addf %add3A_789, %broadcast_in_dim3A_876 : vector<1x256xf32>
    %max3A = arith.constant 1.000000e+00 : f32
    %max3A_878 = vector.broadcast %max3A : f32 to vector<8x128xf32>
    %max3A_879 = arith.maximumf %add3A_837, %max3A_878 : vector<8x128xf32>
    %div3A = arith.constant 1.000000e+00 : f32
    %div3A_880 = vector.broadcast %div3A : f32 to vector<8x128xf32>
    %div3A_881 = arith.divf %div3A_880, %max3A_879 : vector<8x128xf32>
    %div3A_882 = arith.constant 1.000000e+04 : f32
    %div3A_883 = vector.broadcast %div3A_882 : f32 to vector<1x256xf32>
    %div3A_884 = arith.divf %add3A_872, %div3A_883 : vector<1x256xf32>
    %div3A_885 = arith.constant 1.000000e+04 : f32
    %div3A_886 = vector.broadcast %div3A_885 : f32 to vector<1x256xf32>
    %div3A_887 = arith.divf %add3A_877, %div3A_886 : vector<1x256xf32>
    %mul3A_888 = arith.mulf %div3A_884, %div3A_884 : vector<1x256xf32>
    %sub3A = arith.subf %div3A_887, %mul3A_888 : vector<1x256xf32>
    %add3A_889 = arith.constant 9.99999974E-6 : f32
    %add3A_890 = vector.broadcast %add3A_889 : f32 to vector<1x256xf32>
    %add3A_891 = arith.addf %sub3A, %add3A_890 : vector<1x256xf32>
    %rsqrt3A = math.rsqrt %add3A_891 : vector<1x256xf32>
    %broadcast_in_dim3A_892 = arith.constant 0.000000e+00 : f32
    %broadcast_in_dim3A_893 = vector.broadcast %broadcast_in_dim3A_892 : f32 to vector<1x128xf32>
    %broadcast_in_dim3A_894 = arith.constant 0.000000e+00 : f32
    %broadcast_in_dim3A_895 = vector.broadcast %broadcast_in_dim3A_894 : f32 to vector<1x128xf32>
    %broadcast_in_dim3A_896 = arith.constant 0.000000e+00 : f32
    %broadcast_in_dim3A_897 = vector.broadcast %broadcast_in_dim3A_896 : f32 to vector<1x128xf32>
    %broadcast_in_dim3A_898 = arith.constant 0.000000e+00 : f32
    %broadcast_in_dim3A_899 = vector.broadcast %broadcast_in_dim3A_898 : f32 to vector<1x128xf32>
    %broadcast_in_dim3A_900 = arith.constant 0.000000e+00 : f32
    %broadcast_in_dim3A_901 = vector.broadcast %broadcast_in_dim3A_900 : f32 to vector<8x128xf32>
    %broadcast_in_dim3A_902 = arith.constant 0.000000e+00 : f32
    %broadcast_in_dim3A_903 = vector.broadcast %broadcast_in_dim3A_902 : f32 to vector<8x128xf32>
    %get3A_904 = arith.constant 0 : index
    %get3A_905 = arith.constant 0 : index
    %get3A_906 = vector.load %arg25[%get3A_904, %get3A_905] : memref<10000x256xf32, #tpu.memory_space<vmem>>, vector<1000x256xf32>
    %sub3A_907 = vector.broadcast %div3A_884 : vector<1x256xf32> to vector<1000x256xf32>
    %sub3A_908 = arith.subf %get3A_906, %sub3A_907 : vector<1000x256xf32>
    %mul3A_909 = vector.broadcast %rsqrt3A : vector<1x256xf32> to vector<1000x256xf32>
    %mul3A_910 = arith.mulf %sub3A_908, %mul3A_909 : vector<1000x256xf32>
    %get3A_911 = arith.constant 0 : index
    %get3A_912 = arith.constant 0 : index
    %get3A_913 = vector.load %arg4[%get3A_911, %get3A_912] : memref<1x256xf32, #tpu.memory_space<vmem>>, vector<1x256xf32>
    %mul3A_914 = vector.broadcast %get3A_913 : vector<1x256xf32> to vector<1000x256xf32>
    %mul3A_915 = arith.mulf %mul3A_910, %mul3A_914 : vector<1000x256xf32>
    %get3A_916 = arith.constant 0 : index
    %get3A_917 = arith.constant 0 : index
    %get3A_918 = vector.load %arg5[%get3A_916, %get3A_917] : memref<1x256xf32, #tpu.memory_space<vmem>>, vector<1x256xf32>
    %add3A_919 = vector.broadcast %get3A_918 : vector<1x256xf32> to vector<1000x256xf32>
    %add3A_920 = arith.addf %mul3A_915, %add3A_919 : vector<1000x256xf32>
    %max3A_921 = arith.constant 0.000000e+00 : f32
    %max3A_922 = vector.broadcast %max3A_921 : f32 to vector<1000x256xf32>
    %max3A_923 = arith.maximumf %add3A_920, %max3A_922 : vector<1000x256xf32>
    %get3A_924 = arith.constant 0 : index
    %get3A_925 = arith.constant 0 : index
    %get3A_926 = vector.load %arg28[%get3A_924, %get3A_925] : memref<10000x128xf32, #tpu.memory_space<vmem>>, vector<1000x128xf32>
    %get3A_927 = arith.constant 0 : index
    %get3A_928 = arith.constant 0 : index
    %get3A_929 = arith.constant 0 : index
    %get3A_930 = vector.load %arg12[%get3A_927, %get3A_928, %get3A_929] : memref<10x1x1000xi32, #tpu.memory_space<vmem>>, vector<1x1x1000xi32>
    %get3A_931 = vector.shape_cast %get3A_930 : vector<1x1x1000xi32> to vector<1x1000xi32>
    %iota3A_932 = tpu.iota {dimensions = array<i32: 0>} : vector<8x1000xi32>
    %eq3A_933 = vector.broadcast %get3A_931 : vector<1x1000xi32> to vector<8x1000xi32>
    %eq3A_934 = arith.cmpi eq, %eq3A_933, %iota3A_932 : vector<8x1000xi32>
    %convert_element_type3A_935 = arith.extui %eq3A_934 : vector<8x1000xi1> to vector<8x1000xi32>
    %convert_element_type3A_936 = arith.sitofp %convert_element_type3A_935 : vector<8x1000xi32> to vector<8x1000xf32>
    %get3A_937 = arith.constant 0 : index
    %get3A_938 = arith.constant 0 : index
    %get3A_939 = vector.load %arg6[%get3A_937, %get3A_938] : memref<256x128xf32, #tpu.memory_space<vmem>>, vector<256x128xf32>
    %dot_general3A_940 = arith.constant dense<0.000000e+00> : vector<1000x128xf32>
    %dot_general3A_941 = tpu.matmul %max3A_923, %get3A_939, %dot_general3A_940 {dimension_numbers = #tpu.dot_dimension_numbers<[1], [0], [0], [1], [0, 0, 1, 1], [], []>, transpose_lhs_hint = false} : vector<1000x256xf32>, vector<256x128xf32>, vector<1000x128xf32> -> vector<1000x128xf32>
    %get3A_942 = arith.constant 0 : index
    %get3A_943 = arith.constant 0 : index
    %get3A_944 = vector.load %arg7[%get3A_942, %get3A_943] : memref<1x128xf32, #tpu.memory_space<vmem>>, vector<1x128xf32>
    %add3A_945 = vector.broadcast %get3A_944 : vector<1x128xf32> to vector<1000x128xf32>
    %add3A_946 = arith.addf %dot_general3A_941, %add3A_945 : vector<1000x128xf32>
    %add3A_947 = arith.addf %get3A_926, %add3A_946 : vector<1000x128xf32>
    %swap3A_948 = arith.constant 0 : index
    %swap3A_949 = arith.constant 0 : index
    %swap3A_950 = vector.load %arg26[%swap3A_948, %swap3A_949] : memref<10000x128xf32, #tpu.memory_space<vmem>>, vector<1000x128xf32>
    tpu.vector_store %arg26[%swap3A_948, %swap3A_949], %add3A_947 {strides = array<i32>} : memref<10000x128xf32, #tpu.memory_space<vmem>>, vector<1000x128xf32>,
    %reduce_sum3A_951 = arith.constant dense<0.000000e+00> : vector<128xf32>
    %reduce_sum3A_952 = vector.multi_reduction <add>, %add3A_947, %reduce_sum3A_951 [0] : vector<1000x128xf32> to vector<128xf32>
    %broadcast_in_dim3A_953 = vector.shape_cast %reduce_sum3A_952 : vector<128xf32> to vector<1x128xf32>
    %add3A_954 = arith.addf %broadcast_in_dim3A_893, %broadcast_in_dim3A_953 : vector<1x128xf32>
    %mul3A_955 = arith.mulf %add3A_947, %add3A_947 : vector<1000x128xf32>
    %reduce_sum3A_956 = arith.constant dense<0.000000e+00> : vector<128xf32>
    %reduce_sum3A_957 = vector.multi_reduction <add>, %mul3A_955, %reduce_sum3A_956 [0] : vector<1000x128xf32> to vector<128xf32>
    %broadcast_in_dim3A_958 = vector.shape_cast %reduce_sum3A_957 : vector<128xf32> to vector<1x128xf32>
    %add3A_959 = arith.addf %broadcast_in_dim3A_895, %broadcast_in_dim3A_958 : vector<1x128xf32>
    %dot_general3A_960 = arith.constant dense<0.000000e+00> : vector<8x128xf32>
    %dot_general3A_961 = tpu.matmul %convert_element_type3A_936, %add3A_946, %dot_general3A_960 {dimension_numbers = #tpu.dot_dimension_numbers<[1], [0], [0], [1], [0, 0, 1, 1], [], []>, transpose_lhs_hint = false} : vector<8x1000xf32>, vector<1000x128xf32>, vector<8x128xf32> -> vector<8x128xf32>
    %add3A_962 = arith.addf %broadcast_in_dim3A_901, %dot_general3A_961 : vector<8x128xf32>
    %get3A_963 = arith.constant 0 : index
    %get3A_964 = arith.constant 0 : index
    %get3A_965 = vector.load %arg8[%get3A_963, %get3A_964] : memref<256x128xf32, #tpu.memory_space<vmem>>, vector<256x128xf32>
    %dot_general3A_966 = arith.constant dense<0.000000e+00> : vector<1000x128xf32>
    %dot_general3A_967 = tpu.matmul %max3A_923, %get3A_965, %dot_general3A_966 {dimension_numbers = #tpu.dot_dimension_numbers<[1], [0], [0], [1], [0, 0, 1, 1], [], []>, transpose_lhs_hint = false} : vector<1000x256xf32>, vector<256x128xf32>, vector<1000x128xf32> -> vector<1000x128xf32>
    %get3A_968 = arith.constant 0 : index
    %get3A_969 = arith.constant 0 : index
    %get3A_970 = vector.load %arg9[%get3A_968, %get3A_969] : memref<1x128xf32, #tpu.memory_space<vmem>>, vector<1x128xf32>
    %add3A_971 = vector.broadcast %get3A_970 : vector<1x128xf32> to vector<1000x128xf32>
    %add3A_972 = arith.addf %dot_general3A_967, %add3A_971 : vector<1000x128xf32>
    %add3A_973 = arith.addf %get3A_926, %add3A_972 : vector<1000x128xf32>
    %swap3A_974 = arith.constant 0 : index
    %swap3A_975 = arith.constant 0 : index
    %swap3A_976 = vector.load %arg27[%swap3A_974, %swap3A_975] : memref<10000x128xf32, #tpu.memory_space<vmem>>, vector<1000x128xf32>
    tpu.vector_store %arg27[%swap3A_974, %swap3A_975], %add3A_973 {strides = array<i32>} : memref<10000x128xf32, #tpu.memory_space<vmem>>, vector<1000x128xf32>,
    %reduce_sum3A_977 = arith.constant dense<0.000000e+00> : vector<128xf32>
    %reduce_sum3A_978 = vector.multi_reduction <add>, %add3A_973, %reduce_sum3A_977 [0] : vector<1000x128xf32> to vector<128xf32>
    %broadcast_in_dim3A_979 = vector.shape_cast %reduce_sum3A_978 : vector<128xf32> to vector<1x128xf32>
    %add3A_980 = arith.addf %broadcast_in_dim3A_897, %broadcast_in_dim3A_979 : vector<1x128xf32>
    %mul3A_981 = arith.mulf %add3A_973, %add3A_973 : vector<1000x128xf32>
    %reduce_sum3A_982 = arith.constant dense<0.000000e+00> : vector<128xf32>
    %reduce_sum3A_983 = vector.multi_reduction <add>, %mul3A_981, %reduce_sum3A_982 [0] : vector<1000x128xf32> to vector<128xf32>
    %broadcast_in_dim3A_984 = vector.shape_cast %reduce_sum3A_983 : vector<128xf32> to vector<1x128xf32>
    %add3A_985 = arith.addf %broadcast_in_dim3A_899, %broadcast_in_dim3A_984 : vector<1x128xf32>
    %dot_general3A_986 = arith.constant dense<0.000000e+00> : vector<8x128xf32>
    %dot_general3A_987 = tpu.matmul %convert_element_type3A_936, %add3A_972, %dot_general3A_986 {dimension_numbers = #tpu.dot_dimension_numbers<[1], [0], [0], [1], [0, 0, 1, 1], [], []>, transpose_lhs_hint = false} : vector<8x1000xf32>, vector<1000x128xf32>, vector<8x128xf32> -> vector<8x128xf32>
    %add3A_988 = arith.addf %broadcast_in_dim3A_903, %dot_general3A_987 : vector<8x128xf32>
    %get3A_989 = arith.constant 1000 : index
    %get3A_990 = arith.constant 0 : index
    %get3A_991 = vector.load %arg25[%get3A_989, %get3A_990] : memref<10000x256xf32, #tpu.memory_space<vmem>>, vector<1000x256xf32>
    %sub3A_992 = vector.broadcast %div3A_884 : vector<1x256xf32> to vector<1000x256xf32>
    %sub3A_993 = arith.subf %get3A_991, %sub3A_992 : vector<1000x256xf32>
    %mul3A_994 = vector.broadcast %rsqrt3A : vector<1x256xf32> to vector<1000x256xf32>
    %mul3A_995 = arith.mulf %sub3A_993, %mul3A_994 : vector<1000x256xf32>
    %get3A_996 = arith.constant 0 : index
    %get3A_997 = arith.constant 0 : index
    %get3A_998 = vector.load %arg4[%get3A_996, %get3A_997] : memref<1x256xf32, #tpu.memory_space<vmem>>, vector<1x256xf32>
    %mul3A_999 = vector.broadcast %get3A_998 : vector<1x256xf32> to vector<1000x256xf32>
    %mul3A_1000 = arith.mulf %mul3A_995, %mul3A_999 : vector<1000x256xf32>
    %get3A_1001 = arith.constant 0 : index
    %get3A_1002 = arith.constant 0 : index
    %get3A_1003 = vector.load %arg5[%get3A_1001, %get3A_1002] : memref<1x256xf32, #tpu.memory_space<vmem>>, vector<1x256xf32>
    %add3A_1004 = vector.broadcast %get3A_1003 : vector<1x256xf32> to vector<1000x256xf32>
    %add3A_1005 = arith.addf %mul3A_1000, %add3A_1004 : vector<1000x256xf32>
    %max3A_1006 = arith.constant 0.000000e+00 : f32
    %max3A_1007 = vector.broadcast %max3A_1006 : f32 to vector<1000x256xf32>
    %max3A_1008 = arith.maximumf %add3A_1005, %max3A_1007 : vector<1000x256xf32>
    %get3A_1009 = arith.constant 1000 : index
    %get3A_1010 = arith.constant 0 : index
    %get3A_1011 = vector.load %arg28[%get3A_1009, %get3A_1010] : memref<10000x128xf32, #tpu.memory_space<vmem>>, vector<1000x128xf32>
    %get3A_1012 = arith.constant 1 : index
    %get3A_1013 = arith.constant 0 : index
    %get3A_1014 = arith.constant 0 : index
    %get3A_1015 = vector.load %arg12[%get3A_1012, %get3A_1013, %get3A_1014] : memref<10x1x1000xi32, #tpu.memory_space<vmem>>, vector<1x1x1000xi32>
    %get3A_1016 = vector.shape_cast %get3A_1015 : vector<1x1x1000xi32> to vector<1x1000xi32>
    %iota3A_1017 = tpu.iota {dimensions = array<i32: 0>} : vector<8x1000xi32>
    %eq3A_1018 = vector.broadcast %get3A_1016 : vector<1x1000xi32> to vector<8x1000xi32>
    %eq3A_1019 = arith.cmpi eq, %eq3A_1018, %iota3A_1017 : vector<8x1000xi32>
    %convert_element_type3A_1020 = arith.extui %eq3A_1019 : vector<8x1000xi1> to vector<8x1000xi32>
    %convert_element_type3A_1021 = arith.sitofp %convert_element_type3A_1020 : vector<8x1000xi32> to vector<8x1000xf32>
    %get3A_1022 = arith.constant 0 : index
    %get3A_1023 = arith.constant 0 : index
    %get3A_1024 = vector.load %arg6[%get3A_1022, %get3A_1023] : memref<256x128xf32, #tpu.memory_space<vmem>>, vector<256x128xf32>
    %dot_general3A_1025 = arith.constant dense<0.000000e+00> : vector<1000x128xf32>
    %dot_general3A_1026 = tpu.matmul %max3A_1008, %get3A_1024, %dot_general3A_1025 {dimension_numbers = #tpu.dot_dimension_numbers<[1], [0], [0], [1], [0, 0, 1, 1], [], []>, transpose_lhs_hint = false} : vector<1000x256xf32>, vector<256x128xf32>, vector<1000x128xf32> -> vector<1000x128xf32>
    %get3A_1027 = arith.constant 0 : index
    %get3A_1028 = arith.constant 0 : index
    %get3A_1029 = vector.load %arg7[%get3A_1027, %get3A_1028] : memref<1x128xf32, #tpu.memory_space<vmem>>, vector<1x128xf32>
    %add3A_1030 = vector.broadcast %get3A_1029 : vector<1x128xf32> to vector<1000x128xf32>
    %add3A_1031 = arith.addf %dot_general3A_1026, %add3A_1030 : vector<1000x128xf32>
    %add3A_1032 = arith.addf %get3A_1011, %add3A_1031 : vector<1000x128xf32>
    %swap3A_1033 = arith.constant 1000 : index
    %swap3A_1034 = arith.constant 0 : index
    %swap3A_1035 = vector.load %arg26[%swap3A_1033, %swap3A_1034] : memref<10000x128xf32, #tpu.memory_space<vmem>>, vector<1000x128xf32>
    tpu.vector_store %arg26[%swap3A_1033, %swap3A_1034], %add3A_1032 {strides = array<i32>} : memref<10000x128xf32, #tpu.memory_space<vmem>>, vector<1000x128xf32>,
    %reduce_sum3A_1036 = arith.constant dense<0.000000e+00> : vector<128xf32>
    %reduce_sum3A_1037 = vector.multi_reduction <add>, %add3A_1032, %reduce_sum3A_1036 [0] : vector<1000x128xf32> to vector<128xf32>
    %broadcast_in_dim3A_1038 = vector.shape_cast %reduce_sum3A_1037 : vector<128xf32> to vector<1x128xf32>
    %add3A_1039 = arith.addf %add3A_954, %broadcast_in_dim3A_1038 : vector<1x128xf32>
    %mul3A_1040 = arith.mulf %add3A_1032, %add3A_1032 : vector<1000x128xf32>
    %reduce_sum3A_1041 = arith.constant dense<0.000000e+00> : vector<128xf32>
    %reduce_sum3A_1042 = vector.multi_reduction <add>, %mul3A_1040, %reduce_sum3A_1041 [0] : vector<1000x128xf32> to vector<128xf32>
    %broadcast_in_dim3A_1043 = vector.shape_cast %reduce_sum3A_1042 : vector<128xf32> to vector<1x128xf32>
    %add3A_1044 = arith.addf %add3A_959, %broadcast_in_dim3A_1043 : vector<1x128xf32>
    %dot_general3A_1045 = arith.constant dense<0.000000e+00> : vector<8x128xf32>
    %dot_general3A_1046 = tpu.matmul %convert_element_type3A_1021, %add3A_1031, %dot_general3A_1045 {dimension_numbers = #tpu.dot_dimension_numbers<[1], [0], [0], [1], [0, 0, 1, 1], [], []>, transpose_lhs_hint = false} : vector<8x1000xf32>, vector<1000x128xf32>, vector<8x128xf32> -> vector<8x128xf32>
    %add3A_1047 = arith.addf %add3A_962, %dot_general3A_1046 : vector<8x128xf32>
    %get3A_1048 = arith.constant 0 : index
    %get3A_1049 = arith.constant 0 : index
    %get3A_1050 = vector.load %arg8[%get3A_1048, %get3A_1049] : memref<256x128xf32, #tpu.memory_space<vmem>>, vector<256x128xf32>
    %dot_general3A_1051 = arith.constant dense<0.000000e+00> : vector<1000x128xf32>
    %dot_general3A_1052 = tpu.matmul %max3A_1008, %get3A_1050, %dot_general3A_1051 {dimension_numbers = #tpu.dot_dimension_numbers<[1], [0], [0], [1], [0, 0, 1, 1], [], []>, transpose_lhs_hint = false} : vector<1000x256xf32>, vector<256x128xf32>, vector<1000x128xf32> -> vector<1000x128xf32>
    %get3A_1053 = arith.constant 0 : index
    %get3A_1054 = arith.constant 0 : index
    %get3A_1055 = vector.load %arg9[%get3A_1053, %get3A_1054] : memref<1x128xf32, #tpu.memory_space<vmem>>, vector<1x128xf32>
    %add3A_1056 = vector.broadcast %get3A_1055 : vector<1x128xf32> to vector<1000x128xf32>
    %add3A_1057 = arith.addf %dot_general3A_1052, %add3A_1056 : vector<1000x128xf32>
    %add3A_1058 = arith.addf %get3A_1011, %add3A_1057 : vector<1000x128xf32>
    %swap3A_1059 = arith.constant 1000 : index
    %swap3A_1060 = arith.constant 0 : index
    %swap3A_1061 = vector.load %arg27[%swap3A_1059, %swap3A_1060] : memref<10000x128xf32, #tpu.memory_space<vmem>>, vector<1000x128xf32>
    tpu.vector_store %arg27[%swap3A_1059, %swap3A_1060], %add3A_1058 {strides = array<i32>} : memref<10000x128xf32, #tpu.memory_space<vmem>>, vector<1000x128xf32>,
    %reduce_sum3A_1062 = arith.constant dense<0.000000e+00> : vector<128xf32>
    %reduce_sum3A_1063 = vector.multi_reduction <add>, %add3A_1058, %reduce_sum3A_1062 [0] : vector<1000x128xf32> to vector<128xf32>
    %broadcast_in_dim3A_1064 = vector.shape_cast %reduce_sum3A_1063 : vector<128xf32> to vector<1x128xf32>
    %add3A_1065 = arith.addf %add3A_980, %broadcast_in_dim3A_1064 : vector<1x128xf32>
    %mul3A_1066 = arith.mulf %add3A_1058, %add3A_1058 : vector<1000x128xf32>
    %reduce_sum3A_1067 = arith.constant dense<0.000000e+00> : vector<128xf32>
    %reduce_sum3A_1068 = vector.multi_reduction <add>, %mul3A_1066, %reduce_sum3A_1067 [0] : vector<1000x128xf32> to vector<128xf32>
    %broadcast_in_dim3A_1069 = vector.shape_cast %reduce_sum3A_1068 : vector<128xf32> to vector<1x128xf32>
    %add3A_1070 = arith.addf %add3A_985, %broadcast_in_dim3A_1069 : vector<1x128xf32>
    %dot_general3A_1071 = arith.constant dense<0.000000e+00> : vector<8x128xf32>
    %dot_general3A_1072 = tpu.matmul %convert_element_type3A_1021, %add3A_1057, %dot_general3A_1071 {dimension_numbers = #tpu.dot_dimension_numbers<[1], [0], [0], [1], [0, 0, 1, 1], [], []>, transpose_lhs_hint = false} : vector<8x1000xf32>, vector<1000x128xf32>, vector<8x128xf32> -> vector<8x128xf32>
    %add3A_1073 = arith.addf %add3A_988, %dot_general3A_1072 : vector<8x128xf32>
    %get3A_1074 = arith.constant 2000 : index
    %get3A_1075 = arith.constant 0 : index
    %get3A_1076 = vector.load %arg25[%get3A_1074, %get3A_1075] : memref<10000x256xf32, #tpu.memory_space<vmem>>, vector<1000x256xf32>
    %sub3A_1077 = vector.broadcast %div3A_884 : vector<1x256xf32> to vector<1000x256xf32>
    %sub3A_1078 = arith.subf %get3A_1076, %sub3A_1077 : vector<1000x256xf32>
    %mul3A_1079 = vector.broadcast %rsqrt3A : vector<1x256xf32> to vector<1000x256xf32>
    %mul3A_1080 = arith.mulf %sub3A_1078, %mul3A_1079 : vector<1000x256xf32>
    %get3A_1081 = arith.constant 0 : index
    %get3A_1082 = arith.constant 0 : index
    %get3A_1083 = vector.load %arg4[%get3A_1081, %get3A_1082] : memref<1x256xf32, #tpu.memory_space<vmem>>, vector<1x256xf32>
    %mul3A_1084 = vector.broadcast %get3A_1083 : vector<1x256xf32> to vector<1000x256xf32>
    %mul3A_1085 = arith.mulf %mul3A_1080, %mul3A_1084 : vector<1000x256xf32>
    %get3A_1086 = arith.constant 0 : index
    %get3A_1087 = arith.constant 0 : index
    %get3A_1088 = vector.load %arg5[%get3A_1086, %get3A_1087] : memref<1x256xf32, #tpu.memory_space<vmem>>, vector<1x256xf32>
    %add3A_1089 = vector.broadcast %get3A_1088 : vector<1x256xf32> to vector<1000x256xf32>
    %add3A_1090 = arith.addf %mul3A_1085, %add3A_1089 : vector<1000x256xf32>
    %max3A_1091 = arith.constant 0.000000e+00 : f32
    %max3A_1092 = vector.broadcast %max3A_1091 : f32 to vector<1000x256xf32>
    %max3A_1093 = arith.maximumf %add3A_1090, %max3A_1092 : vector<1000x256xf32>
    %get3A_1094 = arith.constant 2000 : index
    %get3A_1095 = arith.constant 0 : index
    %get3A_1096 = vector.load %arg28[%get3A_1094, %get3A_1095] : memref<10000x128xf32, #tpu.memory_space<vmem>>, vector<1000x128xf32>
    %get3A_1097 = arith.constant 2 : index
    %get3A_1098 = arith.constant 0 : index
    %get3A_1099 = arith.constant 0 : index
    %get3A_1100 = vector.load %arg12[%get3A_1097, %get3A_1098, %get3A_1099] : memref<10x1x1000xi32, #tpu.memory_space<vmem>>, vector<1x1x1000xi32>
    %get3A_1101 = vector.shape_cast %get3A_1100 : vector<1x1x1000xi32> to vector<1x1000xi32>
    %iota3A_1102 = tpu.iota {dimensions = array<i32: 0>} : vector<8x1000xi32>
    %eq3A_1103 = vector.broadcast %get3A_1101 : vector<1x1000xi32> to vector<8x1000xi32>
    %eq3A_1104 = arith.cmpi eq, %eq3A_1103, %iota3A_1102 : vector<8x1000xi32>
    %convert_element_type3A_1105 = arith.extui %eq3A_1104 : vector<8x1000xi1> to vector<8x1000xi32>
    %convert_element_type3A_1106 = arith.sitofp %convert_element_type3A_1105 : vector<8x1000xi32> to vector<8x1000xf32>
    %get3A_1107 = arith.constant 0 : index
    %get3A_1108 = arith.constant 0 : index
    %get3A_1109 = vector.load %arg6[%get3A_1107, %get3A_1108] : memref<256x128xf32, #tpu.memory_space<vmem>>, vector<256x128xf32>
    %dot_general3A_1110 = arith.constant dense<0.000000e+00> : vector<1000x128xf32>
    %dot_general3A_1111 = tpu.matmul %max3A_1093, %get3A_1109, %dot_general3A_1110 {dimension_numbers = #tpu.dot_dimension_numbers<[1], [0], [0], [1], [0, 0, 1, 1], [], []>, transpose_lhs_hint = false} : vector<1000x256xf32>, vector<256x128xf32>, vector<1000x128xf32> -> vector<1000x128xf32>
    %get3A_1112 = arith.constant 0 : index
    %get3A_1113 = arith.constant 0 : index
    %get3A_1114 = vector.load %arg7[%get3A_1112, %get3A_1113] : memref<1x128xf32, #tpu.memory_space<vmem>>, vector<1x128xf32>
    %add3A_1115 = vector.broadcast %get3A_1114 : vector<1x128xf32> to vector<1000x128xf32>
    %add3A_1116 = arith.addf %dot_general3A_1111, %add3A_1115 : vector<1000x128xf32>
    %add3A_1117 = arith.addf %get3A_1096, %add3A_1116 : vector<1000x128xf32>
    %swap3A_1118 = arith.constant 2000 : index
    %swap3A_1119 = arith.constant 0 : index
    %swap3A_1120 = vector.load %arg26[%swap3A_1118, %swap3A_1119] : memref<10000x128xf32, #tpu.memory_space<vmem>>, vector<1000x128xf32>
    tpu.vector_store %arg26[%swap3A_1118, %swap3A_1119], %add3A_1117 {strides = array<i32>} : memref<10000x128xf32, #tpu.memory_space<vmem>>, vector<1000x128xf32>,
    %reduce_sum3A_1121 = arith.constant dense<0.000000e+00> : vector<128xf32>
    %reduce_sum3A_1122 = vector.multi_reduction <add>, %add3A_1117, %reduce_sum3A_1121 [0] : vector<1000x128xf32> to vector<128xf32>
    %broadcast_in_dim3A_1123 = vector.shape_cast %reduce_sum3A_1122 : vector<128xf32> to vector<1x128xf32>
    %add3A_1124 = arith.addf %add3A_1039, %broadcast_in_dim3A_1123 : vector<1x128xf32>
    %mul3A_1125 = arith.mulf %add3A_1117, %add3A_1117 : vector<1000x128xf32>
    %reduce_sum3A_1126 = arith.constant dense<0.000000e+00> : vector<128xf32>
    %reduce_sum3A_1127 = vector.multi_reduction <add>, %mul3A_1125, %reduce_sum3A_1126 [0] : vector<1000x128xf32> to vector<128xf32>
    %broadcast_in_dim3A_1128 = vector.shape_cast %reduce_sum3A_1127 : vector<128xf32> to vector<1x128xf32>
    %add3A_1129 = arith.addf %add3A_1044, %broadcast_in_dim3A_1128 : vector<1x128xf32>
    %dot_general3A_1130 = arith.constant dense<0.000000e+00> : vector<8x128xf32>
    %dot_general3A_1131 = tpu.matmul %convert_element_type3A_1106, %add3A_1116, %dot_general3A_1130 {dimension_numbers = #tpu.dot_dimension_numbers<[1], [0], [0], [1], [0, 0, 1, 1], [], []>, transpose_lhs_hint = false} : vector<8x1000xf32>, vector<1000x128xf32>, vector<8x128xf32> -> vector<8x128xf32>
    %add3A_1132 = arith.addf %add3A_1047, %dot_general3A_1131 : vector<8x128xf32>
    %get3A_1133 = arith.constant 0 : index
    %get3A_1134 = arith.constant 0 : index
    %get3A_1135 = vector.load %arg8[%get3A_1133, %get3A_1134] : memref<256x128xf32, #tpu.memory_space<vmem>>, vector<256x128xf32>
    %dot_general3A_1136 = arith.constant dense<0.000000e+00> : vector<1000x128xf32>
    %dot_general3A_1137 = tpu.matmul %max3A_1093, %get3A_1135, %dot_general3A_1136 {dimension_numbers = #tpu.dot_dimension_numbers<[1], [0], [0], [1], [0, 0, 1, 1], [], []>, transpose_lhs_hint = false} : vector<1000x256xf32>, vector<256x128xf32>, vector<1000x128xf32> -> vector<1000x128xf32>
    %get3A_1138 = arith.constant 0 : index
    %get3A_1139 = arith.constant 0 : index
    %get3A_1140 = vector.load %arg9[%get3A_1138, %get3A_1139] : memref<1x128xf32, #tpu.memory_space<vmem>>, vector<1x128xf32>
    %add3A_1141 = vector.broadcast %get3A_1140 : vector<1x128xf32> to vector<1000x128xf32>
    %add3A_1142 = arith.addf %dot_general3A_1137, %add3A_1141 : vector<1000x128xf32>
    %add3A_1143 = arith.addf %get3A_1096, %add3A_1142 : vector<1000x128xf32>
    %swap3A_1144 = arith.constant 2000 : index
    %swap3A_1145 = arith.constant 0 : index
    %swap3A_1146 = vector.load %arg27[%swap3A_1144, %swap3A_1145] : memref<10000x128xf32, #tpu.memory_space<vmem>>, vector<1000x128xf32>
    tpu.vector_store %arg27[%swap3A_1144, %swap3A_1145], %add3A_1143 {strides = array<i32>} : memref<10000x128xf32, #tpu.memory_space<vmem>>, vector<1000x128xf32>,
    %reduce_sum3A_1147 = arith.constant dense<0.000000e+00> : vector<128xf32>
    %reduce_sum3A_1148 = vector.multi_reduction <add>, %add3A_1143, %reduce_sum3A_1147 [0] : vector<1000x128xf32> to vector<128xf32>
    %broadcast_in_dim3A_1149 = vector.shape_cast %reduce_sum3A_1148 : vector<128xf32> to vector<1x128xf32>
    %add3A_1150 = arith.addf %add3A_1065, %broadcast_in_dim3A_1149 : vector<1x128xf32>
    %mul3A_1151 = arith.mulf %add3A_1143, %add3A_1143 : vector<1000x128xf32>
    %reduce_sum3A_1152 = arith.constant dense<0.000000e+00> : vector<128xf32>
    %reduce_sum3A_1153 = vector.multi_reduction <add>, %mul3A_1151, %reduce_sum3A_1152 [0] : vector<1000x128xf32> to vector<128xf32>
    %broadcast_in_dim3A_1154 = vector.shape_cast %reduce_sum3A_1153 : vector<128xf32> to vector<1x128xf32>
    %add3A_1155 = arith.addf %add3A_1070, %broadcast_in_dim3A_1154 : vector<1x128xf32>
    %dot_general3A_1156 = arith.constant dense<0.000000e+00> : vector<8x128xf32>
    %dot_general3A_1157 = tpu.matmul %convert_element_type3A_1106, %add3A_1142, %dot_general3A_1156 {dimension_numbers = #tpu.dot_dimension_numbers<[1], [0], [0], [1], [0, 0, 1, 1], [], []>, transpose_lhs_hint = false} : vector<8x1000xf32>, vector<1000x128xf32>, vector<8x128xf32> -> vector<8x128xf32>
    %add3A_1158 = arith.addf %add3A_1073, %dot_general3A_1157 : vector<8x128xf32>
    %get3A_1159 = arith.constant 3000 : index
    %get3A_1160 = arith.constant 0 : index
    %get3A_1161 = vector.load %arg25[%get3A_1159, %get3A_1160] : memref<10000x256xf32, #tpu.memory_space<vmem>>, vector<1000x256xf32>
    %sub3A_1162 = vector.broadcast %div3A_884 : vector<1x256xf32> to vector<1000x256xf32>
    %sub3A_1163 = arith.subf %get3A_1161, %sub3A_1162 : vector<1000x256xf32>
    %mul3A_1164 = vector.broadcast %rsqrt3A : vector<1x256xf32> to vector<1000x256xf32>
    %mul3A_1165 = arith.mulf %sub3A_1163, %mul3A_1164 : vector<1000x256xf32>
    %get3A_1166 = arith.constant 0 : index
    %get3A_1167 = arith.constant 0 : index
    %get3A_1168 = vector.load %arg4[%get3A_1166, %get3A_1167] : memref<1x256xf32, #tpu.memory_space<vmem>>, vector<1x256xf32>
    %mul3A_1169 = vector.broadcast %get3A_1168 : vector<1x256xf32> to vector<1000x256xf32>
    %mul3A_1170 = arith.mulf %mul3A_1165, %mul3A_1169 : vector<1000x256xf32>
    %get3A_1171 = arith.constant 0 : index
    %get3A_1172 = arith.constant 0 : index
    %get3A_1173 = vector.load %arg5[%get3A_1171, %get3A_1172] : memref<1x256xf32, #tpu.memory_space<vmem>>, vector<1x256xf32>
    %add3A_1174 = vector.broadcast %get3A_1173 : vector<1x256xf32> to vector<1000x256xf32>
    %add3A_1175 = arith.addf %mul3A_1170, %add3A_1174 : vector<1000x256xf32>
    %max3A_1176 = arith.constant 0.000000e+00 : f32
    %max3A_1177 = vector.broadcast %max3A_1176 : f32 to vector<1000x256xf32>
    %max3A_1178 = arith.maximumf %add3A_1175, %max3A_1177 : vector<1000x256xf32>
    %get3A_1179 = arith.constant 3000 : index
    %get3A_1180 = arith.constant 0 : index
    %get3A_1181 = vector.load %arg28[%get3A_1179, %get3A_1180] : memref<10000x128xf32, #tpu.memory_space<vmem>>, vector<1000x128xf32>
    %get3A_1182 = arith.constant 3 : index
    %get3A_1183 = arith.constant 0 : index
    %get3A_1184 = arith.constant 0 : index
    %get3A_1185 = vector.load %arg12[%get3A_1182, %get3A_1183, %get3A_1184] : memref<10x1x1000xi32, #tpu.memory_space<vmem>>, vector<1x1x1000xi32>
    %get3A_1186 = vector.shape_cast %get3A_1185 : vector<1x1x1000xi32> to vector<1x1000xi32>
    %iota3A_1187 = tpu.iota {dimensions = array<i32: 0>} : vector<8x1000xi32>
    %eq3A_1188 = vector.broadcast %get3A_1186 : vector<1x1000xi32> to vector<8x1000xi32>
    %eq3A_1189 = arith.cmpi eq, %eq3A_1188, %iota3A_1187 : vector<8x1000xi32>
    %convert_element_type3A_1190 = arith.extui %eq3A_1189 : vector<8x1000xi1> to vector<8x1000xi32>
    %convert_element_type3A_1191 = arith.sitofp %convert_element_type3A_1190 : vector<8x1000xi32> to vector<8x1000xf32>
    %get3A_1192 = arith.constant 0 : index
    %get3A_1193 = arith.constant 0 : index
    %get3A_1194 = vector.load %arg6[%get3A_1192, %get3A_1193] : memref<256x128xf32, #tpu.memory_space<vmem>>, vector<256x128xf32>
    %dot_general3A_1195 = arith.constant dense<0.000000e+00> : vector<1000x128xf32>
    %dot_general3A_1196 = tpu.matmul %max3A_1178, %get3A_1194, %dot_general3A_1195 {dimension_numbers = #tpu.dot_dimension_numbers<[1], [0], [0], [1], [0, 0, 1, 1], [], []>, transpose_lhs_hint = false} : vector<1000x256xf32>, vector<256x128xf32>, vector<1000x128xf32> -> vector<1000x128xf32>
    %get3A_1197 = arith.constant 0 : index
    %get3A_1198 = arith.constant 0 : index
    %get3A_1199 = vector.load %arg7[%get3A_1197, %get3A_1198] : memref<1x128xf32, #tpu.memory_space<vmem>>, vector<1x128xf32>
    %add3A_1200 = vector.broadcast %get3A_1199 : vector<1x128xf32> to vector<1000x128xf32>
    %add3A_1201 = arith.addf %dot_general3A_1196, %add3A_1200 : vector<1000x128xf32>
    %add3A_1202 = arith.addf %get3A_1181, %add3A_1201 : vector<1000x128xf32>
    %swap3A_1203 = arith.constant 3000 : index
    %swap3A_1204 = arith.constant 0 : index
    %swap3A_1205 = vector.load %arg26[%swap3A_1203, %swap3A_1204] : memref<10000x128xf32, #tpu.memory_space<vmem>>, vector<1000x128xf32>
    tpu.vector_store %arg26[%swap3A_1203, %swap3A_1204], %add3A_1202 {strides = array<i32>} : memref<10000x128xf32, #tpu.memory_space<vmem>>, vector<1000x128xf32>,
    %reduce_sum3A_1206 = arith.constant dense<0.000000e+00> : vector<128xf32>
    %reduce_sum3A_1207 = vector.multi_reduction <add>, %add3A_1202, %reduce_sum3A_1206 [0] : vector<1000x128xf32> to vector<128xf32>
    %broadcast_in_dim3A_1208 = vector.shape_cast %reduce_sum3A_1207 : vector<128xf32> to vector<1x128xf32>
    %add3A_1209 = arith.addf %add3A_1124, %broadcast_in_dim3A_1208 : vector<1x128xf32>
    %mul3A_1210 = arith.mulf %add3A_1202, %add3A_1202 : vector<1000x128xf32>
    %reduce_sum3A_1211 = arith.constant dense<0.000000e+00> : vector<128xf32>
    %reduce_sum3A_1212 = vector.multi_reduction <add>, %mul3A_1210, %reduce_sum3A_1211 [0] : vector<1000x128xf32> to vector<128xf32>
    %broadcast_in_dim3A_1213 = vector.shape_cast %reduce_sum3A_1212 : vector<128xf32> to vector<1x128xf32>
    %add3A_1214 = arith.addf %add3A_1129, %broadcast_in_dim3A_1213 : vector<1x128xf32>
    %dot_general3A_1215 = arith.constant dense<0.000000e+00> : vector<8x128xf32>
    %dot_general3A_1216 = tpu.matmul %convert_element_type3A_1191, %add3A_1201, %dot_general3A_1215 {dimension_numbers = #tpu.dot_dimension_numbers<[1], [0], [0], [1], [0, 0, 1, 1], [], []>, transpose_lhs_hint = false} : vector<8x1000xf32>, vector<1000x128xf32>, vector<8x128xf32> -> vector<8x128xf32>
    %add3A_1217 = arith.addf %add3A_1132, %dot_general3A_1216 : vector<8x128xf32>
    %get3A_1218 = arith.constant 0 : index
    %get3A_1219 = arith.constant 0 : index
    %get3A_1220 = vector.load %arg8[%get3A_1218, %get3A_1219] : memref<256x128xf32, #tpu.memory_space<vmem>>, vector<256x128xf32>
    %dot_general3A_1221 = arith.constant dense<0.000000e+00> : vector<1000x128xf32>
    %dot_general3A_1222 = tpu.matmul %max3A_1178, %get3A_1220, %dot_general3A_1221 {dimension_numbers = #tpu.dot_dimension_numbers<[1], [0], [0], [1], [0, 0, 1, 1], [], []>, transpose_lhs_hint = false} : vector<1000x256xf32>, vector<256x128xf32>, vector<1000x128xf32> -> vector<1000x128xf32>
    %get3A_1223 = arith.constant 0 : index
    %get3A_1224 = arith.constant 0 : index
    %get3A_1225 = vector.load %arg9[%get3A_1223, %get3A_1224] : memref<1x128xf32, #tpu.memory_space<vmem>>, vector<1x128xf32>
    %add3A_1226 = vector.broadcast %get3A_1225 : vector<1x128xf32> to vector<1000x128xf32>
    %add3A_1227 = arith.addf %dot_general3A_1222, %add3A_1226 : vector<1000x128xf32>
    %add3A_1228 = arith.addf %get3A_1181, %add3A_1227 : vector<1000x128xf32>
    %swap3A_1229 = arith.constant 3000 : index
    %swap3A_1230 = arith.constant 0 : index
    %swap3A_1231 = vector.load %arg27[%swap3A_1229, %swap3A_1230] : memref<10000x128xf32, #tpu.memory_space<vmem>>, vector<1000x128xf32>
    tpu.vector_store %arg27[%swap3A_1229, %swap3A_1230], %add3A_1228 {strides = array<i32>} : memref<10000x128xf32, #tpu.memory_space<vmem>>, vector<1000x128xf32>,
    %reduce_sum3A_1232 = arith.constant dense<0.000000e+00> : vector<128xf32>
    %reduce_sum3A_1233 = vector.multi_reduction <add>, %add3A_1228, %reduce_sum3A_1232 [0] : vector<1000x128xf32> to vector<128xf32>
    %broadcast_in_dim3A_1234 = vector.shape_cast %reduce_sum3A_1233 : vector<128xf32> to vector<1x128xf32>
    %add3A_1235 = arith.addf %add3A_1150, %broadcast_in_dim3A_1234 : vector<1x128xf32>
    %mul3A_1236 = arith.mulf %add3A_1228, %add3A_1228 : vector<1000x128xf32>
    %reduce_sum3A_1237 = arith.constant dense<0.000000e+00> : vector<128xf32>
    %reduce_sum3A_1238 = vector.multi_reduction <add>, %mul3A_1236, %reduce_sum3A_1237 [0] : vector<1000x128xf32> to vector<128xf32>
    %broadcast_in_dim3A_1239 = vector.shape_cast %reduce_sum3A_1238 : vector<128xf32> to vector<1x128xf32>
    %add3A_1240 = arith.addf %add3A_1155, %broadcast_in_dim3A_1239 : vector<1x128xf32>
    %dot_general3A_1241 = arith.constant dense<0.000000e+00> : vector<8x128xf32>
    %dot_general3A_1242 = tpu.matmul %convert_element_type3A_1191, %add3A_1227, %dot_general3A_1241 {dimension_numbers = #tpu.dot_dimension_numbers<[1], [0], [0], [1], [0, 0, 1, 1], [], []>, transpose_lhs_hint = false} : vector<8x1000xf32>, vector<1000x128xf32>, vector<8x128xf32> -> vector<8x128xf32>
    %add3A_1243 = arith.addf %add3A_1158, %dot_general3A_1242 : vector<8x128xf32>
    %get3A_1244 = arith.constant 4000 : index
    %get3A_1245 = arith.constant 0 : index
    %get3A_1246 = vector.load %arg25[%get3A_1244, %get3A_1245] : memref<10000x256xf32, #tpu.memory_space<vmem>>, vector<1000x256xf32>
    %sub3A_1247 = vector.broadcast %div3A_884 : vector<1x256xf32> to vector<1000x256xf32>
    %sub3A_1248 = arith.subf %get3A_1246, %sub3A_1247 : vector<1000x256xf32>
    %mul3A_1249 = vector.broadcast %rsqrt3A : vector<1x256xf32> to vector<1000x256xf32>
    %mul3A_1250 = arith.mulf %sub3A_1248, %mul3A_1249 : vector<1000x256xf32>
    %get3A_1251 = arith.constant 0 : index
    %get3A_1252 = arith.constant 0 : index
    %get3A_1253 = vector.load %arg4[%get3A_1251, %get3A_1252] : memref<1x256xf32, #tpu.memory_space<vmem>>, vector<1x256xf32>
    %mul3A_1254 = vector.broadcast %get3A_1253 : vector<1x256xf32> to vector<1000x256xf32>
    %mul3A_1255 = arith.mulf %mul3A_1250, %mul3A_1254 : vector<1000x256xf32>
    %get3A_1256 = arith.constant 0 : index
    %get3A_1257 = arith.constant 0 : index
    %get3A_1258 = vector.load %arg5[%get3A_1256, %get3A_1257] : memref<1x256xf32, #tpu.memory_space<vmem>>, vector<1x256xf32>
    %add3A_1259 = vector.broadcast %get3A_1258 : vector<1x256xf32> to vector<1000x256xf32>
    %add3A_1260 = arith.addf %mul3A_1255, %add3A_1259 : vector<1000x256xf32>
    %max3A_1261 = arith.constant 0.000000e+00 : f32
    %max3A_1262 = vector.broadcast %max3A_1261 : f32 to vector<1000x256xf32>
    %max3A_1263 = arith.maximumf %add3A_1260, %max3A_1262 : vector<1000x256xf32>
    %get3A_1264 = arith.constant 4000 : index
    %get3A_1265 = arith.constant 0 : index
    %get3A_1266 = vector.load %arg28[%get3A_1264, %get3A_1265] : memref<10000x128xf32, #tpu.memory_space<vmem>>, vector<1000x128xf32>
    %get3A_1267 = arith.constant 4 : index
    %get3A_1268 = arith.constant 0 : index
    %get3A_1269 = arith.constant 0 : index
    %get3A_1270 = vector.load %arg12[%get3A_1267, %get3A_1268, %get3A_1269] : memref<10x1x1000xi32, #tpu.memory_space<vmem>>, vector<1x1x1000xi32>
    %get3A_1271 = vector.shape_cast %get3A_1270 : vector<1x1x1000xi32> to vector<1x1000xi32>
    %iota3A_1272 = tpu.iota {dimensions = array<i32: 0>} : vector<8x1000xi32>
    %eq3A_1273 = vector.broadcast %get3A_1271 : vector<1x1000xi32> to vector<8x1000xi32>
    %eq3A_1274 = arith.cmpi eq, %eq3A_1273, %iota3A_1272 : vector<8x1000xi32>
    %convert_element_type3A_1275 = arith.extui %eq3A_1274 : vector<8x1000xi1> to vector<8x1000xi32>
    %convert_element_type3A_1276 = arith.sitofp %convert_element_type3A_1275 : vector<8x1000xi32> to vector<8x1000xf32>
    %get3A_1277 = arith.constant 0 : index
    %get3A_1278 = arith.constant 0 : index
    %get3A_1279 = vector.load %arg6[%get3A_1277, %get3A_1278] : memref<256x128xf32, #tpu.memory_space<vmem>>, vector<256x128xf32>
    %dot_general3A_1280 = arith.constant dense<0.000000e+00> : vector<1000x128xf32>
    %dot_general3A_1281 = tpu.matmul %max3A_1263, %get3A_1279, %dot_general3A_1280 {dimension_numbers = #tpu.dot_dimension_numbers<[1], [0], [0], [1], [0, 0, 1, 1], [], []>, transpose_lhs_hint = false} : vector<1000x256xf32>, vector<256x128xf32>, vector<1000x128xf32> -> vector<1000x128xf32>
    %get3A_1282 = arith.constant 0 : index
    %get3A_1283 = arith.constant 0 : index
    %get3A_1284 = vector.load %arg7[%get3A_1282, %get3A_1283] : memref<1x128xf32, #tpu.memory_space<vmem>>, vector<1x128xf32>
    %add3A_1285 = vector.broadcast %get3A_1284 : vector<1x128xf32> to vector<1000x128xf32>
    %add3A_1286 = arith.addf %dot_general3A_1281, %add3A_1285 : vector<1000x128xf32>
    %add3A_1287 = arith.addf %get3A_1266, %add3A_1286 : vector<1000x128xf32>
    %swap3A_1288 = arith.constant 4000 : index
    %swap3A_1289 = arith.constant 0 : index
    %swap3A_1290 = vector.load %arg26[%swap3A_1288, %swap3A_1289] : memref<10000x128xf32, #tpu.memory_space<vmem>>, vector<1000x128xf32>
    tpu.vector_store %arg26[%swap3A_1288, %swap3A_1289], %add3A_1287 {strides = array<i32>} : memref<10000x128xf32, #tpu.memory_space<vmem>>, vector<1000x128xf32>,
    %reduce_sum3A_1291 = arith.constant dense<0.000000e+00> : vector<128xf32>
    %reduce_sum3A_1292 = vector.multi_reduction <add>, %add3A_1287, %reduce_sum3A_1291 [0] : vector<1000x128xf32> to vector<128xf32>
    %broadcast_in_dim3A_1293 = vector.shape_cast %reduce_sum3A_1292 : vector<128xf32> to vector<1x128xf32>
    %add3A_1294 = arith.addf %add3A_1209, %broadcast_in_dim3A_1293 : vector<1x128xf32>
    %mul3A_1295 = arith.mulf %add3A_1287, %add3A_1287 : vector<1000x128xf32>
    %reduce_sum3A_1296 = arith.constant dense<0.000000e+00> : vector<128xf32>
    %reduce_sum3A_1297 = vector.multi_reduction <add>, %mul3A_1295, %reduce_sum3A_1296 [0] : vector<1000x128xf32> to vector<128xf32>
    %broadcast_in_dim3A_1298 = vector.shape_cast %reduce_sum3A_1297 : vector<128xf32> to vector<1x128xf32>
    %add3A_1299 = arith.addf %add3A_1214, %broadcast_in_dim3A_1298 : vector<1x128xf32>
    %dot_general3A_1300 = arith.constant dense<0.000000e+00> : vector<8x128xf32>
    %dot_general3A_1301 = tpu.matmul %convert_element_type3A_1276, %add3A_1286, %dot_general3A_1300 {dimension_numbers = #tpu.dot_dimension_numbers<[1], [0], [0], [1], [0, 0, 1, 1], [], []>, transpose_lhs_hint = false} : vector<8x1000xf32>, vector<1000x128xf32>, vector<8x128xf32> -> vector<8x128xf32>
    %add3A_1302 = arith.addf %add3A_1217, %dot_general3A_1301 : vector<8x128xf32>
    %get3A_1303 = arith.constant 0 : index
    %get3A_1304 = arith.constant 0 : index
    %get3A_1305 = vector.load %arg8[%get3A_1303, %get3A_1304] : memref<256x128xf32, #tpu.memory_space<vmem>>, vector<256x128xf32>
    %dot_general3A_1306 = arith.constant dense<0.000000e+00> : vector<1000x128xf32>
    %dot_general3A_1307 = tpu.matmul %max3A_1263, %get3A_1305, %dot_general3A_1306 {dimension_numbers = #tpu.dot_dimension_numbers<[1], [0], [0], [1], [0, 0, 1, 1], [], []>, transpose_lhs_hint = false} : vector<1000x256xf32>, vector<256x128xf32>, vector<1000x128xf32> -> vector<1000x128xf32>
    %get3A_1308 = arith.constant 0 : index
    %get3A_1309 = arith.constant 0 : index
    %get3A_1310 = vector.load %arg9[%get3A_1308, %get3A_1309] : memref<1x128xf32, #tpu.memory_space<vmem>>, vector<1x128xf32>
    %add3A_1311 = vector.broadcast %get3A_1310 : vector<1x128xf32> to vector<1000x128xf32>
    %add3A_1312 = arith.addf %dot_general3A_1307, %add3A_1311 : vector<1000x128xf32>
    %add3A_1313 = arith.addf %get3A_1266, %add3A_1312 : vector<1000x128xf32>
    %swap3A_1314 = arith.constant 4000 : index
    %swap3A_1315 = arith.constant 0 : index
    %swap3A_1316 = vector.load %arg27[%swap3A_1314, %swap3A_1315] : memref<10000x128xf32, #tpu.memory_space<vmem>>, vector<1000x128xf32>
    tpu.vector_store %arg27[%swap3A_1314, %swap3A_1315], %add3A_1313 {strides = array<i32>} : memref<10000x128xf32, #tpu.memory_space<vmem>>, vector<1000x128xf32>,
    %reduce_sum3A_1317 = arith.constant dense<0.000000e+00> : vector<128xf32>
    %reduce_sum3A_1318 = vector.multi_reduction <add>, %add3A_1313, %reduce_sum3A_1317 [0] : vector<1000x128xf32> to vector<128xf32>
    %broadcast_in_dim3A_1319 = vector.shape_cast %reduce_sum3A_1318 : vector<128xf32> to vector<1x128xf32>
    %add3A_1320 = arith.addf %add3A_1235, %broadcast_in_dim3A_1319 : vector<1x128xf32>
    %mul3A_1321 = arith.mulf %add3A_1313, %add3A_1313 : vector<1000x128xf32>
    %reduce_sum3A_1322 = arith.constant dense<0.000000e+00> : vector<128xf32>
    %reduce_sum3A_1323 = vector.multi_reduction <add>, %mul3A_1321, %reduce_sum3A_1322 [0] : vector<1000x128xf32> to vector<128xf32>
    %broadcast_in_dim3A_1324 = vector.shape_cast %reduce_sum3A_1323 : vector<128xf32> to vector<1x128xf32>
    %add3A_1325 = arith.addf %add3A_1240, %broadcast_in_dim3A_1324 : vector<1x128xf32>
    %dot_general3A_1326 = arith.constant dense<0.000000e+00> : vector<8x128xf32>
    %dot_general3A_1327 = tpu.matmul %convert_element_type3A_1276, %add3A_1312, %dot_general3A_1326 {dimension_numbers = #tpu.dot_dimension_numbers<[1], [0], [0], [1], [0, 0, 1, 1], [], []>, transpose_lhs_hint = false} : vector<8x1000xf32>, vector<1000x128xf32>, vector<8x128xf32> -> vector<8x128xf32>
    %add3A_1328 = arith.addf %add3A_1243, %dot_general3A_1327 : vector<8x128xf32>
    %get3A_1329 = arith.constant 5000 : index
    %get3A_1330 = arith.constant 0 : index
    %get3A_1331 = vector.load %arg25[%get3A_1329, %get3A_1330] : memref<10000x256xf32, #tpu.memory_space<vmem>>, vector<1000x256xf32>
    %sub3A_1332 = vector.broadcast %div3A_884 : vector<1x256xf32> to vector<1000x256xf32>
    %sub3A_1333 = arith.subf %get3A_1331, %sub3A_1332 : vector<1000x256xf32>
    %mul3A_1334 = vector.broadcast %rsqrt3A : vector<1x256xf32> to vector<1000x256xf32>
    %mul3A_1335 = arith.mulf %sub3A_1333, %mul3A_1334 : vector<1000x256xf32>
    %get3A_1336 = arith.constant 0 : index
    %get3A_1337 = arith.constant 0 : index
    %get3A_1338 = vector.load %arg4[%get3A_1336, %get3A_1337] : memref<1x256xf32, #tpu.memory_space<vmem>>, vector<1x256xf32>
    %mul3A_1339 = vector.broadcast %get3A_1338 : vector<1x256xf32> to vector<1000x256xf32>
    %mul3A_1340 = arith.mulf %mul3A_1335, %mul3A_1339 : vector<1000x256xf32>
    %get3A_1341 = arith.constant 0 : index
    %get3A_1342 = arith.constant 0 : index
    %get3A_1343 = vector.load %arg5[%get3A_1341, %get3A_1342] : memref<1x256xf32, #tpu.memory_space<vmem>>, vector<1x256xf32>
    %add3A_1344 = vector.broadcast %get3A_1343 : vector<1x256xf32> to vector<1000x256xf32>
    %add3A_1345 = arith.addf %mul3A_1340, %add3A_1344 : vector<1000x256xf32>
    %max3A_1346 = arith.constant 0.000000e+00 : f32
    %max3A_1347 = vector.broadcast %max3A_1346 : f32 to vector<1000x256xf32>
    %max3A_1348 = arith.maximumf %add3A_1345, %max3A_1347 : vector<1000x256xf32>
    %get3A_1349 = arith.constant 5000 : index
    %get3A_1350 = arith.constant 0 : index
    %get3A_1351 = vector.load %arg28[%get3A_1349, %get3A_1350] : memref<10000x128xf32, #tpu.memory_space<vmem>>, vector<1000x128xf32>
    %get3A_1352 = arith.constant 5 : index
    %get3A_1353 = arith.constant 0 : index
    %get3A_1354 = arith.constant 0 : index
    %get3A_1355 = vector.load %arg12[%get3A_1352, %get3A_1353, %get3A_1354] : memref<10x1x1000xi32, #tpu.memory_space<vmem>>, vector<1x1x1000xi32>
    %get3A_1356 = vector.shape_cast %get3A_1355 : vector<1x1x1000xi32> to vector<1x1000xi32>
    %iota3A_1357 = tpu.iota {dimensions = array<i32: 0>} : vector<8x1000xi32>
    %eq3A_1358 = vector.broadcast %get3A_1356 : vector<1x1000xi32> to vector<8x1000xi32>
    %eq3A_1359 = arith.cmpi eq, %eq3A_1358, %iota3A_1357 : vector<8x1000xi32>
    %convert_element_type3A_1360 = arith.extui %eq3A_1359 : vector<8x1000xi1> to vector<8x1000xi32>
    %convert_element_type3A_1361 = arith.sitofp %convert_element_type3A_1360 : vector<8x1000xi32> to vector<8x1000xf32>
    %get3A_1362 = arith.constant 0 : index
    %get3A_1363 = arith.constant 0 : index
    %get3A_1364 = vector.load %arg6[%get3A_1362, %get3A_1363] : memref<256x128xf32, #tpu.memory_space<vmem>>, vector<256x128xf32>
    %dot_general3A_1365 = arith.constant dense<0.000000e+00> : vector<1000x128xf32>
    %dot_general3A_1366 = tpu.matmul %max3A_1348, %get3A_1364, %dot_general3A_1365 {dimension_numbers = #tpu.dot_dimension_numbers<[1], [0], [0], [1], [0, 0, 1, 1], [], []>, transpose_lhs_hint = false} : vector<1000x256xf32>, vector<256x128xf32>, vector<1000x128xf32> -> vector<1000x128xf32>
    %get3A_1367 = arith.constant 0 : index
    %get3A_1368 = arith.constant 0 : index
    %get3A_1369 = vector.load %arg7[%get3A_1367, %get3A_1368] : memref<1x128xf32, #tpu.memory_space<vmem>>, vector<1x128xf32>
    %add3A_1370 = vector.broadcast %get3A_1369 : vector<1x128xf32> to vector<1000x128xf32>
    %add3A_1371 = arith.addf %dot_general3A_1366, %add3A_1370 : vector<1000x128xf32>
    %add3A_1372 = arith.addf %get3A_1351, %add3A_1371 : vector<1000x128xf32>
    %swap3A_1373 = arith.constant 5000 : index
    %swap3A_1374 = arith.constant 0 : index
    %swap3A_1375 = vector.load %arg26[%swap3A_1373, %swap3A_1374] : memref<10000x128xf32, #tpu.memory_space<vmem>>, vector<1000x128xf32>
    tpu.vector_store %arg26[%swap3A_1373, %swap3A_1374], %add3A_1372 {strides = array<i32>} : memref<10000x128xf32, #tpu.memory_space<vmem>>, vector<1000x128xf32>,
    %reduce_sum3A_1376 = arith.constant dense<0.000000e+00> : vector<128xf32>
    %reduce_sum3A_1377 = vector.multi_reduction <add>, %add3A_1372, %reduce_sum3A_1376 [0] : vector<1000x128xf32> to vector<128xf32>
    %broadcast_in_dim3A_1378 = vector.shape_cast %reduce_sum3A_1377 : vector<128xf32> to vector<1x128xf32>
    %add3A_1379 = arith.addf %add3A_1294, %broadcast_in_dim3A_1378 : vector<1x128xf32>
    %mul3A_1380 = arith.mulf %add3A_1372, %add3A_1372 : vector<1000x128xf32>
    %reduce_sum3A_1381 = arith.constant dense<0.000000e+00> : vector<128xf32>
    %reduce_sum3A_1382 = vector.multi_reduction <add>, %mul3A_1380, %reduce_sum3A_1381 [0] : vector<1000x128xf32> to vector<128xf32>
    %broadcast_in_dim3A_1383 = vector.shape_cast %reduce_sum3A_1382 : vector<128xf32> to vector<1x128xf32>
    %add3A_1384 = arith.addf %add3A_1299, %broadcast_in_dim3A_1383 : vector<1x128xf32>
    %dot_general3A_1385 = arith.constant dense<0.000000e+00> : vector<8x128xf32>
    %dot_general3A_1386 = tpu.matmul %convert_element_type3A_1361, %add3A_1371, %dot_general3A_1385 {dimension_numbers = #tpu.dot_dimension_numbers<[1], [0], [0], [1], [0, 0, 1, 1], [], []>, transpose_lhs_hint = false} : vector<8x1000xf32>, vector<1000x128xf32>, vector<8x128xf32> -> vector<8x128xf32>
    %add3A_1387 = arith.addf %add3A_1302, %dot_general3A_1386 : vector<8x128xf32>
    %get3A_1388 = arith.constant 0 : index
    %get3A_1389 = arith.constant 0 : index
    %get3A_1390 = vector.load %arg8[%get3A_1388, %get3A_1389] : memref<256x128xf32, #tpu.memory_space<vmem>>, vector<256x128xf32>
    %dot_general3A_1391 = arith.constant dense<0.000000e+00> : vector<1000x128xf32>
    %dot_general3A_1392 = tpu.matmul %max3A_1348, %get3A_1390, %dot_general3A_1391 {dimension_numbers = #tpu.dot_dimension_numbers<[1], [0], [0], [1], [0, 0, 1, 1], [], []>, transpose_lhs_hint = false} : vector<1000x256xf32>, vector<256x128xf32>, vector<1000x128xf32> -> vector<1000x128xf32>
    %get3A_1393 = arith.constant 0 : index
    %get3A_1394 = arith.constant 0 : index
    %get3A_1395 = vector.load %arg9[%get3A_1393, %get3A_1394] : memref<1x128xf32, #tpu.memory_space<vmem>>, vector<1x128xf32>
    %add3A_1396 = vector.broadcast %get3A_1395 : vector<1x128xf32> to vector<1000x128xf32>
    %add3A_1397 = arith.addf %dot_general3A_1392, %add3A_1396 : vector<1000x128xf32>
    %add3A_1398 = arith.addf %get3A_1351, %add3A_1397 : vector<1000x128xf32>
    %swap3A_1399 = arith.constant 5000 : index
    %swap3A_1400 = arith.constant 0 : index
    %swap3A_1401 = vector.load %arg27[%swap3A_1399, %swap3A_1400] : memref<10000x128xf32, #tpu.memory_space<vmem>>, vector<1000x128xf32>
    tpu.vector_store %arg27[%swap3A_1399, %swap3A_1400], %add3A_1398 {strides = array<i32>} : memref<10000x128xf32, #tpu.memory_space<vmem>>, vector<1000x128xf32>,
    %reduce_sum3A_1402 = arith.constant dense<0.000000e+00> : vector<128xf32>
    %reduce_sum3A_1403 = vector.multi_reduction <add>, %add3A_1398, %reduce_sum3A_1402 [0] : vector<1000x128xf32> to vector<128xf32>
    %broadcast_in_dim3A_1404 = vector.shape_cast %reduce_sum3A_1403 : vector<128xf32> to vector<1x128xf32>
    %add3A_1405 = arith.addf %add3A_1320, %broadcast_in_dim3A_1404 : vector<1x128xf32>
    %mul3A_1406 = arith.mulf %add3A_1398, %add3A_1398 : vector<1000x128xf32>
    %reduce_sum3A_1407 = arith.constant dense<0.000000e+00> : vector<128xf32>
    %reduce_sum3A_1408 = vector.multi_reduction <add>, %mul3A_1406, %reduce_sum3A_1407 [0] : vector<1000x128xf32> to vector<128xf32>
    %broadcast_in_dim3A_1409 = vector.shape_cast %reduce_sum3A_1408 : vector<128xf32> to vector<1x128xf32>
    %add3A_1410 = arith.addf %add3A_1325, %broadcast_in_dim3A_1409 : vector<1x128xf32>
    %dot_general3A_1411 = arith.constant dense<0.000000e+00> : vector<8x128xf32>
    %dot_general3A_1412 = tpu.matmul %convert_element_type3A_1361, %add3A_1397, %dot_general3A_1411 {dimension_numbers = #tpu.dot_dimension_numbers<[1], [0], [0], [1], [0, 0, 1, 1], [], []>, transpose_lhs_hint = false} : vector<8x1000xf32>, vector<1000x128xf32>, vector<8x128xf32> -> vector<8x128xf32>
    %add3A_1413 = arith.addf %add3A_1328, %dot_general3A_1412 : vector<8x128xf32>
    %get3A_1414 = arith.constant 6000 : index
    %get3A_1415 = arith.constant 0 : index
    %get3A_1416 = vector.load %arg25[%get3A_1414, %get3A_1415] : memref<10000x256xf32, #tpu.memory_space<vmem>>, vector<1000x256xf32>
    %sub3A_1417 = vector.broadcast %div3A_884 : vector<1x256xf32> to vector<1000x256xf32>
    %sub3A_1418 = arith.subf %get3A_1416, %sub3A_1417 : vector<1000x256xf32>
    %mul3A_1419 = vector.broadcast %rsqrt3A : vector<1x256xf32> to vector<1000x256xf32>
    %mul3A_1420 = arith.mulf %sub3A_1418, %mul3A_1419 : vector<1000x256xf32>
    %get3A_1421 = arith.constant 0 : index
    %get3A_1422 = arith.constant 0 : index
    %get3A_1423 = vector.load %arg4[%get3A_1421, %get3A_1422] : memref<1x256xf32, #tpu.memory_space<vmem>>, vector<1x256xf32>
    %mul3A_1424 = vector.broadcast %get3A_1423 : vector<1x256xf32> to vector<1000x256xf32>
    %mul3A_1425 = arith.mulf %mul3A_1420, %mul3A_1424 : vector<1000x256xf32>
    %get3A_1426 = arith.constant 0 : index
    %get3A_1427 = arith.constant 0 : index
    %get3A_1428 = vector.load %arg5[%get3A_1426, %get3A_1427] : memref<1x256xf32, #tpu.memory_space<vmem>>, vector<1x256xf32>
    %add3A_1429 = vector.broadcast %get3A_1428 : vector<1x256xf32> to vector<1000x256xf32>
    %add3A_1430 = arith.addf %mul3A_1425, %add3A_1429 : vector<1000x256xf32>
    %max3A_1431 = arith.constant 0.000000e+00 : f32
    %max3A_1432 = vector.broadcast %max3A_1431 : f32 to vector<1000x256xf32>
    %max3A_1433 = arith.maximumf %add3A_1430, %max3A_1432 : vector<1000x256xf32>
    %get3A_1434 = arith.constant 6000 : index
    %get3A_1435 = arith.constant 0 : index
    %get3A_1436 = vector.load %arg28[%get3A_1434, %get3A_1435] : memref<10000x128xf32, #tpu.memory_space<vmem>>, vector<1000x128xf32>
    %get3A_1437 = arith.constant 6 : index
    %get3A_1438 = arith.constant 0 : index
    %get3A_1439 = arith.constant 0 : index
    %get3A_1440 = vector.load %arg12[%get3A_1437, %get3A_1438, %get3A_1439] : memref<10x1x1000xi32, #tpu.memory_space<vmem>>, vector<1x1x1000xi32>
    %get3A_1441 = vector.shape_cast %get3A_1440 : vector<1x1x1000xi32> to vector<1x1000xi32>
    %iota3A_1442 = tpu.iota {dimensions = array<i32: 0>} : vector<8x1000xi32>
    %eq3A_1443 = vector.broadcast %get3A_1441 : vector<1x1000xi32> to vector<8x1000xi32>
    %eq3A_1444 = arith.cmpi eq, %eq3A_1443, %iota3A_1442 : vector<8x1000xi32>
    %convert_element_type3A_1445 = arith.extui %eq3A_1444 : vector<8x1000xi1> to vector<8x1000xi32>
    %convert_element_type3A_1446 = arith.sitofp %convert_element_type3A_1445 : vector<8x1000xi32> to vector<8x1000xf32>
    %get3A_1447 = arith.constant 0 : index
    %get3A_1448 = arith.constant 0 : index
    %get3A_1449 = vector.load %arg6[%get3A_1447, %get3A_1448] : memref<256x128xf32, #tpu.memory_space<vmem>>, vector<256x128xf32>
    %dot_general3A_1450 = arith.constant dense<0.000000e+00> : vector<1000x128xf32>
    %dot_general3A_1451 = tpu.matmul %max3A_1433, %get3A_1449, %dot_general3A_1450 {dimension_numbers = #tpu.dot_dimension_numbers<[1], [0], [0], [1], [0, 0, 1, 1], [], []>, transpose_lhs_hint = false} : vector<1000x256xf32>, vector<256x128xf32>, vector<1000x128xf32> -> vector<1000x128xf32>
    %get3A_1452 = arith.constant 0 : index
    %get3A_1453 = arith.constant 0 : index
    %get3A_1454 = vector.load %arg7[%get3A_1452, %get3A_1453] : memref<1x128xf32, #tpu.memory_space<vmem>>, vector<1x128xf32>
    %add3A_1455 = vector.broadcast %get3A_1454 : vector<1x128xf32> to vector<1000x128xf32>
    %add3A_1456 = arith.addf %dot_general3A_1451, %add3A_1455 : vector<1000x128xf32>
    %add3A_1457 = arith.addf %get3A_1436, %add3A_1456 : vector<1000x128xf32>
    %swap3A_1458 = arith.constant 6000 : index
    %swap3A_1459 = arith.constant 0 : index
    %swap3A_1460 = vector.load %arg26[%swap3A_1458, %swap3A_1459] : memref<10000x128xf32, #tpu.memory_space<vmem>>, vector<1000x128xf32>
    tpu.vector_store %arg26[%swap3A_1458, %swap3A_1459], %add3A_1457 {strides = array<i32>} : memref<10000x128xf32, #tpu.memory_space<vmem>>, vector<1000x128xf32>,
    %reduce_sum3A_1461 = arith.constant dense<0.000000e+00> : vector<128xf32>
    %reduce_sum3A_1462 = vector.multi_reduction <add>, %add3A_1457, %reduce_sum3A_1461 [0] : vector<1000x128xf32> to vector<128xf32>
    %broadcast_in_dim3A_1463 = vector.shape_cast %reduce_sum3A_1462 : vector<128xf32> to vector<1x128xf32>
    %add3A_1464 = arith.addf %add3A_1379, %broadcast_in_dim3A_1463 : vector<1x128xf32>
    %mul3A_1465 = arith.mulf %add3A_1457, %add3A_1457 : vector<1000x128xf32>
    %reduce_sum3A_1466 = arith.constant dense<0.000000e+00> : vector<128xf32>
    %reduce_sum3A_1467 = vector.multi_reduction <add>, %mul3A_1465, %reduce_sum3A_1466 [0] : vector<1000x128xf32> to vector<128xf32>
    %broadcast_in_dim3A_1468 = vector.shape_cast %reduce_sum3A_1467 : vector<128xf32> to vector<1x128xf32>
    %add3A_1469 = arith.addf %add3A_1384, %broadcast_in_dim3A_1468 : vector<1x128xf32>
    %dot_general3A_1470 = arith.constant dense<0.000000e+00> : vector<8x128xf32>
    %dot_general3A_1471 = tpu.matmul %convert_element_type3A_1446, %add3A_1456, %dot_general3A_1470 {dimension_numbers = #tpu.dot_dimension_numbers<[1], [0], [0], [1], [0, 0, 1, 1], [], []>, transpose_lhs_hint = false} : vector<8x1000xf32>, vector<1000x128xf32>, vector<8x128xf32> -> vector<8x128xf32>
    %add3A_1472 = arith.addf %add3A_1387, %dot_general3A_1471 : vector<8x128xf32>
    %get3A_1473 = arith.constant 0 : index
    %get3A_1474 = arith.constant 0 : index
    %get3A_1475 = vector.load %arg8[%get3A_1473, %get3A_1474] : memref<256x128xf32, #tpu.memory_space<vmem>>, vector<256x128xf32>
    %dot_general3A_1476 = arith.constant dense<0.000000e+00> : vector<1000x128xf32>
    %dot_general3A_1477 = tpu.matmul %max3A_1433, %get3A_1475, %dot_general3A_1476 {dimension_numbers = #tpu.dot_dimension_numbers<[1], [0], [0], [1], [0, 0, 1, 1], [], []>, transpose_lhs_hint = false} : vector<1000x256xf32>, vector<256x128xf32>, vector<1000x128xf32> -> vector<1000x128xf32>
    %get3A_1478 = arith.constant 0 : index
    %get3A_1479 = arith.constant 0 : index
    %get3A_1480 = vector.load %arg9[%get3A_1478, %get3A_1479] : memref<1x128xf32, #tpu.memory_space<vmem>>, vector<1x128xf32>
    %add3A_1481 = vector.broadcast %get3A_1480 : vector<1x128xf32> to vector<1000x128xf32>
    %add3A_1482 = arith.addf %dot_general3A_1477, %add3A_1481 : vector<1000x128xf32>
    %add3A_1483 = arith.addf %get3A_1436, %add3A_1482 : vector<1000x128xf32>
    %swap3A_1484 = arith.constant 6000 : index
    %swap3A_1485 = arith.constant 0 : index
    %swap3A_1486 = vector.load %arg27[%swap3A_1484, %swap3A_1485] : memref<10000x128xf32, #tpu.memory_space<vmem>>, vector<1000x128xf32>
    tpu.vector_store %arg27[%swap3A_1484, %swap3A_1485], %add3A_1483 {strides = array<i32>} : memref<10000x128xf32, #tpu.memory_space<vmem>>, vector<1000x128xf32>,
    %reduce_sum3A_1487 = arith.constant dense<0.000000e+00> : vector<128xf32>
    %reduce_sum3A_1488 = vector.multi_reduction <add>, %add3A_1483, %reduce_sum3A_1487 [0] : vector<1000x128xf32> to vector<128xf32>
    %broadcast_in_dim3A_1489 = vector.shape_cast %reduce_sum3A_1488 : vector<128xf32> to vector<1x128xf32>
    %add3A_1490 = arith.addf %add3A_1405, %broadcast_in_dim3A_1489 : vector<1x128xf32>
    %mul3A_1491 = arith.mulf %add3A_1483, %add3A_1483 : vector<1000x128xf32>
    %reduce_sum3A_1492 = arith.constant dense<0.000000e+00> : vector<128xf32>
    %reduce_sum3A_1493 = vector.multi_reduction <add>, %mul3A_1491, %reduce_sum3A_1492 [0] : vector<1000x128xf32> to vector<128xf32>
    %broadcast_in_dim3A_1494 = vector.shape_cast %reduce_sum3A_1493 : vector<128xf32> to vector<1x128xf32>
    %add3A_1495 = arith.addf %add3A_1410, %broadcast_in_dim3A_1494 : vector<1x128xf32>
    %dot_general3A_1496 = arith.constant dense<0.000000e+00> : vector<8x128xf32>
    %dot_general3A_1497 = tpu.matmul %convert_element_type3A_1446, %add3A_1482, %dot_general3A_1496 {dimension_numbers = #tpu.dot_dimension_numbers<[1], [0], [0], [1], [0, 0, 1, 1], [], []>, transpose_lhs_hint = false} : vector<8x1000xf32>, vector<1000x128xf32>, vector<8x128xf32> -> vector<8x128xf32>
    %add3A_1498 = arith.addf %add3A_1413, %dot_general3A_1497 : vector<8x128xf32>
    %get3A_1499 = arith.constant 7000 : index
    %get3A_1500 = arith.constant 0 : index
    %get3A_1501 = vector.load %arg25[%get3A_1499, %get3A_1500] : memref<10000x256xf32, #tpu.memory_space<vmem>>, vector<1000x256xf32>
    %sub3A_1502 = vector.broadcast %div3A_884 : vector<1x256xf32> to vector<1000x256xf32>
    %sub3A_1503 = arith.subf %get3A_1501, %sub3A_1502 : vector<1000x256xf32>
    %mul3A_1504 = vector.broadcast %rsqrt3A : vector<1x256xf32> to vector<1000x256xf32>
    %mul3A_1505 = arith.mulf %sub3A_1503, %mul3A_1504 : vector<1000x256xf32>
    %get3A_1506 = arith.constant 0 : index
    %get3A_1507 = arith.constant 0 : index
    %get3A_1508 = vector.load %arg4[%get3A_1506, %get3A_1507] : memref<1x256xf32, #tpu.memory_space<vmem>>, vector<1x256xf32>
    %mul3A_1509 = vector.broadcast %get3A_1508 : vector<1x256xf32> to vector<1000x256xf32>
    %mul3A_1510 = arith.mulf %mul3A_1505, %mul3A_1509 : vector<1000x256xf32>
    %get3A_1511 = arith.constant 0 : index
    %get3A_1512 = arith.constant 0 : index
    %get3A_1513 = vector.load %arg5[%get3A_1511, %get3A_1512] : memref<1x256xf32, #tpu.memory_space<vmem>>, vector<1x256xf32>
    %add3A_1514 = vector.broadcast %get3A_1513 : vector<1x256xf32> to vector<1000x256xf32>
    %add3A_1515 = arith.addf %mul3A_1510, %add3A_1514 : vector<1000x256xf32>
    %max3A_1516 = arith.constant 0.000000e+00 : f32
    %max3A_1517 = vector.broadcast %max3A_1516 : f32 to vector<1000x256xf32>
    %max3A_1518 = arith.maximumf %add3A_1515, %max3A_1517 : vector<1000x256xf32>
    %get3A_1519 = arith.constant 7000 : index
    %get3A_1520 = arith.constant 0 : index
    %get3A_1521 = vector.load %arg28[%get3A_1519, %get3A_1520] : memref<10000x128xf32, #tpu.memory_space<vmem>>, vector<1000x128xf32>
    %get3A_1522 = arith.constant 7 : index
    %get3A_1523 = arith.constant 0 : index
    %get3A_1524 = arith.constant 0 : index
    %get3A_1525 = vector.load %arg12[%get3A_1522, %get3A_1523, %get3A_1524] : memref<10x1x1000xi32, #tpu.memory_space<vmem>>, vector<1x1x1000xi32>
    %get3A_1526 = vector.shape_cast %get3A_1525 : vector<1x1x1000xi32> to vector<1x1000xi32>
    %iota3A_1527 = tpu.iota {dimensions = array<i32: 0>} : vector<8x1000xi32>
    %eq3A_1528 = vector.broadcast %get3A_1526 : vector<1x1000xi32> to vector<8x1000xi32>
    %eq3A_1529 = arith.cmpi eq, %eq3A_1528, %iota3A_1527 : vector<8x1000xi32>
    %convert_element_type3A_1530 = arith.extui %eq3A_1529 : vector<8x1000xi1> to vector<8x1000xi32>
    %convert_element_type3A_1531 = arith.sitofp %convert_element_type3A_1530 : vector<8x1000xi32> to vector<8x1000xf32>
    %get3A_1532 = arith.constant 0 : index
    %get3A_1533 = arith.constant 0 : index
    %get3A_1534 = vector.load %arg6[%get3A_1532, %get3A_1533] : memref<256x128xf32, #tpu.memory_space<vmem>>, vector<256x128xf32>
    %dot_general3A_1535 = arith.constant dense<0.000000e+00> : vector<1000x128xf32>
    %dot_general3A_1536 = tpu.matmul %max3A_1518, %get3A_1534, %dot_general3A_1535 {dimension_numbers = #tpu.dot_dimension_numbers<[1], [0], [0], [1], [0, 0, 1, 1], [], []>, transpose_lhs_hint = false} : vector<1000x256xf32>, vector<256x128xf32>, vector<1000x128xf32> -> vector<1000x128xf32>
    %get3A_1537 = arith.constant 0 : index
    %get3A_1538 = arith.constant 0 : index
    %get3A_1539 = vector.load %arg7[%get3A_1537, %get3A_1538] : memref<1x128xf32, #tpu.memory_space<vmem>>, vector<1x128xf32>
    %add3A_1540 = vector.broadcast %get3A_1539 : vector<1x128xf32> to vector<1000x128xf32>
    %add3A_1541 = arith.addf %dot_general3A_1536, %add3A_1540 : vector<1000x128xf32>
    %add3A_1542 = arith.addf %get3A_1521, %add3A_1541 : vector<1000x128xf32>
    %swap3A_1543 = arith.constant 7000 : index
    %swap3A_1544 = arith.constant 0 : index
    %swap3A_1545 = vector.load %arg26[%swap3A_1543, %swap3A_1544] : memref<10000x128xf32, #tpu.memory_space<vmem>>, vector<1000x128xf32>
    tpu.vector_store %arg26[%swap3A_1543, %swap3A_1544], %add3A_1542 {strides = array<i32>} : memref<10000x128xf32, #tpu.memory_space<vmem>>, vector<1000x128xf32>,
    %reduce_sum3A_1546 = arith.constant dense<0.000000e+00> : vector<128xf32>
    %reduce_sum3A_1547 = vector.multi_reduction <add>, %add3A_1542, %reduce_sum3A_1546 [0] : vector<1000x128xf32> to vector<128xf32>
    %broadcast_in_dim3A_1548 = vector.shape_cast %reduce_sum3A_1547 : vector<128xf32> to vector<1x128xf32>
    %add3A_1549 = arith.addf %add3A_1464, %broadcast_in_dim3A_1548 : vector<1x128xf32>
    %mul3A_1550 = arith.mulf %add3A_1542, %add3A_1542 : vector<1000x128xf32>
    %reduce_sum3A_1551 = arith.constant dense<0.000000e+00> : vector<128xf32>
    %reduce_sum3A_1552 = vector.multi_reduction <add>, %mul3A_1550, %reduce_sum3A_1551 [0] : vector<1000x128xf32> to vector<128xf32>
    %broadcast_in_dim3A_1553 = vector.shape_cast %reduce_sum3A_1552 : vector<128xf32> to vector<1x128xf32>
    %add3A_1554 = arith.addf %add3A_1469, %broadcast_in_dim3A_1553 : vector<1x128xf32>
    %dot_general3A_1555 = arith.constant dense<0.000000e+00> : vector<8x128xf32>
    %dot_general3A_1556 = tpu.matmul %convert_element_type3A_1531, %add3A_1541, %dot_general3A_1555 {dimension_numbers = #tpu.dot_dimension_numbers<[1], [0], [0], [1], [0, 0, 1, 1], [], []>, transpose_lhs_hint = false} : vector<8x1000xf32>, vector<1000x128xf32>, vector<8x128xf32> -> vector<8x128xf32>
    %add3A_1557 = arith.addf %add3A_1472, %dot_general3A_1556 : vector<8x128xf32>
    %get3A_1558 = arith.constant 0 : index
    %get3A_1559 = arith.constant 0 : index
    %get3A_1560 = vector.load %arg8[%get3A_1558, %get3A_1559] : memref<256x128xf32, #tpu.memory_space<vmem>>, vector<256x128xf32>
    %dot_general3A_1561 = arith.constant dense<0.000000e+00> : vector<1000x128xf32>
    %dot_general3A_1562 = tpu.matmul %max3A_1518, %get3A_1560, %dot_general3A_1561 {dimension_numbers = #tpu.dot_dimension_numbers<[1], [0], [0], [1], [0, 0, 1, 1], [], []>, transpose_lhs_hint = false} : vector<1000x256xf32>, vector<256x128xf32>, vector<1000x128xf32> -> vector<1000x128xf32>
    %get3A_1563 = arith.constant 0 : index
    %get3A_1564 = arith.constant 0 : index
    %get3A_1565 = vector.load %arg9[%get3A_1563, %get3A_1564] : memref<1x128xf32, #tpu.memory_space<vmem>>, vector<1x128xf32>
    %add3A_1566 = vector.broadcast %get3A_1565 : vector<1x128xf32> to vector<1000x128xf32>
    %add3A_1567 = arith.addf %dot_general3A_1562, %add3A_1566 : vector<1000x128xf32>
    %add3A_1568 = arith.addf %get3A_1521, %add3A_1567 : vector<1000x128xf32>
    %swap3A_1569 = arith.constant 7000 : index
    %swap3A_1570 = arith.constant 0 : index
    %swap3A_1571 = vector.load %arg27[%swap3A_1569, %swap3A_1570] : memref<10000x128xf32, #tpu.memory_space<vmem>>, vector<1000x128xf32>
    tpu.vector_store %arg27[%swap3A_1569, %swap3A_1570], %add3A_1568 {strides = array<i32>} : memref<10000x128xf32, #tpu.memory_space<vmem>>, vector<1000x128xf32>,
    %reduce_sum3A_1572 = arith.constant dense<0.000000e+00> : vector<128xf32>
    %reduce_sum3A_1573 = vector.multi_reduction <add>, %add3A_1568, %reduce_sum3A_1572 [0] : vector<1000x128xf32> to vector<128xf32>
    %broadcast_in_dim3A_1574 = vector.shape_cast %reduce_sum3A_1573 : vector<128xf32> to vector<1x128xf32>
    %add3A_1575 = arith.addf %add3A_1490, %broadcast_in_dim3A_1574 : vector<1x128xf32>
    %mul3A_1576 = arith.mulf %add3A_1568, %add3A_1568 : vector<1000x128xf32>
    %reduce_sum3A_1577 = arith.constant dense<0.000000e+00> : vector<128xf32>
    %reduce_sum3A_1578 = vector.multi_reduction <add>, %mul3A_1576, %reduce_sum3A_1577 [0] : vector<1000x128xf32> to vector<128xf32>
    %broadcast_in_dim3A_1579 = vector.shape_cast %reduce_sum3A_1578 : vector<128xf32> to vector<1x128xf32>
    %add3A_1580 = arith.addf %add3A_1495, %broadcast_in_dim3A_1579 : vector<1x128xf32>
    %dot_general3A_1581 = arith.constant dense<0.000000e+00> : vector<8x128xf32>
    %dot_general3A_1582 = tpu.matmul %convert_element_type3A_1531, %add3A_1567, %dot_general3A_1581 {dimension_numbers = #tpu.dot_dimension_numbers<[1], [0], [0], [1], [0, 0, 1, 1], [], []>, transpose_lhs_hint = false} : vector<8x1000xf32>, vector<1000x128xf32>, vector<8x128xf32> -> vector<8x128xf32>
    %add3A_1583 = arith.addf %add3A_1498, %dot_general3A_1582 : vector<8x128xf32>
    %get3A_1584 = arith.constant 8000 : index
    %get3A_1585 = arith.constant 0 : index
    %get3A_1586 = vector.load %arg25[%get3A_1584, %get3A_1585] : memref<10000x256xf32, #tpu.memory_space<vmem>>, vector<1000x256xf32>
    %sub3A_1587 = vector.broadcast %div3A_884 : vector<1x256xf32> to vector<1000x256xf32>
    %sub3A_1588 = arith.subf %get3A_1586, %sub3A_1587 : vector<1000x256xf32>
    %mul3A_1589 = vector.broadcast %rsqrt3A : vector<1x256xf32> to vector<1000x256xf32>
    %mul3A_1590 = arith.mulf %sub3A_1588, %mul3A_1589 : vector<1000x256xf32>
    %get3A_1591 = arith.constant 0 : index
    %get3A_1592 = arith.constant 0 : index
    %get3A_1593 = vector.load %arg4[%get3A_1591, %get3A_1592] : memref<1x256xf32, #tpu.memory_space<vmem>>, vector<1x256xf32>
    %mul3A_1594 = vector.broadcast %get3A_1593 : vector<1x256xf32> to vector<1000x256xf32>
    %mul3A_1595 = arith.mulf %mul3A_1590, %mul3A_1594 : vector<1000x256xf32>
    %get3A_1596 = arith.constant 0 : index
    %get3A_1597 = arith.constant 0 : index
    %get3A_1598 = vector.load %arg5[%get3A_1596, %get3A_1597] : memref<1x256xf32, #tpu.memory_space<vmem>>, vector<1x256xf32>
    %add3A_1599 = vector.broadcast %get3A_1598 : vector<1x256xf32> to vector<1000x256xf32>
    %add3A_1600 = arith.addf %mul3A_1595, %add3A_1599 : vector<1000x256xf32>
    %max3A_1601 = arith.constant 0.000000e+00 : f32
    %max3A_1602 = vector.broadcast %max3A_1601 : f32 to vector<1000x256xf32>
    %max3A_1603 = arith.maximumf %add3A_1600, %max3A_1602 : vector<1000x256xf32>
    %get3A_1604 = arith.constant 8000 : index
    %get3A_1605 = arith.constant 0 : index
    %get3A_1606 = vector.load %arg28[%get3A_1604, %get3A_1605] : memref<10000x128xf32, #tpu.memory_space<vmem>>, vector<1000x128xf32>
    %get3A_1607 = arith.constant 8 : index
    %get3A_1608 = arith.constant 0 : index
    %get3A_1609 = arith.constant 0 : index
    %get3A_1610 = vector.load %arg12[%get3A_1607, %get3A_1608, %get3A_1609] : memref<10x1x1000xi32, #tpu.memory_space<vmem>>, vector<1x1x1000xi32>
    %get3A_1611 = vector.shape_cast %get3A_1610 : vector<1x1x1000xi32> to vector<1x1000xi32>
    %iota3A_1612 = tpu.iota {dimensions = array<i32: 0>} : vector<8x1000xi32>
    %eq3A_1613 = vector.broadcast %get3A_1611 : vector<1x1000xi32> to vector<8x1000xi32>
    %eq3A_1614 = arith.cmpi eq, %eq3A_1613, %iota3A_1612 : vector<8x1000xi32>
    %convert_element_type3A_1615 = arith.extui %eq3A_1614 : vector<8x1000xi1> to vector<8x1000xi32>
    %convert_element_type3A_1616 = arith.sitofp %convert_element_type3A_1615 : vector<8x1000xi32> to vector<8x1000xf32>
    %get3A_1617 = arith.constant 0 : index
    %get3A_1618 = arith.constant 0 : index
    %get3A_1619 = vector.load %arg6[%get3A_1617, %get3A_1618] : memref<256x128xf32, #tpu.memory_space<vmem>>, vector<256x128xf32>
    %dot_general3A_1620 = arith.constant dense<0.000000e+00> : vector<1000x128xf32>
    %dot_general3A_1621 = tpu.matmul %max3A_1603, %get3A_1619, %dot_general3A_1620 {dimension_numbers = #tpu.dot_dimension_numbers<[1], [0], [0], [1], [0, 0, 1, 1], [], []>, transpose_lhs_hint = false} : vector<1000x256xf32>, vector<256x128xf32>, vector<1000x128xf32> -> vector<1000x128xf32>
    %get3A_1622 = arith.constant 0 : index
    %get3A_1623 = arith.constant 0 : index
    %get3A_1624 = vector.load %arg7[%get3A_1622, %get3A_1623] : memref<1x128xf32, #tpu.memory_space<vmem>>, vector<1x128xf32>
    %add3A_1625 = vector.broadcast %get3A_1624 : vector<1x128xf32> to vector<1000x128xf32>
    %add3A_1626 = arith.addf %dot_general3A_1621, %add3A_1625 : vector<1000x128xf32>
    %add3A_1627 = arith.addf %get3A_1606, %add3A_1626 : vector<1000x128xf32>
    %swap3A_1628 = arith.constant 8000 : index
    %swap3A_1629 = arith.constant 0 : index
    %swap3A_1630 = vector.load %arg26[%swap3A_1628, %swap3A_1629] : memref<10000x128xf32, #tpu.memory_space<vmem>>, vector<1000x128xf32>
    tpu.vector_store %arg26[%swap3A_1628, %swap3A_1629], %add3A_1627 {strides = array<i32>} : memref<10000x128xf32, #tpu.memory_space<vmem>>, vector<1000x128xf32>,
    %reduce_sum3A_1631 = arith.constant dense<0.000000e+00> : vector<128xf32>
    %reduce_sum3A_1632 = vector.multi_reduction <add>, %add3A_1627, %reduce_sum3A_1631 [0] : vector<1000x128xf32> to vector<128xf32>
    %broadcast_in_dim3A_1633 = vector.shape_cast %reduce_sum3A_1632 : vector<128xf32> to vector<1x128xf32>
    %add3A_1634 = arith.addf %add3A_1549, %broadcast_in_dim3A_1633 : vector<1x128xf32>
    %mul3A_1635 = arith.mulf %add3A_1627, %add3A_1627 : vector<1000x128xf32>
    %reduce_sum3A_1636 = arith.constant dense<0.000000e+00> : vector<128xf32>
    %reduce_sum3A_1637 = vector.multi_reduction <add>, %mul3A_1635, %reduce_sum3A_1636 [0] : vector<1000x128xf32> to vector<128xf32>
    %broadcast_in_dim3A_1638 = vector.shape_cast %reduce_sum3A_1637 : vector<128xf32> to vector<1x128xf32>
    %add3A_1639 = arith.addf %add3A_1554, %broadcast_in_dim3A_1638 : vector<1x128xf32>
    %dot_general3A_1640 = arith.constant dense<0.000000e+00> : vector<8x128xf32>
    %dot_general3A_1641 = tpu.matmul %convert_element_type3A_1616, %add3A_1626, %dot_general3A_1640 {dimension_numbers = #tpu.dot_dimension_numbers<[1], [0], [0], [1], [0, 0, 1, 1], [], []>, transpose_lhs_hint = false} : vector<8x1000xf32>, vector<1000x128xf32>, vector<8x128xf32> -> vector<8x128xf32>
    %add3A_1642 = arith.addf %add3A_1557, %dot_general3A_1641 : vector<8x128xf32>
    %get3A_1643 = arith.constant 0 : index
    %get3A_1644 = arith.constant 0 : index
    %get3A_1645 = vector.load %arg8[%get3A_1643, %get3A_1644] : memref<256x128xf32, #tpu.memory_space<vmem>>, vector<256x128xf32>
    %dot_general3A_1646 = arith.constant dense<0.000000e+00> : vector<1000x128xf32>
    %dot_general3A_1647 = tpu.matmul %max3A_1603, %get3A_1645, %dot_general3A_1646 {dimension_numbers = #tpu.dot_dimension_numbers<[1], [0], [0], [1], [0, 0, 1, 1], [], []>, transpose_lhs_hint = false} : vector<1000x256xf32>, vector<256x128xf32>, vector<1000x128xf32> -> vector<1000x128xf32>
    %get3A_1648 = arith.constant 0 : index
    %get3A_1649 = arith.constant 0 : index
    %get3A_1650 = vector.load %arg9[%get3A_1648, %get3A_1649] : memref<1x128xf32, #tpu.memory_space<vmem>>, vector<1x128xf32>
    %add3A_1651 = vector.broadcast %get3A_1650 : vector<1x128xf32> to vector<1000x128xf32>
    %add3A_1652 = arith.addf %dot_general3A_1647, %add3A_1651 : vector<1000x128xf32>
    %add3A_1653 = arith.addf %get3A_1606, %add3A_1652 : vector<1000x128xf32>
    %swap3A_1654 = arith.constant 8000 : index
    %swap3A_1655 = arith.constant 0 : index
    %swap3A_1656 = vector.load %arg27[%swap3A_1654, %swap3A_1655] : memref<10000x128xf32, #tpu.memory_space<vmem>>, vector<1000x128xf32>
    tpu.vector_store %arg27[%swap3A_1654, %swap3A_1655], %add3A_1653 {strides = array<i32>} : memref<10000x128xf32, #tpu.memory_space<vmem>>, vector<1000x128xf32>,
    %reduce_sum3A_1657 = arith.constant dense<0.000000e+00> : vector<128xf32>
    %reduce_sum3A_1658 = vector.multi_reduction <add>, %add3A_1653, %reduce_sum3A_1657 [0] : vector<1000x128xf32> to vector<128xf32>
    %broadcast_in_dim3A_1659 = vector.shape_cast %reduce_sum3A_1658 : vector<128xf32> to vector<1x128xf32>
    %add3A_1660 = arith.addf %add3A_1575, %broadcast_in_dim3A_1659 : vector<1x128xf32>
    %mul3A_1661 = arith.mulf %add3A_1653, %add3A_1653 : vector<1000x128xf32>
    %reduce_sum3A_1662 = arith.constant dense<0.000000e+00> : vector<128xf32>
    %reduce_sum3A_1663 = vector.multi_reduction <add>, %mul3A_1661, %reduce_sum3A_1662 [0] : vector<1000x128xf32> to vector<128xf32>
    %broadcast_in_dim3A_1664 = vector.shape_cast %reduce_sum3A_1663 : vector<128xf32> to vector<1x128xf32>
    %add3A_1665 = arith.addf %add3A_1580, %broadcast_in_dim3A_1664 : vector<1x128xf32>
    %dot_general3A_1666 = arith.constant dense<0.000000e+00> : vector<8x128xf32>
    %dot_general3A_1667 = tpu.matmul %convert_element_type3A_1616, %add3A_1652, %dot_general3A_1666 {dimension_numbers = #tpu.dot_dimension_numbers<[1], [0], [0], [1], [0, 0, 1, 1], [], []>, transpose_lhs_hint = false} : vector<8x1000xf32>, vector<1000x128xf32>, vector<8x128xf32> -> vector<8x128xf32>
    %add3A_1668 = arith.addf %add3A_1583, %dot_general3A_1667 : vector<8x128xf32>
    %get3A_1669 = arith.constant 9000 : index
    %get3A_1670 = arith.constant 0 : index
    %get3A_1671 = vector.load %arg25[%get3A_1669, %get3A_1670] : memref<10000x256xf32, #tpu.memory_space<vmem>>, vector<1000x256xf32>
    %sub3A_1672 = vector.broadcast %div3A_884 : vector<1x256xf32> to vector<1000x256xf32>
    %sub3A_1673 = arith.subf %get3A_1671, %sub3A_1672 : vector<1000x256xf32>
    %mul3A_1674 = vector.broadcast %rsqrt3A : vector<1x256xf32> to vector<1000x256xf32>
    %mul3A_1675 = arith.mulf %sub3A_1673, %mul3A_1674 : vector<1000x256xf32>
    %get3A_1676 = arith.constant 0 : index
    %get3A_1677 = arith.constant 0 : index
    %get3A_1678 = vector.load %arg4[%get3A_1676, %get3A_1677] : memref<1x256xf32, #tpu.memory_space<vmem>>, vector<1x256xf32>
    %mul3A_1679 = vector.broadcast %get3A_1678 : vector<1x256xf32> to vector<1000x256xf32>
    %mul3A_1680 = arith.mulf %mul3A_1675, %mul3A_1679 : vector<1000x256xf32>
    %get3A_1681 = arith.constant 0 : index
    %get3A_1682 = arith.constant 0 : index
    %get3A_1683 = vector.load %arg5[%get3A_1681, %get3A_1682] : memref<1x256xf32, #tpu.memory_space<vmem>>, vector<1x256xf32>
    %add3A_1684 = vector.broadcast %get3A_1683 : vector<1x256xf32> to vector<1000x256xf32>
    %add3A_1685 = arith.addf %mul3A_1680, %add3A_1684 : vector<1000x256xf32>
    %max3A_1686 = arith.constant 0.000000e+00 : f32
    %max3A_1687 = vector.broadcast %max3A_1686 : f32 to vector<1000x256xf32>
    %max3A_1688 = arith.maximumf %add3A_1685, %max3A_1687 : vector<1000x256xf32>
    %get3A_1689 = arith.constant 9000 : index
    %get3A_1690 = arith.constant 0 : index
    %get3A_1691 = vector.load %arg28[%get3A_1689, %get3A_1690] : memref<10000x128xf32, #tpu.memory_space<vmem>>, vector<1000x128xf32>
    %get3A_1692 = arith.constant 9 : index
    %get3A_1693 = arith.constant 0 : index
    %get3A_1694 = arith.constant 0 : index
    %get3A_1695 = vector.load %arg12[%get3A_1692, %get3A_1693, %get3A_1694] : memref<10x1x1000xi32, #tpu.memory_space<vmem>>, vector<1x1x1000xi32>
    %get3A_1696 = vector.shape_cast %get3A_1695 : vector<1x1x1000xi32> to vector<1x1000xi32>
    %iota3A_1697 = tpu.iota {dimensions = array<i32: 0>} : vector<8x1000xi32>
    %eq3A_1698 = vector.broadcast %get3A_1696 : vector<1x1000xi32> to vector<8x1000xi32>
    %eq3A_1699 = arith.cmpi eq, %eq3A_1698, %iota3A_1697 : vector<8x1000xi32>
    %convert_element_type3A_1700 = arith.extui %eq3A_1699 : vector<8x1000xi1> to vector<8x1000xi32>
    %convert_element_type3A_1701 = arith.sitofp %convert_element_type3A_1700 : vector<8x1000xi32> to vector<8x1000xf32>
    %get3A_1702 = arith.constant 0 : index
    %get3A_1703 = arith.constant 0 : index
    %get3A_1704 = vector.load %arg6[%get3A_1702, %get3A_1703] : memref<256x128xf32, #tpu.memory_space<vmem>>, vector<256x128xf32>
    %dot_general3A_1705 = arith.constant dense<0.000000e+00> : vector<1000x128xf32>
    %dot_general3A_1706 = tpu.matmul %max3A_1688, %get3A_1704, %dot_general3A_1705 {dimension_numbers = #tpu.dot_dimension_numbers<[1], [0], [0], [1], [0, 0, 1, 1], [], []>, transpose_lhs_hint = false} : vector<1000x256xf32>, vector<256x128xf32>, vector<1000x128xf32> -> vector<1000x128xf32>
    %get3A_1707 = arith.constant 0 : index
    %get3A_1708 = arith.constant 0 : index
    %get3A_1709 = vector.load %arg7[%get3A_1707, %get3A_1708] : memref<1x128xf32, #tpu.memory_space<vmem>>, vector<1x128xf32>
    %add3A_1710 = vector.broadcast %get3A_1709 : vector<1x128xf32> to vector<1000x128xf32>
    %add3A_1711 = arith.addf %dot_general3A_1706, %add3A_1710 : vector<1000x128xf32>
    %add3A_1712 = arith.addf %get3A_1691, %add3A_1711 : vector<1000x128xf32>
    %swap3A_1713 = arith.constant 9000 : index
    %swap3A_1714 = arith.constant 0 : index
    %swap3A_1715 = vector.load %arg26[%swap3A_1713, %swap3A_1714] : memref<10000x128xf32, #tpu.memory_space<vmem>>, vector<1000x128xf32>
    tpu.vector_store %arg26[%swap3A_1713, %swap3A_1714], %add3A_1712 {strides = array<i32>} : memref<10000x128xf32, #tpu.memory_space<vmem>>, vector<1000x128xf32>,
    %reduce_sum3A_1716 = arith.constant dense<0.000000e+00> : vector<128xf32>
    %reduce_sum3A_1717 = vector.multi_reduction <add>, %add3A_1712, %reduce_sum3A_1716 [0] : vector<1000x128xf32> to vector<128xf32>
    %broadcast_in_dim3A_1718 = vector.shape_cast %reduce_sum3A_1717 : vector<128xf32> to vector<1x128xf32>
    %add3A_1719 = arith.addf %add3A_1634, %broadcast_in_dim3A_1718 : vector<1x128xf32>
    %mul3A_1720 = arith.mulf %add3A_1712, %add3A_1712 : vector<1000x128xf32>
    %reduce_sum3A_1721 = arith.constant dense<0.000000e+00> : vector<128xf32>
    %reduce_sum3A_1722 = vector.multi_reduction <add>, %mul3A_1720, %reduce_sum3A_1721 [0] : vector<1000x128xf32> to vector<128xf32>
    %broadcast_in_dim3A_1723 = vector.shape_cast %reduce_sum3A_1722 : vector<128xf32> to vector<1x128xf32>
    %add3A_1724 = arith.addf %add3A_1639, %broadcast_in_dim3A_1723 : vector<1x128xf32>
    %dot_general3A_1725 = arith.constant dense<0.000000e+00> : vector<8x128xf32>
    %dot_general3A_1726 = tpu.matmul %convert_element_type3A_1701, %add3A_1711, %dot_general3A_1725 {dimension_numbers = #tpu.dot_dimension_numbers<[1], [0], [0], [1], [0, 0, 1, 1], [], []>, transpose_lhs_hint = false} : vector<8x1000xf32>, vector<1000x128xf32>, vector<8x128xf32> -> vector<8x128xf32>
    %add3A_1727 = arith.addf %add3A_1642, %dot_general3A_1726 : vector<8x128xf32>
    %get3A_1728 = arith.constant 0 : index
    %get3A_1729 = arith.constant 0 : index
    %get3A_1730 = vector.load %arg8[%get3A_1728, %get3A_1729] : memref<256x128xf32, #tpu.memory_space<vmem>>, vector<256x128xf32>
    %dot_general3A_1731 = arith.constant dense<0.000000e+00> : vector<1000x128xf32>
    %dot_general3A_1732 = tpu.matmul %max3A_1688, %get3A_1730, %dot_general3A_1731 {dimension_numbers = #tpu.dot_dimension_numbers<[1], [0], [0], [1], [0, 0, 1, 1], [], []>, transpose_lhs_hint = false} : vector<1000x256xf32>, vector<256x128xf32>, vector<1000x128xf32> -> vector<1000x128xf32>
    %get3A_1733 = arith.constant 0 : index
    %get3A_1734 = arith.constant 0 : index
    %get3A_1735 = vector.load %arg9[%get3A_1733, %get3A_1734] : memref<1x128xf32, #tpu.memory_space<vmem>>, vector<1x128xf32>
    %add3A_1736 = vector.broadcast %get3A_1735 : vector<1x128xf32> to vector<1000x128xf32>
    %add3A_1737 = arith.addf %dot_general3A_1732, %add3A_1736 : vector<1000x128xf32>
    %add3A_1738 = arith.addf %get3A_1691, %add3A_1737 : vector<1000x128xf32>
    %swap3A_1739 = arith.constant 9000 : index
    %swap3A_1740 = arith.constant 0 : index
    %swap3A_1741 = vector.load %arg27[%swap3A_1739, %swap3A_1740] : memref<10000x128xf32, #tpu.memory_space<vmem>>, vector<1000x128xf32>
    tpu.vector_store %arg27[%swap3A_1739, %swap3A_1740], %add3A_1738 {strides = array<i32>} : memref<10000x128xf32, #tpu.memory_space<vmem>>, vector<1000x128xf32>,
    %reduce_sum3A_1742 = arith.constant dense<0.000000e+00> : vector<128xf32>
    %reduce_sum3A_1743 = vector.multi_reduction <add>, %add3A_1738, %reduce_sum3A_1742 [0] : vector<1000x128xf32> to vector<128xf32>
    %broadcast_in_dim3A_1744 = vector.shape_cast %reduce_sum3A_1743 : vector<128xf32> to vector<1x128xf32>
    %add3A_1745 = arith.addf %add3A_1660, %broadcast_in_dim3A_1744 : vector<1x128xf32>
    %mul3A_1746 = arith.mulf %add3A_1738, %add3A_1738 : vector<1000x128xf32>
    %reduce_sum3A_1747 = arith.constant dense<0.000000e+00> : vector<128xf32>
    %reduce_sum3A_1748 = vector.multi_reduction <add>, %mul3A_1746, %reduce_sum3A_1747 [0] : vector<1000x128xf32> to vector<128xf32>
    %broadcast_in_dim3A_1749 = vector.shape_cast %reduce_sum3A_1748 : vector<128xf32> to vector<1x128xf32>
    %add3A_1750 = arith.addf %add3A_1665, %broadcast_in_dim3A_1749 : vector<1x128xf32>
    %dot_general3A_1751 = arith.constant dense<0.000000e+00> : vector<8x128xf32>
    %dot_general3A_1752 = tpu.matmul %convert_element_type3A_1701, %add3A_1737, %dot_general3A_1751 {dimension_numbers = #tpu.dot_dimension_numbers<[1], [0], [0], [1], [0, 0, 1, 1], [], []>, transpose_lhs_hint = false} : vector<8x1000xf32>, vector<1000x128xf32>, vector<8x128xf32> -> vector<8x128xf32>
    %add3A_1753 = arith.addf %add3A_1668, %dot_general3A_1752 : vector<8x128xf32>
    %div3A_1754 = arith.constant 1.000000e+04 : f32
    %div3A_1755 = vector.broadcast %div3A_1754 : f32 to vector<1x128xf32>
    %div3A_1756 = arith.divf %add3A_1719, %div3A_1755 : vector<1x128xf32>
    %div3A_1757 = arith.constant 1.000000e+04 : f32
    %div3A_1758 = vector.broadcast %div3A_1757 : f32 to vector<1x128xf32>
    %div3A_1759 = arith.divf %add3A_1724, %div3A_1758 : vector<1x128xf32>
    %mul3A_1760 = arith.mulf %div3A_1756, %div3A_1756 : vector<1x128xf32>
    %sub3A_1761 = arith.subf %div3A_1759, %mul3A_1760 : vector<1x128xf32>
    %add3A_1762 = arith.constant 9.99999974E-6 : f32
    %add3A_1763 = vector.broadcast %add3A_1762 : f32 to vector<1x128xf32>
    %add3A_1764 = arith.addf %sub3A_1761, %add3A_1763 : vector<1x128xf32>
    %rsqrt3A_1765 = math.rsqrt %add3A_1764 : vector<1x128xf32>
    %get3A_1766 = arith.constant 0 : index
    %get3A_1767 = arith.constant 0 : index
    %get3A_1768 = vector.load %arg26[%get3A_1766, %get3A_1767] : memref<10000x128xf32, #tpu.memory_space<vmem>>, vector<1000x128xf32>
    %sub3A_1769 = vector.broadcast %div3A_1756 : vector<1x128xf32> to vector<1000x128xf32>
    %sub3A_1770 = arith.subf %get3A_1768, %sub3A_1769 : vector<1000x128xf32>
    %mul3A_1771 = vector.broadcast %rsqrt3A_1765 : vector<1x128xf32> to vector<1000x128xf32>
    %mul3A_1772 = arith.mulf %sub3A_1770, %mul3A_1771 : vector<1000x128xf32>
    %get3A_1773 = arith.constant 0 : index
    %get3A_1774 = arith.constant 0 : index
    %get3A_1775 = vector.load %arg13[%get3A_1773, %get3A_1774] : memref<1x128xf32, #tpu.memory_space<vmem>>, vector<1x128xf32>
    %mul3A_1776 = vector.broadcast %get3A_1775 : vector<1x128xf32> to vector<1000x128xf32>
    %mul3A_1777 = arith.mulf %mul3A_1772, %mul3A_1776 : vector<1000x128xf32>
    %get3A_1778 = arith.constant 0 : index
    %get3A_1779 = arith.constant 0 : index
    %get3A_1780 = vector.load %arg14[%get3A_1778, %get3A_1779] : memref<1x128xf32, #tpu.memory_space<vmem>>, vector<1x128xf32>
    %add3A_1781 = vector.broadcast %get3A_1780 : vector<1x128xf32> to vector<1000x128xf32>
    %add3A_1782 = arith.addf %mul3A_1777, %add3A_1781 : vector<1000x128xf32>
    %get3A_1783 = arith.constant 0 : index
    %get3A_1784 = arith.constant 0 : index
    %get3A_1785 = vector.load %arg15[%get3A_1783, %get3A_1784] : memref<128x1xf32, #tpu.memory_space<vmem>>, vector<128x1xf32>
    %dot_general3A_1786 = arith.constant dense<0.000000e+00> : vector<1000x1xf32>
    %dot_general3A_1787 = tpu.matmul %add3A_1782, %get3A_1785, %dot_general3A_1786 {dimension_numbers = #tpu.dot_dimension_numbers<[1], [0], [0], [1], [0, 0, 1, 1], [], []>, transpose_lhs_hint = false} : vector<1000x128xf32>, vector<128x1xf32>, vector<1000x1xf32> -> vector<1000x1xf32>
    %get3A_1788 = arith.constant 0 : index
    %get3A_1789 = arith.constant 0 : index
    %get3A_1790 = vector.load %arg16[%get3A_1788, %get3A_1789] : memref<1x1xf32, #tpu.memory_space<vmem>>, vector<1x1xf32>
    %add3A_1791 = vector.broadcast %get3A_1790 : vector<1x1xf32> to vector<1000x1xf32>
    %add3A_1792 = arith.addf %dot_general3A_1787, %add3A_1791 : vector<1000x1xf32>
    %neg3A = arith.constant 0.000000e+00 : f32
    %neg3A_1793 = vector.broadcast %neg3A : f32 to vector<1000x1xf32>
    %neg3A_1794 = arith.subf %neg3A_1793, %add3A_1792 : vector<1000x1xf32>
    %exp3A = math.exp %neg3A_1794 : vector<1000x1xf32>
    %add3A_1795 = arith.constant 1.000000e+00 : f32
    %add3A_1796 = vector.broadcast %add3A_1795 : f32 to vector<1000x1xf32>
    %add3A_1797 = arith.addf %add3A_1796, %exp3A : vector<1000x1xf32>
    %div3A_1798 = arith.constant 1.000000e+00 : f32
    %div3A_1799 = vector.broadcast %div3A_1798 : f32 to vector<1000x1xf32>
    %div3A_1800 = arith.divf %div3A_1799, %add3A_1797 : vector<1000x1xf32>
    %swap3A_1801 = arith.constant 0 : index
    %swap3A_1802 = arith.constant 0 : index
    %swap3A_1803 = vector.load %arg22[%swap3A_1801, %swap3A_1802] : memref<10000x1xf32, #tpu.memory_space<vmem>>, vector<1000x1xf32>
    tpu.vector_store %arg22[%swap3A_1801, %swap3A_1802], %div3A_1800 {strides = array<i32>} : memref<10000x1xf32, #tpu.memory_space<vmem>>, vector<1000x1xf32>,
    %get3A_1804 = arith.constant 1000 : index
    %get3A_1805 = arith.constant 0 : index
    %get3A_1806 = vector.load %arg26[%get3A_1804, %get3A_1805] : memref<10000x128xf32, #tpu.memory_space<vmem>>, vector<1000x128xf32>
    %sub3A_1807 = vector.broadcast %div3A_1756 : vector<1x128xf32> to vector<1000x128xf32>
    %sub3A_1808 = arith.subf %get3A_1806, %sub3A_1807 : vector<1000x128xf32>
    %mul3A_1809 = vector.broadcast %rsqrt3A_1765 : vector<1x128xf32> to vector<1000x128xf32>
    %mul3A_1810 = arith.mulf %sub3A_1808, %mul3A_1809 : vector<1000x128xf32>
    %get3A_1811 = arith.constant 0 : index
    %get3A_1812 = arith.constant 0 : index
    %get3A_1813 = vector.load %arg13[%get3A_1811, %get3A_1812] : memref<1x128xf32, #tpu.memory_space<vmem>>, vector<1x128xf32>
    %mul3A_1814 = vector.broadcast %get3A_1813 : vector<1x128xf32> to vector<1000x128xf32>
    %mul3A_1815 = arith.mulf %mul3A_1810, %mul3A_1814 : vector<1000x128xf32>
    %get3A_1816 = arith.constant 0 : index
    %get3A_1817 = arith.constant 0 : index
    %get3A_1818 = vector.load %arg14[%get3A_1816, %get3A_1817] : memref<1x128xf32, #tpu.memory_space<vmem>>, vector<1x128xf32>
    %add3A_1819 = vector.broadcast %get3A_1818 : vector<1x128xf32> to vector<1000x128xf32>
    %add3A_1820 = arith.addf %mul3A_1815, %add3A_1819 : vector<1000x128xf32>
    %get3A_1821 = arith.constant 0 : index
    %get3A_1822 = arith.constant 0 : index
    %get3A_1823 = vector.load %arg15[%get3A_1821, %get3A_1822] : memref<128x1xf32, #tpu.memory_space<vmem>>, vector<128x1xf32>
    %dot_general3A_1824 = arith.constant dense<0.000000e+00> : vector<1000x1xf32>
    %dot_general3A_1825 = tpu.matmul %add3A_1820, %get3A_1823, %dot_general3A_1824 {dimension_numbers = #tpu.dot_dimension_numbers<[1], [0], [0], [1], [0, 0, 1, 1], [], []>, transpose_lhs_hint = false} : vector<1000x128xf32>, vector<128x1xf32>, vector<1000x1xf32> -> vector<1000x1xf32>
    %get3A_1826 = arith.constant 0 : index
    %get3A_1827 = arith.constant 0 : index
    %get3A_1828 = vector.load %arg16[%get3A_1826, %get3A_1827] : memref<1x1xf32, #tpu.memory_space<vmem>>, vector<1x1xf32>
    %add3A_1829 = vector.broadcast %get3A_1828 : vector<1x1xf32> to vector<1000x1xf32>
    %add3A_1830 = arith.addf %dot_general3A_1825, %add3A_1829 : vector<1000x1xf32>
    %neg3A_1831 = arith.constant 0.000000e+00 : f32
    %neg3A_1832 = vector.broadcast %neg3A_1831 : f32 to vector<1000x1xf32>
    %neg3A_1833 = arith.subf %neg3A_1832, %add3A_1830 : vector<1000x1xf32>
    %exp3A_1834 = math.exp %neg3A_1833 : vector<1000x1xf32>
    %add3A_1835 = arith.constant 1.000000e+00 : f32
    %add3A_1836 = vector.broadcast %add3A_1835 : f32 to vector<1000x1xf32>
    %add3A_1837 = arith.addf %add3A_1836, %exp3A_1834 : vector<1000x1xf32>
    %div3A_1838 = arith.constant 1.000000e+00 : f32
    %div3A_1839 = vector.broadcast %div3A_1838 : f32 to vector<1000x1xf32>
    %div3A_1840 = arith.divf %div3A_1839, %add3A_1837 : vector<1000x1xf32>
    %swap3A_1841 = arith.constant 1000 : index
    %swap3A_1842 = arith.constant 0 : index
    %swap3A_1843 = vector.load %arg22[%swap3A_1841, %swap3A_1842] : memref<10000x1xf32, #tpu.memory_space<vmem>>, vector<1000x1xf32>
    tpu.vector_store %arg22[%swap3A_1841, %swap3A_1842], %div3A_1840 {strides = array<i32>} : memref<10000x1xf32, #tpu.memory_space<vmem>>, vector<1000x1xf32>,
    %get3A_1844 = arith.constant 2000 : index
    %get3A_1845 = arith.constant 0 : index
    %get3A_1846 = vector.load %arg26[%get3A_1844, %get3A_1845] : memref<10000x128xf32, #tpu.memory_space<vmem>>, vector<1000x128xf32>
    %sub3A_1847 = vector.broadcast %div3A_1756 : vector<1x128xf32> to vector<1000x128xf32>
    %sub3A_1848 = arith.subf %get3A_1846, %sub3A_1847 : vector<1000x128xf32>
    %mul3A_1849 = vector.broadcast %rsqrt3A_1765 : vector<1x128xf32> to vector<1000x128xf32>
    %mul3A_1850 = arith.mulf %sub3A_1848, %mul3A_1849 : vector<1000x128xf32>
    %get3A_1851 = arith.constant 0 : index
    %get3A_1852 = arith.constant 0 : index
    %get3A_1853 = vector.load %arg13[%get3A_1851, %get3A_1852] : memref<1x128xf32, #tpu.memory_space<vmem>>, vector<1x128xf32>
    %mul3A_1854 = vector.broadcast %get3A_1853 : vector<1x128xf32> to vector<1000x128xf32>
    %mul3A_1855 = arith.mulf %mul3A_1850, %mul3A_1854 : vector<1000x128xf32>
    %get3A_1856 = arith.constant 0 : index
    %get3A_1857 = arith.constant 0 : index
    %get3A_1858 = vector.load %arg14[%get3A_1856, %get3A_1857] : memref<1x128xf32, #tpu.memory_space<vmem>>, vector<1x128xf32>
    %add3A_1859 = vector.broadcast %get3A_1858 : vector<1x128xf32> to vector<1000x128xf32>
    %add3A_1860 = arith.addf %mul3A_1855, %add3A_1859 : vector<1000x128xf32>
    %get3A_1861 = arith.constant 0 : index
    %get3A_1862 = arith.constant 0 : index
    %get3A_1863 = vector.load %arg15[%get3A_1861, %get3A_1862] : memref<128x1xf32, #tpu.memory_space<vmem>>, vector<128x1xf32>
    %dot_general3A_1864 = arith.constant dense<0.000000e+00> : vector<1000x1xf32>
    %dot_general3A_1865 = tpu.matmul %add3A_1860, %get3A_1863, %dot_general3A_1864 {dimension_numbers = #tpu.dot_dimension_numbers<[1], [0], [0], [1], [0, 0, 1, 1], [], []>, transpose_lhs_hint = false} : vector<1000x128xf32>, vector<128x1xf32>, vector<1000x1xf32> -> vector<1000x1xf32>
    %get3A_1866 = arith.constant 0 : index
    %get3A_1867 = arith.constant 0 : index
    %get3A_1868 = vector.load %arg16[%get3A_1866, %get3A_1867] : memref<1x1xf32, #tpu.memory_space<vmem>>, vector<1x1xf32>
    %add3A_1869 = vector.broadcast %get3A_1868 : vector<1x1xf32> to vector<1000x1xf32>
    %add3A_1870 = arith.addf %dot_general3A_1865, %add3A_1869 : vector<1000x1xf32>
    %neg3A_1871 = arith.constant 0.000000e+00 : f32
    %neg3A_1872 = vector.broadcast %neg3A_1871 : f32 to vector<1000x1xf32>
    %neg3A_1873 = arith.subf %neg3A_1872, %add3A_1870 : vector<1000x1xf32>
    %exp3A_1874 = math.exp %neg3A_1873 : vector<1000x1xf32>
    %add3A_1875 = arith.constant 1.000000e+00 : f32
    %add3A_1876 = vector.broadcast %add3A_1875 : f32 to vector<1000x1xf32>
    %add3A_1877 = arith.addf %add3A_1876, %exp3A_1874 : vector<1000x1xf32>
    %div3A_1878 = arith.constant 1.000000e+00 : f32
    %div3A_1879 = vector.broadcast %div3A_1878 : f32 to vector<1000x1xf32>
    %div3A_1880 = arith.divf %div3A_1879, %add3A_1877 : vector<1000x1xf32>
    %swap3A_1881 = arith.constant 2000 : index
    %swap3A_1882 = arith.constant 0 : index
    %swap3A_1883 = vector.load %arg22[%swap3A_1881, %swap3A_1882] : memref<10000x1xf32, #tpu.memory_space<vmem>>, vector<1000x1xf32>
    tpu.vector_store %arg22[%swap3A_1881, %swap3A_1882], %div3A_1880 {strides = array<i32>} : memref<10000x1xf32, #tpu.memory_space<vmem>>, vector<1000x1xf32>,
    %get3A_1884 = arith.constant 3000 : index
    %get3A_1885 = arith.constant 0 : index
    %get3A_1886 = vector.load %arg26[%get3A_1884, %get3A_1885] : memref<10000x128xf32, #tpu.memory_space<vmem>>, vector<1000x128xf32>
    %sub3A_1887 = vector.broadcast %div3A_1756 : vector<1x128xf32> to vector<1000x128xf32>
    %sub3A_1888 = arith.subf %get3A_1886, %sub3A_1887 : vector<1000x128xf32>
    %mul3A_1889 = vector.broadcast %rsqrt3A_1765 : vector<1x128xf32> to vector<1000x128xf32>
    %mul3A_1890 = arith.mulf %sub3A_1888, %mul3A_1889 : vector<1000x128xf32>
    %get3A_1891 = arith.constant 0 : index
    %get3A_1892 = arith.constant 0 : index
    %get3A_1893 = vector.load %arg13[%get3A_1891, %get3A_1892] : memref<1x128xf32, #tpu.memory_space<vmem>>, vector<1x128xf32>
    %mul3A_1894 = vector.broadcast %get3A_1893 : vector<1x128xf32> to vector<1000x128xf32>
    %mul3A_1895 = arith.mulf %mul3A_1890, %mul3A_1894 : vector<1000x128xf32>
    %get3A_1896 = arith.constant 0 : index
    %get3A_1897 = arith.constant 0 : index
    %get3A_1898 = vector.load %arg14[%get3A_1896, %get3A_1897] : memref<1x128xf32, #tpu.memory_space<vmem>>, vector<1x128xf32>
    %add3A_1899 = vector.broadcast %get3A_1898 : vector<1x128xf32> to vector<1000x128xf32>
    %add3A_1900 = arith.addf %mul3A_1895, %add3A_1899 : vector<1000x128xf32>
    %get3A_1901 = arith.constant 0 : index
    %get3A_1902 = arith.constant 0 : index
    %get3A_1903 = vector.load %arg15[%get3A_1901, %get3A_1902] : memref<128x1xf32, #tpu.memory_space<vmem>>, vector<128x1xf32>
    %dot_general3A_1904 = arith.constant dense<0.000000e+00> : vector<1000x1xf32>
    %dot_general3A_1905 = tpu.matmul %add3A_1900, %get3A_1903, %dot_general3A_1904 {dimension_numbers = #tpu.dot_dimension_numbers<[1], [0], [0], [1], [0, 0, 1, 1], [], []>, transpose_lhs_hint = false} : vector<1000x128xf32>, vector<128x1xf32>, vector<1000x1xf32> -> vector<1000x1xf32>
    %get3A_1906 = arith.constant 0 : index
    %get3A_1907 = arith.constant 0 : index
    %get3A_1908 = vector.load %arg16[%get3A_1906, %get3A_1907] : memref<1x1xf32, #tpu.memory_space<vmem>>, vector<1x1xf32>
    %add3A_1909 = vector.broadcast %get3A_1908 : vector<1x1xf32> to vector<1000x1xf32>
    %add3A_1910 = arith.addf %dot_general3A_1905, %add3A_1909 : vector<1000x1xf32>
    %neg3A_1911 = arith.constant 0.000000e+00 : f32
    %neg3A_1912 = vector.broadcast %neg3A_1911 : f32 to vector<1000x1xf32>
    %neg3A_1913 = arith.subf %neg3A_1912, %add3A_1910 : vector<1000x1xf32>
    %exp3A_1914 = math.exp %neg3A_1913 : vector<1000x1xf32>
    %add3A_1915 = arith.constant 1.000000e+00 : f32
    %add3A_1916 = vector.broadcast %add3A_1915 : f32 to vector<1000x1xf32>
    %add3A_1917 = arith.addf %add3A_1916, %exp3A_1914 : vector<1000x1xf32>
    %div3A_1918 = arith.constant 1.000000e+00 : f32
    %div3A_1919 = vector.broadcast %div3A_1918 : f32 to vector<1000x1xf32>
    %div3A_1920 = arith.divf %div3A_1919, %add3A_1917 : vector<1000x1xf32>
    %swap3A_1921 = arith.constant 3000 : index
    %swap3A_1922 = arith.constant 0 : index
    %swap3A_1923 = vector.load %arg22[%swap3A_1921, %swap3A_1922] : memref<10000x1xf32, #tpu.memory_space<vmem>>, vector<1000x1xf32>
    tpu.vector_store %arg22[%swap3A_1921, %swap3A_1922], %div3A_1920 {strides = array<i32>} : memref<10000x1xf32, #tpu.memory_space<vmem>>, vector<1000x1xf32>,
    %get3A_1924 = arith.constant 4000 : index
    %get3A_1925 = arith.constant 0 : index
    %get3A_1926 = vector.load %arg26[%get3A_1924, %get3A_1925] : memref<10000x128xf32, #tpu.memory_space<vmem>>, vector<1000x128xf32>
    %sub3A_1927 = vector.broadcast %div3A_1756 : vector<1x128xf32> to vector<1000x128xf32>
    %sub3A_1928 = arith.subf %get3A_1926, %sub3A_1927 : vector<1000x128xf32>
    %mul3A_1929 = vector.broadcast %rsqrt3A_1765 : vector<1x128xf32> to vector<1000x128xf32>
    %mul3A_1930 = arith.mulf %sub3A_1928, %mul3A_1929 : vector<1000x128xf32>
    %get3A_1931 = arith.constant 0 : index
    %get3A_1932 = arith.constant 0 : index
    %get3A_1933 = vector.load %arg13[%get3A_1931, %get3A_1932] : memref<1x128xf32, #tpu.memory_space<vmem>>, vector<1x128xf32>
    %mul3A_1934 = vector.broadcast %get3A_1933 : vector<1x128xf32> to vector<1000x128xf32>
    %mul3A_1935 = arith.mulf %mul3A_1930, %mul3A_1934 : vector<1000x128xf32>
    %get3A_1936 = arith.constant 0 : index
    %get3A_1937 = arith.constant 0 : index
    %get3A_1938 = vector.load %arg14[%get3A_1936, %get3A_1937] : memref<1x128xf32, #tpu.memory_space<vmem>>, vector<1x128xf32>
    %add3A_1939 = vector.broadcast %get3A_1938 : vector<1x128xf32> to vector<1000x128xf32>
    %add3A_1940 = arith.addf %mul3A_1935, %add3A_1939 : vector<1000x128xf32>
    %get3A_1941 = arith.constant 0 : index
    %get3A_1942 = arith.constant 0 : index
    %get3A_1943 = vector.load %arg15[%get3A_1941, %get3A_1942] : memref<128x1xf32, #tpu.memory_space<vmem>>, vector<128x1xf32>
    %dot_general3A_1944 = arith.constant dense<0.000000e+00> : vector<1000x1xf32>
    %dot_general3A_1945 = tpu.matmul %add3A_1940, %get3A_1943, %dot_general3A_1944 {dimension_numbers = #tpu.dot_dimension_numbers<[1], [0], [0], [1], [0, 0, 1, 1], [], []>, transpose_lhs_hint = false} : vector<1000x128xf32>, vector<128x1xf32>, vector<1000x1xf32> -> vector<1000x1xf32>
    %get3A_1946 = arith.constant 0 : index
    %get3A_1947 = arith.constant 0 : index
    %get3A_1948 = vector.load %arg16[%get3A_1946, %get3A_1947] : memref<1x1xf32, #tpu.memory_space<vmem>>, vector<1x1xf32>
    %add3A_1949 = vector.broadcast %get3A_1948 : vector<1x1xf32> to vector<1000x1xf32>
    %add3A_1950 = arith.addf %dot_general3A_1945, %add3A_1949 : vector<1000x1xf32>
    %neg3A_1951 = arith.constant 0.000000e+00 : f32
    %neg3A_1952 = vector.broadcast %neg3A_1951 : f32 to vector<1000x1xf32>
    %neg3A_1953 = arith.subf %neg3A_1952, %add3A_1950 : vector<1000x1xf32>
    %exp3A_1954 = math.exp %neg3A_1953 : vector<1000x1xf32>
    %add3A_1955 = arith.constant 1.000000e+00 : f32
    %add3A_1956 = vector.broadcast %add3A_1955 : f32 to vector<1000x1xf32>
    %add3A_1957 = arith.addf %add3A_1956, %exp3A_1954 : vector<1000x1xf32>
    %div3A_1958 = arith.constant 1.000000e+00 : f32
    %div3A_1959 = vector.broadcast %div3A_1958 : f32 to vector<1000x1xf32>
    %div3A_1960 = arith.divf %div3A_1959, %add3A_1957 : vector<1000x1xf32>
    %swap3A_1961 = arith.constant 4000 : index
    %swap3A_1962 = arith.constant 0 : index
    %swap3A_1963 = vector.load %arg22[%swap3A_1961, %swap3A_1962] : memref<10000x1xf32, #tpu.memory_space<vmem>>, vector<1000x1xf32>
    tpu.vector_store %arg22[%swap3A_1961, %swap3A_1962], %div3A_1960 {strides = array<i32>} : memref<10000x1xf32, #tpu.memory_space<vmem>>, vector<1000x1xf32>,
    %get3A_1964 = arith.constant 5000 : index
    %get3A_1965 = arith.constant 0 : index
    %get3A_1966 = vector.load %arg26[%get3A_1964, %get3A_1965] : memref<10000x128xf32, #tpu.memory_space<vmem>>, vector<1000x128xf32>
    %sub3A_1967 = vector.broadcast %div3A_1756 : vector<1x128xf32> to vector<1000x128xf32>
    %sub3A_1968 = arith.subf %get3A_1966, %sub3A_1967 : vector<1000x128xf32>
    %mul3A_1969 = vector.broadcast %rsqrt3A_1765 : vector<1x128xf32> to vector<1000x128xf32>
    %mul3A_1970 = arith.mulf %sub3A_1968, %mul3A_1969 : vector<1000x128xf32>
    %get3A_1971 = arith.constant 0 : index
    %get3A_1972 = arith.constant 0 : index
    %get3A_1973 = vector.load %arg13[%get3A_1971, %get3A_1972] : memref<1x128xf32, #tpu.memory_space<vmem>>, vector<1x128xf32>
    %mul3A_1974 = vector.broadcast %get3A_1973 : vector<1x128xf32> to vector<1000x128xf32>
    %mul3A_1975 = arith.mulf %mul3A_1970, %mul3A_1974 : vector<1000x128xf32>
    %get3A_1976 = arith.constant 0 : index
    %get3A_1977 = arith.constant 0 : index
    %get3A_1978 = vector.load %arg14[%get3A_1976, %get3A_1977] : memref<1x128xf32, #tpu.memory_space<vmem>>, vector<1x128xf32>
    %add3A_1979 = vector.broadcast %get3A_1978 : vector<1x128xf32> to vector<1000x128xf32>
    %add3A_1980 = arith.addf %mul3A_1975, %add3A_1979 : vector<1000x128xf32>
    %get3A_1981 = arith.constant 0 : index
    %get3A_1982 = arith.constant 0 : index
    %get3A_1983 = vector.load %arg15[%get3A_1981, %get3A_1982] : memref<128x1xf32, #tpu.memory_space<vmem>>, vector<128x1xf32>
    %dot_general3A_1984 = arith.constant dense<0.000000e+00> : vector<1000x1xf32>
    %dot_general3A_1985 = tpu.matmul %add3A_1980, %get3A_1983, %dot_general3A_1984 {dimension_numbers = #tpu.dot_dimension_numbers<[1], [0], [0], [1], [0, 0, 1, 1], [], []>, transpose_lhs_hint = false} : vector<1000x128xf32>, vector<128x1xf32>, vector<1000x1xf32> -> vector<1000x1xf32>
    %get3A_1986 = arith.constant 0 : index
    %get3A_1987 = arith.constant 0 : index
    %get3A_1988 = vector.load %arg16[%get3A_1986, %get3A_1987] : memref<1x1xf32, #tpu.memory_space<vmem>>, vector<1x1xf32>
    %add3A_1989 = vector.broadcast %get3A_1988 : vector<1x1xf32> to vector<1000x1xf32>
    %add3A_1990 = arith.addf %dot_general3A_1985, %add3A_1989 : vector<1000x1xf32>
    %neg3A_1991 = arith.constant 0.000000e+00 : f32
    %neg3A_1992 = vector.broadcast %neg3A_1991 : f32 to vector<1000x1xf32>
    %neg3A_1993 = arith.subf %neg3A_1992, %add3A_1990 : vector<1000x1xf32>
    %exp3A_1994 = math.exp %neg3A_1993 : vector<1000x1xf32>
    %add3A_1995 = arith.constant 1.000000e+00 : f32
    %add3A_1996 = vector.broadcast %add3A_1995 : f32 to vector<1000x1xf32>
    %add3A_1997 = arith.addf %add3A_1996, %exp3A_1994 : vector<1000x1xf32>
    %div3A_1998 = arith.constant 1.000000e+00 : f32
    %div3A_1999 = vector.broadcast %div3A_1998 : f32 to vector<1000x1xf32>
    %div3A_2000 = arith.divf %div3A_1999, %add3A_1997 : vector<1000x1xf32>
    %swap3A_2001 = arith.constant 5000 : index
    %swap3A_2002 = arith.constant 0 : index
    %swap3A_2003 = vector.load %arg22[%swap3A_2001, %swap3A_2002] : memref<10000x1xf32, #tpu.memory_space<vmem>>, vector<1000x1xf32>
    tpu.vector_store %arg22[%swap3A_2001, %swap3A_2002], %div3A_2000 {strides = array<i32>} : memref<10000x1xf32, #tpu.memory_space<vmem>>, vector<1000x1xf32>,
    %get3A_2004 = arith.constant 6000 : index
    %get3A_2005 = arith.constant 0 : index
    %get3A_2006 = vector.load %arg26[%get3A_2004, %get3A_2005] : memref<10000x128xf32, #tpu.memory_space<vmem>>, vector<1000x128xf32>
    %sub3A_2007 = vector.broadcast %div3A_1756 : vector<1x128xf32> to vector<1000x128xf32>
    %sub3A_2008 = arith.subf %get3A_2006, %sub3A_2007 : vector<1000x128xf32>
    %mul3A_2009 = vector.broadcast %rsqrt3A_1765 : vector<1x128xf32> to vector<1000x128xf32>
    %mul3A_2010 = arith.mulf %sub3A_2008, %mul3A_2009 : vector<1000x128xf32>
    %get3A_2011 = arith.constant 0 : index
    %get3A_2012 = arith.constant 0 : index
    %get3A_2013 = vector.load %arg13[%get3A_2011, %get3A_2012] : memref<1x128xf32, #tpu.memory_space<vmem>>, vector<1x128xf32>
    %mul3A_2014 = vector.broadcast %get3A_2013 : vector<1x128xf32> to vector<1000x128xf32>
    %mul3A_2015 = arith.mulf %mul3A_2010, %mul3A_2014 : vector<1000x128xf32>
    %get3A_2016 = arith.constant 0 : index
    %get3A_2017 = arith.constant 0 : index
    %get3A_2018 = vector.load %arg14[%get3A_2016, %get3A_2017] : memref<1x128xf32, #tpu.memory_space<vmem>>, vector<1x128xf32>
    %add3A_2019 = vector.broadcast %get3A_2018 : vector<1x128xf32> to vector<1000x128xf32>
    %add3A_2020 = arith.addf %mul3A_2015, %add3A_2019 : vector<1000x128xf32>
    %get3A_2021 = arith.constant 0 : index
    %get3A_2022 = arith.constant 0 : index
    %get3A_2023 = vector.load %arg15[%get3A_2021, %get3A_2022] : memref<128x1xf32, #tpu.memory_space<vmem>>, vector<128x1xf32>
    %dot_general3A_2024 = arith.constant dense<0.000000e+00> : vector<1000x1xf32>
    %dot_general3A_2025 = tpu.matmul %add3A_2020, %get3A_2023, %dot_general3A_2024 {dimension_numbers = #tpu.dot_dimension_numbers<[1], [0], [0], [1], [0, 0, 1, 1], [], []>, transpose_lhs_hint = false} : vector<1000x128xf32>, vector<128x1xf32>, vector<1000x1xf32> -> vector<1000x1xf32>
    %get3A_2026 = arith.constant 0 : index
    %get3A_2027 = arith.constant 0 : index
    %get3A_2028 = vector.load %arg16[%get3A_2026, %get3A_2027] : memref<1x1xf32, #tpu.memory_space<vmem>>, vector<1x1xf32>
    %add3A_2029 = vector.broadcast %get3A_2028 : vector<1x1xf32> to vector<1000x1xf32>
    %add3A_2030 = arith.addf %dot_general3A_2025, %add3A_2029 : vector<1000x1xf32>
    %neg3A_2031 = arith.constant 0.000000e+00 : f32
    %neg3A_2032 = vector.broadcast %neg3A_2031 : f32 to vector<1000x1xf32>
    %neg3A_2033 = arith.subf %neg3A_2032, %add3A_2030 : vector<1000x1xf32>
    %exp3A_2034 = math.exp %neg3A_2033 : vector<1000x1xf32>
    %add3A_2035 = arith.constant 1.000000e+00 : f32
    %add3A_2036 = vector.broadcast %add3A_2035 : f32 to vector<1000x1xf32>
    %add3A_2037 = arith.addf %add3A_2036, %exp3A_2034 : vector<1000x1xf32>
    %div3A_2038 = arith.constant 1.000000e+00 : f32
    %div3A_2039 = vector.broadcast %div3A_2038 : f32 to vector<1000x1xf32>
    %div3A_2040 = arith.divf %div3A_2039, %add3A_2037 : vector<1000x1xf32>
    %swap3A_2041 = arith.constant 6000 : index
    %swap3A_2042 = arith.constant 0 : index
    %swap3A_2043 = vector.load %arg22[%swap3A_2041, %swap3A_2042] : memref<10000x1xf32, #tpu.memory_space<vmem>>, vector<1000x1xf32>
    tpu.vector_store %arg22[%swap3A_2041, %swap3A_2042], %div3A_2040 {strides = array<i32>} : memref<10000x1xf32, #tpu.memory_space<vmem>>, vector<1000x1xf32>,
    %get3A_2044 = arith.constant 7000 : index
    %get3A_2045 = arith.constant 0 : index
    %get3A_2046 = vector.load %arg26[%get3A_2044, %get3A_2045] : memref<10000x128xf32, #tpu.memory_space<vmem>>, vector<1000x128xf32>
    %sub3A_2047 = vector.broadcast %div3A_1756 : vector<1x128xf32> to vector<1000x128xf32>
    %sub3A_2048 = arith.subf %get3A_2046, %sub3A_2047 : vector<1000x128xf32>
    %mul3A_2049 = vector.broadcast %rsqrt3A_1765 : vector<1x128xf32> to vector<1000x128xf32>
    %mul3A_2050 = arith.mulf %sub3A_2048, %mul3A_2049 : vector<1000x128xf32>
    %get3A_2051 = arith.constant 0 : index
    %get3A_2052 = arith.constant 0 : index
    %get3A_2053 = vector.load %arg13[%get3A_2051, %get3A_2052] : memref<1x128xf32, #tpu.memory_space<vmem>>, vector<1x128xf32>
    %mul3A_2054 = vector.broadcast %get3A_2053 : vector<1x128xf32> to vector<1000x128xf32>
    %mul3A_2055 = arith.mulf %mul3A_2050, %mul3A_2054 : vector<1000x128xf32>
    %get3A_2056 = arith.constant 0 : index
    %get3A_2057 = arith.constant 0 : index
    %get3A_2058 = vector.load %arg14[%get3A_2056, %get3A_2057] : memref<1x128xf32, #tpu.memory_space<vmem>>, vector<1x128xf32>
    %add3A_2059 = vector.broadcast %get3A_2058 : vector<1x128xf32> to vector<1000x128xf32>
    %add3A_2060 = arith.addf %mul3A_2055, %add3A_2059 : vector<1000x128xf32>
    %get3A_2061 = arith.constant 0 : index
    %get3A_2062 = arith.constant 0 : index
    %get3A_2063 = vector.load %arg15[%get3A_2061, %get3A_2062] : memref<128x1xf32, #tpu.memory_space<vmem>>, vector<128x1xf32>
    %dot_general3A_2064 = arith.constant dense<0.000000e+00> : vector<1000x1xf32>
    %dot_general3A_2065 = tpu.matmul %add3A_2060, %get3A_2063, %dot_general3A_2064 {dimension_numbers = #tpu.dot_dimension_numbers<[1], [0], [0], [1], [0, 0, 1, 1], [], []>, transpose_lhs_hint = false} : vector<1000x128xf32>, vector<128x1xf32>, vector<1000x1xf32> -> vector<1000x1xf32>
    %get3A_2066 = arith.constant 0 : index
    %get3A_2067 = arith.constant 0 : index
    %get3A_2068 = vector.load %arg16[%get3A_2066, %get3A_2067] : memref<1x1xf32, #tpu.memory_space<vmem>>, vector<1x1xf32>
    %add3A_2069 = vector.broadcast %get3A_2068 : vector<1x1xf32> to vector<1000x1xf32>
    %add3A_2070 = arith.addf %dot_general3A_2065, %add3A_2069 : vector<1000x1xf32>
    %neg3A_2071 = arith.constant 0.000000e+00 : f32
    %neg3A_2072 = vector.broadcast %neg3A_2071 : f32 to vector<1000x1xf32>
    %neg3A_2073 = arith.subf %neg3A_2072, %add3A_2070 : vector<1000x1xf32>
    %exp3A_2074 = math.exp %neg3A_2073 : vector<1000x1xf32>
    %add3A_2075 = arith.constant 1.000000e+00 : f32
    %add3A_2076 = vector.broadcast %add3A_2075 : f32 to vector<1000x1xf32>
    %add3A_2077 = arith.addf %add3A_2076, %exp3A_2074 : vector<1000x1xf32>
    %div3A_2078 = arith.constant 1.000000e+00 : f32
    %div3A_2079 = vector.broadcast %div3A_2078 : f32 to vector<1000x1xf32>
    %div3A_2080 = arith.divf %div3A_2079, %add3A_2077 : vector<1000x1xf32>
    %swap3A_2081 = arith.constant 7000 : index
    %swap3A_2082 = arith.constant 0 : index
    %swap3A_2083 = vector.load %arg22[%swap3A_2081, %swap3A_2082] : memref<10000x1xf32, #tpu.memory_space<vmem>>, vector<1000x1xf32>
    tpu.vector_store %arg22[%swap3A_2081, %swap3A_2082], %div3A_2080 {strides = array<i32>} : memref<10000x1xf32, #tpu.memory_space<vmem>>, vector<1000x1xf32>,
    %get3A_2084 = arith.constant 8000 : index
    %get3A_2085 = arith.constant 0 : index
    %get3A_2086 = vector.load %arg26[%get3A_2084, %get3A_2085] : memref<10000x128xf32, #tpu.memory_space<vmem>>, vector<1000x128xf32>
    %sub3A_2087 = vector.broadcast %div3A_1756 : vector<1x128xf32> to vector<1000x128xf32>
    %sub3A_2088 = arith.subf %get3A_2086, %sub3A_2087 : vector<1000x128xf32>
    %mul3A_2089 = vector.broadcast %rsqrt3A_1765 : vector<1x128xf32> to vector<1000x128xf32>
    %mul3A_2090 = arith.mulf %sub3A_2088, %mul3A_2089 : vector<1000x128xf32>
    %get3A_2091 = arith.constant 0 : index
    %get3A_2092 = arith.constant 0 : index
    %get3A_2093 = vector.load %arg13[%get3A_2091, %get3A_2092] : memref<1x128xf32, #tpu.memory_space<vmem>>, vector<1x128xf32>
    %mul3A_2094 = vector.broadcast %get3A_2093 : vector<1x128xf32> to vector<1000x128xf32>
    %mul3A_2095 = arith.mulf %mul3A_2090, %mul3A_2094 : vector<1000x128xf32>
    %get3A_2096 = arith.constant 0 : index
    %get3A_2097 = arith.constant 0 : index
    %get3A_2098 = vector.load %arg14[%get3A_2096, %get3A_2097] : memref<1x128xf32, #tpu.memory_space<vmem>>, vector<1x128xf32>
    %add3A_2099 = vector.broadcast %get3A_2098 : vector<1x128xf32> to vector<1000x128xf32>
    %add3A_2100 = arith.addf %mul3A_2095, %add3A_2099 : vector<1000x128xf32>
    %get3A_2101 = arith.constant 0 : index
    %get3A_2102 = arith.constant 0 : index
    %get3A_2103 = vector.load %arg15[%get3A_2101, %get3A_2102] : memref<128x1xf32, #tpu.memory_space<vmem>>, vector<128x1xf32>
    %dot_general3A_2104 = arith.constant dense<0.000000e+00> : vector<1000x1xf32>
    %dot_general3A_2105 = tpu.matmul %add3A_2100, %get3A_2103, %dot_general3A_2104 {dimension_numbers = #tpu.dot_dimension_numbers<[1], [0], [0], [1], [0, 0, 1, 1], [], []>, transpose_lhs_hint = false} : vector<1000x128xf32>, vector<128x1xf32>, vector<1000x1xf32> -> vector<1000x1xf32>
    %get3A_2106 = arith.constant 0 : index
    %get3A_2107 = arith.constant 0 : index
    %get3A_2108 = vector.load %arg16[%get3A_2106, %get3A_2107] : memref<1x1xf32, #tpu.memory_space<vmem>>, vector<1x1xf32>
    %add3A_2109 = vector.broadcast %get3A_2108 : vector<1x1xf32> to vector<1000x1xf32>
    %add3A_2110 = arith.addf %dot_general3A_2105, %add3A_2109 : vector<1000x1xf32>
    %neg3A_2111 = arith.constant 0.000000e+00 : f32
    %neg3A_2112 = vector.broadcast %neg3A_2111 : f32 to vector<1000x1xf32>
    %neg3A_2113 = arith.subf %neg3A_2112, %add3A_2110 : vector<1000x1xf32>
    %exp3A_2114 = math.exp %neg3A_2113 : vector<1000x1xf32>
    %add3A_2115 = arith.constant 1.000000e+00 : f32
    %add3A_2116 = vector.broadcast %add3A_2115 : f32 to vector<1000x1xf32>
    %add3A_2117 = arith.addf %add3A_2116, %exp3A_2114 : vector<1000x1xf32>
    %div3A_2118 = arith.constant 1.000000e+00 : f32
    %div3A_2119 = vector.broadcast %div3A_2118 : f32 to vector<1000x1xf32>
    %div3A_2120 = arith.divf %div3A_2119, %add3A_2117 : vector<1000x1xf32>
    %swap3A_2121 = arith.constant 8000 : index
    %swap3A_2122 = arith.constant 0 : index
    %swap3A_2123 = vector.load %arg22[%swap3A_2121, %swap3A_2122] : memref<10000x1xf32, #tpu.memory_space<vmem>>, vector<1000x1xf32>
    tpu.vector_store %arg22[%swap3A_2121, %swap3A_2122], %div3A_2120 {strides = array<i32>} : memref<10000x1xf32, #tpu.memory_space<vmem>>, vector<1000x1xf32>,
    %get3A_2124 = arith.constant 9000 : index
    %get3A_2125 = arith.constant 0 : index
    %get3A_2126 = vector.load %arg26[%get3A_2124, %get3A_2125] : memref<10000x128xf32, #tpu.memory_space<vmem>>, vector<1000x128xf32>
    %sub3A_2127 = vector.broadcast %div3A_1756 : vector<1x128xf32> to vector<1000x128xf32>
    %sub3A_2128 = arith.subf %get3A_2126, %sub3A_2127 : vector<1000x128xf32>
    %mul3A_2129 = vector.broadcast %rsqrt3A_1765 : vector<1x128xf32> to vector<1000x128xf32>
    %mul3A_2130 = arith.mulf %sub3A_2128, %mul3A_2129 : vector<1000x128xf32>
    %get3A_2131 = arith.constant 0 : index
    %get3A_2132 = arith.constant 0 : index
    %get3A_2133 = vector.load %arg13[%get3A_2131, %get3A_2132] : memref<1x128xf32, #tpu.memory_space<vmem>>, vector<1x128xf32>
    %mul3A_2134 = vector.broadcast %get3A_2133 : vector<1x128xf32> to vector<1000x128xf32>
    %mul3A_2135 = arith.mulf %mul3A_2130, %mul3A_2134 : vector<1000x128xf32>
    %get3A_2136 = arith.constant 0 : index
    %get3A_2137 = arith.constant 0 : index
    %get3A_2138 = vector.load %arg14[%get3A_2136, %get3A_2137] : memref<1x128xf32, #tpu.memory_space<vmem>>, vector<1x128xf32>
    %add3A_2139 = vector.broadcast %get3A_2138 : vector<1x128xf32> to vector<1000x128xf32>
    %add3A_2140 = arith.addf %mul3A_2135, %add3A_2139 : vector<1000x128xf32>
    %get3A_2141 = arith.constant 0 : index
    %get3A_2142 = arith.constant 0 : index
    %get3A_2143 = vector.load %arg15[%get3A_2141, %get3A_2142] : memref<128x1xf32, #tpu.memory_space<vmem>>, vector<128x1xf32>
    %dot_general3A_2144 = arith.constant dense<0.000000e+00> : vector<1000x1xf32>
    %dot_general3A_2145 = tpu.matmul %add3A_2140, %get3A_2143, %dot_general3A_2144 {dimension_numbers = #tpu.dot_dimension_numbers<[1], [0], [0], [1], [0, 0, 1, 1], [], []>, transpose_lhs_hint = false} : vector<1000x128xf32>, vector<128x1xf32>, vector<1000x1xf32> -> vector<1000x1xf32>
    %get3A_2146 = arith.constant 0 : index
    %get3A_2147 = arith.constant 0 : index
    %get3A_2148 = vector.load %arg16[%get3A_2146, %get3A_2147] : memref<1x1xf32, #tpu.memory_space<vmem>>, vector<1x1xf32>
    %add3A_2149 = vector.broadcast %get3A_2148 : vector<1x1xf32> to vector<1000x1xf32>
    %add3A_2150 = arith.addf %dot_general3A_2145, %add3A_2149 : vector<1000x1xf32>
    %neg3A_2151 = arith.constant 0.000000e+00 : f32
    %neg3A_2152 = vector.broadcast %neg3A_2151 : f32 to vector<1000x1xf32>
    %neg3A_2153 = arith.subf %neg3A_2152, %add3A_2150 : vector<1000x1xf32>
    %exp3A_2154 = math.exp %neg3A_2153 : vector<1000x1xf32>
    %add3A_2155 = arith.constant 1.000000e+00 : f32
    %add3A_2156 = vector.broadcast %add3A_2155 : f32 to vector<1000x1xf32>
    %add3A_2157 = arith.addf %add3A_2156, %exp3A_2154 : vector<1000x1xf32>
    %div3A_2158 = arith.constant 1.000000e+00 : f32
    %div3A_2159 = vector.broadcast %div3A_2158 : f32 to vector<1000x1xf32>
    %div3A_2160 = arith.divf %div3A_2159, %add3A_2157 : vector<1000x1xf32>
    %swap3A_2161 = arith.constant 9000 : index
    %swap3A_2162 = arith.constant 0 : index
    %swap3A_2163 = vector.load %arg22[%swap3A_2161, %swap3A_2162] : memref<10000x1xf32, #tpu.memory_space<vmem>>, vector<1000x1xf32>
    tpu.vector_store %arg22[%swap3A_2161, %swap3A_2162], %div3A_2160 {strides = array<i32>} : memref<10000x1xf32, #tpu.memory_space<vmem>>, vector<1000x1xf32>,
    %div3A_2164 = arith.constant 1.000000e+04 : f32
    %div3A_2165 = vector.broadcast %div3A_2164 : f32 to vector<1x128xf32>
    %div3A_2166 = arith.divf %add3A_1745, %div3A_2165 : vector<1x128xf32>
    %div3A_2167 = arith.constant 1.000000e+04 : f32
    %div3A_2168 = vector.broadcast %div3A_2167 : f32 to vector<1x128xf32>
    %div3A_2169 = arith.divf %add3A_1750, %div3A_2168 : vector<1x128xf32>
    %mul3A_2170 = arith.mulf %div3A_2166, %div3A_2166 : vector<1x128xf32>
    %sub3A_2171 = arith.subf %div3A_2169, %mul3A_2170 : vector<1x128xf32>
    %add3A_2172 = arith.constant 9.99999974E-6 : f32
    %add3A_2173 = vector.broadcast %add3A_2172 : f32 to vector<1x128xf32>
    %add3A_2174 = arith.addf %sub3A_2171, %add3A_2173 : vector<1x128xf32>
    %rsqrt3A_2175 = math.rsqrt %add3A_2174 : vector<1x128xf32>
    %get3A_2176 = arith.constant 0 : index
    %get3A_2177 = arith.constant 0 : index
    %get3A_2178 = vector.load %arg27[%get3A_2176, %get3A_2177] : memref<10000x128xf32, #tpu.memory_space<vmem>>, vector<1000x128xf32>
    %sub3A_2179 = vector.broadcast %div3A_2166 : vector<1x128xf32> to vector<1000x128xf32>
    %sub3A_2180 = arith.subf %get3A_2178, %sub3A_2179 : vector<1000x128xf32>
    %mul3A_2181 = vector.broadcast %rsqrt3A_2175 : vector<1x128xf32> to vector<1000x128xf32>
    %mul3A_2182 = arith.mulf %sub3A_2180, %mul3A_2181 : vector<1000x128xf32>
    %get3A_2183 = arith.constant 0 : index
    %get3A_2184 = arith.constant 0 : index
    %get3A_2185 = vector.load %arg17[%get3A_2183, %get3A_2184] : memref<1x128xf32, #tpu.memory_space<vmem>>, vector<1x128xf32>
    %mul3A_2186 = vector.broadcast %get3A_2185 : vector<1x128xf32> to vector<1000x128xf32>
    %mul3A_2187 = arith.mulf %mul3A_2182, %mul3A_2186 : vector<1000x128xf32>
    %get3A_2188 = arith.constant 0 : index
    %get3A_2189 = arith.constant 0 : index
    %get3A_2190 = vector.load %arg18[%get3A_2188, %get3A_2189] : memref<1x128xf32, #tpu.memory_space<vmem>>, vector<1x128xf32>
    %add3A_2191 = vector.broadcast %get3A_2190 : vector<1x128xf32> to vector<1000x128xf32>
    %add3A_2192 = arith.addf %mul3A_2187, %add3A_2191 : vector<1000x128xf32>
    %get3A_2193 = arith.constant 0 : index
    %get3A_2194 = arith.constant 0 : index
    %get3A_2195 = vector.load %arg19[%get3A_2193, %get3A_2194] : memref<128x1xf32, #tpu.memory_space<vmem>>, vector<128x1xf32>
    %dot_general3A_2196 = arith.constant dense<0.000000e+00> : vector<1000x1xf32>
    %dot_general3A_2197 = tpu.matmul %add3A_2192, %get3A_2195, %dot_general3A_2196 {dimension_numbers = #tpu.dot_dimension_numbers<[1], [0], [0], [1], [0, 0, 1, 1], [], []>, transpose_lhs_hint = false} : vector<1000x128xf32>, vector<128x1xf32>, vector<1000x1xf32> -> vector<1000x1xf32>
    %get3A_2198 = arith.constant 0 : index
    %get3A_2199 = arith.constant 0 : index
    %get3A_2200 = vector.load %arg20[%get3A_2198, %get3A_2199] : memref<1x1xf32, #tpu.memory_space<vmem>>, vector<1x1xf32>
    %add3A_2201 = vector.broadcast %get3A_2200 : vector<1x1xf32> to vector<1000x1xf32>
    %add3A_2202 = arith.addf %dot_general3A_2197, %add3A_2201 : vector<1000x1xf32>
    %neg3A_2203 = arith.constant 0.000000e+00 : f32
    %neg3A_2204 = vector.broadcast %neg3A_2203 : f32 to vector<1000x1xf32>
    %neg3A_2205 = arith.subf %neg3A_2204, %add3A_2202 : vector<1000x1xf32>
    %exp3A_2206 = math.exp %neg3A_2205 : vector<1000x1xf32>
    %add3A_2207 = arith.constant 1.000000e+00 : f32
    %add3A_2208 = vector.broadcast %add3A_2207 : f32 to vector<1000x1xf32>
    %add3A_2209 = arith.addf %add3A_2208, %exp3A_2206 : vector<1000x1xf32>
    %div3A_2210 = arith.constant 1.000000e+00 : f32
    %div3A_2211 = vector.broadcast %div3A_2210 : f32 to vector<1000x1xf32>
    %div3A_2212 = arith.divf %div3A_2211, %add3A_2209 : vector<1000x1xf32>
    %swap3A_2213 = arith.constant 0 : index
    %swap3A_2214 = arith.constant 0 : index
    %swap3A_2215 = vector.load %arg24[%swap3A_2213, %swap3A_2214] : memref<10000x1xf32, #tpu.memory_space<vmem>>, vector<1000x1xf32>
    tpu.vector_store %arg24[%swap3A_2213, %swap3A_2214], %div3A_2212 {strides = array<i32>} : memref<10000x1xf32, #tpu.memory_space<vmem>>, vector<1000x1xf32>,
    %get3A_2216 = arith.constant 1000 : index
    %get3A_2217 = arith.constant 0 : index
    %get3A_2218 = vector.load %arg27[%get3A_2216, %get3A_2217] : memref<10000x128xf32, #tpu.memory_space<vmem>>, vector<1000x128xf32>
    %sub3A_2219 = vector.broadcast %div3A_2166 : vector<1x128xf32> to vector<1000x128xf32>
    %sub3A_2220 = arith.subf %get3A_2218, %sub3A_2219 : vector<1000x128xf32>
    %mul3A_2221 = vector.broadcast %rsqrt3A_2175 : vector<1x128xf32> to vector<1000x128xf32>
    %mul3A_2222 = arith.mulf %sub3A_2220, %mul3A_2221 : vector<1000x128xf32>
    %get3A_2223 = arith.constant 0 : index
    %get3A_2224 = arith.constant 0 : index
    %get3A_2225 = vector.load %arg17[%get3A_2223, %get3A_2224] : memref<1x128xf32, #tpu.memory_space<vmem>>, vector<1x128xf32>
    %mul3A_2226 = vector.broadcast %get3A_2225 : vector<1x128xf32> to vector<1000x128xf32>
    %mul3A_2227 = arith.mulf %mul3A_2222, %mul3A_2226 : vector<1000x128xf32>
    %get3A_2228 = arith.constant 0 : index
    %get3A_2229 = arith.constant 0 : index
    %get3A_2230 = vector.load %arg18[%get3A_2228, %get3A_2229] : memref<1x128xf32, #tpu.memory_space<vmem>>, vector<1x128xf32>
    %add3A_2231 = vector.broadcast %get3A_2230 : vector<1x128xf32> to vector<1000x128xf32>
    %add3A_2232 = arith.addf %mul3A_2227, %add3A_2231 : vector<1000x128xf32>
    %get3A_2233 = arith.constant 0 : index
    %get3A_2234 = arith.constant 0 : index
    %get3A_2235 = vector.load %arg19[%get3A_2233, %get3A_2234] : memref<128x1xf32, #tpu.memory_space<vmem>>, vector<128x1xf32>
    %dot_general3A_2236 = arith.constant dense<0.000000e+00> : vector<1000x1xf32>
    %dot_general3A_2237 = tpu.matmul %add3A_2232, %get3A_2235, %dot_general3A_2236 {dimension_numbers = #tpu.dot_dimension_numbers<[1], [0], [0], [1], [0, 0, 1, 1], [], []>, transpose_lhs_hint = false} : vector<1000x128xf32>, vector<128x1xf32>, vector<1000x1xf32> -> vector<1000x1xf32>
    %get3A_2238 = arith.constant 0 : index
    %get3A_2239 = arith.constant 0 : index
    %get3A_2240 = vector.load %arg20[%get3A_2238, %get3A_2239] : memref<1x1xf32, #tpu.memory_space<vmem>>, vector<1x1xf32>
    %add3A_2241 = vector.broadcast %get3A_2240 : vector<1x1xf32> to vector<1000x1xf32>
    %add3A_2242 = arith.addf %dot_general3A_2237, %add3A_2241 : vector<1000x1xf32>
    %neg3A_2243 = arith.constant 0.000000e+00 : f32
    %neg3A_2244 = vector.broadcast %neg3A_2243 : f32 to vector<1000x1xf32>
    %neg3A_2245 = arith.subf %neg3A_2244, %add3A_2242 : vector<1000x1xf32>
    %exp3A_2246 = math.exp %neg3A_2245 : vector<1000x1xf32>
    %add3A_2247 = arith.constant 1.000000e+00 : f32
    %add3A_2248 = vector.broadcast %add3A_2247 : f32 to vector<1000x1xf32>
    %add3A_2249 = arith.addf %add3A_2248, %exp3A_2246 : vector<1000x1xf32>
    %div3A_2250 = arith.constant 1.000000e+00 : f32
    %div3A_2251 = vector.broadcast %div3A_2250 : f32 to vector<1000x1xf32>
    %div3A_2252 = arith.divf %div3A_2251, %add3A_2249 : vector<1000x1xf32>
    %swap3A_2253 = arith.constant 1000 : index
    %swap3A_2254 = arith.constant 0 : index
    %swap3A_2255 = vector.load %arg24[%swap3A_2253, %swap3A_2254] : memref<10000x1xf32, #tpu.memory_space<vmem>>, vector<1000x1xf32>
    tpu.vector_store %arg24[%swap3A_2253, %swap3A_2254], %div3A_2252 {strides = array<i32>} : memref<10000x1xf32, #tpu.memory_space<vmem>>, vector<1000x1xf32>,
    %get3A_2256 = arith.constant 2000 : index
    %get3A_2257 = arith.constant 0 : index
    %get3A_2258 = vector.load %arg27[%get3A_2256, %get3A_2257] : memref<10000x128xf32, #tpu.memory_space<vmem>>, vector<1000x128xf32>
    %sub3A_2259 = vector.broadcast %div3A_2166 : vector<1x128xf32> to vector<1000x128xf32>
    %sub3A_2260 = arith.subf %get3A_2258, %sub3A_2259 : vector<1000x128xf32>
    %mul3A_2261 = vector.broadcast %rsqrt3A_2175 : vector<1x128xf32> to vector<1000x128xf32>
    %mul3A_2262 = arith.mulf %sub3A_2260, %mul3A_2261 : vector<1000x128xf32>
    %get3A_2263 = arith.constant 0 : index
    %get3A_2264 = arith.constant 0 : index
    %get3A_2265 = vector.load %arg17[%get3A_2263, %get3A_2264] : memref<1x128xf32, #tpu.memory_space<vmem>>, vector<1x128xf32>
    %mul3A_2266 = vector.broadcast %get3A_2265 : vector<1x128xf32> to vector<1000x128xf32>
    %mul3A_2267 = arith.mulf %mul3A_2262, %mul3A_2266 : vector<1000x128xf32>
    %get3A_2268 = arith.constant 0 : index
    %get3A_2269 = arith.constant 0 : index
    %get3A_2270 = vector.load %arg18[%get3A_2268, %get3A_2269] : memref<1x128xf32, #tpu.memory_space<vmem>>, vector<1x128xf32>
    %add3A_2271 = vector.broadcast %get3A_2270 : vector<1x128xf32> to vector<1000x128xf32>
    %add3A_2272 = arith.addf %mul3A_2267, %add3A_2271 : vector<1000x128xf32>
    %get3A_2273 = arith.constant 0 : index
    %get3A_2274 = arith.constant 0 : index
    %get3A_2275 = vector.load %arg19[%get3A_2273, %get3A_2274] : memref<128x1xf32, #tpu.memory_space<vmem>>, vector<128x1xf32>
    %dot_general3A_2276 = arith.constant dense<0.000000e+00> : vector<1000x1xf32>
    %dot_general3A_2277 = tpu.matmul %add3A_2272, %get3A_2275, %dot_general3A_2276 {dimension_numbers = #tpu.dot_dimension_numbers<[1], [0], [0], [1], [0, 0, 1, 1], [], []>, transpose_lhs_hint = false} : vector<1000x128xf32>, vector<128x1xf32>, vector<1000x1xf32> -> vector<1000x1xf32>
    %get3A_2278 = arith.constant 0 : index
    %get3A_2279 = arith.constant 0 : index
    %get3A_2280 = vector.load %arg20[%get3A_2278, %get3A_2279] : memref<1x1xf32, #tpu.memory_space<vmem>>, vector<1x1xf32>
    %add3A_2281 = vector.broadcast %get3A_2280 : vector<1x1xf32> to vector<1000x1xf32>
    %add3A_2282 = arith.addf %dot_general3A_2277, %add3A_2281 : vector<1000x1xf32>
    %neg3A_2283 = arith.constant 0.000000e+00 : f32
    %neg3A_2284 = vector.broadcast %neg3A_2283 : f32 to vector<1000x1xf32>
    %neg3A_2285 = arith.subf %neg3A_2284, %add3A_2282 : vector<1000x1xf32>
    %exp3A_2286 = math.exp %neg3A_2285 : vector<1000x1xf32>
    %add3A_2287 = arith.constant 1.000000e+00 : f32
    %add3A_2288 = vector.broadcast %add3A_2287 : f32 to vector<1000x1xf32>
    %add3A_2289 = arith.addf %add3A_2288, %exp3A_2286 : vector<1000x1xf32>
    %div3A_2290 = arith.constant 1.000000e+00 : f32
    %div3A_2291 = vector.broadcast %div3A_2290 : f32 to vector<1000x1xf32>
    %div3A_2292 = arith.divf %div3A_2291, %add3A_2289 : vector<1000x1xf32>
    %swap3A_2293 = arith.constant 2000 : index
    %swap3A_2294 = arith.constant 0 : index
    %swap3A_2295 = vector.load %arg24[%swap3A_2293, %swap3A_2294] : memref<10000x1xf32, #tpu.memory_space<vmem>>, vector<1000x1xf32>
    tpu.vector_store %arg24[%swap3A_2293, %swap3A_2294], %div3A_2292 {strides = array<i32>} : memref<10000x1xf32, #tpu.memory_space<vmem>>, vector<1000x1xf32>,
    %get3A_2296 = arith.constant 3000 : index
    %get3A_2297 = arith.constant 0 : index
    %get3A_2298 = vector.load %arg27[%get3A_2296, %get3A_2297] : memref<10000x128xf32, #tpu.memory_space<vmem>>, vector<1000x128xf32>
    %sub3A_2299 = vector.broadcast %div3A_2166 : vector<1x128xf32> to vector<1000x128xf32>
    %sub3A_2300 = arith.subf %get3A_2298, %sub3A_2299 : vector<1000x128xf32>
    %mul3A_2301 = vector.broadcast %rsqrt3A_2175 : vector<1x128xf32> to vector<1000x128xf32>
    %mul3A_2302 = arith.mulf %sub3A_2300, %mul3A_2301 : vector<1000x128xf32>
    %get3A_2303 = arith.constant 0 : index
    %get3A_2304 = arith.constant 0 : index
    %get3A_2305 = vector.load %arg17[%get3A_2303, %get3A_2304] : memref<1x128xf32, #tpu.memory_space<vmem>>, vector<1x128xf32>
    %mul3A_2306 = vector.broadcast %get3A_2305 : vector<1x128xf32> to vector<1000x128xf32>
    %mul3A_2307 = arith.mulf %mul3A_2302, %mul3A_2306 : vector<1000x128xf32>
    %get3A_2308 = arith.constant 0 : index
    %get3A_2309 = arith.constant 0 : index
    %get3A_2310 = vector.load %arg18[%get3A_2308, %get3A_2309] : memref<1x128xf32, #tpu.memory_space<vmem>>, vector<1x128xf32>
    %add3A_2311 = vector.broadcast %get3A_2310 : vector<1x128xf32> to vector<1000x128xf32>
    %add3A_2312 = arith.addf %mul3A_2307, %add3A_2311 : vector<1000x128xf32>
    %get3A_2313 = arith.constant 0 : index
    %get3A_2314 = arith.constant 0 : index
    %get3A_2315 = vector.load %arg19[%get3A_2313, %get3A_2314] : memref<128x1xf32, #tpu.memory_space<vmem>>, vector<128x1xf32>
    %dot_general3A_2316 = arith.constant dense<0.000000e+00> : vector<1000x1xf32>
    %dot_general3A_2317 = tpu.matmul %add3A_2312, %get3A_2315, %dot_general3A_2316 {dimension_numbers = #tpu.dot_dimension_numbers<[1], [0], [0], [1], [0, 0, 1, 1], [], []>, transpose_lhs_hint = false} : vector<1000x128xf32>, vector<128x1xf32>, vector<1000x1xf32> -> vector<1000x1xf32>
    %get3A_2318 = arith.constant 0 : index
    %get3A_2319 = arith.constant 0 : index
    %get3A_2320 = vector.load %arg20[%get3A_2318, %get3A_2319] : memref<1x1xf32, #tpu.memory_space<vmem>>, vector<1x1xf32>
    %add3A_2321 = vector.broadcast %get3A_2320 : vector<1x1xf32> to vector<1000x1xf32>
    %add3A_2322 = arith.addf %dot_general3A_2317, %add3A_2321 : vector<1000x1xf32>
    %neg3A_2323 = arith.constant 0.000000e+00 : f32
    %neg3A_2324 = vector.broadcast %neg3A_2323 : f32 to vector<1000x1xf32>
    %neg3A_2325 = arith.subf %neg3A_2324, %add3A_2322 : vector<1000x1xf32>
    %exp3A_2326 = math.exp %neg3A_2325 : vector<1000x1xf32>
    %add3A_2327 = arith.constant 1.000000e+00 : f32
    %add3A_2328 = vector.broadcast %add3A_2327 : f32 to vector<1000x1xf32>
    %add3A_2329 = arith.addf %add3A_2328, %exp3A_2326 : vector<1000x1xf32>
    %div3A_2330 = arith.constant 1.000000e+00 : f32
    %div3A_2331 = vector.broadcast %div3A_2330 : f32 to vector<1000x1xf32>
    %div3A_2332 = arith.divf %div3A_2331, %add3A_2329 : vector<1000x1xf32>
    %swap3A_2333 = arith.constant 3000 : index
    %swap3A_2334 = arith.constant 0 : index
    %swap3A_2335 = vector.load %arg24[%swap3A_2333, %swap3A_2334] : memref<10000x1xf32, #tpu.memory_space<vmem>>, vector<1000x1xf32>
    tpu.vector_store %arg24[%swap3A_2333, %swap3A_2334], %div3A_2332 {strides = array<i32>} : memref<10000x1xf32, #tpu.memory_space<vmem>>, vector<1000x1xf32>,
    %get3A_2336 = arith.constant 4000 : index
    %get3A_2337 = arith.constant 0 : index
    %get3A_2338 = vector.load %arg27[%get3A_2336, %get3A_2337] : memref<10000x128xf32, #tpu.memory_space<vmem>>, vector<1000x128xf32>
    %sub3A_2339 = vector.broadcast %div3A_2166 : vector<1x128xf32> to vector<1000x128xf32>
    %sub3A_2340 = arith.subf %get3A_2338, %sub3A_2339 : vector<1000x128xf32>
    %mul3A_2341 = vector.broadcast %rsqrt3A_2175 : vector<1x128xf32> to vector<1000x128xf32>
    %mul3A_2342 = arith.mulf %sub3A_2340, %mul3A_2341 : vector<1000x128xf32>
    %get3A_2343 = arith.constant 0 : index
    %get3A_2344 = arith.constant 0 : index
    %get3A_2345 = vector.load %arg17[%get3A_2343, %get3A_2344] : memref<1x128xf32, #tpu.memory_space<vmem>>, vector<1x128xf32>
    %mul3A_2346 = vector.broadcast %get3A_2345 : vector<1x128xf32> to vector<1000x128xf32>
    %mul3A_2347 = arith.mulf %mul3A_2342, %mul3A_2346 : vector<1000x128xf32>
    %get3A_2348 = arith.constant 0 : index
    %get3A_2349 = arith.constant 0 : index
    %get3A_2350 = vector.load %arg18[%get3A_2348, %get3A_2349] : memref<1x128xf32, #tpu.memory_space<vmem>>, vector<1x128xf32>
    %add3A_2351 = vector.broadcast %get3A_2350 : vector<1x128xf32> to vector<1000x128xf32>
    %add3A_2352 = arith.addf %mul3A_2347, %add3A_2351 : vector<1000x128xf32>
    %get3A_2353 = arith.constant 0 : index
    %get3A_2354 = arith.constant 0 : index
    %get3A_2355 = vector.load %arg19[%get3A_2353, %get3A_2354] : memref<128x1xf32, #tpu.memory_space<vmem>>, vector<128x1xf32>
    %dot_general3A_2356 = arith.constant dense<0.000000e+00> : vector<1000x1xf32>
    %dot_general3A_2357 = tpu.matmul %add3A_2352, %get3A_2355, %dot_general3A_2356 {dimension_numbers = #tpu.dot_dimension_numbers<[1], [0], [0], [1], [0, 0, 1, 1], [], []>, transpose_lhs_hint = false} : vector<1000x128xf32>, vector<128x1xf32>, vector<1000x1xf32> -> vector<1000x1xf32>
    %get3A_2358 = arith.constant 0 : index
    %get3A_2359 = arith.constant 0 : index
    %get3A_2360 = vector.load %arg20[%get3A_2358, %get3A_2359] : memref<1x1xf32, #tpu.memory_space<vmem>>, vector<1x1xf32>
    %add3A_2361 = vector.broadcast %get3A_2360 : vector<1x1xf32> to vector<1000x1xf32>
    %add3A_2362 = arith.addf %dot_general3A_2357, %add3A_2361 : vector<1000x1xf32>
    %neg3A_2363 = arith.constant 0.000000e+00 : f32
    %neg3A_2364 = vector.broadcast %neg3A_2363 : f32 to vector<1000x1xf32>
    %neg3A_2365 = arith.subf %neg3A_2364, %add3A_2362 : vector<1000x1xf32>
    %exp3A_2366 = math.exp %neg3A_2365 : vector<1000x1xf32>
    %add3A_2367 = arith.constant 1.000000e+00 : f32
    %add3A_2368 = vector.broadcast %add3A_2367 : f32 to vector<1000x1xf32>
    %add3A_2369 = arith.addf %add3A_2368, %exp3A_2366 : vector<1000x1xf32>
    %div3A_2370 = arith.constant 1.000000e+00 : f32
    %div3A_2371 = vector.broadcast %div3A_2370 : f32 to vector<1000x1xf32>
    %div3A_2372 = arith.divf %div3A_2371, %add3A_2369 : vector<1000x1xf32>
    %swap3A_2373 = arith.constant 4000 : index
    %swap3A_2374 = arith.constant 0 : index
    %swap3A_2375 = vector.load %arg24[%swap3A_2373, %swap3A_2374] : memref<10000x1xf32, #tpu.memory_space<vmem>>, vector<1000x1xf32>
    tpu.vector_store %arg24[%swap3A_2373, %swap3A_2374], %div3A_2372 {strides = array<i32>} : memref<10000x1xf32, #tpu.memory_space<vmem>>, vector<1000x1xf32>,
    %get3A_2376 = arith.constant 5000 : index
    %get3A_2377 = arith.constant 0 : index
    %get3A_2378 = vector.load %arg27[%get3A_2376, %get3A_2377] : memref<10000x128xf32, #tpu.memory_space<vmem>>, vector<1000x128xf32>
    %sub3A_2379 = vector.broadcast %div3A_2166 : vector<1x128xf32> to vector<1000x128xf32>
    %sub3A_2380 = arith.subf %get3A_2378, %sub3A_2379 : vector<1000x128xf32>
    %mul3A_2381 = vector.broadcast %rsqrt3A_2175 : vector<1x128xf32> to vector<1000x128xf32>
    %mul3A_2382 = arith.mulf %sub3A_2380, %mul3A_2381 : vector<1000x128xf32>
    %get3A_2383 = arith.constant 0 : index
    %get3A_2384 = arith.constant 0 : index
    %get3A_2385 = vector.load %arg17[%get3A_2383, %get3A_2384] : memref<1x128xf32, #tpu.memory_space<vmem>>, vector<1x128xf32>
    %mul3A_2386 = vector.broadcast %get3A_2385 : vector<1x128xf32> to vector<1000x128xf32>
    %mul3A_2387 = arith.mulf %mul3A_2382, %mul3A_2386 : vector<1000x128xf32>
    %get3A_2388 = arith.constant 0 : index
    %get3A_2389 = arith.constant 0 : index
    %get3A_2390 = vector.load %arg18[%get3A_2388, %get3A_2389] : memref<1x128xf32, #tpu.memory_space<vmem>>, vector<1x128xf32>
    %add3A_2391 = vector.broadcast %get3A_2390 : vector<1x128xf32> to vector<1000x128xf32>
    %add3A_2392 = arith.addf %mul3A_2387, %add3A_2391 : vector<1000x128xf32>
    %get3A_2393 = arith.constant 0 : index
    %get3A_2394 = arith.constant 0 : index
    %get3A_2395 = vector.load %arg19[%get3A_2393, %get3A_2394] : memref<128x1xf32, #tpu.memory_space<vmem>>, vector<128x1xf32>
    %dot_general3A_2396 = arith.constant dense<0.000000e+00> : vector<1000x1xf32>
    %dot_general3A_2397 = tpu.matmul %add3A_2392, %get3A_2395, %dot_general3A_2396 {dimension_numbers = #tpu.dot_dimension_numbers<[1], [0], [0], [1], [0, 0, 1, 1], [], []>, transpose_lhs_hint = false} : vector<1000x128xf32>, vector<128x1xf32>, vector<1000x1xf32> -> vector<1000x1xf32>
    %get3A_2398 = arith.constant 0 : index
    %get3A_2399 = arith.constant 0 : index
    %get3A_2400 = vector.load %arg20[%get3A_2398, %get3A_2399] : memref<1x1xf32, #tpu.memory_space<vmem>>, vector<1x1xf32>
    %add3A_2401 = vector.broadcast %get3A_2400 : vector<1x1xf32> to vector<1000x1xf32>
    %add3A_2402 = arith.addf %dot_general3A_2397, %add3A_2401 : vector<1000x1xf32>
    %neg3A_2403 = arith.constant 0.000000e+00 : f32
    %neg3A_2404 = vector.broadcast %neg3A_2403 : f32 to vector<1000x1xf32>
    %neg3A_2405 = arith.subf %neg3A_2404, %add3A_2402 : vector<1000x1xf32>
    %exp3A_2406 = math.exp %neg3A_2405 : vector<1000x1xf32>
    %add3A_2407 = arith.constant 1.000000e+00 : f32
    %add3A_2408 = vector.broadcast %add3A_2407 : f32 to vector<1000x1xf32>
    %add3A_2409 = arith.addf %add3A_2408, %exp3A_2406 : vector<1000x1xf32>
    %div3A_2410 = arith.constant 1.000000e+00 : f32
    %div3A_2411 = vector.broadcast %div3A_2410 : f32 to vector<1000x1xf32>
    %div3A_2412 = arith.divf %div3A_2411, %add3A_2409 : vector<1000x1xf32>
    %swap3A_2413 = arith.constant 5000 : index
    %swap3A_2414 = arith.constant 0 : index
    %swap3A_2415 = vector.load %arg24[%swap3A_2413, %swap3A_2414] : memref<10000x1xf32, #tpu.memory_space<vmem>>, vector<1000x1xf32>
    tpu.vector_store %arg24[%swap3A_2413, %swap3A_2414], %div3A_2412 {strides = array<i32>} : memref<10000x1xf32, #tpu.memory_space<vmem>>, vector<1000x1xf32>,
    %get3A_2416 = arith.constant 6000 : index
    %get3A_2417 = arith.constant 0 : index
    %get3A_2418 = vector.load %arg27[%get3A_2416, %get3A_2417] : memref<10000x128xf32, #tpu.memory_space<vmem>>, vector<1000x128xf32>
    %sub3A_2419 = vector.broadcast %div3A_2166 : vector<1x128xf32> to vector<1000x128xf32>
    %sub3A_2420 = arith.subf %get3A_2418, %sub3A_2419 : vector<1000x128xf32>
    %mul3A_2421 = vector.broadcast %rsqrt3A_2175 : vector<1x128xf32> to vector<1000x128xf32>
    %mul3A_2422 = arith.mulf %sub3A_2420, %mul3A_2421 : vector<1000x128xf32>
    %get3A_2423 = arith.constant 0 : index
    %get3A_2424 = arith.constant 0 : index
    %get3A_2425 = vector.load %arg17[%get3A_2423, %get3A_2424] : memref<1x128xf32, #tpu.memory_space<vmem>>, vector<1x128xf32>
    %mul3A_2426 = vector.broadcast %get3A_2425 : vector<1x128xf32> to vector<1000x128xf32>
    %mul3A_2427 = arith.mulf %mul3A_2422, %mul3A_2426 : vector<1000x128xf32>
    %get3A_2428 = arith.constant 0 : index
    %get3A_2429 = arith.constant 0 : index
    %get3A_2430 = vector.load %arg18[%get3A_2428, %get3A_2429] : memref<1x128xf32, #tpu.memory_space<vmem>>, vector<1x128xf32>
    %add3A_2431 = vector.broadcast %get3A_2430 : vector<1x128xf32> to vector<1000x128xf32>
    %add3A_2432 = arith.addf %mul3A_2427, %add3A_2431 : vector<1000x128xf32>
    %get3A_2433 = arith.constant 0 : index
    %get3A_2434 = arith.constant 0 : index
    %get3A_2435 = vector.load %arg19[%get3A_2433, %get3A_2434] : memref<128x1xf32, #tpu.memory_space<vmem>>, vector<128x1xf32>
    %dot_general3A_2436 = arith.constant dense<0.000000e+00> : vector<1000x1xf32>
    %dot_general3A_2437 = tpu.matmul %add3A_2432, %get3A_2435, %dot_general3A_2436 {dimension_numbers = #tpu.dot_dimension_numbers<[1], [0], [0], [1], [0, 0, 1, 1], [], []>, transpose_lhs_hint = false} : vector<1000x128xf32>, vector<128x1xf32>, vector<1000x1xf32> -> vector<1000x1xf32>
    %get3A_2438 = arith.constant 0 : index
    %get3A_2439 = arith.constant 0 : index
    %get3A_2440 = vector.load %arg20[%get3A_2438, %get3A_2439] : memref<1x1xf32, #tpu.memory_space<vmem>>, vector<1x1xf32>
    %add3A_2441 = vector.broadcast %get3A_2440 : vector<1x1xf32> to vector<1000x1xf32>
    %add3A_2442 = arith.addf %dot_general3A_2437, %add3A_2441 : vector<1000x1xf32>
    %neg3A_2443 = arith.constant 0.000000e+00 : f32
    %neg3A_2444 = vector.broadcast %neg3A_2443 : f32 to vector<1000x1xf32>
    %neg3A_2445 = arith.subf %neg3A_2444, %add3A_2442 : vector<1000x1xf32>
    %exp3A_2446 = math.exp %neg3A_2445 : vector<1000x1xf32>
    %add3A_2447 = arith.constant 1.000000e+00 : f32
    %add3A_2448 = vector.broadcast %add3A_2447 : f32 to vector<1000x1xf32>
    %add3A_2449 = arith.addf %add3A_2448, %exp3A_2446 : vector<1000x1xf32>
    %div3A_2450 = arith.constant 1.000000e+00 : f32
    %div3A_2451 = vector.broadcast %div3A_2450 : f32 to vector<1000x1xf32>
    %div3A_2452 = arith.divf %div3A_2451, %add3A_2449 : vector<1000x1xf32>
    %swap3A_2453 = arith.constant 6000 : index
    %swap3A_2454 = arith.constant 0 : index
    %swap3A_2455 = vector.load %arg24[%swap3A_2453, %swap3A_2454] : memref<10000x1xf32, #tpu.memory_space<vmem>>, vector<1000x1xf32>
    tpu.vector_store %arg24[%swap3A_2453, %swap3A_2454], %div3A_2452 {strides = array<i32>} : memref<10000x1xf32, #tpu.memory_space<vmem>>, vector<1000x1xf32>,
    %get3A_2456 = arith.constant 7000 : index
    %get3A_2457 = arith.constant 0 : index
    %get3A_2458 = vector.load %arg27[%get3A_2456, %get3A_2457] : memref<10000x128xf32, #tpu.memory_space<vmem>>, vector<1000x128xf32>
    %sub3A_2459 = vector.broadcast %div3A_2166 : vector<1x128xf32> to vector<1000x128xf32>
    %sub3A_2460 = arith.subf %get3A_2458, %sub3A_2459 : vector<1000x128xf32>
    %mul3A_2461 = vector.broadcast %rsqrt3A_2175 : vector<1x128xf32> to vector<1000x128xf32>
    %mul3A_2462 = arith.mulf %sub3A_2460, %mul3A_2461 : vector<1000x128xf32>
    %get3A_2463 = arith.constant 0 : index
    %get3A_2464 = arith.constant 0 : index
    %get3A_2465 = vector.load %arg17[%get3A_2463, %get3A_2464] : memref<1x128xf32, #tpu.memory_space<vmem>>, vector<1x128xf32>
    %mul3A_2466 = vector.broadcast %get3A_2465 : vector<1x128xf32> to vector<1000x128xf32>
    %mul3A_2467 = arith.mulf %mul3A_2462, %mul3A_2466 : vector<1000x128xf32>
    %get3A_2468 = arith.constant 0 : index
    %get3A_2469 = arith.constant 0 : index
    %get3A_2470 = vector.load %arg18[%get3A_2468, %get3A_2469] : memref<1x128xf32, #tpu.memory_space<vmem>>, vector<1x128xf32>
    %add3A_2471 = vector.broadcast %get3A_2470 : vector<1x128xf32> to vector<1000x128xf32>
    %add3A_2472 = arith.addf %mul3A_2467, %add3A_2471 : vector<1000x128xf32>
    %get3A_2473 = arith.constant 0 : index
    %get3A_2474 = arith.constant 0 : index
    %get3A_2475 = vector.load %arg19[%get3A_2473, %get3A_2474] : memref<128x1xf32, #tpu.memory_space<vmem>>, vector<128x1xf32>
    %dot_general3A_2476 = arith.constant dense<0.000000e+00> : vector<1000x1xf32>
    %dot_general3A_2477 = tpu.matmul %add3A_2472, %get3A_2475, %dot_general3A_2476 {dimension_numbers = #tpu.dot_dimension_numbers<[1], [0], [0], [1], [0, 0, 1, 1], [], []>, transpose_lhs_hint = false} : vector<1000x128xf32>, vector<128x1xf32>, vector<1000x1xf32> -> vector<1000x1xf32>
    %get3A_2478 = arith.constant 0 : index
    %get3A_2479 = arith.constant 0 : index
    %get3A_2480 = vector.load %arg20[%get3A_2478, %get3A_2479] : memref<1x1xf32, #tpu.memory_space<vmem>>, vector<1x1xf32>
    %add3A_2481 = vector.broadcast %get3A_2480 : vector<1x1xf32> to vector<1000x1xf32>
    %add3A_2482 = arith.addf %dot_general3A_2477, %add3A_2481 : vector<1000x1xf32>
    %neg3A_2483 = arith.constant 0.000000e+00 : f32
    %neg3A_2484 = vector.broadcast %neg3A_2483 : f32 to vector<1000x1xf32>
    %neg3A_2485 = arith.subf %neg3A_2484, %add3A_2482 : vector<1000x1xf32>
    %exp3A_2486 = math.exp %neg3A_2485 : vector<1000x1xf32>
    %add3A_2487 = arith.constant 1.000000e+00 : f32
    %add3A_2488 = vector.broadcast %add3A_2487 : f32 to vector<1000x1xf32>
    %add3A_2489 = arith.addf %add3A_2488, %exp3A_2486 : vector<1000x1xf32>
    %div3A_2490 = arith.constant 1.000000e+00 : f32
    %div3A_2491 = vector.broadcast %div3A_2490 : f32 to vector<1000x1xf32>
    %div3A_2492 = arith.divf %div3A_2491, %add3A_2489 : vector<1000x1xf32>
    %swap3A_2493 = arith.constant 7000 : index
    %swap3A_2494 = arith.constant 0 : index
    %swap3A_2495 = vector.load %arg24[%swap3A_2493, %swap3A_2494] : memref<10000x1xf32, #tpu.memory_space<vmem>>, vector<1000x1xf32>
    tpu.vector_store %arg24[%swap3A_2493, %swap3A_2494], %div3A_2492 {strides = array<i32>} : memref<10000x1xf32, #tpu.memory_space<vmem>>, vector<1000x1xf32>,
    %get3A_2496 = arith.constant 8000 : index
    %get3A_2497 = arith.constant 0 : index
    %get3A_2498 = vector.load %arg27[%get3A_2496, %get3A_2497] : memref<10000x128xf32, #tpu.memory_space<vmem>>, vector<1000x128xf32>
    %sub3A_2499 = vector.broadcast %div3A_2166 : vector<1x128xf32> to vector<1000x128xf32>
    %sub3A_2500 = arith.subf %get3A_2498, %sub3A_2499 : vector<1000x128xf32>
    %mul3A_2501 = vector.broadcast %rsqrt3A_2175 : vector<1x128xf32> to vector<1000x128xf32>
    %mul3A_2502 = arith.mulf %sub3A_2500, %mul3A_2501 : vector<1000x128xf32>
    %get3A_2503 = arith.constant 0 : index
    %get3A_2504 = arith.constant 0 : index
    %get3A_2505 = vector.load %arg17[%get3A_2503, %get3A_2504] : memref<1x128xf32, #tpu.memory_space<vmem>>, vector<1x128xf32>
    %mul3A_2506 = vector.broadcast %get3A_2505 : vector<1x128xf32> to vector<1000x128xf32>
    %mul3A_2507 = arith.mulf %mul3A_2502, %mul3A_2506 : vector<1000x128xf32>
    %get3A_2508 = arith.constant 0 : index
    %get3A_2509 = arith.constant 0 : index
    %get3A_2510 = vector.load %arg18[%get3A_2508, %get3A_2509] : memref<1x128xf32, #tpu.memory_space<vmem>>, vector<1x128xf32>
    %add3A_2511 = vector.broadcast %get3A_2510 : vector<1x128xf32> to vector<1000x128xf32>
    %add3A_2512 = arith.addf %mul3A_2507, %add3A_2511 : vector<1000x128xf32>
    %get3A_2513 = arith.constant 0 : index
    %get3A_2514 = arith.constant 0 : index
    %get3A_2515 = vector.load %arg19[%get3A_2513, %get3A_2514] : memref<128x1xf32, #tpu.memory_space<vmem>>, vector<128x1xf32>
    %dot_general3A_2516 = arith.constant dense<0.000000e+00> : vector<1000x1xf32>
    %dot_general3A_2517 = tpu.matmul %add3A_2512, %get3A_2515, %dot_general3A_2516 {dimension_numbers = #tpu.dot_dimension_numbers<[1], [0], [0], [1], [0, 0, 1, 1], [], []>, transpose_lhs_hint = false} : vector<1000x128xf32>, vector<128x1xf32>, vector<1000x1xf32> -> vector<1000x1xf32>
    %get3A_2518 = arith.constant 0 : index
    %get3A_2519 = arith.constant 0 : index
    %get3A_2520 = vector.load %arg20[%get3A_2518, %get3A_2519] : memref<1x1xf32, #tpu.memory_space<vmem>>, vector<1x1xf32>
    %add3A_2521 = vector.broadcast %get3A_2520 : vector<1x1xf32> to vector<1000x1xf32>
    %add3A_2522 = arith.addf %dot_general3A_2517, %add3A_2521 : vector<1000x1xf32>
    %neg3A_2523 = arith.constant 0.000000e+00 : f32
    %neg3A_2524 = vector.broadcast %neg3A_2523 : f32 to vector<1000x1xf32>
    %neg3A_2525 = arith.subf %neg3A_2524, %add3A_2522 : vector<1000x1xf32>
    %exp3A_2526 = math.exp %neg3A_2525 : vector<1000x1xf32>
    %add3A_2527 = arith.constant 1.000000e+00 : f32
    %add3A_2528 = vector.broadcast %add3A_2527 : f32 to vector<1000x1xf32>
    %add3A_2529 = arith.addf %add3A_2528, %exp3A_2526 : vector<1000x1xf32>
    %div3A_2530 = arith.constant 1.000000e+00 : f32
    %div3A_2531 = vector.broadcast %div3A_2530 : f32 to vector<1000x1xf32>
    %div3A_2532 = arith.divf %div3A_2531, %add3A_2529 : vector<1000x1xf32>
    %swap3A_2533 = arith.constant 8000 : index
    %swap3A_2534 = arith.constant 0 : index
    %swap3A_2535 = vector.load %arg24[%swap3A_2533, %swap3A_2534] : memref<10000x1xf32, #tpu.memory_space<vmem>>, vector<1000x1xf32>
    tpu.vector_store %arg24[%swap3A_2533, %swap3A_2534], %div3A_2532 {strides = array<i32>} : memref<10000x1xf32, #tpu.memory_space<vmem>>, vector<1000x1xf32>,
    %get3A_2536 = arith.constant 9000 : index
    %get3A_2537 = arith.constant 0 : index
    %get3A_2538 = vector.load %arg27[%get3A_2536, %get3A_2537] : memref<10000x128xf32, #tpu.memory_space<vmem>>, vector<1000x128xf32>
    %sub3A_2539 = vector.broadcast %div3A_2166 : vector<1x128xf32> to vector<1000x128xf32>
    %sub3A_2540 = arith.subf %get3A_2538, %sub3A_2539 : vector<1000x128xf32>
    %mul3A_2541 = vector.broadcast %rsqrt3A_2175 : vector<1x128xf32> to vector<1000x128xf32>
    %mul3A_2542 = arith.mulf %sub3A_2540, %mul3A_2541 : vector<1000x128xf32>
    %get3A_2543 = arith.constant 0 : index
    %get3A_2544 = arith.constant 0 : index
    %get3A_2545 = vector.load %arg17[%get3A_2543, %get3A_2544] : memref<1x128xf32, #tpu.memory_space<vmem>>, vector<1x128xf32>
    %mul3A_2546 = vector.broadcast %get3A_2545 : vector<1x128xf32> to vector<1000x128xf32>
    %mul3A_2547 = arith.mulf %mul3A_2542, %mul3A_2546 : vector<1000x128xf32>
    %get3A_2548 = arith.constant 0 : index
    %get3A_2549 = arith.constant 0 : index
    %get3A_2550 = vector.load %arg18[%get3A_2548, %get3A_2549] : memref<1x128xf32, #tpu.memory_space<vmem>>, vector<1x128xf32>
    %add3A_2551 = vector.broadcast %get3A_2550 : vector<1x128xf32> to vector<1000x128xf32>
    %add3A_2552 = arith.addf %mul3A_2547, %add3A_2551 : vector<1000x128xf32>
    %get3A_2553 = arith.constant 0 : index
    %get3A_2554 = arith.constant 0 : index
    %get3A_2555 = vector.load %arg19[%get3A_2553, %get3A_2554] : memref<128x1xf32, #tpu.memory_space<vmem>>, vector<128x1xf32>
    %dot_general3A_2556 = arith.constant dense<0.000000e+00> : vector<1000x1xf32>
    %dot_general3A_2557 = tpu.matmul %add3A_2552, %get3A_2555, %dot_general3A_2556 {dimension_numbers = #tpu.dot_dimension_numbers<[1], [0], [0], [1], [0, 0, 1, 1], [], []>, transpose_lhs_hint = false} : vector<1000x128xf32>, vector<128x1xf32>, vector<1000x1xf32> -> vector<1000x1xf32>
    %get3A_2558 = arith.constant 0 : index
    %get3A_2559 = arith.constant 0 : index
    %get3A_2560 = vector.load %arg20[%get3A_2558, %get3A_2559] : memref<1x1xf32, #tpu.memory_space<vmem>>, vector<1x1xf32>
    %add3A_2561 = vector.broadcast %get3A_2560 : vector<1x1xf32> to vector<1000x1xf32>
    %add3A_2562 = arith.addf %dot_general3A_2557, %add3A_2561 : vector<1000x1xf32>
    %neg3A_2563 = arith.constant 0.000000e+00 : f32
    %neg3A_2564 = vector.broadcast %neg3A_2563 : f32 to vector<1000x1xf32>
    %neg3A_2565 = arith.subf %neg3A_2564, %add3A_2562 : vector<1000x1xf32>
    %exp3A_2566 = math.exp %neg3A_2565 : vector<1000x1xf32>
    %add3A_2567 = arith.constant 1.000000e+00 : f32
    %add3A_2568 = vector.broadcast %add3A_2567 : f32 to vector<1000x1xf32>
    %add3A_2569 = arith.addf %add3A_2568, %exp3A_2566 : vector<1000x1xf32>
    %div3A_2570 = arith.constant 1.000000e+00 : f32
    %div3A_2571 = vector.broadcast %div3A_2570 : f32 to vector<1000x1xf32>
    %div3A_2572 = arith.divf %div3A_2571, %add3A_2569 : vector<1000x1xf32>
    %swap3A_2573 = arith.constant 9000 : index
    %swap3A_2574 = arith.constant 0 : index
    %swap3A_2575 = vector.load %arg24[%swap3A_2573, %swap3A_2574] : memref<10000x1xf32, #tpu.memory_space<vmem>>, vector<1000x1xf32>
    tpu.vector_store %arg24[%swap3A_2573, %swap3A_2574], %div3A_2572 {strides = array<i32>} : memref<10000x1xf32, #tpu.memory_space<vmem>>, vector<1000x1xf32>,
    %add3A_2576 = arith.addf %add3A_831, %add3A_1727 : vector<8x128xf32>
    %mul3A_2577 = arith.mulf %add3A_2576, %div3A_881 : vector<8x128xf32>
    %reduce_sum3A_2578 = arith.constant dense<0.000000e+00> : vector<128xf32>
    %reduce_sum3A_2579 = vector.multi_reduction <add>, %mul3A_2577, %reduce_sum3A_2578 [0] : vector<8x128xf32> to vector<128xf32>
    %broadcast_in_dim3A_2580 = vector.shape_cast %reduce_sum3A_2579 : vector<128xf32> to vector<1x128xf32>
    %div3A_2581 = arith.constant 8.000000e+00 : f32
    %div3A_2582 = vector.broadcast %div3A_2581 : f32 to vector<1x128xf32>
    %div3A_2583 = arith.divf %broadcast_in_dim3A_2580, %div3A_2582 : vector<1x128xf32>
    %mul3A_2584 = arith.mulf %mul3A_2577, %mul3A_2577 : vector<8x128xf32>
    %reduce_sum3A_2585 = arith.constant dense<0.000000e+00> : vector<128xf32>
    %reduce_sum3A_2586 = vector.multi_reduction <add>, %mul3A_2584, %reduce_sum3A_2585 [0] : vector<8x128xf32> to vector<128xf32>
    %broadcast_in_dim3A_2587 = vector.shape_cast %reduce_sum3A_2586 : vector<128xf32> to vector<1x128xf32>
    %div3A_2588 = arith.constant 8.000000e+00 : f32
    %div3A_2589 = vector.broadcast %div3A_2588 : f32 to vector<1x128xf32>
    %div3A_2590 = arith.divf %broadcast_in_dim3A_2587, %div3A_2589 : vector<1x128xf32>
    %mul3A_2591 = arith.mulf %div3A_2583, %div3A_2583 : vector<1x128xf32>
    %sub3A_2592 = arith.subf %div3A_2590, %mul3A_2591 : vector<1x128xf32>
    %add3A_2593 = arith.constant 9.99999974E-6 : f32
    %add3A_2594 = vector.broadcast %add3A_2593 : f32 to vector<1x128xf32>
    %add3A_2595 = arith.addf %sub3A_2592, %add3A_2594 : vector<1x128xf32>
    %rsqrt3A_2596 = math.rsqrt %add3A_2595 : vector<1x128xf32>
    %sub3A_2597 = vector.broadcast %div3A_2583 : vector<1x128xf32> to vector<8x128xf32>
    %sub3A_2598 = arith.subf %mul3A_2577, %sub3A_2597 : vector<8x128xf32>
    %mul3A_2599 = vector.broadcast %rsqrt3A_2596 : vector<1x128xf32> to vector<8x128xf32>
    %mul3A_2600 = arith.mulf %sub3A_2598, %mul3A_2599 : vector<8x128xf32>
    %get3A_2601 = arith.constant 0 : index
    %get3A_2602 = arith.constant 0 : index
    %get3A_2603 = vector.load %arg13[%get3A_2601, %get3A_2602] : memref<1x128xf32, #tpu.memory_space<vmem>>, vector<1x128xf32>
    %mul3A_2604 = vector.broadcast %get3A_2603 : vector<1x128xf32> to vector<8x128xf32>
    %mul3A_2605 = arith.mulf %mul3A_2600, %mul3A_2604 : vector<8x128xf32>
    %get3A_2606 = arith.constant 0 : index
    %get3A_2607 = arith.constant 0 : index
    %get3A_2608 = vector.load %arg14[%get3A_2606, %get3A_2607] : memref<1x128xf32, #tpu.memory_space<vmem>>, vector<1x128xf32>
    %add3A_2609 = vector.broadcast %get3A_2608 : vector<1x128xf32> to vector<8x128xf32>
    %add3A_2610 = arith.addf %mul3A_2605, %add3A_2609 : vector<8x128xf32>
    %get3A_2611 = arith.constant 0 : index
    %get3A_2612 = arith.constant 0 : index
    %get3A_2613 = vector.load %arg15[%get3A_2611, %get3A_2612] : memref<128x1xf32, #tpu.memory_space<vmem>>, vector<128x1xf32>
    %dot_general3A_2614 = arith.constant dense<0.000000e+00> : vector<8x1xf32>
    %dot_general3A_2615 = tpu.matmul %add3A_2610, %get3A_2613, %dot_general3A_2614 {dimension_numbers = #tpu.dot_dimension_numbers<[1], [0], [0], [1], [0, 0, 1, 1], [], []>, transpose_lhs_hint = false} : vector<8x128xf32>, vector<128x1xf32>, vector<8x1xf32> -> vector<8x1xf32>
    %get3A_2616 = arith.constant 0 : index
    %get3A_2617 = arith.constant 0 : index
    %get3A_2618 = vector.load %arg16[%get3A_2616, %get3A_2617] : memref<1x1xf32, #tpu.memory_space<vmem>>, vector<1x1xf32>
    %add3A_2619 = vector.broadcast %get3A_2618 : vector<1x1xf32> to vector<8x1xf32>
    %add3A_2620 = arith.addf %dot_general3A_2615, %add3A_2619 : vector<8x1xf32>
    %neg3A_2621 = arith.constant 0.000000e+00 : f32
    %neg3A_2622 = vector.broadcast %neg3A_2621 : f32 to vector<8x1xf32>
    %neg3A_2623 = arith.subf %neg3A_2622, %add3A_2620 : vector<8x1xf32>
    %exp3A_2624 = math.exp %neg3A_2623 : vector<8x1xf32>
    %add3A_2625 = arith.constant 1.000000e+00 : f32
    %add3A_2626 = vector.broadcast %add3A_2625 : f32 to vector<8x1xf32>
    %add3A_2627 = arith.addf %add3A_2626, %exp3A_2624 : vector<8x1xf32>
    %div3A_2628 = arith.constant 1.000000e+00 : f32
    %div3A_2629 = vector.broadcast %div3A_2628 : f32 to vector<8x1xf32>
    %div3A_2630 = arith.divf %div3A_2629, %add3A_2627 : vector<8x1xf32>
    %swap3A_2631 = arith.constant 0 : index
    %swap3A_2632 = arith.constant 0 : index
    %swap3A_2633 = vector.load %arg21[%swap3A_2631, %swap3A_2632] : memref<8x1xf32, #tpu.memory_space<vmem>>, vector<8x1xf32>
    tpu.vector_store %arg21[%swap3A_2631, %swap3A_2632], %div3A_2630 {strides = array<i32>} : memref<8x1xf32, #tpu.memory_space<vmem>>, vector<8x1xf32>,
    %add3A_2634 = arith.addf %add3A_831, %add3A_1753 : vector<8x128xf32>
    %mul3A_2635 = arith.mulf %add3A_2634, %div3A_881 : vector<8x128xf32>
    %reduce_sum3A_2636 = arith.constant dense<0.000000e+00> : vector<128xf32>
    %reduce_sum3A_2637 = vector.multi_reduction <add>, %mul3A_2635, %reduce_sum3A_2636 [0] : vector<8x128xf32> to vector<128xf32>
    %broadcast_in_dim3A_2638 = vector.shape_cast %reduce_sum3A_2637 : vector<128xf32> to vector<1x128xf32>
    %div3A_2639 = arith.constant 8.000000e+00 : f32
    %div3A_2640 = vector.broadcast %div3A_2639 : f32 to vector<1x128xf32>
    %div3A_2641 = arith.divf %broadcast_in_dim3A_2638, %div3A_2640 : vector<1x128xf32>
    %mul3A_2642 = arith.mulf %mul3A_2635, %mul3A_2635 : vector<8x128xf32>
    %reduce_sum3A_2643 = arith.constant dense<0.000000e+00> : vector<128xf32>
    %reduce_sum3A_2644 = vector.multi_reduction <add>, %mul3A_2642, %reduce_sum3A_2643 [0] : vector<8x128xf32> to vector<128xf32>
    %broadcast_in_dim3A_2645 = vector.shape_cast %reduce_sum3A_2644 : vector<128xf32> to vector<1x128xf32>
    %div3A_2646 = arith.constant 8.000000e+00 : f32
    %div3A_2647 = vector.broadcast %div3A_2646 : f32 to vector<1x128xf32>
    %div3A_2648 = arith.divf %broadcast_in_dim3A_2645, %div3A_2647 : vector<1x128xf32>
    %mul3A_2649 = arith.mulf %div3A_2641, %div3A_2641 : vector<1x128xf32>
    %sub3A_2650 = arith.subf %div3A_2648, %mul3A_2649 : vector<1x128xf32>
    %add3A_2651 = arith.constant 9.99999974E-6 : f32
    %add3A_2652 = vector.broadcast %add3A_2651 : f32 to vector<1x128xf32>
    %add3A_2653 = arith.addf %sub3A_2650, %add3A_2652 : vector<1x128xf32>
    %rsqrt3A_2654 = math.rsqrt %add3A_2653 : vector<1x128xf32>
    %sub3A_2655 = vector.broadcast %div3A_2641 : vector<1x128xf32> to vector<8x128xf32>
    %sub3A_2656 = arith.subf %mul3A_2635, %sub3A_2655 : vector<8x128xf32>
    %mul3A_2657 = vector.broadcast %rsqrt3A_2654 : vector<1x128xf32> to vector<8x128xf32>
    %mul3A_2658 = arith.mulf %sub3A_2656, %mul3A_2657 : vector<8x128xf32>
    %get3A_2659 = arith.constant 0 : index
    %get3A_2660 = arith.constant 0 : index
    %get3A_2661 = vector.load %arg17[%get3A_2659, %get3A_2660] : memref<1x128xf32, #tpu.memory_space<vmem>>, vector<1x128xf32>
    %mul3A_2662 = vector.broadcast %get3A_2661 : vector<1x128xf32> to vector<8x128xf32>
    %mul3A_2663 = arith.mulf %mul3A_2658, %mul3A_2662 : vector<8x128xf32>
    %get3A_2664 = arith.constant 0 : index
    %get3A_2665 = arith.constant 0 : index
    %get3A_2666 = vector.load %arg18[%get3A_2664, %get3A_2665] : memref<1x128xf32, #tpu.memory_space<vmem>>, vector<1x128xf32>
    %add3A_2667 = vector.broadcast %get3A_2666 : vector<1x128xf32> to vector<8x128xf32>
    %add3A_2668 = arith.addf %mul3A_2663, %add3A_2667 : vector<8x128xf32>
    %get3A_2669 = arith.constant 0 : index
    %get3A_2670 = arith.constant 0 : index
    %get3A_2671 = vector.load %arg19[%get3A_2669, %get3A_2670] : memref<128x1xf32, #tpu.memory_space<vmem>>, vector<128x1xf32>
    %dot_general3A_2672 = arith.constant dense<0.000000e+00> : vector<8x1xf32>
    %dot_general3A_2673 = tpu.matmul %add3A_2668, %get3A_2671, %dot_general3A_2672 {dimension_numbers = #tpu.dot_dimension_numbers<[1], [0], [0], [1], [0, 0, 1, 1], [], []>, transpose_lhs_hint = false} : vector<8x128xf32>, vector<128x1xf32>, vector<8x1xf32> -> vector<8x1xf32>
    %get3A_2674 = arith.constant 0 : index
    %get3A_2675 = arith.constant 0 : index
    %get3A_2676 = vector.load %arg20[%get3A_2674, %get3A_2675] : memref<1x1xf32, #tpu.memory_space<vmem>>, vector<1x1xf32>
    %add3A_2677 = vector.broadcast %get3A_2676 : vector<1x1xf32> to vector<8x1xf32>
    %add3A_2678 = arith.addf %dot_general3A_2673, %add3A_2677 : vector<8x1xf32>
    %neg3A_2679 = arith.constant 0.000000e+00 : f32
    %neg3A_2680 = vector.broadcast %neg3A_2679 : f32 to vector<8x1xf32>
    %neg3A_2681 = arith.subf %neg3A_2680, %add3A_2678 : vector<8x1xf32>
    %exp3A_2682 = math.exp %neg3A_2681 : vector<8x1xf32>
    %add3A_2683 = arith.constant 1.000000e+00 : f32
    %add3A_2684 = vector.broadcast %add3A_2683 : f32 to vector<8x1xf32>
    %add3A_2685 = arith.addf %add3A_2684, %exp3A_2682 : vector<8x1xf32>
    %div3A_2686 = arith.constant 1.000000e+00 : f32
    %div3A_2687 = vector.broadcast %div3A_2686 : f32 to vector<8x1xf32>
    %div3A_2688 = arith.divf %div3A_2687, %add3A_2685 : vector<8x1xf32>
    %swap3A_2689 = arith.constant 0 : index
    %swap3A_2690 = arith.constant 0 : index
    %swap3A_2691 = vector.load %arg23[%swap3A_2689, %swap3A_2690] : memref<8x1xf32, #tpu.memory_space<vmem>>, vector<8x1xf32>
    tpu.vector_store %arg23[%swap3A_2689, %swap3A_2690], %div3A_2688 {strides = array<i32>} : memref<8x1xf32, #tpu.memory_space<vmem>>, vector<8x1xf32>,
    return
  }
}

</mosaic_0001>

<sc_bundles>
// kernel: kernel.5.cloned.1.call-start
scs
__scs_entry_jumppad:
0x0: {  	(pc) =	sbr.rel $0x88, $3  }
0x1: {  	(tag) =	ssettag $0x0;
	lr =	simm.s32 $0x1  }
0x2: {  	[smem:$0x3F88] =	sst lr;
	_ =	strace $0xD0000000  }
0x3: {  	_ = 	snop  }
0x4: {  	_ = 	snop  }
0x5: {  	_ = 	snop  }
0x6: {  	_ = 	snop  }
0x7: {  	_ = 	snop  }
__scs_overlays_trampoline_lowered:
0x8: {  	[smem:$0x3F97] =	sst s0  }
0x9: {  	[smem:$0x3F98] =	sst s1  }
0xa: {  	[smem:$0x3F99] =	sst s2  }
0xb: {  	[smem:$0x3F9A] =	sst s3  }
0xc: {  	[smem:$0x3F9B] =	sst s4  }
0xd: {  	[smem:$0x3F9C] =	sst s5  }
0xe: {  	[smem:$0x3F9D] =	sst s6  }
0xf: {  	[smem:$0x3F9E] =	sst s7  }
0x10: {  	[smem:$0x3F9F] =	sst s8  }
0x11: {  	[smem:$0x3FA0] =	sst s9;
	s0 =	simm.s32 @!p0 $0x0  }
0x12: {  	s1 =	sld [smem:$0x3F86];
	s0 =	simm.s32 @p0 $0x1  }
0x13: {  	[smem:$0x3FA1] =	sst s0;
	s0 =	simm.s32 @!p1 $0x0  }
0x14: {  	s2 =	sld [smem:$0x3F85];
	s0 =	simm.s32 @p1 $0x1  }
0x15: {  	[smem:$0x3FA2] =	sst s0;
	s0 =	simm.s32 @!p2 $0x0  }
0x16: {  	s3 =	sld [smem:$0x3FDB];
	s0 =	simm.s32 @p2 $0x1  }
0x17: {  	s4 =	simm.s32 $0x1BF5;
	[smem:$0x3FA4] =	sst s0  }
0x18: {  	s0 =	sld [smem:$0x3F87];
	_ =	swait.ge [sflag:s4], $0x0  }
0x19: {  	s7 =	sld [smem:$0x3F88]  }
0x1a: {  	s8 =	sadd.s32 $0xFFFFE003, lr  }
0x1b: {  	s9 =	sadd.s32 $0xFFFFFEF7, lr;
	s5 =	simm.s32 $0xFFFFFFFF;
	p2 =	slt.u32 s8, $0xFFFFF086  }
0x1c: {  	p1 =	slt.u32 s9, $0xF7A;
	s5 =	simm.s32 @!p2 $0x0  }
0x1d: {  	s5 =	simm.s32 @p1 $0x1;
	p0 =	seq.s32 s7, s2  }
0x1e: {  	s7 =	smul.u32 @!p0 $0xF7A, s2;
	p2 =	seq.s32 @!p0 s5, $0x0  }
0x1f: {  	s9 =	smul.u32 $0xF7A, s1;
	s8 =	simm.s32 @!p0 $0x1BF5;
	p2 =	por !p2, p0  }
0x20: {  	[sflag:s8] =	ssyncset.s32 @!p0 $0xFFFFF086;
	s6 =	sadd.s32 @!p0 s3, s7;
	s7 =	simm.s32 @!p0 $0x108  }
0x21: {  	s3 =	sadd.s32 s3, s9;
	s6 =	sadd.s32 @!p0 $0x88, s6;
	s7 =	simm.s32 @p2 $0x1082  }
0x22: {  	[simem:s7], [sflag:s8] =	dma.local @!p0 [hbm:s6], $0xF7A  }
0x23: {  	s9 =	sor.u32 $0xD0000000, s2;
	s6 =	simm.s32 $0x108;
	_ =	swait.ge @!p0 [sflag:s8], $0x0  }
0x24: {  	s3 =	sadd.s32 $0x88, s3;
	s6 =	simm.s32 @!p1 $0x1082;
	[sflag:s4] =	ssyncset.s32 $0xFFFFF086  }
0x25: {  	[simem:s6], [sflag:s4] =	dma.local [hbm:s3], $0xF7A  }
0x26: {  	[smem:$0x3F88] =	sst s1;
	(tag) =	ssettag s2;
	_ =	strace s9  }
0x27: {  	s1 =	sld [smem:$0x3F98]  }
0x28: {  	s2 =	sld [smem:$0x3F99]  }
0x29: {  	s4 =	sld [smem:$0x3F9B]  }
0x2a: {  	p0 =	seq.s32 s5, $0x0;
	s5 =	sld [smem:$0x3F9C]  }
0x2b: {  	s6 =	sld [smem:$0x3F9D]  }
0x2c: {  	s7 =	sld [smem:$0x3F9E]  }
0x2d: {  	s3 =	simm.s32 $0x108;
	s8 =	sld [smem:$0x3F9F]  }
0x2e: {  	s3 =	simm.s32 @!p0 $0x1082;
	s9 =	sld [smem:$0x3FA0]  }
0x2f: {  	lr =	sadd.s32 s0, s3;
	s0 =	sld [smem:$0x3F97]  }
0x30: {  	s3 =	sld [smem:$0x3F9A]  }
0x31: {  	[smem:$0x3FA3] =	sst s10  }
0x32: {  	s10 =	sld [smem:$0x3FA1];
	_ =	sdelay $0x3  }
0x33: {  	p0 =	seq.s32 s10, $0x1;
	s10 =	sld [smem:$0x3FA3];
	_ =	sdelay $0x3  }
0x34: {  	[smem:$0x3FA3] =	sst s10  }
0x35: {  	s10 =	sld [smem:$0x3FA2];
	_ =	sdelay $0x3  }
0x36: {  	p1 =	seq.s32 s10, $0x1;
	s10 =	sld [smem:$0x3FA3];
	_ =	sdelay $0x3  }
0x37: {  	[smem:$0x3FA3] =	sst s10  }
0x38: {  	s10 =	sld [smem:$0x3FA4]  }
0x39: {  	_ = 	snop;
	(pc) =	sbr.ind lr, $3  }
0x3a: {  	_ = 	snop  }
0x3b: {  	_ = 	snop  }
0x3c: {  	p2 =	seq.s32 s10, $0x1;
	s10 =	sld [smem:$0x3FA3]  }
0x3d: {  	_ =	shalt  }
0x3e: {  	_ =	shalt  }
0x3f: {  	_ =	shalt  }
0x40: {  	_ =	shalt  }
0x41: {  	_ =	shalt  }
0x42: {  	_ =	shalt  }
0x43: {  	_ =	shalt  }
0x44: {  	_ =	shalt  }
0x45: {  	_ =	shalt  }
0x46: {  	_ =	shalt  }
0x47: {  	_ =	shalt  }
0x48: {  	_ =	shalt  }
0x49: {  	_ =	shalt  }
0x4a: {  	_ =	shalt  }
0x4b: {  	_ =	shalt  }
0x4c: {  	_ =	shalt  }
0x4d: {  	_ =	shalt  }
0x4e: {  	_ =	shalt  }
0x4f: {  	_ =	shalt  }
0x50: {  	_ =	shalt  }
0x51: {  	_ =	shalt  }
0x52: {  	_ =	shalt  }
0x53: {  	_ =	shalt  }
0x54: {  	_ =	shalt  }
0x55: {  	_ =	shalt  }
0x56: {  	_ =	shalt  }
0x57: {  	_ =	shalt  }
0x58: {  	_ =	shalt  }
0x59: {  	_ =	shalt  }
0x5a: {  	_ =	shalt  }
0x5b: {  	_ =	shalt  }
0x5c: {  	_ =	shalt  }
0x5d: {  	_ =	shalt  }
0x5e: {  	_ =	shalt  }
0x5f: {  	_ =	shalt  }
0x60: {  	_ =	shalt  }
0x61: {  	_ =	shalt  }
0x62: {  	_ =	shalt  }
0x63: {  	_ =	shalt  }
0x64: {  	_ =	shalt  }
0x65: {  	_ =	shalt  }
0x66: {  	_ =	shalt  }
0x67: {  	_ =	shalt  }
0x68: {  	_ =	shalt  }
0x69: {  	_ =	shalt  }
0x6a: {  	_ =	shalt  }
0x6b: {  	_ =	shalt  }
0x6c: {  	_ =	shalt  }
0x6d: {  	_ =	shalt  }
0x6e: {  	_ =	shalt  }
0x6f: {  	_ =	shalt  }
0x70: {  	_ =	shalt  }
0x71: {  	_ =	shalt  }
0x72: {  	_ =	shalt  }
0x73: {  	_ =	shalt  }
0x74: {  	_ =	shalt  }
0x75: {  	_ =	shalt  }
0x76: {  	_ =	shalt  }
0x77: {  	_ =	shalt  }
0x78: {  	_ =	shalt  }
0x79: {  	_ =	shalt  }
0x7a: {  	_ =	shalt  }
0x7b: {  	_ =	shalt  }
0x7c: {  	_ =	shalt  }
0x7d: {  	_ =	shalt  }
0x7e: {  	_ =	shalt  }
0x7f: {  	_ =	shalt  }
0x80: {  	_ =	shalt  }
0x81: {  	_ =	shalt  }
0x82: {  	_ =	shalt  }
0x83: {  	_ =	shalt  }
0x84: {  	_ =	shalt  }
0x85: {  	_ =	shalt  }
0x86: {  	_ =	shalt  }
0x87: {  	_ =	shalt  }
.Lfunc_end0:
.L_simem_size_0:
called_computation_lowered:
.L_overlay_start_0:
0x88: {  	s2 =	sld [smem:$0x3FD9]  }
0x89: {  	s3 =	sld [smem:$0x3FFE];
	_ =	sdelay $0x1  }
0x8a: {  	s1 =	srdreg.scid  }
0x8b: {  	s0 =	sand.u32 $0x1, s1  }
0x8c: {  	s16 =	sshll.u32 s0, $0xA;
	s2 =	sadd.s32 s3, s2  }
0x8d: {  	s2 =	sadd.s32 s2, s16  }
0x8e: {  	[smem:$0x3FAF] =	sst s2  }
0x8f: {  	_ = 	snop  }
0x90: {  	(tm) =	ssettm $0x1  }
0x91: {  	s17 =	sld [smem:$0x3FFB];
	_ =	sdelay $0x3  }
0x92: {  	_ =	strace s17  }
0x93: {  	s2 =	sld [smem:$0x3FFC];
	_ =	sdelay $0x3  }
0x94: {  	_ =	strace s2  }
0x95: {  	s2 =	sld [smem:$0x3FFD];
	_ =	sdelay $0x3  }
0x96: {  	_ =	strace s2  }
0x97: {  	_ =	strace $0x8FFFFFFF  }
0x98: {  	s18 =	sld [smem:$0x3FDB];
	_ =	sdelay $0x1  }
0x99: {  	s19 =	simm.s32 $_scs_section_size  }
0x9a: {  	s4 =	simm.s32 $_size__tile_overlayer_lowered;
	s5 =	simm.s32 $_tile_overlayer_lowered  }
0x9b: {  	s22 =	simm.s32 $0x1BFF;
	s21 =	sshll.u32 s5, $0x1;
	s2 =	sadd.s32 s19, s18  }
0x9c: {  	s6 =	simm.s32 $0x0;
	s20 =	sshll.u32 s4, $0x1;
	s4 =	sadd.s32 s21, s2  }
0x9d: {  	[timem:s6], [sflag:s22] =	dma.local [hbm:s4], s20  }
0x9e: {  	_ =	swait.ge [sflag:s22], s20  }
0x9f: {  	s3 =	ssub.s32 $0x0, s20;
	[sflag:s22] =	ssyncset.done $0x0  }
0xa0: {  	[sflag:s22] =	ssyncadd.s32 s3;
	_ =	sdelay $0x1  }
0xa1: {  	s23 =	simm.s32 $0x1B8B  }
0xa2: {  	_ =	swait.ge [sflag:s23], $0x1  }
0xa3: {  	[sflag:s23] =	ssyncset.done $0x0  }
0xa4: {  	s25 =	simm.s32 $0x1B8E;
	s24 =	sld [smem:$0x3FFE];
	[sflag:s23] =	ssyncadd.s32 $0xFFFFFFFF  }
0xa5: {  	s26 =	simm.s32 $execute0_lowered;
	[smem:$0x3FD2] =	sst s25  }
0xa6: {  	s4 =	sshll.u32 s26, $0x1;
	_ =	strace $0x80000046;
	[dreg:$0x1] =	wrdreg $0xFFFFFFFF  }
0xa7: {  	s28 =	simm.s32 $_size_execute0_lowered;
	s2 =	sadd.s32 s2, s4;
	[dreg:$0x0] =	wrdreg $0x0  }
0xa8: {  	s4 =	sshll.u32 s28, $0x1;
	[dreg:$0x2] =	wrdreg s2  }
0xa9: {  	[dreg:$0x3] =	wrdreg s4  }
0xaa: {  	[dreg:$0x4] =	wrdreg $0xC0  }
0xab: {  	_ =	task [dreg:s6], $0x5FFFF  }
0xac: {  	[dreg:$0x1] =	wrdreg $0xFFFFFFFF  }
0xad: {  	[dreg:$0x0] =	wrdreg $0x60  }
0xae: {  	[dreg:$0x2] =	wrdreg s24  }
0xaf: {  	[dreg:$0x3] =	wrdreg $0x93000  }
0xb0: {  	[dreg:$0x4] =	wrdreg $0x9  }
0xb1: {  	_ =	task.clear_ibuf [dreg:s6], $0x5FFFF;
	_ =	strace $0x90000046  }
0xb2: {  	s29 =	simm.s32 $0x9;
	_ =	strace $0x80000048  }
0xb3: {  	_ =	swait.ge [sflag:s29], $0x1  }
0xb4: {  	[sflag:s29] =	ssyncadd.s32 $0xFFFFFFFF  }
0xb5: {  	_ =	strace $0x90000048  }
0xb6: {  	_ =	sfence  }
0xb7: {  	s30 =	sld [smem:$0x0];
	_ =	sdelay $0x2  }
0xb8: {  	s31 =	sshll.u32 s1, $0xD;
	s1 =	sshrl.u32 s1, $0x2  }
0xb9: {  	s3 =	sand.u32 $0x4000, s31;
	s1 =	sadd.s32 s1, s30  }
0xba: {  	s0 =	sor.u32 s3, s0;
	s1 =	sshll.u32 s1, $0x11  }
0xbb: {  	s0 =	sor.u32 s1, s0  }
0xbc: {  	s0 =	sadd.s32 $0x8F2B, s0  }
0xbd: {  	[sflag:s0] =	ssyncadd.remote.s32 $0x1  }
0xbe: {  	_ =	sfence.sel $0xFFFF  }
0xbf: {  	[dreg:$0x0] =	wrdreg $0xFFFFFFFF;
	(pc) =	sbr.abs _section_cstart, $3  }
0xc0: {  	[dreg:$0x1] =	wrdreg $0xFFFFFFFF  }
0xc1: {  	_ =	task.clear_ibuf [dreg:s6], $0x2FFFF;
	_ =	strace $0x9FFFFFFF  }
0xc2: {  	(tm) =	ssettm $0x7FFFFFFF  }
0xc3: {  	_ =	shalt  }
tec
execute0_lowered:
.L_overlay_start_1:
0x0: {  	(tag) =	ssettag $0x1  }
0x1: {  	s0 =	rddreg [dreg:$0x0]  }
0x2: {  	s1 =	rddreg [dreg:$0x1];
	s2 =	srdreg.scid;
	s3 =	simm.s32 $0x0  }
0x3: {  	s13 =	stileid.u32;
	s30 =	simm.s32 $0x100;
	s31 =	simm.s32 $0x280  }
0x4: {  	s2 =	sand.u32 $0x1, s2;
	[smem:$0x7FF] =	sst s3;
	s4 =	smul.u32 $0x3800, s13  }
0x5: {  	s5 =	sadd.s32 $0xAA00, s0;
	s6 =	sadd.s32 $0x3A00, s0;
	s12 =	smul.u32 $0x4E000, s13  }
0x6: {  	s7 =	sadd.s32 $0x18A00, s0;
	s0 =	sadd.s32 $0x66C00, s0;
	s21 =	smul.u32 $0x13800, s13  }
0x7: {  	p0 =	sne.s32 s13, $0xF;
	s13 =	simm.s32 $0x80;
	s8 =	smul.u32 $0x38000, s2  }
0x8: {  	_ =	strace $0x80000047;
	s9 =	ssub.s32 $0x2, s2;
	s2 =	smul.u32 $0x138800, s2  }
0x9: {  	s10 =	sshrl.u32 s9, $0x1;
	s16 =	sshrl.u32 s4, $0x3;
	s19 =	sshrl.u32 s12, $0x2  }
0xa: {  	s12 =	simm.s32 $0x60;
	s8 =	sadd.s32 s4, s8;
	s9 =	ssub.s32 s9, s10  }
0xb: {  	s10 =	sadd.s32 s21, s2;
	s11 =	sshrl.u32 s8, $0x3;
	s29 =	smax.u32 s9, $0x1  }
0xc: {  	s2 =	sshrl.u32 s2, $0x3;
	s14 =	sadd.s32 s5, s11;
	[dreg:$0x11] =	wrdreg s29  }
0xd: {  	s10 =	sshrl.u32 s10, $0x3;
	s11 =	sadd.s32 s6, s16;
	[dreg:$0x3] =	wrdreg s14  }
0xe: {  	s9 =	simm.s32 $0x6300;
	s10 =	sadd.s32 s0, s10;
	[dreg:$0x4] =	wrdreg s11  }
0xf: {  	s0 =	sadd.s32 s0, s2;
	s17 =	sadd.s32 $0x10, s14;
	[dreg:$0xf] =	wrdreg s10  }
0x10: {  	s2 =	simm.s32 $0xA;
	s18 =	sadd.s32 $0x10, s11;
	[dreg:$0x5] =	wrdreg s17  }
0x11: {  	s16 =	simm.s32 $0x7;
	s20 =	sadd.s32 $0x20, s14;
	[dreg:$0x6] =	wrdreg s18  }
0x12: {  	s14 =	sadd.s32 s19, s1;
	s11 =	sadd.s32 $0x20, s11;
	[dreg:$0x7] =	wrdreg s20  }
0x13: {  	s0 =	sadd.s32 $0x27000, s0;
	s19 =	simm.s32 $0x6;
	[dreg:$0x8] =	wrdreg s11  }
0x14: {  	s10 =	simm.s32 $0x0;
	s22 =	sadd.s32 $0x3000, s14;
	[dreg:$0x10] =	wrdreg s0  }
0x15: {  	s23 =	sadd.s32 $0x6000, s14;
	s24 =	sadd.s32 $0x9000, s14;
	[dreg:$0x9] =	wrdreg s22  }
.Ltmp0:
0x16: {  	s25 =	sadd.s32 $0xC000, s14;
	[dreg:$0xa] =	wrdreg s23;
	(pc) =	sbr.rel .LBB2_1-.Ltmp0, $4  }
0x17: {  	s26 =	sadd.s32 $0xF000, s14;
	s28 =	sadd.s32 $0x12000, s14;
	[dreg:$0xb] =	wrdreg s24  }
0x18: {  	s0 =	simm.s32 $0x300;
	s17 =	simm.s32 $0xB;
	[dreg:$0xc] =	wrdreg s25  }
0x19: {  	s18 =	simm.s32 $0x3;
	s20 =	simm.s32 $0x9;
	[dreg:$0xd] =	wrdreg s26  }
0x1a: {  	v0 =	vimm.f32 $0.0e+00;
	[dreg:$0xe] =	wrdreg s28;
	s23 =	sadd.s32 $0x138000, s1;
	s26 =	simm.s32 $0x180  }
.LBB2_6:
0x1b: {  	s11 =	stileid.u32  }
0x1c: {  	[bflag:$0x0] =	sbarrier.arrive $0xFFFF;
	s11 =	sshll.u32 s11, $0x6  }
0x1d: {  	s13 =	sshrl.u32 s14, $0x3;
	s15 =	rddreg [dreg:$0xf];
	s11 =	sor.u32 $0x1C0B, s11  }
0x1e: {  	[hbm:s15], [sflag:s11] =	dma.local [spmem:s13], $0x2700  }
0x1f: {  	_ =	swait.ge [sflag:s17], $0x2700  }
0x20: {  	[sflag:s17] =	ssyncset.done $0x0  }
0x21: {  	s13 =	sshrl.u32 @!p0 s23, $0x3;
	s15 =	rddreg [dreg:$0x10];
	[sflag:s17] =	ssyncadd.s32 $0xFFFFD900  }
0x22: {  	[hbm:s15], [sflag:s11] =	dma.local @!p0 [spmem:s13], $0x100  }
0x23: {  	s11 =	simm.s32 @!p0 $0xB  }
0x24: {  	_ =	swait.ge @!p0 [sflag:s11], $0x100  }
0x25: {  	s10 =	sadd.s32 $0x1, s10;
	s29 =	rddreg [dreg:$0x11]  }
0x26: {  	p1 =	sne.s32 s10, s29  }
.Ltmp1:
0x27: {  	_ = 	snop;
	(pc) =	sbr.rel @!p1 .LBB2_7-.Ltmp1, $3  }
0x28: {  	_ =	sdelay $0x1  }
0x29: {  	[sflag:s11] =	ssyncset.done @!p0 $0x0  }
0x2a: {  	s13 =	simm.s32 $0x80;
	[sflag:s11] =	ssyncadd.s32 @!p0 $0xFFFFFF00  }
.LBB2_1:
0x2b: {  	s11 =	rddreg [dreg:$0x3]  }
0x2c: {  	[tilespmem:s3], [sflag:$0x1] =	stream.linear.gather [hbm4b:s11+s3], $0x80, $0x38;
	[tilespmem:$0x1CC00] =	vst v63  }
0x2d: {  	s22 =	rddreg [dreg:$0x4]  }
0x2e: {  	[tilespmem:s26], [sflag:$0x4] =	stream.linear.gather [hbm4b:s22+s3], $0x80, $0x38;
	[tilespmem:$0x1CC00] =	vst v63  }
0x2f: {  	s24 =	rddreg [dreg:$0x5]  }
0x30: {  	[tilespmem:s13], [sflag:$0x2] =	stream.linear.gather [hbm4b:s24+s3], $0x80, $0x38;
	[tilespmem:$0x1CC00] =	vst v63  }
0x31: {  	s25 =	rddreg [dreg:$0x6];
	s15 =	simm.s32 $0x200  }
0x32: {  	[tilespmem:s15], [sflag:$0x5] =	stream.linear.gather [hbm4b:s25+s3], $0x80, $0x38;
	[tilespmem:$0x1CC00] =	vst v63  }
0x33: {  	s28 =	rddreg [dreg:$0x7]  }
0x34: {  	[tilespmem:s30], [sflag:$0x3] =	stream.linear.gather [hbm4b:s28+s3], $0x80, $0x38;
	[tilespmem:$0x1CC00] =	vst v63  }
0x35: {  	s29 =	rddreg [dreg:$0x8];
	s21 =	simm.s32 $0x70;
	s22 =	simm.s32 $0x3C0  }
0x36: {  	[tilespmem:s31], [sflag:$0x6] =	stream.linear.gather [hbm4b:s29+s3], $0x80, $0x38;
	[tilespmem:$0x1CC00] =	vst v63  }
.LBB2_2:
0x37: {  	p1 =	sne.s32 s22, $0xBFC0;
	[tilespmem:s21+$0x300] =	vst v0  }
0x38: {  	[tilespmem:s21+$0x290] =	vst v0  }
0x39: {  	[tilespmem:s21+$0x2A0] =	vst v0  }
.Ltmp2:
0x3a: {  	[tilespmem:s21+$0x2B0] =	vst v0;
	(pc) =	sbr.rel @p1 .LBB2_2-.Ltmp2, $4  }
0x3b: {  	[tilespmem:s21+$0x2C0] =	vst v0  }
0x3c: {  	[tilespmem:s21+$0x2D0] =	vst v0  }
0x3d: {  	[tilespmem:s21+$0x2E0] =	vst v0  }
0x3e: {  	[tilespmem:s21+$0x2F0] =	vst v0;
	s21 =	sshra.s32 s22, $0x2;
	s22 =	sadd.s32 $0x200, s22  }
0x3f: {  	[tilespmem:s21+$0x300] =	vst v0  }
0x40: {  	[tilespmem:s21+$0x290] =	vst v0  }
0x41: {  	[tilespmem:s21+$0x2A0] =	vst v0  }
0x42: {  	[tilespmem:s21+$0x2B0] =	vst v0  }
0x43: {  	[tilespmem:s21+$0x2C0] =	vst v0  }
0x44: {  	[tilespmem:s21+$0x2D0] =	vst v0  }
0x45: {  	[tilespmem:s21+$0x2E0] =	vst v0  }
0x46: {  	[tilespmem:s21+$0x2F0] =	vst v0  }
0x47: {  	[spmem:s14] =	stream.linear.scatter [tilespmem:s0], [sflag:$0xA], $0x3000, $0x38;
	[tilespmem:$0x1CC00] =	vst v63  }
0x48: {  	s11 =	rddreg [dreg:$0x9]  }
0x49: {  	[spmem:s11] =	stream.linear.scatter [tilespmem:s0], [sflag:$0xA], $0x3000, $0x38;
	[tilespmem:$0x1CC00] =	vst v63  }
0x4a: {  	s25 =	rddreg [dreg:$0xa]  }
0x4b: {  	[spmem:s25] =	stream.linear.scatter [tilespmem:s0], [sflag:$0xA], $0x3000, $0x38;
	[tilespmem:$0x1CC00] =	vst v63  }
0x4c: {  	s28 =	rddreg [dreg:$0xb]  }
0x4d: {  	[spmem:s28] =	stream.linear.scatter [tilespmem:s0], [sflag:$0xA], $0x3000, $0x38;
	[tilespmem:$0x1CC00] =	vst v63  }
0x4e: {  	s29 =	rddreg [dreg:$0xc]  }
0x4f: {  	[spmem:s29] =	stream.linear.scatter [tilespmem:s0], [sflag:$0xA], $0x3000, $0x38;
	[tilespmem:$0x1CC00] =	vst v63  }
0x50: {  	s15 =	rddreg [dreg:$0xd]  }
0x51: {  	[spmem:s15] =	stream.linear.scatter [tilespmem:s0], [sflag:$0xA], $0x3000, $0x38;
	[tilespmem:$0x1CC00] =	vst v63  }
0x52: {  	s21 =	rddreg [dreg:$0xe]  }
0x53: {  	[spmem:s21] =	stream.linear.scatter [tilespmem:s0], [sflag:$0xA], $0x1800, $0x38;
	[tilespmem:$0x1CC00] =	vst v63  }
0x54: {  	s21 =	simm.s32 @!p0 $0x300  }
0x55: {  	[spmem:s23] =	stream.linear.scatter @!p0 [tilespmem:s21], [sflag:$0xA], $0x800, $0x38;
	[tilespmem:$0x1CC00] =	vst v63  }
0x56: {  	_ =	swait.ge [sflag:s2], $0x3000  }
0x57: {  	[sflag:s2] =	ssyncset.done $0x0  }
0x58: {  	[sflag:s2] =	ssyncadd.s32 $0xFFFFD000  }
0x59: {  	_ =	swait.ge [sflag:s2], $0x3000  }
0x5a: {  	[sflag:s2] =	ssyncset.done $0x0  }
0x5b: {  	[sflag:s2] =	ssyncadd.s32 $0xFFFFD000  }
0x5c: {  	_ =	swait.ge [sflag:s2], $0x3000  }
0x5d: {  	[sflag:s2] =	ssyncset.done $0x0  }
0x5e: {  	[sflag:s2] =	ssyncadd.s32 $0xFFFFD000  }
0x5f: {  	_ =	swait.ge [sflag:s2], $0x3000  }
0x60: {  	[sflag:s2] =	ssyncset.done $0x0  }
0x61: {  	[sflag:s2] =	ssyncadd.s32 $0xFFFFD000  }
0x62: {  	_ =	swait.ge [sflag:s2], $0x3000  }
0x63: {  	[sflag:s2] =	ssyncset.done $0x0  }
0x64: {  	[sflag:s2] =	ssyncadd.s32 $0xFFFFD000  }
0x65: {  	_ =	swait.ge [sflag:s2], $0x3000  }
0x66: {  	[sflag:s2] =	ssyncset.done $0x0  }
0x67: {  	[sflag:s2] =	ssyncadd.s32 $0xFFFFD000  }
0x68: {  	_ =	swait.ge [sflag:s2], $0x1800  }
0x69: {  	[sflag:s2] =	ssyncset.done $0x0  }
0x6a: {  	s21 =	simm.s32 @!p0 $0xA;
	[sflag:s2] =	ssyncadd.s32 $0xFFFFE800  }
0x6b: {  	_ =	swait.ge @!p0 [sflag:s21], $0x800  }
0x6c: {  	[sflag:s21] =	ssyncset.done @!p0 $0x0  }
0x6d: {  	[sflag:s21] =	ssyncadd.s32 @!p0 $0xFFFFF800  }
0x6e: {  	s22 =	simm.s32 $0x1;
	[bflag:$0x0] =	sbarrier.arrive $0xFFFF  }
0x6f: {  	_ =	swait.ge [sflag:s22], $0x80  }
0x70: {  	[sflag:s22] =	ssyncset.done $0x0  }
0x71: {  	s24 =	simm.s32 $0x4;
	[sflag:s22] =	ssyncadd.s32 $0xFFFFFF80  }
0x72: {  	_ =	swait.ge [sflag:s24], $0x80  }
0x73: {  	[sflag:s24] =	ssyncset.done $0x0  }
0x74: {  	s25 =	simm.s32 $0x2;
	[sflag:s24] =	ssyncadd.s32 $0xFFFFFF80  }
0x75: {  	[tilespmem:s0], [sflag:$0x7] =	stream.indirect.gather [hbm4b:s7+s12], $0x80, s3, s12, $0xb8;
	[tilespmem:$0x1CC00] =	vst v63  }
0x76: {  	_ =	swait.ge [sflag:s25], $0x80  }
0x77: {  	[sflag:s25] =	ssyncset.done $0x0  }
0x78: {  	s28 =	simm.s32 $0x5;
	[sflag:s25] =	ssyncadd.s32 $0xFFFFFF80  }
0x79: {  	_ =	swait.ge [sflag:s28], $0x80  }
0x7a: {  	[sflag:s28] =	ssyncset.done $0x0  }
0x7b: {  	s29 =	simm.s32 $0x3300;
	s21 =	simm.s32 $0x280;
	[sflag:s28] =	ssyncadd.s32 $0xFFFFFF80  }
0x7c: {  	[tilespmem:s29], [sflag:$0x8] =	stream.indirect.gather [hbm4b:s7+s12], $0x80, s13, s12, $0xb8;
	[tilespmem:$0x1CC00] =	vst v63  }
.LBB2_4:
0x7d: {  	_ =	swait.ge [sflag:s16], $0x3000  }
0x7e: {  	[sflag:s16] =	ssyncset.done $0x0  }
0x7f: {  	[sflag:s16] =	ssyncadd.s32 $0xFFFFD000  }
0x80: {  	[spmem:s1] =	stream.indirect.scatter.add.f32 [tilespmem:s0], [sflag:$0xB], $0x80, s26, s12, $0xb8;
	[tilespmem:$0x1CC00] =	vst v63  }
0x81: {  	_ =	swait.ge [sflag:s17], $0x3000  }
0x82: {  	p1 =	seq.s32 s21, $0x3580;
	[sflag:s17] =	ssyncset.done $0x0  }
0x83: {  	s22 =	simm.s32 @p1 $0x8;
	[sflag:s17] =	ssyncadd.s32 $0xFFFFD000  }
0x84: {  	_ =	swait.ge @p1 [sflag:s22], $0x3000  }
0x85: {  	s28 =	simm.s32 @p1 $0x200;
	[sflag:s22] =	ssyncset.done @p1 $0x0  }
0x86: {  	s24 =	simm.s32 @p1 $0x3300;
	[sflag:s22] =	ssyncadd.s32 @p1 $0xFFFFD000;
	s22 =	simm.s32 @p1 $0x60  }
0x87: {  	[spmem:s1] =	stream.indirect.scatter.add.f32 @p1 [tilespmem:s24], [sflag:$0xB], $0x80, s28, s22, $0xb8;
	[tilespmem:$0x1CC00] =	vst v63  }
0x88: {  	s22 =	sadd.s32 @!p1 $0xFFFFFF00, s21  }
0x89: {  	s28 =	simm.s32 @p1 $0xB;
	s24 =	sand.u32 @!p1 $0xFC00, s22  }
0x8a: {  	s22 =	sand.u32 @!p1 $0x380, s22;
	_ =	swait.ge @p1 [sflag:s28], $0x3000;
	s25 =	sadd.s32 @!p1 s8, s24  }
0x8b: {  	[sflag:s28] =	ssyncset.done @p1 $0x0;
	s24 =	sadd.s32 @!p1 s4, s24;
	s25 =	sor.u32 @!p1 s22, s25  }
0x8c: {  	[sflag:s28] =	ssyncadd.s32 @p1 $0xFFFFD000;
	s22 =	sor.u32 @!p1 s22, s24;
	s25 =	sshrl.u32 @!p1 s25, $0x3  }
0x8d: {  	s28 =	simm.s32 @!p1 $0x0;
	s22 =	sshrl.u32 @!p1 s22, $0x3;
	s25 =	sadd.s32 @!p1 s5, s25  }
0x8e: {  	[tilespmem:s28], [sflag:$0x1] =	stream.linear.gather @!p1 [hbm4b:s25+s28], $0x80, $0x38;
	[tilespmem:$0x1CC00] =	vst v63  }
0x8f: {  	s24 =	simm.s32 @!p1 $0x180;
	s22 =	sadd.s32 @!p1 s6, s22  }
0x90: {  	[tilespmem:s24], [sflag:$0x4] =	stream.linear.gather @!p1 [hbm4b:s22+s28], $0x80, $0x38;
	[tilespmem:$0x1CC00] =	vst v63  }
0x91: {  	s22 =	simm.s32 @!p1 $0x1  }
0x92: {  	_ =	swait.ge @!p1 [sflag:s22], $0x80  }
0x93: {  	[sflag:s22] =	ssyncset.done @!p1 $0x0  }
0x94: {  	[sflag:s22] =	ssyncadd.s32 @!p1 $0xFFFFFF80;
	s22 =	simm.s32 @!p1 $0x4  }
0x95: {  	_ =	swait.ge @!p1 [sflag:s22], $0x80  }
0x96: {  	[sflag:s22] =	ssyncset.done @!p1 $0x0  }
0x97: {  	s24 =	simm.s32 @!p1 $0x300;
	[sflag:s22] =	ssyncadd.s32 @!p1 $0xFFFFFF80;
	s22 =	simm.s32 @!p1 $0x60  }
0x98: {  	[tilespmem:s24], [sflag:$0x7] =	stream.indirect.gather @!p1 [hbm4b:s7+s22], $0x80, s28, s22, $0xb8;
	[tilespmem:$0x1CC00] =	vst v63  }
0x99: {  	s29 =	sadd.s32 @!p1 $0xFFFFFF80, s21;
	s13 =	simm.s32 @!p1 $0xB;
	s24 =	simm.s32 @!p1 $0x8  }
0x9a: {  	s11 =	sand.u32 @!p1 $0xFC00, s29;
	s29 =	sand.u32 @!p1 $0x380, s29;
	_ =	swait.ge @!p1 [sflag:s24], $0x3000  }
0x9b: {  	s15 =	sadd.s32 @!p1 s8, s11;
	s11 =	sadd.s32 @!p1 s4, s11;
	[sflag:s24] =	ssyncset.done @!p1 $0x0  }
0x9c: {  	s25 =	simm.s32 @!p1 $0x3300;
	[sflag:s24] =	ssyncadd.s32 @!p1 $0xFFFFD000;
	s24 =	simm.s32 @!p1 $0x200  }
0x9d: {  	[spmem:s1] =	stream.indirect.scatter.add.f32 @!p1 [tilespmem:s25], [sflag:$0xB], $0x80, s24, s22, $0xb8;
	[tilespmem:$0x1CC00] =	vst v63  }
0x9e: {  	s15 =	sor.u32 @!p1 s29, s15;
	s11 =	sor.u32 @!p1 s29, s11;
	_ =	swait.ge @!p1 [sflag:s13], $0x3000  }
0x9f: {  	s15 =	sshrl.u32 @!p1 s15, $0x3;
	s11 =	sshrl.u32 @!p1 s11, $0x3;
	[sflag:s13] =	ssyncset.done @!p1 $0x0  }
0xa0: {  	[sflag:s13] =	ssyncadd.s32 @!p1 $0xFFFFD000;
	s13 =	sadd.s32 @!p1 s5, s15;
	s15 =	simm.s32 @!p1 $0x80  }
0xa1: {  	[tilespmem:s15], [sflag:$0x2] =	stream.linear.gather @!p1 [hbm4b:s13+s28], $0x80, $0x38;
	[tilespmem:$0x1CC00] =	vst v63  }
0xa2: {  	s11 =	sadd.s32 @!p1 s6, s11  }
0xa3: {  	[tilespmem:s24], [sflag:$0x5] =	stream.linear.gather @!p1 [hbm4b:s11+s28], $0x80, $0x38;
	[tilespmem:$0x1CC00] =	vst v63  }
0xa4: {  	s11 =	simm.s32 @!p1 $0x2  }
0xa5: {  	_ =	swait.ge @!p1 [sflag:s11], $0x80  }
0xa6: {  	[sflag:s11] =	ssyncset.done @!p1 $0x0  }
0xa7: {  	[sflag:s11] =	ssyncadd.s32 @!p1 $0xFFFFFF80;
	s11 =	simm.s32 @!p1 $0x5  }
0xa8: {  	_ =	swait.ge @!p1 [sflag:s11], $0x80  }
0xa9: {  	[sflag:s11] =	ssyncset.done @!p1 $0x0  }
0xaa: {  	[sflag:s11] =	ssyncadd.s32 @!p1 $0xFFFFFF80  }
0xab: {  	[tilespmem:s25], [sflag:$0x8] =	stream.indirect.gather @!p1 [hbm4b:s7+s22], $0x80, s15, s22, $0xb8;
	[tilespmem:$0x1CC00] =	vst v63  }
0xac: {  	_ =	swait.ge [sflag:s18], $0x80  }
0xad: {  	[sflag:s18] =	ssyncset.done $0x0  }
0xae: {  	[sflag:s18] =	ssyncadd.s32 $0xFFFFFF80  }
0xaf: {  	_ =	swait.ge [sflag:s19], $0x80  }
0xb0: {  	[sflag:s19] =	ssyncset.done $0x0  }
0xb1: {  	[sflag:s19] =	ssyncadd.s32 $0xFFFFFF80  }
0xb2: {  	[tilespmem:s9], [sflag:$0x9] =	stream.indirect.gather [hbm4b:s7+s12], $0x80, s30, s12, $0xb8;
	[tilespmem:$0x1CC00] =	vst v63  }
0xb3: {  	_ =	swait.ge [sflag:s20], $0x3000  }
0xb4: {  	[sflag:s20] =	ssyncset.done $0x0  }
.Ltmp3:
0xb5: {  	[sflag:s20] =	ssyncadd.s32 $0xFFFFD000;
	(pc) =	sbr.rel @p1 .LBB2_6-.Ltmp3, $4  }
0xb6: {  	[spmem:s1] =	stream.indirect.scatter.add.f32 [tilespmem:s9], [sflag:$0xB], $0x80, s31, s12, $0xb8;
	[tilespmem:$0x1CC00] =	vst v63  }
0xb7: {  	_ =	swait.ge [sflag:s17], $0x3000  }
0xb8: {  	[sflag:s17] =	ssyncset.done $0x0  }
0xb9: {  	[sflag:s17] =	ssyncadd.s32 $0xFFFFD000  }
0xba: {  	s11 =	sand.u32 $0xFC00, s21  }
0xbb: {  	s15 =	sand.u32 $0x380, s21;
	s13 =	sadd.s32 s8, s11  }
0xbc: {  	s11 =	sadd.s32 s4, s11;
	s13 =	sor.u32 s15, s13  }
.Ltmp4:
0xbd: {  	s11 =	sor.u32 s15, s11;
	s13 =	sshrl.u32 s13, $0x3;
	(pc) =	sbr.rel .LBB2_4-.Ltmp4, $4  }
0xbe: {  	s11 =	sshrl.u32 s11, $0x3;
	s13 =	sadd.s32 s5, s13  }
0xbf: {  	[tilespmem:s30], [sflag:$0x3] =	stream.linear.gather [hbm4b:s13+s3], $0x80, $0x38;
	[tilespmem:$0x1CC00] =	vst v63  }
0xc0: {  	s21 =	sadd.s32 $0x180, s21;
	s11 =	sadd.s32 s6, s11  }
0xc1: {  	[tilespmem:s31], [sflag:$0x6] =	stream.linear.gather [hbm4b:s11+s3], $0x80, $0x38;
	[tilespmem:$0x1CC00] =	vst v63  }
.LBB2_7:
0xc2: {  	_ =	sfence.sel $0x180000  }
0xc3: {  	[bflag:$0x0] =	sbarrier.arrive $0xFFFF  }
0xc4: {  	_ =	strace $0x90000047  }
0xc5: {  	s0 =	stileid.u32;
	[bflag:$0x2] =	sbarrier.arrive $0xFFFF  }
0xc6: {  	p0 =	sne.s32 s0, $0x0;
	s0 =	rddreg [dreg:$0x2]  }
0xc7: {  	s0 =	sadd.s32 @!p0 $0x100000, s0  }
0xc8: {  	[sflag:s0] =	ssyncadd.tile.s32 @!p0 $0x1;
	_ =	shalt  }
.Lfunc_end2:
_tile_overlayer_lowered:
.L_overlay_start_2:
0xc9: {  	(tag) =	ssettag $0x2  }
0xca: {  	s0 =	rddreg [dreg:$0x0];
	s2 =	stileid.u32  }
0xcb: {  	s1 =	rddreg [dreg:$0x1];
	p0 =	sne.s32 s2, $0x0  }
0xcc: {  	s3 =	rddreg [dreg:$0x2];
	[bflag:$0x3] =	sbarrier.arrive $0xFFFF;
	s2 =	simm.s32 @!p0 $0x1C0B  }
0xcd: {  	[timem:s3], [sflag:s2] =	dma.local @!p0 [hbm:s0], s1  }
0xce: {  	s0 =	simm.s32 @!p0 $0xB  }
0xcf: {  	_ =	swait.ge @!p0 [sflag:s0], s1  }
0xd0: {  	s1 =	ssub.s32 @!p0 $0x0, s1;
	[sflag:s0] =	ssyncset.done @!p0 $0x0  }
0xd1: {  	[sflag:s0] =	ssyncadd.s32 @!p0 s1  }
0xd2: {  	[bflag:$0x3] =	sbarrier.arrive $0xFFFF  }
0xd3: {  	_ =	shalt  }

</sc_bundles>
